<compile_context>
chip_gen: v7x
topology: tpu7x:2x2x1
jax: 0.10.2.dev20260603
libtpu: 0.0.44.dev20260713+nightly
codegen_flags: <defaults>
</compile_context>

<pallas_src>
import functools
import math

import jax
import jax.numpy as jnp
from jax import lax
from jax.experimental import pallas as pl
from jax.experimental.pallas import tpu as pltpu
from jax.experimental.pallas import tpu_sc as plsc

TAU = 0.8
ALPHA = 0.3
NC, NS, L = 2, 16, 16
NW = NC * NS
GP = 4
UNROLL = 8


@functools.lru_cache(maxsize=None)
def _build_sc_loss(bt: int, v: int):
    tpw = bt // NW
    ngp = tpw // GP
    pairs = ngp // 2
    mesh = plsc.VectorSubcoreMesh(
        core_axis_name="c", subcore_axis_name="s",
        num_cores=NC, num_subcores=NS)

    @functools.partial(
        pl.kernel,
        out_type=jax.ShapeDtypeStruct((NW, 3, L), jnp.float32),
        mesh=mesh,
        scratch_types=[
            pltpu.VMEM((ngp, GP), jnp.int32),
            pltpu.VMEM((tpw * L,), jnp.int32),
            pltpu.VMEM((tpw * L,), jnp.float32),
            pltpu.VMEM((GP, v), jnp.float32),
            pltpu.VMEM((GP, v), jnp.float32),
            pltpu.VMEM((GP * v,), jnp.float32),
            pltpu.VMEM((GP * v,), jnp.float32),
            pltpu.VMEM((3, L), jnp.float32),
            pltpu.SemaphoreType.DMA,
            pltpu.SemaphoreType.DMA,
            pltpu.SemaphoreType.DMA,
            pltpu.SemaphoreType.DMA,
        ],
    )
    def sc_loss(x_hbm, tgt2_hbm, tgtb_hbm, mskb_hbm, dist_hbm, out_hbm,
                tgt2_v, tgtb_v, mskb_v, e0, e1, x0, x1, st,
                sem_e0, sem_e1, sem_x0, sem_x1):
        wid = lax.axis_index("c") * NS + lax.axis_index("s")
        base = wid * tpw
        base_g = pl.multiple_of(wid * ngp, 8)
        inv_tau = 1.0 / TAU
        pltpu.sync_copy(tgt2_hbm.at[pl.ds(base_g, ngp)], tgt2_v)
        pltpu.sync_copy(tgtb_hbm.at[pl.ds(base * L, tpw * L)], tgtb_v)
        pltpu.sync_copy(mskb_hbm.at[pl.ds(base * L, tpw * L)], mskb_v)
        zero = jnp.zeros((L,), jnp.float32)
        lane = lax.broadcasted_iota(jnp.int32, (L,), 0)

        def issue(g, ebuf, xbuf, sem_e, sem_x):
            pltpu.async_copy(dist_hbm.at[tgt2_v.at[g]], ebuf, sem_e)
            for r in range(GP):
                pltpu.async_copy(x_hbm.at[base + g * GP + r],
                                 xbuf.at[pl.ds(r * v, v)], sem_x)

        def drain(ebuf, xbuf, sem_e, sem_x):
            pltpu.make_async_copy(dist_hbm.at[tgt2_v.at[0]],
                                  ebuf, sem_e).wait()
            for r in range(GP):
                pltpu.make_async_copy(x_hbm.at[0],
                                      xbuf.at[pl.ds(r * v, v)], sem_x).wait()

        def drain_x(xbuf, sem_x):
            for r in range(GP):
                pltpu.make_async_copy(x_hbm.at[0],
                                      xbuf.at[pl.ds(r * v, v)], sem_x).wait()

        def compute(g, ebuf, xbuf, sem_e, accs):
            acc_e, acc_p, acc_g = accs
            for r in range(GP):
                pltpu.make_async_copy(x_hbm.at[0],
                                      xbuf.at[pl.ds(0, v)], sem_e).wait()
                tok = g * GP + r
                tvec = tgtb_v[pl.ds(tok * L, L)]
                mvec = mskb_v[pl.ds(tok * L, L)]
                comb = jnp.where(lane == (tvec & (L - 1)), tvec >> 4, -1)
                mc = mvec * math.exp(-1.0 / TAU)

                def col_body(i, c3):
                    v_e, v_p, v_g = c3
                    for u in range(UNROLL):
                        iu = i * UNROLL + u
                        d = ebuf[r, pl.ds(iu * L, L)]
                        x = xbuf[pl.ds(r * v + iu * L, L)]
                        e = jnp.exp(d * inv_tau)
                        v_e = v_e + e
                        v_p = v_p + x * e
                        v_g = jnp.where(comb == iu, x, v_g)
                    return (v_e, v_p, v_g)

                v_e, v_p, v_g = lax.fori_loop(
                    0, v // (L * UNROLL), col_body, (zero, zero, zero))
                acc_e = acc_e + v_e * mc
                acc_p = acc_p + v_p * mc
                acc_g = acc_g + v_g * mvec
            return (acc_e, acc_p, acc_g)

        issue(0, e0, x0, sem_e0, sem_x0)

        def pair_body(k, accs):
            g0 = 2 * k
            issue(g0 + 1, e1, x1, sem_e1, sem_x1)
            drain_x(x0, sem_x0)
            accs = compute(g0, e0, x0, sem_e0, accs)
            issue(jnp.minimum(g0 + 2, ngp - 1), e0, x0, sem_e0, sem_x0)
            drain_x(x1, sem_x1)
            accs = compute(g0 + 1, e1, x1, sem_e1, accs)
            return accs

        acc_e, acc_p, acc_g = lax.fori_loop(
            0, pairs, pair_body, (zero, zero, zero))
        drain(e0, x0, sem_e0, sem_x0)

        st[0, :] = acc_e
        st[1, :] = acc_p
        st[2, :] = acc_g
        pltpu.sync_copy(st, out_hbm.at[wid])

    return sc_loss


def kernel(input, target, mask, pre_scores, Dist):
    b, t, v = input.shape
    bt = b * t
    x = input.reshape(bt, v)
    tgt = target.reshape(bt).astype(jnp.int32)
    tgt2 = tgt.reshape(bt // GP, GP)
    tgtb = jnp.broadcast_to(tgt[:, None], (bt, L)).reshape(bt * L)
    mskb = jnp.broadcast_to(mask.reshape(bt)[:, None], (bt, L)).reshape(bt * L)
    msk = mask.reshape(bt)
    parts = _build_sc_loss(bt, v)(x, tgt2, tgtb, mskb, Dist)
    s = jnp.sum(parts, axis=(0, 2))
    s_m = jnp.sum(msk)
    real = -s[2] / s_m
    smooth = -s[1] / s[0]
    return (real, ALPHA * smooth + (1.0 - ALPHA) * real)

# --- scband reference (transcript-rebuilt; emitter-appended) ---
"""Pipeline reference for scband-smooth-language-model-criterion-22806276342320 (READ-ONLY COPY).

The authoritative reference and input builder live on the scoring server;
editing this copy changes nothing except your own understanding.
"""

import jax, jax.numpy as jnp
import numpy as np

TAU = 0.8
ALPHA = 0.3
B, T, V = 128, 32, 4096

def setup_inputs(seed: int = 0) -> dict:
    key = jax.random.key(seed)
    k1, k2, k3, k4 = jax.random.split(key, 4)
    logits = jax.random.normal(k1, (B, T, V), dtype=jnp.float32)
    inp = jax.nn.log_softmax(logits, axis=-1)  # log-probs as produced by an LM decoder
    target = jax.random.randint(k2, (B, T), 0, V, dtype=jnp.int32)
    mask = jnp.ones((B, T), dtype=jnp.float32)
    pre_scores = jax.random.uniform(k3, (B, 1), dtype=jnp.float32)
    # Dist: vocab similarity matrix in [0, 1] (e.g. cosine similarity of word vectors)
    Dist = jax.random.uniform(k4, (V, V), dtype=jnp.float32)
    return {"input": inp, "target": target, "mask": mask, "pre_scores": pre_scores, "Dist": Dist}

def reference(input, target, mask, pre_scores, Dist):
    # version='exp', less_confident=False, alpha=0.3, isolate_gt=False
    seq_length = input.shape[1]
    tgt = target[:, :seq_length]
    msk = mask[:, :seq_length]
    flat_input = input.reshape(-1, input.shape[2])           # [B*T, V]
    flat_target = tgt.reshape(-1, 1)                          # [B*T, 1]
    flat_mask = msk.reshape(-1, 1)                            # [B*T, 1]
    # real (reference) loss: masked NLL of the ground truth token
    real_output = -jnp.take_along_axis(flat_input, flat_target, axis=1) * flat_mask
    real_output = jnp.sum(real_output) / jnp.sum(flat_mask)
    # smoothed loss: gather similarity row for each gt token, exp temperature smoothing
    dist = jnp.take(Dist, flat_target[:, 0], axis=0)          # [B*T, V]
    smooth_target = jnp.exp((dist - 1.0) * (1.0 / TAU))       # [B*T, V]
    output = -flat_input * smooth_target * flat_mask          # broadcast mask over vocab
    denom = jnp.sum(smooth_target * flat_mask)
    output = jnp.sum(output) / denom
    smoothed = ALPHA * output + (1.0 - ALPHA) * real_output
    return (real_output, smoothed)

if __name__ == "__main__":
    import jax
    _d = setup_inputs()
    print(jax.jit(kernel)(*tuple(_d.values())))

</pallas_src>

<mosaic_0001>
#map = affine_map<(d0, d1) -> (0, 0)>
#map1 = affine_map<(d0, d1) -> (0)>
#map2 = affine_map<(d0, d1) -> (0, 0, 0)>
module attributes {stable_mosaic.version = 14 : i64} {
  func.func @sc_loss(%arg0: i32, %arg1: i32, %arg2: memref<4096x4096xf32, #tpu.memory_space<hbm>>, %arg3: memref<1024x4xi32, #tpu.memory_space<hbm>>, %arg4: memref<65536xi32, #tpu.memory_space<hbm>>, %arg5: memref<65536xf32, #tpu.memory_space<hbm>>, %arg6: memref<4096x4096xf32, #tpu.memory_space<hbm>>, %arg7: memref<32x3x16xf32, #tpu.memory_space<hbm>>, %arg8: memref<32x4xi32, #tpu.memory_space<vmem>>, %arg9: memref<2048xi32, #tpu.memory_space<vmem>>, %arg10: memref<2048xf32, #tpu.memory_space<vmem>>, %arg11: memref<4x4096xf32, #tpu.memory_space<vmem>>, %arg12: memref<4x4096xf32, #tpu.memory_space<vmem>>, %arg13: memref<16384xf32, #tpu.memory_space<vmem>>, %arg14: memref<16384xf32, #tpu.memory_space<vmem>>, %arg15: memref<3x16xf32, #tpu.memory_space<vmem>>, %arg16: memref<!tpu.dma_semaphore, #tpu.memory_space<semaphore_mem>>, %arg17: memref<!tpu.dma_semaphore, #tpu.memory_space<semaphore_mem>>, %arg18: memref<!tpu.dma_semaphore, #tpu.memory_space<semaphore_mem>>, %arg19: memref<!tpu.dma_semaphore, #tpu.memory_space<semaphore_mem>>) attributes {dimension_semantics = [#tpu.dimension_semantics<core_parallel>, #tpu.dimension_semantics<subcore_parallel>], iteration_bounds = array<i64: 2, 16>, scalar_prefetch = 0 : i64, scratch_operands = 12 : i64, tpu.core_type = #tpu.core_type<sc_vector_subcore>, window_params = [{transform_indices = #map}, {transform_indices = #map}, {transform_indices = #map1}, {transform_indices = #map1}, {transform_indices = #map}, {transform_indices = #map2}]} {
    %mul3A = arith.constant 16 : i32
    %mul3A_0 = arith.muli %arg0, %mul3A : i32
    %add3A = arith.addi %mul3A_0, %arg1 : i32
    %mul3A_1 = arith.constant 128 : i32
    %mul3A_2 = arith.muli %add3A, %mul3A_1 : i32
    %mul3A_3 = arith.constant 32 : i32
    %mul3A_4 = arith.muli %add3A, %mul3A_3 : i32
    %multiple_of3A = tpu.assume_multiple %mul3A_4, 8 : i32
    "tpu.region"() ({
      %run_scoped3A = tpu.sem_alloc : memref<!tpu.dma_semaphore, #tpu.memory_space<semaphore_mem>>
      %dma_start3A_144 = arith.constant 0 : i32
      %dma_start3A_145 = tpu.memref_slice %arg3[%multiple_of3A, %dma_start3A_144] : memref<1024x4xi32, #tpu.memory_space<hbm>> -> memref<32x4xi32, #tpu.memory_space<hbm>>
      %dma_start3A_146 = arith.constant 0 : i32
      %dma_start3A_147 = tpu.memref_slice %arg3[%multiple_of3A, %dma_start3A_146] : memref<1024x4xi32, #tpu.memory_space<hbm>> -> memref<32x4xi32, #tpu.memory_space<hbm>>
      tpu.enqueue_dma source(%dma_start3A_147 : memref<32x4xi32, #tpu.memory_space<hbm>>) target(%arg8 : memref<32x4xi32, #tpu.memory_space<vmem>>) target_semaphore(%run_scoped3A : memref<!tpu.dma_semaphore, #tpu.memory_space<semaphore_mem>>)
      %dma_wait3A_148 = arith.constant 0 : i32
      %dma_wait3A_149 = tpu.memref_slice %arg3[%multiple_of3A, %dma_wait3A_148] : memref<1024x4xi32, #tpu.memory_space<hbm>> -> memref<32x4xi32, #tpu.memory_space<hbm>>
      %dma_wait3A_150 = arith.constant 0 : i32
      %dma_wait3A_151 = tpu.memref_slice %arg3[%multiple_of3A, %dma_wait3A_150] : memref<1024x4xi32, #tpu.memory_space<hbm>> -> memref<32x4xi32, #tpu.memory_space<hbm>>
      tpu.wait_dma2 semaphore(%run_scoped3A : memref<!tpu.dma_semaphore, #tpu.memory_space<semaphore_mem>>) src(%dma_wait3A_151 : memref<32x4xi32, #tpu.memory_space<hbm>>) dst(%arg8 : memref<32x4xi32, #tpu.memory_space<vmem>>)
      tpu.yield
    }) : () -> ()
    %mul3A_5 = arith.constant 16 : i32
    %mul3A_6 = arith.muli %mul3A_2, %mul3A_5 : i32
    "tpu.region"() ({
      %run_scoped3A = tpu.sem_alloc : memref<!tpu.dma_semaphore, #tpu.memory_space<semaphore_mem>>
      %dma_start3A_144 = tpu.memref_slice %arg4[%mul3A_6] : memref<65536xi32, #tpu.memory_space<hbm>> -> memref<2048xi32, #tpu.memory_space<hbm>>
      %dma_start3A_145 = tpu.memref_slice %arg4[%mul3A_6] : memref<65536xi32, #tpu.memory_space<hbm>> -> memref<2048xi32, #tpu.memory_space<hbm>>
      tpu.enqueue_dma source(%dma_start3A_145 : memref<2048xi32, #tpu.memory_space<hbm>>) target(%arg9 : memref<2048xi32, #tpu.memory_space<vmem>>) target_semaphore(%run_scoped3A : memref<!tpu.dma_semaphore, #tpu.memory_space<semaphore_mem>>)
      %dma_wait3A_146 = tpu.memref_slice %arg4[%mul3A_6] : memref<65536xi32, #tpu.memory_space<hbm>> -> memref<2048xi32, #tpu.memory_space<hbm>>
      %dma_wait3A_147 = tpu.memref_slice %arg4[%mul3A_6] : memref<65536xi32, #tpu.memory_space<hbm>> -> memref<2048xi32, #tpu.memory_space<hbm>>
      tpu.wait_dma2 semaphore(%run_scoped3A : memref<!tpu.dma_semaphore, #tpu.memory_space<semaphore_mem>>) src(%dma_wait3A_147 : memref<2048xi32, #tpu.memory_space<hbm>>) dst(%arg9 : memref<2048xi32, #tpu.memory_space<vmem>>)
      tpu.yield
    }) : () -> ()
    %mul3A_7 = arith.constant 16 : i32
    %mul3A_8 = arith.muli %mul3A_2, %mul3A_7 : i32
    "tpu.region"() ({
      %run_scoped3A = tpu.sem_alloc : memref<!tpu.dma_semaphore, #tpu.memory_space<semaphore_mem>>
      %dma_start3A_144 = tpu.memref_slice %arg5[%mul3A_8] : memref<65536xf32, #tpu.memory_space<hbm>> -> memref<2048xf32, #tpu.memory_space<hbm>>
      %dma_start3A_145 = tpu.memref_slice %arg5[%mul3A_8] : memref<65536xf32, #tpu.memory_space<hbm>> -> memref<2048xf32, #tpu.memory_space<hbm>>
      tpu.enqueue_dma source(%dma_start3A_145 : memref<2048xf32, #tpu.memory_space<hbm>>) target(%arg10 : memref<2048xf32, #tpu.memory_space<vmem>>) target_semaphore(%run_scoped3A : memref<!tpu.dma_semaphore, #tpu.memory_space<semaphore_mem>>)
      %dma_wait3A_146 = tpu.memref_slice %arg5[%mul3A_8] : memref<65536xf32, #tpu.memory_space<hbm>> -> memref<2048xf32, #tpu.memory_space<hbm>>
      %dma_wait3A_147 = tpu.memref_slice %arg5[%mul3A_8] : memref<65536xf32, #tpu.memory_space<hbm>> -> memref<2048xf32, #tpu.memory_space<hbm>>
      tpu.wait_dma2 semaphore(%run_scoped3A : memref<!tpu.dma_semaphore, #tpu.memory_space<semaphore_mem>>) src(%dma_wait3A_147 : memref<2048xf32, #tpu.memory_space<hbm>>) dst(%arg10 : memref<2048xf32, #tpu.memory_space<vmem>>)
      tpu.yield
    }) : () -> ()
    %broadcast_in_dim3A = arith.constant 0.000000e+00 : f32
    %broadcast_in_dim3A_9 = vector.broadcast %broadcast_in_dim3A : f32 to vector<16xf32>
    %iota3A = tpu.iota {dimensions = array<i32: 0>} : vector<16xi32>
    %dma_start3A = arith.constant 0 : i32
    %dma_start3A_10 = arith.constant 0 : i32
    %dma_start3A_11 = tpu.memref_slice %arg8[%dma_start3A, %dma_start3A_10] : memref<32x4xi32, #tpu.memory_space<vmem>> -> memref<1x4xi32, #tpu.memory_space<vmem>>
    %dma_start3A_12 = tpu.memref_squeeze %dma_start3A_11 : memref<1x4xi32, #tpu.memory_space<vmem>> -> memref<4xi32, #tpu.memory_space<vmem>>
    %dma_start3A_13 = arith.constant 0 : i32
    %dma_start3A_14 = arith.constant 0 : i32
    %dma_start3A_15 = tpu.memref_slice %arg6[%dma_start3A_13, %dma_start3A_14] : memref<4096x4096xf32, #tpu.memory_space<hbm>> -> memref<4096x4096xf32, #tpu.memory_space<hbm>>
    tpu.enqueue_indirect_dma source(%dma_start3A_15 : memref<4096x4096xf32, #tpu.memory_space<hbm>>) target(%arg11 : memref<4x4096xf32, #tpu.memory_space<vmem>>) offsets(%dma_start3A_12 : memref<4xi32, #tpu.memory_space<vmem>>) semaphore(%arg16 : memref<!tpu.dma_semaphore, #tpu.memory_space<semaphore_mem>>)
    %add3A_16 = arith.constant 0 : i32
    %add3A_17 = arith.addi %mul3A_2, %add3A_16 : i32
    %add3A_18 = arith.constant 0 : i32
    %add3A_19 = arith.addi %add3A_17, %add3A_18 : i32
    %dma_start3A_20 = arith.constant 0 : i32
    %dma_start3A_21 = tpu.memref_slice %arg13[%dma_start3A_20] : memref<16384xf32, #tpu.memory_space<vmem>> -> memref<4096xf32, #tpu.memory_space<vmem>>
    %dma_start3A_22 = arith.constant 0 : i32
    %dma_start3A_23 = tpu.memref_slice %arg2[%add3A_19, %dma_start3A_22] : memref<4096x4096xf32, #tpu.memory_space<hbm>> -> memref<1x4096xf32, #tpu.memory_space<hbm>>
    %dma_start3A_24 = tpu.memref_squeeze %dma_start3A_23 : memref<1x4096xf32, #tpu.memory_space<hbm>> -> memref<4096xf32, #tpu.memory_space<hbm>>
    %dma_start3A_25 = arith.constant 0 : i32
    %dma_start3A_26 = tpu.memref_slice %arg13[%dma_start3A_25] : memref<16384xf32, #tpu.memory_space<vmem>> -> memref<4096xf32, #tpu.memory_space<vmem>>
    %dma_start3A_27 = arith.constant 0 : i32
    %dma_start3A_28 = tpu.memref_slice %arg2[%add3A_19, %dma_start3A_27] : memref<4096x4096xf32, #tpu.memory_space<hbm>> -> memref<1x4096xf32, #tpu.memory_space<hbm>>
    %dma_start3A_29 = tpu.memref_squeeze %dma_start3A_28 : memref<1x4096xf32, #tpu.memory_space<hbm>> -> memref<4096xf32, #tpu.memory_space<hbm>>
    tpu.enqueue_dma source(%dma_start3A_29 : memref<4096xf32, #tpu.memory_space<hbm>>) target(%dma_start3A_26 : memref<4096xf32, #tpu.memory_space<vmem>>) target_semaphore(%arg18 : memref<!tpu.dma_semaphore, #tpu.memory_space<semaphore_mem>>)
    %add3A_30 = arith.constant 0 : i32
    %add3A_31 = arith.addi %mul3A_2, %add3A_30 : i32
    %add3A_32 = arith.constant 1 : i32
    %add3A_33 = arith.addi %add3A_31, %add3A_32 : i32
    %dma_start3A_34 = arith.constant 4096 : i32
    %dma_start3A_35 = tpu.memref_slice %arg13[%dma_start3A_34] : memref<16384xf32, #tpu.memory_space<vmem>> -> memref<4096xf32, #tpu.memory_space<vmem>>
    %dma_start3A_36 = arith.constant 0 : i32
    %dma_start3A_37 = tpu.memref_slice %arg2[%add3A_33, %dma_start3A_36] : memref<4096x4096xf32, #tpu.memory_space<hbm>> -> memref<1x4096xf32, #tpu.memory_space<hbm>>
    %dma_start3A_38 = tpu.memref_squeeze %dma_start3A_37 : memref<1x4096xf32, #tpu.memory_space<hbm>> -> memref<4096xf32, #tpu.memory_space<hbm>>
    %dma_start3A_39 = arith.constant 4096 : i32
    %dma_start3A_40 = tpu.memref_slice %arg13[%dma_start3A_39] : memref<16384xf32, #tpu.memory_space<vmem>> -> memref<4096xf32, #tpu.memory_space<vmem>>
    %dma_start3A_41 = arith.constant 0 : i32
    %dma_start3A_42 = tpu.memref_slice %arg2[%add3A_33, %dma_start3A_41] : memref<4096x4096xf32, #tpu.memory_space<hbm>> -> memref<1x4096xf32, #tpu.memory_space<hbm>>
    %dma_start3A_43 = tpu.memref_squeeze %dma_start3A_42 : memref<1x4096xf32, #tpu.memory_space<hbm>> -> memref<4096xf32, #tpu.memory_space<hbm>>
    tpu.enqueue_dma source(%dma_start3A_43 : memref<4096xf32, #tpu.memory_space<hbm>>) target(%dma_start3A_40 : memref<4096xf32, #tpu.memory_space<vmem>>) target_semaphore(%arg18 : memref<!tpu.dma_semaphore, #tpu.memory_space<semaphore_mem>>)
    %add3A_44 = arith.constant 0 : i32
    %add3A_45 = arith.addi %mul3A_2, %add3A_44 : i32
    %add3A_46 = arith.constant 2 : i32
    %add3A_47 = arith.addi %add3A_45, %add3A_46 : i32
    %dma_start3A_48 = arith.constant 8192 : i32
    %dma_start3A_49 = tpu.memref_slice %arg13[%dma_start3A_48] : memref<16384xf32, #tpu.memory_space<vmem>> -> memref<4096xf32, #tpu.memory_space<vmem>>
    %dma_start3A_50 = arith.constant 0 : i32
    %dma_start3A_51 = tpu.memref_slice %arg2[%add3A_47, %dma_start3A_50] : memref<4096x4096xf32, #tpu.memory_space<hbm>> -> memref<1x4096xf32, #tpu.memory_space<hbm>>
    %dma_start3A_52 = tpu.memref_squeeze %dma_start3A_51 : memref<1x4096xf32, #tpu.memory_space<hbm>> -> memref<4096xf32, #tpu.memory_space<hbm>>
    %dma_start3A_53 = arith.constant 8192 : i32
    %dma_start3A_54 = tpu.memref_slice %arg13[%dma_start3A_53] : memref<16384xf32, #tpu.memory_space<vmem>> -> memref<4096xf32, #tpu.memory_space<vmem>>
    %dma_start3A_55 = arith.constant 0 : i32
    %dma_start3A_56 = tpu.memref_slice %arg2[%add3A_47, %dma_start3A_55] : memref<4096x4096xf32, #tpu.memory_space<hbm>> -> memref<1x4096xf32, #tpu.memory_space<hbm>>
    %dma_start3A_57 = tpu.memref_squeeze %dma_start3A_56 : memref<1x4096xf32, #tpu.memory_space<hbm>> -> memref<4096xf32, #tpu.memory_space<hbm>>
    tpu.enqueue_dma source(%dma_start3A_57 : memref<4096xf32, #tpu.memory_space<hbm>>) target(%dma_start3A_54 : memref<4096xf32, #tpu.memory_space<vmem>>) target_semaphore(%arg18 : memref<!tpu.dma_semaphore, #tpu.memory_space<semaphore_mem>>)
    %add3A_58 = arith.constant 0 : i32
    %add3A_59 = arith.addi %mul3A_2, %add3A_58 : i32
    %add3A_60 = arith.constant 3 : i32
    %add3A_61 = arith.addi %add3A_59, %add3A_60 : i32
    %dma_start3A_62 = arith.constant 12288 : i32
    %dma_start3A_63 = tpu.memref_slice %arg13[%dma_start3A_62] : memref<16384xf32, #tpu.memory_space<vmem>> -> memref<4096xf32, #tpu.memory_space<vmem>>
    %dma_start3A_64 = arith.constant 0 : i32
    %dma_start3A_65 = tpu.memref_slice %arg2[%add3A_61, %dma_start3A_64] : memref<4096x4096xf32, #tpu.memory_space<hbm>> -> memref<1x4096xf32, #tpu.memory_space<hbm>>
    %dma_start3A_66 = tpu.memref_squeeze %dma_start3A_65 : memref<1x4096xf32, #tpu.memory_space<hbm>> -> memref<4096xf32, #tpu.memory_space<hbm>>
    %dma_start3A_67 = arith.constant 12288 : i32
    %dma_start3A_68 = tpu.memref_slice %arg13[%dma_start3A_67] : memref<16384xf32, #tpu.memory_space<vmem>> -> memref<4096xf32, #tpu.memory_space<vmem>>
    %dma_start3A_69 = arith.constant 0 : i32
    %dma_start3A_70 = tpu.memref_slice %arg2[%add3A_61, %dma_start3A_69] : memref<4096x4096xf32, #tpu.memory_space<hbm>> -> memref<1x4096xf32, #tpu.memory_space<hbm>>
    %dma_start3A_71 = tpu.memref_squeeze %dma_start3A_70 : memref<1x4096xf32, #tpu.memory_space<hbm>> -> memref<4096xf32, #tpu.memory_space<hbm>>
    tpu.enqueue_dma source(%dma_start3A_71 : memref<4096xf32, #tpu.memory_space<hbm>>) target(%dma_start3A_68 : memref<4096xf32, #tpu.memory_space<vmem>>) target_semaphore(%arg18 : memref<!tpu.dma_semaphore, #tpu.memory_space<semaphore_mem>>)
    %scan3A = arith.constant 0 : i32
    %scan3A_72 = arith.constant 16 : i32
    %scan3A_73 = arith.addi %scan3A, %scan3A_72 : i32
    %scan3A_74 = arith.constant 1 : i32
    %scan3A_75:3 = scf.for %scan3A_144 = %scan3A to %scan3A_73 step %scan3A_74 iter_args(%scan3A_145 = %broadcast_in_dim3A_9, %scan3A_146 = %broadcast_in_dim3A_9, %scan3A_147 = %broadcast_in_dim3A_9) -> (vector<16xf32>, vector<16xf32>, vector<16xf32>)  : i32 {
      %mul3A_148 = arith.constant 2 : i32
      %mul3A_149 = arith.muli %mul3A_148, %scan3A_144 : i32
      %add3A_150 = arith.constant 1 : i32
      %add3A_151 = arith.addi %mul3A_149, %add3A_150 : i32
      %dma_start3A_152 = arith.constant 0 : i32
      %dma_start3A_153 = tpu.memref_slice %arg8[%add3A_151, %dma_start3A_152] : memref<32x4xi32, #tpu.memory_space<vmem>> -> memref<1x4xi32, #tpu.memory_space<vmem>>
      %dma_start3A_154 = tpu.memref_squeeze %dma_start3A_153 : memref<1x4xi32, #tpu.memory_space<vmem>> -> memref<4xi32, #tpu.memory_space<vmem>>
      %dma_start3A_155 = arith.constant 0 : i32
      %dma_start3A_156 = arith.constant 0 : i32
      %dma_start3A_157 = tpu.memref_slice %arg6[%dma_start3A_155, %dma_start3A_156] : memref<4096x4096xf32, #tpu.memory_space<hbm>> -> memref<4096x4096xf32, #tpu.memory_space<hbm>>
      tpu.enqueue_indirect_dma source(%dma_start3A_157 : memref<4096x4096xf32, #tpu.memory_space<hbm>>) target(%arg12 : memref<4x4096xf32, #tpu.memory_space<vmem>>) offsets(%dma_start3A_154 : memref<4xi32, #tpu.memory_space<vmem>>) semaphore(%arg17 : memref<!tpu.dma_semaphore, #tpu.memory_space<semaphore_mem>>)
      %mul3A_158 = arith.constant 4 : i32
      %mul3A_159 = arith.muli %add3A_151, %mul3A_158 : i32
      %add3A_160 = arith.addi %mul3A_2, %mul3A_159 : i32
      %add3A_161 = arith.constant 0 : i32
      %add3A_162 = arith.addi %add3A_160, %add3A_161 : i32
      %dma_start3A_163 = arith.constant 0 : i32
      %dma_start3A_164 = tpu.memref_slice %arg14[%dma_start3A_163] : memref<16384xf32, #tpu.memory_space<vmem>> -> memref<4096xf32, #tpu.memory_space<vmem>>
      %dma_start3A_165 = arith.constant 0 : i32
      %dma_start3A_166 = tpu.memref_slice %arg2[%add3A_162, %dma_start3A_165] : memref<4096x4096xf32, #tpu.memory_space<hbm>> -> memref<1x4096xf32, #tpu.memory_space<hbm>>
      %dma_start3A_167 = tpu.memref_squeeze %dma_start3A_166 : memref<1x4096xf32, #tpu.memory_space<hbm>> -> memref<4096xf32, #tpu.memory_space<hbm>>
      %dma_start3A_168 = arith.constant 0 : i32
      %dma_start3A_169 = tpu.memref_slice %arg14[%dma_start3A_168] : memref<16384xf32, #tpu.memory_space<vmem>> -> memref<4096xf32, #tpu.memory_space<vmem>>
      %dma_start3A_170 = arith.constant 0 : i32
      %dma_start3A_171 = tpu.memref_slice %arg2[%add3A_162, %dma_start3A_170] : memref<4096x4096xf32, #tpu.memory_space<hbm>> -> memref<1x4096xf32, #tpu.memory_space<hbm>>
      %dma_start3A_172 = tpu.memref_squeeze %dma_start3A_171 : memref<1x4096xf32, #tpu.memory_space<hbm>> -> memref<4096xf32, #tpu.memory_space<hbm>>
      tpu.enqueue_dma source(%dma_start3A_172 : memref<4096xf32, #tpu.memory_space<hbm>>) target(%dma_start3A_169 : memref<4096xf32, #tpu.memory_space<vmem>>) target_semaphore(%arg19 : memref<!tpu.dma_semaphore, #tpu.memory_space<semaphore_mem>>)
      %mul3A_173 = arith.constant 4 : i32
      %mul3A_174 = arith.muli %add3A_151, %mul3A_173 : i32
      %add3A_175 = arith.addi %mul3A_2, %mul3A_174 : i32
      %add3A_176 = arith.constant 1 : i32
      %add3A_177 = arith.addi %add3A_175, %add3A_176 : i32
      %dma_start3A_178 = arith.constant 4096 : i32
      %dma_start3A_179 = tpu.memref_slice %arg14[%dma_start3A_178] : memref<16384xf32, #tpu.memory_space<vmem>> -> memref<4096xf32, #tpu.memory_space<vmem>>
      %dma_start3A_180 = arith.constant 0 : i32
      %dma_start3A_181 = tpu.memref_slice %arg2[%add3A_177, %dma_start3A_180] : memref<4096x4096xf32, #tpu.memory_space<hbm>> -> memref<1x4096xf32, #tpu.memory_space<hbm>>
      %dma_start3A_182 = tpu.memref_squeeze %dma_start3A_181 : memref<1x4096xf32, #tpu.memory_space<hbm>> -> memref<4096xf32, #tpu.memory_space<hbm>>
      %dma_start3A_183 = arith.constant 4096 : i32
      %dma_start3A_184 = tpu.memref_slice %arg14[%dma_start3A_183] : memref<16384xf32, #tpu.memory_space<vmem>> -> memref<4096xf32, #tpu.memory_space<vmem>>
      %dma_start3A_185 = arith.constant 0 : i32
      %dma_start3A_186 = tpu.memref_slice %arg2[%add3A_177, %dma_start3A_185] : memref<4096x4096xf32, #tpu.memory_space<hbm>> -> memref<1x4096xf32, #tpu.memory_space<hbm>>
      %dma_start3A_187 = tpu.memref_squeeze %dma_start3A_186 : memref<1x4096xf32, #tpu.memory_space<hbm>> -> memref<4096xf32, #tpu.memory_space<hbm>>
      tpu.enqueue_dma source(%dma_start3A_187 : memref<4096xf32, #tpu.memory_space<hbm>>) target(%dma_start3A_184 : memref<4096xf32, #tpu.memory_space<vmem>>) target_semaphore(%arg19 : memref<!tpu.dma_semaphore, #tpu.memory_space<semaphore_mem>>)
      %mul3A_188 = arith.constant 4 : i32
      %mul3A_189 = arith.muli %add3A_151, %mul3A_188 : i32
      %add3A_190 = arith.addi %mul3A_2, %mul3A_189 : i32
      %add3A_191 = arith.constant 2 : i32
      %add3A_192 = arith.addi %add3A_190, %add3A_191 : i32
      %dma_start3A_193 = arith.constant 8192 : i32
      %dma_start3A_194 = tpu.memref_slice %arg14[%dma_start3A_193] : memref<16384xf32, #tpu.memory_space<vmem>> -> memref<4096xf32, #tpu.memory_space<vmem>>
      %dma_start3A_195 = arith.constant 0 : i32
      %dma_start3A_196 = tpu.memref_slice %arg2[%add3A_192, %dma_start3A_195] : memref<4096x4096xf32, #tpu.memory_space<hbm>> -> memref<1x4096xf32, #tpu.memory_space<hbm>>
      %dma_start3A_197 = tpu.memref_squeeze %dma_start3A_196 : memref<1x4096xf32, #tpu.memory_space<hbm>> -> memref<4096xf32, #tpu.memory_space<hbm>>
      %dma_start3A_198 = arith.constant 8192 : i32
      %dma_start3A_199 = tpu.memref_slice %arg14[%dma_start3A_198] : memref<16384xf32, #tpu.memory_space<vmem>> -> memref<4096xf32, #tpu.memory_space<vmem>>
      %dma_start3A_200 = arith.constant 0 : i32
      %dma_start3A_201 = tpu.memref_slice %arg2[%add3A_192, %dma_start3A_200] : memref<4096x4096xf32, #tpu.memory_space<hbm>> -> memref<1x4096xf32, #tpu.memory_space<hbm>>
      %dma_start3A_202 = tpu.memref_squeeze %dma_start3A_201 : memref<1x4096xf32, #tpu.memory_space<hbm>> -> memref<4096xf32, #tpu.memory_space<hbm>>
      tpu.enqueue_dma source(%dma_start3A_202 : memref<4096xf32, #tpu.memory_space<hbm>>) target(%dma_start3A_199 : memref<4096xf32, #tpu.memory_space<vmem>>) target_semaphore(%arg19 : memref<!tpu.dma_semaphore, #tpu.memory_space<semaphore_mem>>)
      %mul3A_203 = arith.constant 4 : i32
      %mul3A_204 = arith.muli %add3A_151, %mul3A_203 : i32
      %add3A_205 = arith.addi %mul3A_2, %mul3A_204 : i32
      %add3A_206 = arith.constant 3 : i32
      %add3A_207 = arith.addi %add3A_205, %add3A_206 : i32
      %dma_start3A_208 = arith.constant 12288 : i32
      %dma_start3A_209 = tpu.memref_slice %arg14[%dma_start3A_208] : memref<16384xf32, #tpu.memory_space<vmem>> -> memref<4096xf32, #tpu.memory_space<vmem>>
      %dma_start3A_210 = arith.constant 0 : i32
      %dma_start3A_211 = tpu.memref_slice %arg2[%add3A_207, %dma_start3A_210] : memref<4096x4096xf32, #tpu.memory_space<hbm>> -> memref<1x4096xf32, #tpu.memory_space<hbm>>
      %dma_start3A_212 = tpu.memref_squeeze %dma_start3A_211 : memref<1x4096xf32, #tpu.memory_space<hbm>> -> memref<4096xf32, #tpu.memory_space<hbm>>
      %dma_start3A_213 = arith.constant 12288 : i32
      %dma_start3A_214 = tpu.memref_slice %arg14[%dma_start3A_213] : memref<16384xf32, #tpu.memory_space<vmem>> -> memref<4096xf32, #tpu.memory_space<vmem>>
      %dma_start3A_215 = arith.constant 0 : i32
      %dma_start3A_216 = tpu.memref_slice %arg2[%add3A_207, %dma_start3A_215] : memref<4096x4096xf32, #tpu.memory_space<hbm>> -> memref<1x4096xf32, #tpu.memory_space<hbm>>
      %dma_start3A_217 = tpu.memref_squeeze %dma_start3A_216 : memref<1x4096xf32, #tpu.memory_space<hbm>> -> memref<4096xf32, #tpu.memory_space<hbm>>
      tpu.enqueue_dma source(%dma_start3A_217 : memref<4096xf32, #tpu.memory_space<hbm>>) target(%dma_start3A_214 : memref<4096xf32, #tpu.memory_space<vmem>>) target_semaphore(%arg19 : memref<!tpu.dma_semaphore, #tpu.memory_space<semaphore_mem>>)
      %dma_wait3A_218 = arith.constant 0 : i32
      %dma_wait3A_219 = arith.constant 0 : i32
      %dma_wait3A_220 = tpu.memref_slice %arg13[%dma_wait3A_219] : memref<16384xf32, #tpu.memory_space<vmem>> -> memref<4096xf32, #tpu.memory_space<vmem>>
      %dma_wait3A_221 = arith.constant 0 : i32
      %dma_wait3A_222 = tpu.memref_slice %arg2[%dma_wait3A_218, %dma_wait3A_221] : memref<4096x4096xf32, #tpu.memory_space<hbm>> -> memref<1x4096xf32, #tpu.memory_space<hbm>>
      %dma_wait3A_223 = tpu.memref_squeeze %dma_wait3A_222 : memref<1x4096xf32, #tpu.memory_space<hbm>> -> memref<4096xf32, #tpu.memory_space<hbm>>
      %dma_wait3A_224 = arith.constant 0 : i32
      %dma_wait3A_225 = tpu.memref_slice %arg13[%dma_wait3A_224] : memref<16384xf32, #tpu.memory_space<vmem>> -> memref<4096xf32, #tpu.memory_space<vmem>>
      %dma_wait3A_226 = arith.constant 0 : i32
      %dma_wait3A_227 = tpu.memref_slice %arg2[%dma_wait3A_218, %dma_wait3A_226] : memref<4096x4096xf32, #tpu.memory_space<hbm>> -> memref<1x4096xf32, #tpu.memory_space<hbm>>
      %dma_wait3A_228 = tpu.memref_squeeze %dma_wait3A_227 : memref<1x4096xf32, #tpu.memory_space<hbm>> -> memref<4096xf32, #tpu.memory_space<hbm>>
      tpu.wait_dma2 semaphore(%arg18 : memref<!tpu.dma_semaphore, #tpu.memory_space<semaphore_mem>>) src(%dma_wait3A_228 : memref<4096xf32, #tpu.memory_space<hbm>>) dst(%dma_wait3A_225 : memref<4096xf32, #tpu.memory_space<vmem>>)
      %dma_wait3A_229 = arith.constant 0 : i32
      %dma_wait3A_230 = arith.constant 4096 : i32
      %dma_wait3A_231 = tpu.memref_slice %arg13[%dma_wait3A_230] : memref<16384xf32, #tpu.memory_space<vmem>> -> memref<4096xf32, #tpu.memory_space<vmem>>
      %dma_wait3A_232 = arith.constant 0 : i32
      %dma_wait3A_233 = tpu.memref_slice %arg2[%dma_wait3A_229, %dma_wait3A_232] : memref<4096x4096xf32, #tpu.memory_space<hbm>> -> memref<1x4096xf32, #tpu.memory_space<hbm>>
      %dma_wait3A_234 = tpu.memref_squeeze %dma_wait3A_233 : memref<1x4096xf32, #tpu.memory_space<hbm>> -> memref<4096xf32, #tpu.memory_space<hbm>>
      %dma_wait3A_235 = arith.constant 4096 : i32
      %dma_wait3A_236 = tpu.memref_slice %arg13[%dma_wait3A_235] : memref<16384xf32, #tpu.memory_space<vmem>> -> memref<4096xf32, #tpu.memory_space<vmem>>
      %dma_wait3A_237 = arith.constant 0 : i32
      %dma_wait3A_238 = tpu.memref_slice %arg2[%dma_wait3A_229, %dma_wait3A_237] : memref<4096x4096xf32, #tpu.memory_space<hbm>> -> memref<1x4096xf32, #tpu.memory_space<hbm>>
      %dma_wait3A_239 = tpu.memref_squeeze %dma_wait3A_238 : memref<1x4096xf32, #tpu.memory_space<hbm>> -> memref<4096xf32, #tpu.memory_space<hbm>>
      tpu.wait_dma2 semaphore(%arg18 : memref<!tpu.dma_semaphore, #tpu.memory_space<semaphore_mem>>) src(%dma_wait3A_239 : memref<4096xf32, #tpu.memory_space<hbm>>) dst(%dma_wait3A_236 : memref<4096xf32, #tpu.memory_space<vmem>>)
      %dma_wait3A_240 = arith.constant 0 : i32
      %dma_wait3A_241 = arith.constant 8192 : i32
      %dma_wait3A_242 = tpu.memref_slice %arg13[%dma_wait3A_241] : memref<16384xf32, #tpu.memory_space<vmem>> -> memref<4096xf32, #tpu.memory_space<vmem>>
      %dma_wait3A_243 = arith.constant 0 : i32
      %dma_wait3A_244 = tpu.memref_slice %arg2[%dma_wait3A_240, %dma_wait3A_243] : memref<4096x4096xf32, #tpu.memory_space<hbm>> -> memref<1x4096xf32, #tpu.memory_space<hbm>>
      %dma_wait3A_245 = tpu.memref_squeeze %dma_wait3A_244 : memref<1x4096xf32, #tpu.memory_space<hbm>> -> memref<4096xf32, #tpu.memory_space<hbm>>
      %dma_wait3A_246 = arith.constant 8192 : i32
      %dma_wait3A_247 = tpu.memref_slice %arg13[%dma_wait3A_246] : memref<16384xf32, #tpu.memory_space<vmem>> -> memref<4096xf32, #tpu.memory_space<vmem>>
      %dma_wait3A_248 = arith.constant 0 : i32
      %dma_wait3A_249 = tpu.memref_slice %arg2[%dma_wait3A_240, %dma_wait3A_248] : memref<4096x4096xf32, #tpu.memory_space<hbm>> -> memref<1x4096xf32, #tpu.memory_space<hbm>>
      %dma_wait3A_250 = tpu.memref_squeeze %dma_wait3A_249 : memref<1x4096xf32, #tpu.memory_space<hbm>> -> memref<4096xf32, #tpu.memory_space<hbm>>
      tpu.wait_dma2 semaphore(%arg18 : memref<!tpu.dma_semaphore, #tpu.memory_space<semaphore_mem>>) src(%dma_wait3A_250 : memref<4096xf32, #tpu.memory_space<hbm>>) dst(%dma_wait3A_247 : memref<4096xf32, #tpu.memory_space<vmem>>)
      %dma_wait3A_251 = arith.constant 0 : i32
      %dma_wait3A_252 = arith.constant 12288 : i32
      %dma_wait3A_253 = tpu.memref_slice %arg13[%dma_wait3A_252] : memref<16384xf32, #tpu.memory_space<vmem>> -> memref<4096xf32, #tpu.memory_space<vmem>>
      %dma_wait3A_254 = arith.constant 0 : i32
      %dma_wait3A_255 = tpu.memref_slice %arg2[%dma_wait3A_251, %dma_wait3A_254] : memref<4096x4096xf32, #tpu.memory_space<hbm>> -> memref<1x4096xf32, #tpu.memory_space<hbm>>
      %dma_wait3A_256 = tpu.memref_squeeze %dma_wait3A_255 : memref<1x4096xf32, #tpu.memory_space<hbm>> -> memref<4096xf32, #tpu.memory_space<hbm>>
      %dma_wait3A_257 = arith.constant 12288 : i32
      %dma_wait3A_258 = tpu.memref_slice %arg13[%dma_wait3A_257] : memref<16384xf32, #tpu.memory_space<vmem>> -> memref<4096xf32, #tpu.memory_space<vmem>>
      %dma_wait3A_259 = arith.constant 0 : i32
      %dma_wait3A_260 = tpu.memref_slice %arg2[%dma_wait3A_251, %dma_wait3A_259] : memref<4096x4096xf32, #tpu.memory_space<hbm>> -> memref<1x4096xf32, #tpu.memory_space<hbm>>
      %dma_wait3A_261 = tpu.memref_squeeze %dma_wait3A_260 : memref<1x4096xf32, #tpu.memory_space<hbm>> -> memref<4096xf32, #tpu.memory_space<hbm>>
      tpu.wait_dma2 semaphore(%arg18 : memref<!tpu.dma_semaphore, #tpu.memory_space<semaphore_mem>>) src(%dma_wait3A_261 : memref<4096xf32, #tpu.memory_space<hbm>>) dst(%dma_wait3A_258 : memref<4096xf32, #tpu.memory_space<vmem>>)
      %dma_wait3A_262 = arith.constant 0 : i32
      %dma_wait3A_263 = arith.constant 0 : i32
      %dma_wait3A_264 = tpu.memref_slice %arg13[%dma_wait3A_263] : memref<16384xf32, #tpu.memory_space<vmem>> -> memref<4096xf32, #tpu.memory_space<vmem>>
      %dma_wait3A_265 = arith.constant 0 : i32
      %dma_wait3A_266 = tpu.memref_slice %arg2[%dma_wait3A_262, %dma_wait3A_265] : memref<4096x4096xf32, #tpu.memory_space<hbm>> -> memref<1x4096xf32, #tpu.memory_space<hbm>>
      %dma_wait3A_267 = tpu.memref_squeeze %dma_wait3A_266 : memref<1x4096xf32, #tpu.memory_space<hbm>> -> memref<4096xf32, #tpu.memory_space<hbm>>
      %dma_wait3A_268 = arith.constant 0 : i32
      %dma_wait3A_269 = tpu.memref_slice %arg13[%dma_wait3A_268] : memref<16384xf32, #tpu.memory_space<vmem>> -> memref<4096xf32, #tpu.memory_space<vmem>>
      %dma_wait3A_270 = arith.constant 0 : i32
      %dma_wait3A_271 = tpu.memref_slice %arg2[%dma_wait3A_262, %dma_wait3A_270] : memref<4096x4096xf32, #tpu.memory_space<hbm>> -> memref<1x4096xf32, #tpu.memory_space<hbm>>
      %dma_wait3A_272 = tpu.memref_squeeze %dma_wait3A_271 : memref<1x4096xf32, #tpu.memory_space<hbm>> -> memref<4096xf32, #tpu.memory_space<hbm>>
      tpu.wait_dma2 semaphore(%arg16 : memref<!tpu.dma_semaphore, #tpu.memory_space<semaphore_mem>>) src(%dma_wait3A_272 : memref<4096xf32, #tpu.memory_space<hbm>>) dst(%dma_wait3A_269 : memref<4096xf32, #tpu.memory_space<vmem>>)
      %mul3A_273 = arith.constant 4 : i32
      %mul3A_274 = arith.muli %mul3A_149, %mul3A_273 : i32
      %add3A_275 = arith.constant 0 : i32
      %add3A_276 = arith.addi %mul3A_274, %add3A_275 : i32
      %mul3A_277 = arith.constant 16 : i32
      %mul3A_278 = arith.muli %add3A_276, %mul3A_277 : i32
      %get3A = arith.index_cast %mul3A_278 : i32 to index
      %get3A_279 = tpu.vector_load %arg9[%get3A] {strides = array<i32>} : memref<2048xi32, #tpu.memory_space<vmem>>, vector<16xi32>,
      %get3A_280 = vector.shape_cast %get3A_279 : vector<16xi32> to vector<16xi32>
      %mul3A_281 = arith.constant 16 : i32
      %mul3A_282 = arith.muli %add3A_276, %mul3A_281 : i32
      %get3A_283 = arith.index_cast %mul3A_282 : i32 to index
      %get3A_284 = tpu.vector_load %arg10[%get3A_283] {strides = array<i32>} : memref<2048xf32, #tpu.memory_space<vmem>>, vector<16xf32>,
      %get3A_285 = vector.shape_cast %get3A_284 : vector<16xf32> to vector<16xf32>
      %and3A = arith.constant 15 : i32
      %and3A_286 = vector.broadcast %and3A : i32 to vector<16xi32>
      %and3A_287 = arith.andi %get3A_280, %and3A_286 : vector<16xi32>
      %eq3A = arith.cmpi eq, %iota3A, %and3A_287 : vector<16xi32>
      %shift_right_arithmetic3A = arith.constant 4 : i32
      %shift_right_arithmetic3A_288 = vector.broadcast %shift_right_arithmetic3A : i32 to vector<16xi32>
      %shift_right_arithmetic3A_289 = arith.shrsi %get3A_280, %shift_right_arithmetic3A_288 : vector<16xi32>
      %jit3A = arith.constant -1 : i32
      %broadcast_in_dim3A_290 = vector.broadcast %jit3A : i32 to vector<16xi32>
      %select_n3A = arith.select %eq3A, %shift_right_arithmetic3A_289, %broadcast_in_dim3A_290 : vector<16xi1>, vector<16xi32>
      %mul3A_291 = arith.constant 0.286504805 : f32
      %mul3A_292 = vector.broadcast %mul3A_291 : f32 to vector<16xf32>
      %mul3A_293 = arith.mulf %get3A_285, %mul3A_292 : vector<16xf32>
      %scan3A_294 = arith.constant 0 : i32
      %scan3A_295 = arith.constant 32 : i32
      %scan3A_296 = arith.addi %scan3A_294, %scan3A_295 : i32
      %scan3A_297 = arith.constant 1 : i32
      %scan3A_298:3 = scf.for %scan3A_771 = %scan3A_294 to %scan3A_296 step %scan3A_297 iter_args(%scan3A_772 = %broadcast_in_dim3A_9, %scan3A_773 = %broadcast_in_dim3A_9, %scan3A_774 = %broadcast_in_dim3A_9) -> (vector<16xf32>, vector<16xf32>, vector<16xf32>)  : i32 {
        %mul3A_775 = arith.constant 8 : i32
        %mul3A_776 = arith.muli %scan3A_771, %mul3A_775 : i32
        %add3A_777 = arith.constant 0 : i32
        %add3A_778 = arith.addi %mul3A_776, %add3A_777 : i32
        %mul3A_779 = arith.constant 16 : i32
        %mul3A_780 = arith.muli %add3A_778, %mul3A_779 : i32
        %get3A_781 = arith.constant 0 : i32
        %get3A_782 = arith.index_cast %get3A_781 : i32 to index
        %get3A_783 = arith.index_cast %mul3A_780 : i32 to index
        %get3A_784 = tpu.vector_load %arg11[%get3A_782, %get3A_783] {strides = array<i32>} : memref<4x4096xf32, #tpu.memory_space<vmem>>, vector<1x16xf32>,
        %get3A_785 = vector.shape_cast %get3A_784 : vector<1x16xf32> to vector<16xf32>
        %mul3A_786 = arith.constant 16 : i32
        %mul3A_787 = arith.muli %add3A_778, %mul3A_786 : i32
        %add3A_788 = arith.constant 0 : i32
        %add3A_789 = arith.addi %add3A_788, %mul3A_787 : i32
        %get3A_790 = arith.index_cast %add3A_789 : i32 to index
        %get3A_791 = tpu.vector_load %arg13[%get3A_790] {strides = array<i32>} : memref<16384xf32, #tpu.memory_space<vmem>>, vector<16xf32>,
        %get3A_792 = vector.shape_cast %get3A_791 : vector<16xf32> to vector<16xf32>
        %mul3A_793 = arith.constant 1.250000e+00 : f32
        %mul3A_794 = vector.broadcast %mul3A_793 : f32 to vector<16xf32>
        %mul3A_795 = arith.mulf %get3A_785, %mul3A_794 : vector<16xf32>
        %exp3A = math.exp %mul3A_795 : vector<16xf32>
        %add3A_796 = arith.addf %scan3A_772, %exp3A : vector<16xf32>
        %mul3A_797 = arith.mulf %get3A_792, %exp3A : vector<16xf32>
        %add3A_798 = arith.addf %scan3A_773, %mul3A_797 : vector<16xf32>
        %eq3A_799 = vector.broadcast %add3A_778 : i32 to vector<16xi32>
        %eq3A_800 = arith.cmpi eq, %select_n3A, %eq3A_799 : vector<16xi32>
        %select_n3A_801 = arith.select %eq3A_800, %get3A_792, %scan3A_774 : vector<16xi1>, vector<16xf32>
        %mul3A_802 = arith.constant 8 : i32
        %mul3A_803 = arith.muli %scan3A_771, %mul3A_802 : i32
        %add3A_804 = arith.constant 1 : i32
        %add3A_805 = arith.addi %mul3A_803, %add3A_804 : i32
        %mul3A_806 = arith.constant 16 : i32
        %mul3A_807 = arith.muli %add3A_805, %mul3A_806 : i32
        %get3A_808 = arith.constant 0 : i32
        %get3A_809 = arith.index_cast %get3A_808 : i32 to index
        %get3A_810 = arith.index_cast %mul3A_807 : i32 to index
        %get3A_811 = tpu.vector_load %arg11[%get3A_809, %get3A_810] {strides = array<i32>} : memref<4x4096xf32, #tpu.memory_space<vmem>>, vector<1x16xf32>,
        %get3A_812 = vector.shape_cast %get3A_811 : vector<1x16xf32> to vector<16xf32>
        %mul3A_813 = arith.constant 16 : i32
        %mul3A_814 = arith.muli %add3A_805, %mul3A_813 : i32
        %add3A_815 = arith.constant 0 : i32
        %add3A_816 = arith.addi %add3A_815, %mul3A_814 : i32
        %get3A_817 = arith.index_cast %add3A_816 : i32 to index
        %get3A_818 = tpu.vector_load %arg13[%get3A_817] {strides = array<i32>} : memref<16384xf32, #tpu.memory_space<vmem>>, vector<16xf32>,
        %get3A_819 = vector.shape_cast %get3A_818 : vector<16xf32> to vector<16xf32>
        %mul3A_820 = arith.constant 1.250000e+00 : f32
        %mul3A_821 = vector.broadcast %mul3A_820 : f32 to vector<16xf32>
        %mul3A_822 = arith.mulf %get3A_812, %mul3A_821 : vector<16xf32>
        %exp3A_823 = math.exp %mul3A_822 : vector<16xf32>
        %add3A_824 = arith.addf %add3A_796, %exp3A_823 : vector<16xf32>
        %mul3A_825 = arith.mulf %get3A_819, %exp3A_823 : vector<16xf32>
        %add3A_826 = arith.addf %add3A_798, %mul3A_825 : vector<16xf32>
        %eq3A_827 = vector.broadcast %add3A_805 : i32 to vector<16xi32>
        %eq3A_828 = arith.cmpi eq, %select_n3A, %eq3A_827 : vector<16xi32>
        %select_n3A_829 = arith.select %eq3A_828, %get3A_819, %select_n3A_801 : vector<16xi1>, vector<16xf32>
        %mul3A_830 = arith.constant 8 : i32
        %mul3A_831 = arith.muli %scan3A_771, %mul3A_830 : i32
        %add3A_832 = arith.constant 2 : i32
        %add3A_833 = arith.addi %mul3A_831, %add3A_832 : i32
        %mul3A_834 = arith.constant 16 : i32
        %mul3A_835 = arith.muli %add3A_833, %mul3A_834 : i32
        %get3A_836 = arith.constant 0 : i32
        %get3A_837 = arith.index_cast %get3A_836 : i32 to index
        %get3A_838 = arith.index_cast %mul3A_835 : i32 to index
        %get3A_839 = tpu.vector_load %arg11[%get3A_837, %get3A_838] {strides = array<i32>} : memref<4x4096xf32, #tpu.memory_space<vmem>>, vector<1x16xf32>,
        %get3A_840 = vector.shape_cast %get3A_839 : vector<1x16xf32> to vector<16xf32>
        %mul3A_841 = arith.constant 16 : i32
        %mul3A_842 = arith.muli %add3A_833, %mul3A_841 : i32
        %add3A_843 = arith.constant 0 : i32
        %add3A_844 = arith.addi %add3A_843, %mul3A_842 : i32
        %get3A_845 = arith.index_cast %add3A_844 : i32 to index
        %get3A_846 = tpu.vector_load %arg13[%get3A_845] {strides = array<i32>} : memref<16384xf32, #tpu.memory_space<vmem>>, vector<16xf32>,
        %get3A_847 = vector.shape_cast %get3A_846 : vector<16xf32> to vector<16xf32>
        %mul3A_848 = arith.constant 1.250000e+00 : f32
        %mul3A_849 = vector.broadcast %mul3A_848 : f32 to vector<16xf32>
        %mul3A_850 = arith.mulf %get3A_840, %mul3A_849 : vector<16xf32>
        %exp3A_851 = math.exp %mul3A_850 : vector<16xf32>
        %add3A_852 = arith.addf %add3A_824, %exp3A_851 : vector<16xf32>
        %mul3A_853 = arith.mulf %get3A_847, %exp3A_851 : vector<16xf32>
        %add3A_854 = arith.addf %add3A_826, %mul3A_853 : vector<16xf32>
        %eq3A_855 = vector.broadcast %add3A_833 : i32 to vector<16xi32>
        %eq3A_856 = arith.cmpi eq, %select_n3A, %eq3A_855 : vector<16xi32>
        %select_n3A_857 = arith.select %eq3A_856, %get3A_847, %select_n3A_829 : vector<16xi1>, vector<16xf32>
        %mul3A_858 = arith.constant 8 : i32
        %mul3A_859 = arith.muli %scan3A_771, %mul3A_858 : i32
        %add3A_860 = arith.constant 3 : i32
        %add3A_861 = arith.addi %mul3A_859, %add3A_860 : i32
        %mul3A_862 = arith.constant 16 : i32
        %mul3A_863 = arith.muli %add3A_861, %mul3A_862 : i32
        %get3A_864 = arith.constant 0 : i32
        %get3A_865 = arith.index_cast %get3A_864 : i32 to index
        %get3A_866 = arith.index_cast %mul3A_863 : i32 to index
        %get3A_867 = tpu.vector_load %arg11[%get3A_865, %get3A_866] {strides = array<i32>} : memref<4x4096xf32, #tpu.memory_space<vmem>>, vector<1x16xf32>,
        %get3A_868 = vector.shape_cast %get3A_867 : vector<1x16xf32> to vector<16xf32>
        %mul3A_869 = arith.constant 16 : i32
        %mul3A_870 = arith.muli %add3A_861, %mul3A_869 : i32
        %add3A_871 = arith.constant 0 : i32
        %add3A_872 = arith.addi %add3A_871, %mul3A_870 : i32
        %get3A_873 = arith.index_cast %add3A_872 : i32 to index
        %get3A_874 = tpu.vector_load %arg13[%get3A_873] {strides = array<i32>} : memref<16384xf32, #tpu.memory_space<vmem>>, vector<16xf32>,
        %get3A_875 = vector.shape_cast %get3A_874 : vector<16xf32> to vector<16xf32>
        %mul3A_876 = arith.constant 1.250000e+00 : f32
        %mul3A_877 = vector.broadcast %mul3A_876 : f32 to vector<16xf32>
        %mul3A_878 = arith.mulf %get3A_868, %mul3A_877 : vector<16xf32>
        %exp3A_879 = math.exp %mul3A_878 : vector<16xf32>
        %add3A_880 = arith.addf %add3A_852, %exp3A_879 : vector<16xf32>
        %mul3A_881 = arith.mulf %get3A_875, %exp3A_879 : vector<16xf32>
        %add3A_882 = arith.addf %add3A_854, %mul3A_881 : vector<16xf32>
        %eq3A_883 = vector.broadcast %add3A_861 : i32 to vector<16xi32>
        %eq3A_884 = arith.cmpi eq, %select_n3A, %eq3A_883 : vector<16xi32>
        %select_n3A_885 = arith.select %eq3A_884, %get3A_875, %select_n3A_857 : vector<16xi1>, vector<16xf32>
        %mul3A_886 = arith.constant 8 : i32
        %mul3A_887 = arith.muli %scan3A_771, %mul3A_886 : i32
        %add3A_888 = arith.constant 4 : i32
        %add3A_889 = arith.addi %mul3A_887, %add3A_888 : i32
        %mul3A_890 = arith.constant 16 : i32
        %mul3A_891 = arith.muli %add3A_889, %mul3A_890 : i32
        %get3A_892 = arith.constant 0 : i32
        %get3A_893 = arith.index_cast %get3A_892 : i32 to index
        %get3A_894 = arith.index_cast %mul3A_891 : i32 to index
        %get3A_895 = tpu.vector_load %arg11[%get3A_893, %get3A_894] {strides = array<i32>} : memref<4x4096xf32, #tpu.memory_space<vmem>>, vector<1x16xf32>,
        %get3A_896 = vector.shape_cast %get3A_895 : vector<1x16xf32> to vector<16xf32>
        %mul3A_897 = arith.constant 16 : i32
        %mul3A_898 = arith.muli %add3A_889, %mul3A_897 : i32
        %add3A_899 = arith.constant 0 : i32
        %add3A_900 = arith.addi %add3A_899, %mul3A_898 : i32
        %get3A_901 = arith.index_cast %add3A_900 : i32 to index
        %get3A_902 = tpu.vector_load %arg13[%get3A_901] {strides = array<i32>} : memref<16384xf32, #tpu.memory_space<vmem>>, vector<16xf32>,
        %get3A_903 = vector.shape_cast %get3A_902 : vector<16xf32> to vector<16xf32>
        %mul3A_904 = arith.constant 1.250000e+00 : f32
        %mul3A_905 = vector.broadcast %mul3A_904 : f32 to vector<16xf32>
        %mul3A_906 = arith.mulf %get3A_896, %mul3A_905 : vector<16xf32>
        %exp3A_907 = math.exp %mul3A_906 : vector<16xf32>
        %add3A_908 = arith.addf %add3A_880, %exp3A_907 : vector<16xf32>
        %mul3A_909 = arith.mulf %get3A_903, %exp3A_907 : vector<16xf32>
        %add3A_910 = arith.addf %add3A_882, %mul3A_909 : vector<16xf32>
        %eq3A_911 = vector.broadcast %add3A_889 : i32 to vector<16xi32>
        %eq3A_912 = arith.cmpi eq, %select_n3A, %eq3A_911 : vector<16xi32>
        %select_n3A_913 = arith.select %eq3A_912, %get3A_903, %select_n3A_885 : vector<16xi1>, vector<16xf32>
        %mul3A_914 = arith.constant 8 : i32
        %mul3A_915 = arith.muli %scan3A_771, %mul3A_914 : i32
        %add3A_916 = arith.constant 5 : i32
        %add3A_917 = arith.addi %mul3A_915, %add3A_916 : i32
        %mul3A_918 = arith.constant 16 : i32
        %mul3A_919 = arith.muli %add3A_917, %mul3A_918 : i32
        %get3A_920 = arith.constant 0 : i32
        %get3A_921 = arith.index_cast %get3A_920 : i32 to index
        %get3A_922 = arith.index_cast %mul3A_919 : i32 to index
        %get3A_923 = tpu.vector_load %arg11[%get3A_921, %get3A_922] {strides = array<i32>} : memref<4x4096xf32, #tpu.memory_space<vmem>>, vector<1x16xf32>,
        %get3A_924 = vector.shape_cast %get3A_923 : vector<1x16xf32> to vector<16xf32>
        %mul3A_925 = arith.constant 16 : i32
        %mul3A_926 = arith.muli %add3A_917, %mul3A_925 : i32
        %add3A_927 = arith.constant 0 : i32
        %add3A_928 = arith.addi %add3A_927, %mul3A_926 : i32
        %get3A_929 = arith.index_cast %add3A_928 : i32 to index
        %get3A_930 = tpu.vector_load %arg13[%get3A_929] {strides = array<i32>} : memref<16384xf32, #tpu.memory_space<vmem>>, vector<16xf32>,
        %get3A_931 = vector.shape_cast %get3A_930 : vector<16xf32> to vector<16xf32>
        %mul3A_932 = arith.constant 1.250000e+00 : f32
        %mul3A_933 = vector.broadcast %mul3A_932 : f32 to vector<16xf32>
        %mul3A_934 = arith.mulf %get3A_924, %mul3A_933 : vector<16xf32>
        %exp3A_935 = math.exp %mul3A_934 : vector<16xf32>
        %add3A_936 = arith.addf %add3A_908, %exp3A_935 : vector<16xf32>
        %mul3A_937 = arith.mulf %get3A_931, %exp3A_935 : vector<16xf32>
        %add3A_938 = arith.addf %add3A_910, %mul3A_937 : vector<16xf32>
        %eq3A_939 = vector.broadcast %add3A_917 : i32 to vector<16xi32>
        %eq3A_940 = arith.cmpi eq, %select_n3A, %eq3A_939 : vector<16xi32>
        %select_n3A_941 = arith.select %eq3A_940, %get3A_931, %select_n3A_913 : vector<16xi1>, vector<16xf32>
        %mul3A_942 = arith.constant 8 : i32
        %mul3A_943 = arith.muli %scan3A_771, %mul3A_942 : i32
        %add3A_944 = arith.constant 6 : i32
        %add3A_945 = arith.addi %mul3A_943, %add3A_944 : i32
        %mul3A_946 = arith.constant 16 : i32
        %mul3A_947 = arith.muli %add3A_945, %mul3A_946 : i32
        %get3A_948 = arith.constant 0 : i32
        %get3A_949 = arith.index_cast %get3A_948 : i32 to index
        %get3A_950 = arith.index_cast %mul3A_947 : i32 to index
        %get3A_951 = tpu.vector_load %arg11[%get3A_949, %get3A_950] {strides = array<i32>} : memref<4x4096xf32, #tpu.memory_space<vmem>>, vector<1x16xf32>,
        %get3A_952 = vector.shape_cast %get3A_951 : vector<1x16xf32> to vector<16xf32>
        %mul3A_953 = arith.constant 16 : i32
        %mul3A_954 = arith.muli %add3A_945, %mul3A_953 : i32
        %add3A_955 = arith.constant 0 : i32
        %add3A_956 = arith.addi %add3A_955, %mul3A_954 : i32
        %get3A_957 = arith.index_cast %add3A_956 : i32 to index
        %get3A_958 = tpu.vector_load %arg13[%get3A_957] {strides = array<i32>} : memref<16384xf32, #tpu.memory_space<vmem>>, vector<16xf32>,
        %get3A_959 = vector.shape_cast %get3A_958 : vector<16xf32> to vector<16xf32>
        %mul3A_960 = arith.constant 1.250000e+00 : f32
        %mul3A_961 = vector.broadcast %mul3A_960 : f32 to vector<16xf32>
        %mul3A_962 = arith.mulf %get3A_952, %mul3A_961 : vector<16xf32>
        %exp3A_963 = math.exp %mul3A_962 : vector<16xf32>
        %add3A_964 = arith.addf %add3A_936, %exp3A_963 : vector<16xf32>
        %mul3A_965 = arith.mulf %get3A_959, %exp3A_963 : vector<16xf32>
        %add3A_966 = arith.addf %add3A_938, %mul3A_965 : vector<16xf32>
        %eq3A_967 = vector.broadcast %add3A_945 : i32 to vector<16xi32>
        %eq3A_968 = arith.cmpi eq, %select_n3A, %eq3A_967 : vector<16xi32>
        %select_n3A_969 = arith.select %eq3A_968, %get3A_959, %select_n3A_941 : vector<16xi1>, vector<16xf32>
        %mul3A_970 = arith.constant 8 : i32
        %mul3A_971 = arith.muli %scan3A_771, %mul3A_970 : i32
        %add3A_972 = arith.constant 7 : i32
        %add3A_973 = arith.addi %mul3A_971, %add3A_972 : i32
        %mul3A_974 = arith.constant 16 : i32
        %mul3A_975 = arith.muli %add3A_973, %mul3A_974 : i32
        %get3A_976 = arith.constant 0 : i32
        %get3A_977 = arith.index_cast %get3A_976 : i32 to index
        %get3A_978 = arith.index_cast %mul3A_975 : i32 to index
        %get3A_979 = tpu.vector_load %arg11[%get3A_977, %get3A_978] {strides = array<i32>} : memref<4x4096xf32, #tpu.memory_space<vmem>>, vector<1x16xf32>,
        %get3A_980 = vector.shape_cast %get3A_979 : vector<1x16xf32> to vector<16xf32>
        %mul3A_981 = arith.constant 16 : i32
        %mul3A_982 = arith.muli %add3A_973, %mul3A_981 : i32
        %add3A_983 = arith.constant 0 : i32
        %add3A_984 = arith.addi %add3A_983, %mul3A_982 : i32
        %get3A_985 = arith.index_cast %add3A_984 : i32 to index
        %get3A_986 = tpu.vector_load %arg13[%get3A_985] {strides = array<i32>} : memref<16384xf32, #tpu.memory_space<vmem>>, vector<16xf32>,
        %get3A_987 = vector.shape_cast %get3A_986 : vector<16xf32> to vector<16xf32>
        %mul3A_988 = arith.constant 1.250000e+00 : f32
        %mul3A_989 = vector.broadcast %mul3A_988 : f32 to vector<16xf32>
        %mul3A_990 = arith.mulf %get3A_980, %mul3A_989 : vector<16xf32>
        %exp3A_991 = math.exp %mul3A_990 : vector<16xf32>
        %add3A_992 = arith.addf %add3A_964, %exp3A_991 : vector<16xf32>
        %mul3A_993 = arith.mulf %get3A_987, %exp3A_991 : vector<16xf32>
        %add3A_994 = arith.addf %add3A_966, %mul3A_993 : vector<16xf32>
        %eq3A_995 = vector.broadcast %add3A_973 : i32 to vector<16xi32>
        %eq3A_996 = arith.cmpi eq, %select_n3A, %eq3A_995 : vector<16xi32>
        %select_n3A_997 = arith.select %eq3A_996, %get3A_987, %select_n3A_969 : vector<16xi1>, vector<16xf32>
        scf.yield %add3A_992, %add3A_994, %select_n3A_997 : vector<16xf32>, vector<16xf32>, vector<16xf32>
      }
      %scan3A_299 = arith.constant 32 : i32
      %mul3A_300 = arith.mulf %scan3A_298#0, %mul3A_293 : vector<16xf32>
      %add3A_301 = arith.addf %scan3A_145, %mul3A_300 : vector<16xf32>
      %mul3A_302 = arith.mulf %scan3A_298#1, %mul3A_293 : vector<16xf32>
      %add3A_303 = arith.addf %scan3A_146, %mul3A_302 : vector<16xf32>
      %mul3A_304 = arith.mulf %scan3A_298#2, %get3A_285 : vector<16xf32>
      %add3A_305 = arith.addf %scan3A_147, %mul3A_304 : vector<16xf32>
      %dma_wait3A_306 = arith.constant 0 : i32
      %dma_wait3A_307 = arith.constant 0 : i32
      %dma_wait3A_308 = tpu.memref_slice %arg13[%dma_wait3A_307] : memref<16384xf32, #tpu.memory_space<vmem>> -> memref<4096xf32, #tpu.memory_space<vmem>>
      %dma_wait3A_309 = arith.constant 0 : i32
      %dma_wait3A_310 = tpu.memref_slice %arg2[%dma_wait3A_306, %dma_wait3A_309] : memref<4096x4096xf32, #tpu.memory_space<hbm>> -> memref<1x4096xf32, #tpu.memory_space<hbm>>
      %dma_wait3A_311 = tpu.memref_squeeze %dma_wait3A_310 : memref<1x4096xf32, #tpu.memory_space<hbm>> -> memref<4096xf32, #tpu.memory_space<hbm>>
      %dma_wait3A_312 = arith.constant 0 : i32
      %dma_wait3A_313 = tpu.memref_slice %arg13[%dma_wait3A_312] : memref<16384xf32, #tpu.memory_space<vmem>> -> memref<4096xf32, #tpu.memory_space<vmem>>
      %dma_wait3A_314 = arith.constant 0 : i32
      %dma_wait3A_315 = tpu.memref_slice %arg2[%dma_wait3A_306, %dma_wait3A_314] : memref<4096x4096xf32, #tpu.memory_space<hbm>> -> memref<1x4096xf32, #tpu.memory_space<hbm>>
      %dma_wait3A_316 = tpu.memref_squeeze %dma_wait3A_315 : memref<1x4096xf32, #tpu.memory_space<hbm>> -> memref<4096xf32, #tpu.memory_space<hbm>>
      tpu.wait_dma2 semaphore(%arg16 : memref<!tpu.dma_semaphore, #tpu.memory_space<semaphore_mem>>) src(%dma_wait3A_316 : memref<4096xf32, #tpu.memory_space<hbm>>) dst(%dma_wait3A_313 : memref<4096xf32, #tpu.memory_space<vmem>>)
      %mul3A_317 = arith.constant 4 : i32
      %mul3A_318 = arith.muli %mul3A_149, %mul3A_317 : i32
      %add3A_319 = arith.constant 1 : i32
      %add3A_320 = arith.addi %mul3A_318, %add3A_319 : i32
      %mul3A_321 = arith.constant 16 : i32
      %mul3A_322 = arith.muli %add3A_320, %mul3A_321 : i32
      %get3A_323 = arith.index_cast %mul3A_322 : i32 to index
      %get3A_324 = tpu.vector_load %arg9[%get3A_323] {strides = array<i32>} : memref<2048xi32, #tpu.memory_space<vmem>>, vector<16xi32>,
      %get3A_325 = vector.shape_cast %get3A_324 : vector<16xi32> to vector<16xi32>
      %mul3A_326 = arith.constant 16 : i32
      %mul3A_327 = arith.muli %add3A_320, %mul3A_326 : i32
      %get3A_328 = arith.index_cast %mul3A_327 : i32 to index
      %get3A_329 = tpu.vector_load %arg10[%get3A_328] {strides = array<i32>} : memref<2048xf32, #tpu.memory_space<vmem>>, vector<16xf32>,
      %get3A_330 = vector.shape_cast %get3A_329 : vector<16xf32> to vector<16xf32>
      %and3A_331 = arith.constant 15 : i32
      %and3A_332 = vector.broadcast %and3A_331 : i32 to vector<16xi32>
      %and3A_333 = arith.andi %get3A_325, %and3A_332 : vector<16xi32>
      %eq3A_334 = arith.cmpi eq, %iota3A, %and3A_333 : vector<16xi32>
      %shift_right_arithmetic3A_335 = arith.constant 4 : i32
      %shift_right_arithmetic3A_336 = vector.broadcast %shift_right_arithmetic3A_335 : i32 to vector<16xi32>
      %shift_right_arithmetic3A_337 = arith.shrsi %get3A_325, %shift_right_arithmetic3A_336 : vector<16xi32>
      %jit3A_338 = arith.constant -1 : i32
      %broadcast_in_dim3A_339 = vector.broadcast %jit3A_338 : i32 to vector<16xi32>
      %select_n3A_340 = arith.select %eq3A_334, %shift_right_arithmetic3A_337, %broadcast_in_dim3A_339 : vector<16xi1>, vector<16xi32>
      %mul3A_341 = arith.constant 0.286504805 : f32
      %mul3A_342 = vector.broadcast %mul3A_341 : f32 to vector<16xf32>
      %mul3A_343 = arith.mulf %get3A_330, %mul3A_342 : vector<16xf32>
      %scan3A_344 = arith.constant 0 : i32
      %scan3A_345 = arith.constant 32 : i32
      %scan3A_346 = arith.addi %scan3A_344, %scan3A_345 : i32
      %scan3A_347 = arith.constant 1 : i32
      %scan3A_348:3 = scf.for %scan3A_771 = %scan3A_344 to %scan3A_346 step %scan3A_347 iter_args(%scan3A_772 = %broadcast_in_dim3A_9, %scan3A_773 = %broadcast_in_dim3A_9, %scan3A_774 = %broadcast_in_dim3A_9) -> (vector<16xf32>, vector<16xf32>, vector<16xf32>)  : i32 {
        %mul3A_775 = arith.constant 8 : i32
        %mul3A_776 = arith.muli %scan3A_771, %mul3A_775 : i32
        %add3A_777 = arith.constant 0 : i32
        %add3A_778 = arith.addi %mul3A_776, %add3A_777 : i32
        %mul3A_779 = arith.constant 16 : i32
        %mul3A_780 = arith.muli %add3A_778, %mul3A_779 : i32
        %get3A_781 = arith.constant 1 : i32
        %get3A_782 = arith.index_cast %get3A_781 : i32 to index
        %get3A_783 = arith.index_cast %mul3A_780 : i32 to index
        %get3A_784 = tpu.vector_load %arg11[%get3A_782, %get3A_783] {strides = array<i32>} : memref<4x4096xf32, #tpu.memory_space<vmem>>, vector<1x16xf32>,
        %get3A_785 = vector.shape_cast %get3A_784 : vector<1x16xf32> to vector<16xf32>
        %mul3A_786 = arith.constant 16 : i32
        %mul3A_787 = arith.muli %add3A_778, %mul3A_786 : i32
        %add3A_788 = arith.constant 4096 : i32
        %add3A_789 = arith.addi %add3A_788, %mul3A_787 : i32
        %get3A_790 = arith.index_cast %add3A_789 : i32 to index
        %get3A_791 = tpu.vector_load %arg13[%get3A_790] {strides = array<i32>} : memref<16384xf32, #tpu.memory_space<vmem>>, vector<16xf32>,
        %get3A_792 = vector.shape_cast %get3A_791 : vector<16xf32> to vector<16xf32>
        %mul3A_793 = arith.constant 1.250000e+00 : f32
        %mul3A_794 = vector.broadcast %mul3A_793 : f32 to vector<16xf32>
        %mul3A_795 = arith.mulf %get3A_785, %mul3A_794 : vector<16xf32>
        %exp3A = math.exp %mul3A_795 : vector<16xf32>
        %add3A_796 = arith.addf %scan3A_772, %exp3A : vector<16xf32>
        %mul3A_797 = arith.mulf %get3A_792, %exp3A : vector<16xf32>
        %add3A_798 = arith.addf %scan3A_773, %mul3A_797 : vector<16xf32>
        %eq3A_799 = vector.broadcast %add3A_778 : i32 to vector<16xi32>
        %eq3A_800 = arith.cmpi eq, %select_n3A_340, %eq3A_799 : vector<16xi32>
        %select_n3A_801 = arith.select %eq3A_800, %get3A_792, %scan3A_774 : vector<16xi1>, vector<16xf32>
        %mul3A_802 = arith.constant 8 : i32
        %mul3A_803 = arith.muli %scan3A_771, %mul3A_802 : i32
        %add3A_804 = arith.constant 1 : i32
        %add3A_805 = arith.addi %mul3A_803, %add3A_804 : i32
        %mul3A_806 = arith.constant 16 : i32
        %mul3A_807 = arith.muli %add3A_805, %mul3A_806 : i32
        %get3A_808 = arith.constant 1 : i32
        %get3A_809 = arith.index_cast %get3A_808 : i32 to index
        %get3A_810 = arith.index_cast %mul3A_807 : i32 to index
        %get3A_811 = tpu.vector_load %arg11[%get3A_809, %get3A_810] {strides = array<i32>} : memref<4x4096xf32, #tpu.memory_space<vmem>>, vector<1x16xf32>,
        %get3A_812 = vector.shape_cast %get3A_811 : vector<1x16xf32> to vector<16xf32>
        %mul3A_813 = arith.constant 16 : i32
        %mul3A_814 = arith.muli %add3A_805, %mul3A_813 : i32
        %add3A_815 = arith.constant 4096 : i32
        %add3A_816 = arith.addi %add3A_815, %mul3A_814 : i32
        %get3A_817 = arith.index_cast %add3A_816 : i32 to index
        %get3A_818 = tpu.vector_load %arg13[%get3A_817] {strides = array<i32>} : memref<16384xf32, #tpu.memory_space<vmem>>, vector<16xf32>,
        %get3A_819 = vector.shape_cast %get3A_818 : vector<16xf32> to vector<16xf32>
        %mul3A_820 = arith.constant 1.250000e+00 : f32
        %mul3A_821 = vector.broadcast %mul3A_820 : f32 to vector<16xf32>
        %mul3A_822 = arith.mulf %get3A_812, %mul3A_821 : vector<16xf32>
        %exp3A_823 = math.exp %mul3A_822 : vector<16xf32>
        %add3A_824 = arith.addf %add3A_796, %exp3A_823 : vector<16xf32>
        %mul3A_825 = arith.mulf %get3A_819, %exp3A_823 : vector<16xf32>
        %add3A_826 = arith.addf %add3A_798, %mul3A_825 : vector<16xf32>
        %eq3A_827 = vector.broadcast %add3A_805 : i32 to vector<16xi32>
        %eq3A_828 = arith.cmpi eq, %select_n3A_340, %eq3A_827 : vector<16xi32>
        %select_n3A_829 = arith.select %eq3A_828, %get3A_819, %select_n3A_801 : vector<16xi1>, vector<16xf32>
        %mul3A_830 = arith.constant 8 : i32
        %mul3A_831 = arith.muli %scan3A_771, %mul3A_830 : i32
        %add3A_832 = arith.constant 2 : i32
        %add3A_833 = arith.addi %mul3A_831, %add3A_832 : i32
        %mul3A_834 = arith.constant 16 : i32
        %mul3A_835 = arith.muli %add3A_833, %mul3A_834 : i32
        %get3A_836 = arith.constant 1 : i32
        %get3A_837 = arith.index_cast %get3A_836 : i32 to index
        %get3A_838 = arith.index_cast %mul3A_835 : i32 to index
        %get3A_839 = tpu.vector_load %arg11[%get3A_837, %get3A_838] {strides = array<i32>} : memref<4x4096xf32, #tpu.memory_space<vmem>>, vector<1x16xf32>,
        %get3A_840 = vector.shape_cast %get3A_839 : vector<1x16xf32> to vector<16xf32>
        %mul3A_841 = arith.constant 16 : i32
        %mul3A_842 = arith.muli %add3A_833, %mul3A_841 : i32
        %add3A_843 = arith.constant 4096 : i32
        %add3A_844 = arith.addi %add3A_843, %mul3A_842 : i32
        %get3A_845 = arith.index_cast %add3A_844 : i32 to index
        %get3A_846 = tpu.vector_load %arg13[%get3A_845] {strides = array<i32>} : memref<16384xf32, #tpu.memory_space<vmem>>, vector<16xf32>,
        %get3A_847 = vector.shape_cast %get3A_846 : vector<16xf32> to vector<16xf32>
        %mul3A_848 = arith.constant 1.250000e+00 : f32
        %mul3A_849 = vector.broadcast %mul3A_848 : f32 to vector<16xf32>
        %mul3A_850 = arith.mulf %get3A_840, %mul3A_849 : vector<16xf32>
        %exp3A_851 = math.exp %mul3A_850 : vector<16xf32>
        %add3A_852 = arith.addf %add3A_824, %exp3A_851 : vector<16xf32>
        %mul3A_853 = arith.mulf %get3A_847, %exp3A_851 : vector<16xf32>
        %add3A_854 = arith.addf %add3A_826, %mul3A_853 : vector<16xf32>
        %eq3A_855 = vector.broadcast %add3A_833 : i32 to vector<16xi32>
        %eq3A_856 = arith.cmpi eq, %select_n3A_340, %eq3A_855 : vector<16xi32>
        %select_n3A_857 = arith.select %eq3A_856, %get3A_847, %select_n3A_829 : vector<16xi1>, vector<16xf32>
        %mul3A_858 = arith.constant 8 : i32
        %mul3A_859 = arith.muli %scan3A_771, %mul3A_858 : i32
        %add3A_860 = arith.constant 3 : i32
        %add3A_861 = arith.addi %mul3A_859, %add3A_860 : i32
        %mul3A_862 = arith.constant 16 : i32
        %mul3A_863 = arith.muli %add3A_861, %mul3A_862 : i32
        %get3A_864 = arith.constant 1 : i32
        %get3A_865 = arith.index_cast %get3A_864 : i32 to index
        %get3A_866 = arith.index_cast %mul3A_863 : i32 to index
        %get3A_867 = tpu.vector_load %arg11[%get3A_865, %get3A_866] {strides = array<i32>} : memref<4x4096xf32, #tpu.memory_space<vmem>>, vector<1x16xf32>,
        %get3A_868 = vector.shape_cast %get3A_867 : vector<1x16xf32> to vector<16xf32>
        %mul3A_869 = arith.constant 16 : i32
        %mul3A_870 = arith.muli %add3A_861, %mul3A_869 : i32
        %add3A_871 = arith.constant 4096 : i32
        %add3A_872 = arith.addi %add3A_871, %mul3A_870 : i32
        %get3A_873 = arith.index_cast %add3A_872 : i32 to index
        %get3A_874 = tpu.vector_load %arg13[%get3A_873] {strides = array<i32>} : memref<16384xf32, #tpu.memory_space<vmem>>, vector<16xf32>,
        %get3A_875 = vector.shape_cast %get3A_874 : vector<16xf32> to vector<16xf32>
        %mul3A_876 = arith.constant 1.250000e+00 : f32
        %mul3A_877 = vector.broadcast %mul3A_876 : f32 to vector<16xf32>
        %mul3A_878 = arith.mulf %get3A_868, %mul3A_877 : vector<16xf32>
        %exp3A_879 = math.exp %mul3A_878 : vector<16xf32>
        %add3A_880 = arith.addf %add3A_852, %exp3A_879 : vector<16xf32>
        %mul3A_881 = arith.mulf %get3A_875, %exp3A_879 : vector<16xf32>
        %add3A_882 = arith.addf %add3A_854, %mul3A_881 : vector<16xf32>
        %eq3A_883 = vector.broadcast %add3A_861 : i32 to vector<16xi32>
        %eq3A_884 = arith.cmpi eq, %select_n3A_340, %eq3A_883 : vector<16xi32>
        %select_n3A_885 = arith.select %eq3A_884, %get3A_875, %select_n3A_857 : vector<16xi1>, vector<16xf32>
        %mul3A_886 = arith.constant 8 : i32
        %mul3A_887 = arith.muli %scan3A_771, %mul3A_886 : i32
        %add3A_888 = arith.constant 4 : i32
        %add3A_889 = arith.addi %mul3A_887, %add3A_888 : i32
        %mul3A_890 = arith.constant 16 : i32
        %mul3A_891 = arith.muli %add3A_889, %mul3A_890 : i32
        %get3A_892 = arith.constant 1 : i32
        %get3A_893 = arith.index_cast %get3A_892 : i32 to index
        %get3A_894 = arith.index_cast %mul3A_891 : i32 to index
        %get3A_895 = tpu.vector_load %arg11[%get3A_893, %get3A_894] {strides = array<i32>} : memref<4x4096xf32, #tpu.memory_space<vmem>>, vector<1x16xf32>,
        %get3A_896 = vector.shape_cast %get3A_895 : vector<1x16xf32> to vector<16xf32>
        %mul3A_897 = arith.constant 16 : i32
        %mul3A_898 = arith.muli %add3A_889, %mul3A_897 : i32
        %add3A_899 = arith.constant 4096 : i32
        %add3A_900 = arith.addi %add3A_899, %mul3A_898 : i32
        %get3A_901 = arith.index_cast %add3A_900 : i32 to index
        %get3A_902 = tpu.vector_load %arg13[%get3A_901] {strides = array<i32>} : memref<16384xf32, #tpu.memory_space<vmem>>, vector<16xf32>,
        %get3A_903 = vector.shape_cast %get3A_902 : vector<16xf32> to vector<16xf32>
        %mul3A_904 = arith.constant 1.250000e+00 : f32
        %mul3A_905 = vector.broadcast %mul3A_904 : f32 to vector<16xf32>
        %mul3A_906 = arith.mulf %get3A_896, %mul3A_905 : vector<16xf32>
        %exp3A_907 = math.exp %mul3A_906 : vector<16xf32>
        %add3A_908 = arith.addf %add3A_880, %exp3A_907 : vector<16xf32>
        %mul3A_909 = arith.mulf %get3A_903, %exp3A_907 : vector<16xf32>
        %add3A_910 = arith.addf %add3A_882, %mul3A_909 : vector<16xf32>
        %eq3A_911 = vector.broadcast %add3A_889 : i32 to vector<16xi32>
        %eq3A_912 = arith.cmpi eq, %select_n3A_340, %eq3A_911 : vector<16xi32>
        %select_n3A_913 = arith.select %eq3A_912, %get3A_903, %select_n3A_885 : vector<16xi1>, vector<16xf32>
        %mul3A_914 = arith.constant 8 : i32
        %mul3A_915 = arith.muli %scan3A_771, %mul3A_914 : i32
        %add3A_916 = arith.constant 5 : i32
        %add3A_917 = arith.addi %mul3A_915, %add3A_916 : i32
        %mul3A_918 = arith.constant 16 : i32
        %mul3A_919 = arith.muli %add3A_917, %mul3A_918 : i32
        %get3A_920 = arith.constant 1 : i32
        %get3A_921 = arith.index_cast %get3A_920 : i32 to index
        %get3A_922 = arith.index_cast %mul3A_919 : i32 to index
        %get3A_923 = tpu.vector_load %arg11[%get3A_921, %get3A_922] {strides = array<i32>} : memref<4x4096xf32, #tpu.memory_space<vmem>>, vector<1x16xf32>,
        %get3A_924 = vector.shape_cast %get3A_923 : vector<1x16xf32> to vector<16xf32>
        %mul3A_925 = arith.constant 16 : i32
        %mul3A_926 = arith.muli %add3A_917, %mul3A_925 : i32
        %add3A_927 = arith.constant 4096 : i32
        %add3A_928 = arith.addi %add3A_927, %mul3A_926 : i32
        %get3A_929 = arith.index_cast %add3A_928 : i32 to index
        %get3A_930 = tpu.vector_load %arg13[%get3A_929] {strides = array<i32>} : memref<16384xf32, #tpu.memory_space<vmem>>, vector<16xf32>,
        %get3A_931 = vector.shape_cast %get3A_930 : vector<16xf32> to vector<16xf32>
        %mul3A_932 = arith.constant 1.250000e+00 : f32
        %mul3A_933 = vector.broadcast %mul3A_932 : f32 to vector<16xf32>
        %mul3A_934 = arith.mulf %get3A_924, %mul3A_933 : vector<16xf32>
        %exp3A_935 = math.exp %mul3A_934 : vector<16xf32>
        %add3A_936 = arith.addf %add3A_908, %exp3A_935 : vector<16xf32>
        %mul3A_937 = arith.mulf %get3A_931, %exp3A_935 : vector<16xf32>
        %add3A_938 = arith.addf %add3A_910, %mul3A_937 : vector<16xf32>
        %eq3A_939 = vector.broadcast %add3A_917 : i32 to vector<16xi32>
        %eq3A_940 = arith.cmpi eq, %select_n3A_340, %eq3A_939 : vector<16xi32>
        %select_n3A_941 = arith.select %eq3A_940, %get3A_931, %select_n3A_913 : vector<16xi1>, vector<16xf32>
        %mul3A_942 = arith.constant 8 : i32
        %mul3A_943 = arith.muli %scan3A_771, %mul3A_942 : i32
        %add3A_944 = arith.constant 6 : i32
        %add3A_945 = arith.addi %mul3A_943, %add3A_944 : i32
        %mul3A_946 = arith.constant 16 : i32
        %mul3A_947 = arith.muli %add3A_945, %mul3A_946 : i32
        %get3A_948 = arith.constant 1 : i32
        %get3A_949 = arith.index_cast %get3A_948 : i32 to index
        %get3A_950 = arith.index_cast %mul3A_947 : i32 to index
        %get3A_951 = tpu.vector_load %arg11[%get3A_949, %get3A_950] {strides = array<i32>} : memref<4x4096xf32, #tpu.memory_space<vmem>>, vector<1x16xf32>,
        %get3A_952 = vector.shape_cast %get3A_951 : vector<1x16xf32> to vector<16xf32>
        %mul3A_953 = arith.constant 16 : i32
        %mul3A_954 = arith.muli %add3A_945, %mul3A_953 : i32
        %add3A_955 = arith.constant 4096 : i32
        %add3A_956 = arith.addi %add3A_955, %mul3A_954 : i32
        %get3A_957 = arith.index_cast %add3A_956 : i32 to index
        %get3A_958 = tpu.vector_load %arg13[%get3A_957] {strides = array<i32>} : memref<16384xf32, #tpu.memory_space<vmem>>, vector<16xf32>,
        %get3A_959 = vector.shape_cast %get3A_958 : vector<16xf32> to vector<16xf32>
        %mul3A_960 = arith.constant 1.250000e+00 : f32
        %mul3A_961 = vector.broadcast %mul3A_960 : f32 to vector<16xf32>
        %mul3A_962 = arith.mulf %get3A_952, %mul3A_961 : vector<16xf32>
        %exp3A_963 = math.exp %mul3A_962 : vector<16xf32>
        %add3A_964 = arith.addf %add3A_936, %exp3A_963 : vector<16xf32>
        %mul3A_965 = arith.mulf %get3A_959, %exp3A_963 : vector<16xf32>
        %add3A_966 = arith.addf %add3A_938, %mul3A_965 : vector<16xf32>
        %eq3A_967 = vector.broadcast %add3A_945 : i32 to vector<16xi32>
        %eq3A_968 = arith.cmpi eq, %select_n3A_340, %eq3A_967 : vector<16xi32>
        %select_n3A_969 = arith.select %eq3A_968, %get3A_959, %select_n3A_941 : vector<16xi1>, vector<16xf32>
        %mul3A_970 = arith.constant 8 : i32
        %mul3A_971 = arith.muli %scan3A_771, %mul3A_970 : i32
        %add3A_972 = arith.constant 7 : i32
        %add3A_973 = arith.addi %mul3A_971, %add3A_972 : i32
        %mul3A_974 = arith.constant 16 : i32
        %mul3A_975 = arith.muli %add3A_973, %mul3A_974 : i32
        %get3A_976 = arith.constant 1 : i32
        %get3A_977 = arith.index_cast %get3A_976 : i32 to index
        %get3A_978 = arith.index_cast %mul3A_975 : i32 to index
        %get3A_979 = tpu.vector_load %arg11[%get3A_977, %get3A_978] {strides = array<i32>} : memref<4x4096xf32, #tpu.memory_space<vmem>>, vector<1x16xf32>,
        %get3A_980 = vector.shape_cast %get3A_979 : vector<1x16xf32> to vector<16xf32>
        %mul3A_981 = arith.constant 16 : i32
        %mul3A_982 = arith.muli %add3A_973, %mul3A_981 : i32
        %add3A_983 = arith.constant 4096 : i32
        %add3A_984 = arith.addi %add3A_983, %mul3A_982 : i32
        %get3A_985 = arith.index_cast %add3A_984 : i32 to index
        %get3A_986 = tpu.vector_load %arg13[%get3A_985] {strides = array<i32>} : memref<16384xf32, #tpu.memory_space<vmem>>, vector<16xf32>,
        %get3A_987 = vector.shape_cast %get3A_986 : vector<16xf32> to vector<16xf32>
        %mul3A_988 = arith.constant 1.250000e+00 : f32
        %mul3A_989 = vector.broadcast %mul3A_988 : f32 to vector<16xf32>
        %mul3A_990 = arith.mulf %get3A_980, %mul3A_989 : vector<16xf32>
        %exp3A_991 = math.exp %mul3A_990 : vector<16xf32>
        %add3A_992 = arith.addf %add3A_964, %exp3A_991 : vector<16xf32>
        %mul3A_993 = arith.mulf %get3A_987, %exp3A_991 : vector<16xf32>
        %add3A_994 = arith.addf %add3A_966, %mul3A_993 : vector<16xf32>
        %eq3A_995 = vector.broadcast %add3A_973 : i32 to vector<16xi32>
        %eq3A_996 = arith.cmpi eq, %select_n3A_340, %eq3A_995 : vector<16xi32>
        %select_n3A_997 = arith.select %eq3A_996, %get3A_987, %select_n3A_969 : vector<16xi1>, vector<16xf32>
        scf.yield %add3A_992, %add3A_994, %select_n3A_997 : vector<16xf32>, vector<16xf32>, vector<16xf32>
      }
      %scan3A_349 = arith.constant 32 : i32
      %mul3A_350 = arith.mulf %scan3A_348#0, %mul3A_343 : vector<16xf32>
      %add3A_351 = arith.addf %add3A_301, %mul3A_350 : vector<16xf32>
      %mul3A_352 = arith.mulf %scan3A_348#1, %mul3A_343 : vector<16xf32>
      %add3A_353 = arith.addf %add3A_303, %mul3A_352 : vector<16xf32>
      %mul3A_354 = arith.mulf %scan3A_348#2, %get3A_330 : vector<16xf32>
      %add3A_355 = arith.addf %add3A_305, %mul3A_354 : vector<16xf32>
      %dma_wait3A_356 = arith.constant 0 : i32
      %dma_wait3A_357 = arith.constant 0 : i32
      %dma_wait3A_358 = tpu.memref_slice %arg13[%dma_wait3A_357] : memref<16384xf32, #tpu.memory_space<vmem>> -> memref<4096xf32, #tpu.memory_space<vmem>>
      %dma_wait3A_359 = arith.constant 0 : i32
      %dma_wait3A_360 = tpu.memref_slice %arg2[%dma_wait3A_356, %dma_wait3A_359] : memref<4096x4096xf32, #tpu.memory_space<hbm>> -> memref<1x4096xf32, #tpu.memory_space<hbm>>
      %dma_wait3A_361 = tpu.memref_squeeze %dma_wait3A_360 : memref<1x4096xf32, #tpu.memory_space<hbm>> -> memref<4096xf32, #tpu.memory_space<hbm>>
      %dma_wait3A_362 = arith.constant 0 : i32
      %dma_wait3A_363 = tpu.memref_slice %arg13[%dma_wait3A_362] : memref<16384xf32, #tpu.memory_space<vmem>> -> memref<4096xf32, #tpu.memory_space<vmem>>
      %dma_wait3A_364 = arith.constant 0 : i32
      %dma_wait3A_365 = tpu.memref_slice %arg2[%dma_wait3A_356, %dma_wait3A_364] : memref<4096x4096xf32, #tpu.memory_space<hbm>> -> memref<1x4096xf32, #tpu.memory_space<hbm>>
      %dma_wait3A_366 = tpu.memref_squeeze %dma_wait3A_365 : memref<1x4096xf32, #tpu.memory_space<hbm>> -> memref<4096xf32, #tpu.memory_space<hbm>>
      tpu.wait_dma2 semaphore(%arg16 : memref<!tpu.dma_semaphore, #tpu.memory_space<semaphore_mem>>) src(%dma_wait3A_366 : memref<4096xf32, #tpu.memory_space<hbm>>) dst(%dma_wait3A_363 : memref<4096xf32, #tpu.memory_space<vmem>>)
      %mul3A_367 = arith.constant 4 : i32
      %mul3A_368 = arith.muli %mul3A_149, %mul3A_367 : i32
      %add3A_369 = arith.constant 2 : i32
      %add3A_370 = arith.addi %mul3A_368, %add3A_369 : i32
      %mul3A_371 = arith.constant 16 : i32
      %mul3A_372 = arith.muli %add3A_370, %mul3A_371 : i32
      %get3A_373 = arith.index_cast %mul3A_372 : i32 to index
      %get3A_374 = tpu.vector_load %arg9[%get3A_373] {strides = array<i32>} : memref<2048xi32, #tpu.memory_space<vmem>>, vector<16xi32>,
      %get3A_375 = vector.shape_cast %get3A_374 : vector<16xi32> to vector<16xi32>
      %mul3A_376 = arith.constant 16 : i32
      %mul3A_377 = arith.muli %add3A_370, %mul3A_376 : i32
      %get3A_378 = arith.index_cast %mul3A_377 : i32 to index
      %get3A_379 = tpu.vector_load %arg10[%get3A_378] {strides = array<i32>} : memref<2048xf32, #tpu.memory_space<vmem>>, vector<16xf32>,
      %get3A_380 = vector.shape_cast %get3A_379 : vector<16xf32> to vector<16xf32>
      %and3A_381 = arith.constant 15 : i32
      %and3A_382 = vector.broadcast %and3A_381 : i32 to vector<16xi32>
      %and3A_383 = arith.andi %get3A_375, %and3A_382 : vector<16xi32>
      %eq3A_384 = arith.cmpi eq, %iota3A, %and3A_383 : vector<16xi32>
      %shift_right_arithmetic3A_385 = arith.constant 4 : i32
      %shift_right_arithmetic3A_386 = vector.broadcast %shift_right_arithmetic3A_385 : i32 to vector<16xi32>
      %shift_right_arithmetic3A_387 = arith.shrsi %get3A_375, %shift_right_arithmetic3A_386 : vector<16xi32>
      %jit3A_388 = arith.constant -1 : i32
      %broadcast_in_dim3A_389 = vector.broadcast %jit3A_388 : i32 to vector<16xi32>
      %select_n3A_390 = arith.select %eq3A_384, %shift_right_arithmetic3A_387, %broadcast_in_dim3A_389 : vector<16xi1>, vector<16xi32>
      %mul3A_391 = arith.constant 0.286504805 : f32
      %mul3A_392 = vector.broadcast %mul3A_391 : f32 to vector<16xf32>
      %mul3A_393 = arith.mulf %get3A_380, %mul3A_392 : vector<16xf32>
      %scan3A_394 = arith.constant 0 : i32
      %scan3A_395 = arith.constant 32 : i32
      %scan3A_396 = arith.addi %scan3A_394, %scan3A_395 : i32
      %scan3A_397 = arith.constant 1 : i32
      %scan3A_398:3 = scf.for %scan3A_771 = %scan3A_394 to %scan3A_396 step %scan3A_397 iter_args(%scan3A_772 = %broadcast_in_dim3A_9, %scan3A_773 = %broadcast_in_dim3A_9, %scan3A_774 = %broadcast_in_dim3A_9) -> (vector<16xf32>, vector<16xf32>, vector<16xf32>)  : i32 {
        %mul3A_775 = arith.constant 8 : i32
        %mul3A_776 = arith.muli %scan3A_771, %mul3A_775 : i32
        %add3A_777 = arith.constant 0 : i32
        %add3A_778 = arith.addi %mul3A_776, %add3A_777 : i32
        %mul3A_779 = arith.constant 16 : i32
        %mul3A_780 = arith.muli %add3A_778, %mul3A_779 : i32
        %get3A_781 = arith.constant 2 : i32
        %get3A_782 = arith.index_cast %get3A_781 : i32 to index
        %get3A_783 = arith.index_cast %mul3A_780 : i32 to index
        %get3A_784 = tpu.vector_load %arg11[%get3A_782, %get3A_783] {strides = array<i32>} : memref<4x4096xf32, #tpu.memory_space<vmem>>, vector<1x16xf32>,
        %get3A_785 = vector.shape_cast %get3A_784 : vector<1x16xf32> to vector<16xf32>
        %mul3A_786 = arith.constant 16 : i32
        %mul3A_787 = arith.muli %add3A_778, %mul3A_786 : i32
        %add3A_788 = arith.constant 8192 : i32
        %add3A_789 = arith.addi %add3A_788, %mul3A_787 : i32
        %get3A_790 = arith.index_cast %add3A_789 : i32 to index
        %get3A_791 = tpu.vector_load %arg13[%get3A_790] {strides = array<i32>} : memref<16384xf32, #tpu.memory_space<vmem>>, vector<16xf32>,
        %get3A_792 = vector.shape_cast %get3A_791 : vector<16xf32> to vector<16xf32>
        %mul3A_793 = arith.constant 1.250000e+00 : f32
        %mul3A_794 = vector.broadcast %mul3A_793 : f32 to vector<16xf32>
        %mul3A_795 = arith.mulf %get3A_785, %mul3A_794 : vector<16xf32>
        %exp3A = math.exp %mul3A_795 : vector<16xf32>
        %add3A_796 = arith.addf %scan3A_772, %exp3A : vector<16xf32>
        %mul3A_797 = arith.mulf %get3A_792, %exp3A : vector<16xf32>
        %add3A_798 = arith.addf %scan3A_773, %mul3A_797 : vector<16xf32>
        %eq3A_799 = vector.broadcast %add3A_778 : i32 to vector<16xi32>
        %eq3A_800 = arith.cmpi eq, %select_n3A_390, %eq3A_799 : vector<16xi32>
        %select_n3A_801 = arith.select %eq3A_800, %get3A_792, %scan3A_774 : vector<16xi1>, vector<16xf32>
        %mul3A_802 = arith.constant 8 : i32
        %mul3A_803 = arith.muli %scan3A_771, %mul3A_802 : i32
        %add3A_804 = arith.constant 1 : i32
        %add3A_805 = arith.addi %mul3A_803, %add3A_804 : i32
        %mul3A_806 = arith.constant 16 : i32
        %mul3A_807 = arith.muli %add3A_805, %mul3A_806 : i32
        %get3A_808 = arith.constant 2 : i32
        %get3A_809 = arith.index_cast %get3A_808 : i32 to index
        %get3A_810 = arith.index_cast %mul3A_807 : i32 to index
        %get3A_811 = tpu.vector_load %arg11[%get3A_809, %get3A_810] {strides = array<i32>} : memref<4x4096xf32, #tpu.memory_space<vmem>>, vector<1x16xf32>,
        %get3A_812 = vector.shape_cast %get3A_811 : vector<1x16xf32> to vector<16xf32>
        %mul3A_813 = arith.constant 16 : i32
        %mul3A_814 = arith.muli %add3A_805, %mul3A_813 : i32
        %add3A_815 = arith.constant 8192 : i32
        %add3A_816 = arith.addi %add3A_815, %mul3A_814 : i32
        %get3A_817 = arith.index_cast %add3A_816 : i32 to index
        %get3A_818 = tpu.vector_load %arg13[%get3A_817] {strides = array<i32>} : memref<16384xf32, #tpu.memory_space<vmem>>, vector<16xf32>,
        %get3A_819 = vector.shape_cast %get3A_818 : vector<16xf32> to vector<16xf32>
        %mul3A_820 = arith.constant 1.250000e+00 : f32
        %mul3A_821 = vector.broadcast %mul3A_820 : f32 to vector<16xf32>
        %mul3A_822 = arith.mulf %get3A_812, %mul3A_821 : vector<16xf32>
        %exp3A_823 = math.exp %mul3A_822 : vector<16xf32>
        %add3A_824 = arith.addf %add3A_796, %exp3A_823 : vector<16xf32>
        %mul3A_825 = arith.mulf %get3A_819, %exp3A_823 : vector<16xf32>
        %add3A_826 = arith.addf %add3A_798, %mul3A_825 : vector<16xf32>
        %eq3A_827 = vector.broadcast %add3A_805 : i32 to vector<16xi32>
        %eq3A_828 = arith.cmpi eq, %select_n3A_390, %eq3A_827 : vector<16xi32>
        %select_n3A_829 = arith.select %eq3A_828, %get3A_819, %select_n3A_801 : vector<16xi1>, vector<16xf32>
        %mul3A_830 = arith.constant 8 : i32
        %mul3A_831 = arith.muli %scan3A_771, %mul3A_830 : i32
        %add3A_832 = arith.constant 2 : i32
        %add3A_833 = arith.addi %mul3A_831, %add3A_832 : i32
        %mul3A_834 = arith.constant 16 : i32
        %mul3A_835 = arith.muli %add3A_833, %mul3A_834 : i32
        %get3A_836 = arith.constant 2 : i32
        %get3A_837 = arith.index_cast %get3A_836 : i32 to index
        %get3A_838 = arith.index_cast %mul3A_835 : i32 to index
        %get3A_839 = tpu.vector_load %arg11[%get3A_837, %get3A_838] {strides = array<i32>} : memref<4x4096xf32, #tpu.memory_space<vmem>>, vector<1x16xf32>,
        %get3A_840 = vector.shape_cast %get3A_839 : vector<1x16xf32> to vector<16xf32>
        %mul3A_841 = arith.constant 16 : i32
        %mul3A_842 = arith.muli %add3A_833, %mul3A_841 : i32
        %add3A_843 = arith.constant 8192 : i32
        %add3A_844 = arith.addi %add3A_843, %mul3A_842 : i32
        %get3A_845 = arith.index_cast %add3A_844 : i32 to index
        %get3A_846 = tpu.vector_load %arg13[%get3A_845] {strides = array<i32>} : memref<16384xf32, #tpu.memory_space<vmem>>, vector<16xf32>,
        %get3A_847 = vector.shape_cast %get3A_846 : vector<16xf32> to vector<16xf32>
        %mul3A_848 = arith.constant 1.250000e+00 : f32
        %mul3A_849 = vector.broadcast %mul3A_848 : f32 to vector<16xf32>
        %mul3A_850 = arith.mulf %get3A_840, %mul3A_849 : vector<16xf32>
        %exp3A_851 = math.exp %mul3A_850 : vector<16xf32>
        %add3A_852 = arith.addf %add3A_824, %exp3A_851 : vector<16xf32>
        %mul3A_853 = arith.mulf %get3A_847, %exp3A_851 : vector<16xf32>
        %add3A_854 = arith.addf %add3A_826, %mul3A_853 : vector<16xf32>
        %eq3A_855 = vector.broadcast %add3A_833 : i32 to vector<16xi32>
        %eq3A_856 = arith.cmpi eq, %select_n3A_390, %eq3A_855 : vector<16xi32>
        %select_n3A_857 = arith.select %eq3A_856, %get3A_847, %select_n3A_829 : vector<16xi1>, vector<16xf32>
        %mul3A_858 = arith.constant 8 : i32
        %mul3A_859 = arith.muli %scan3A_771, %mul3A_858 : i32
        %add3A_860 = arith.constant 3 : i32
        %add3A_861 = arith.addi %mul3A_859, %add3A_860 : i32
        %mul3A_862 = arith.constant 16 : i32
        %mul3A_863 = arith.muli %add3A_861, %mul3A_862 : i32
        %get3A_864 = arith.constant 2 : i32
        %get3A_865 = arith.index_cast %get3A_864 : i32 to index
        %get3A_866 = arith.index_cast %mul3A_863 : i32 to index
        %get3A_867 = tpu.vector_load %arg11[%get3A_865, %get3A_866] {strides = array<i32>} : memref<4x4096xf32, #tpu.memory_space<vmem>>, vector<1x16xf32>,
        %get3A_868 = vector.shape_cast %get3A_867 : vector<1x16xf32> to vector<16xf32>
        %mul3A_869 = arith.constant 16 : i32
        %mul3A_870 = arith.muli %add3A_861, %mul3A_869 : i32
        %add3A_871 = arith.constant 8192 : i32
        %add3A_872 = arith.addi %add3A_871, %mul3A_870 : i32
        %get3A_873 = arith.index_cast %add3A_872 : i32 to index
        %get3A_874 = tpu.vector_load %arg13[%get3A_873] {strides = array<i32>} : memref<16384xf32, #tpu.memory_space<vmem>>, vector<16xf32>,
        %get3A_875 = vector.shape_cast %get3A_874 : vector<16xf32> to vector<16xf32>
        %mul3A_876 = arith.constant 1.250000e+00 : f32
        %mul3A_877 = vector.broadcast %mul3A_876 : f32 to vector<16xf32>
        %mul3A_878 = arith.mulf %get3A_868, %mul3A_877 : vector<16xf32>
        %exp3A_879 = math.exp %mul3A_878 : vector<16xf32>
        %add3A_880 = arith.addf %add3A_852, %exp3A_879 : vector<16xf32>
        %mul3A_881 = arith.mulf %get3A_875, %exp3A_879 : vector<16xf32>
        %add3A_882 = arith.addf %add3A_854, %mul3A_881 : vector<16xf32>
        %eq3A_883 = vector.broadcast %add3A_861 : i32 to vector<16xi32>
        %eq3A_884 = arith.cmpi eq, %select_n3A_390, %eq3A_883 : vector<16xi32>
        %select_n3A_885 = arith.select %eq3A_884, %get3A_875, %select_n3A_857 : vector<16xi1>, vector<16xf32>
        %mul3A_886 = arith.constant 8 : i32
        %mul3A_887 = arith.muli %scan3A_771, %mul3A_886 : i32
        %add3A_888 = arith.constant 4 : i32
        %add3A_889 = arith.addi %mul3A_887, %add3A_888 : i32
        %mul3A_890 = arith.constant 16 : i32
        %mul3A_891 = arith.muli %add3A_889, %mul3A_890 : i32
        %get3A_892 = arith.constant 2 : i32
        %get3A_893 = arith.index_cast %get3A_892 : i32 to index
        %get3A_894 = arith.index_cast %mul3A_891 : i32 to index
        %get3A_895 = tpu.vector_load %arg11[%get3A_893, %get3A_894] {strides = array<i32>} : memref<4x4096xf32, #tpu.memory_space<vmem>>, vector<1x16xf32>,
        %get3A_896 = vector.shape_cast %get3A_895 : vector<1x16xf32> to vector<16xf32>
        %mul3A_897 = arith.constant 16 : i32
        %mul3A_898 = arith.muli %add3A_889, %mul3A_897 : i32
        %add3A_899 = arith.constant 8192 : i32
        %add3A_900 = arith.addi %add3A_899, %mul3A_898 : i32
        %get3A_901 = arith.index_cast %add3A_900 : i32 to index
        %get3A_902 = tpu.vector_load %arg13[%get3A_901] {strides = array<i32>} : memref<16384xf32, #tpu.memory_space<vmem>>, vector<16xf32>,
        %get3A_903 = vector.shape_cast %get3A_902 : vector<16xf32> to vector<16xf32>
        %mul3A_904 = arith.constant 1.250000e+00 : f32
        %mul3A_905 = vector.broadcast %mul3A_904 : f32 to vector<16xf32>
        %mul3A_906 = arith.mulf %get3A_896, %mul3A_905 : vector<16xf32>
        %exp3A_907 = math.exp %mul3A_906 : vector<16xf32>
        %add3A_908 = arith.addf %add3A_880, %exp3A_907 : vector<16xf32>
        %mul3A_909 = arith.mulf %get3A_903, %exp3A_907 : vector<16xf32>
        %add3A_910 = arith.addf %add3A_882, %mul3A_909 : vector<16xf32>
        %eq3A_911 = vector.broadcast %add3A_889 : i32 to vector<16xi32>
        %eq3A_912 = arith.cmpi eq, %select_n3A_390, %eq3A_911 : vector<16xi32>
        %select_n3A_913 = arith.select %eq3A_912, %get3A_903, %select_n3A_885 : vector<16xi1>, vector<16xf32>
        %mul3A_914 = arith.constant 8 : i32
        %mul3A_915 = arith.muli %scan3A_771, %mul3A_914 : i32
        %add3A_916 = arith.constant 5 : i32
        %add3A_917 = arith.addi %mul3A_915, %add3A_916 : i32
        %mul3A_918 = arith.constant 16 : i32
        %mul3A_919 = arith.muli %add3A_917, %mul3A_918 : i32
        %get3A_920 = arith.constant 2 : i32
        %get3A_921 = arith.index_cast %get3A_920 : i32 to index
        %get3A_922 = arith.index_cast %mul3A_919 : i32 to index
        %get3A_923 = tpu.vector_load %arg11[%get3A_921, %get3A_922] {strides = array<i32>} : memref<4x4096xf32, #tpu.memory_space<vmem>>, vector<1x16xf32>,
        %get3A_924 = vector.shape_cast %get3A_923 : vector<1x16xf32> to vector<16xf32>
        %mul3A_925 = arith.constant 16 : i32
        %mul3A_926 = arith.muli %add3A_917, %mul3A_925 : i32
        %add3A_927 = arith.constant 8192 : i32
        %add3A_928 = arith.addi %add3A_927, %mul3A_926 : i32
        %get3A_929 = arith.index_cast %add3A_928 : i32 to index
        %get3A_930 = tpu.vector_load %arg13[%get3A_929] {strides = array<i32>} : memref<16384xf32, #tpu.memory_space<vmem>>, vector<16xf32>,
        %get3A_931 = vector.shape_cast %get3A_930 : vector<16xf32> to vector<16xf32>
        %mul3A_932 = arith.constant 1.250000e+00 : f32
        %mul3A_933 = vector.broadcast %mul3A_932 : f32 to vector<16xf32>
        %mul3A_934 = arith.mulf %get3A_924, %mul3A_933 : vector<16xf32>
        %exp3A_935 = math.exp %mul3A_934 : vector<16xf32>
        %add3A_936 = arith.addf %add3A_908, %exp3A_935 : vector<16xf32>
        %mul3A_937 = arith.mulf %get3A_931, %exp3A_935 : vector<16xf32>
        %add3A_938 = arith.addf %add3A_910, %mul3A_937 : vector<16xf32>
        %eq3A_939 = vector.broadcast %add3A_917 : i32 to vector<16xi32>
        %eq3A_940 = arith.cmpi eq, %select_n3A_390, %eq3A_939 : vector<16xi32>
        %select_n3A_941 = arith.select %eq3A_940, %get3A_931, %select_n3A_913 : vector<16xi1>, vector<16xf32>
        %mul3A_942 = arith.constant 8 : i32
        %mul3A_943 = arith.muli %scan3A_771, %mul3A_942 : i32
        %add3A_944 = arith.constant 6 : i32
        %add3A_945 = arith.addi %mul3A_943, %add3A_944 : i32
        %mul3A_946 = arith.constant 16 : i32
        %mul3A_947 = arith.muli %add3A_945, %mul3A_946 : i32
        %get3A_948 = arith.constant 2 : i32
        %get3A_949 = arith.index_cast %get3A_948 : i32 to index
        %get3A_950 = arith.index_cast %mul3A_947 : i32 to index
        %get3A_951 = tpu.vector_load %arg11[%get3A_949, %get3A_950] {strides = array<i32>} : memref<4x4096xf32, #tpu.memory_space<vmem>>, vector<1x16xf32>,
        %get3A_952 = vector.shape_cast %get3A_951 : vector<1x16xf32> to vector<16xf32>
        %mul3A_953 = arith.constant 16 : i32
        %mul3A_954 = arith.muli %add3A_945, %mul3A_953 : i32
        %add3A_955 = arith.constant 8192 : i32
        %add3A_956 = arith.addi %add3A_955, %mul3A_954 : i32
        %get3A_957 = arith.index_cast %add3A_956 : i32 to index
        %get3A_958 = tpu.vector_load %arg13[%get3A_957] {strides = array<i32>} : memref<16384xf32, #tpu.memory_space<vmem>>, vector<16xf32>,
        %get3A_959 = vector.shape_cast %get3A_958 : vector<16xf32> to vector<16xf32>
        %mul3A_960 = arith.constant 1.250000e+00 : f32
        %mul3A_961 = vector.broadcast %mul3A_960 : f32 to vector<16xf32>
        %mul3A_962 = arith.mulf %get3A_952, %mul3A_961 : vector<16xf32>
        %exp3A_963 = math.exp %mul3A_962 : vector<16xf32>
        %add3A_964 = arith.addf %add3A_936, %exp3A_963 : vector<16xf32>
        %mul3A_965 = arith.mulf %get3A_959, %exp3A_963 : vector<16xf32>
        %add3A_966 = arith.addf %add3A_938, %mul3A_965 : vector<16xf32>
        %eq3A_967 = vector.broadcast %add3A_945 : i32 to vector<16xi32>
        %eq3A_968 = arith.cmpi eq, %select_n3A_390, %eq3A_967 : vector<16xi32>
        %select_n3A_969 = arith.select %eq3A_968, %get3A_959, %select_n3A_941 : vector<16xi1>, vector<16xf32>
        %mul3A_970 = arith.constant 8 : i32
        %mul3A_971 = arith.muli %scan3A_771, %mul3A_970 : i32
        %add3A_972 = arith.constant 7 : i32
        %add3A_973 = arith.addi %mul3A_971, %add3A_972 : i32
        %mul3A_974 = arith.constant 16 : i32
        %mul3A_975 = arith.muli %add3A_973, %mul3A_974 : i32
        %get3A_976 = arith.constant 2 : i32
        %get3A_977 = arith.index_cast %get3A_976 : i32 to index
        %get3A_978 = arith.index_cast %mul3A_975 : i32 to index
        %get3A_979 = tpu.vector_load %arg11[%get3A_977, %get3A_978] {strides = array<i32>} : memref<4x4096xf32, #tpu.memory_space<vmem>>, vector<1x16xf32>,
        %get3A_980 = vector.shape_cast %get3A_979 : vector<1x16xf32> to vector<16xf32>
        %mul3A_981 = arith.constant 16 : i32
        %mul3A_982 = arith.muli %add3A_973, %mul3A_981 : i32
        %add3A_983 = arith.constant 8192 : i32
        %add3A_984 = arith.addi %add3A_983, %mul3A_982 : i32
        %get3A_985 = arith.index_cast %add3A_984 : i32 to index
        %get3A_986 = tpu.vector_load %arg13[%get3A_985] {strides = array<i32>} : memref<16384xf32, #tpu.memory_space<vmem>>, vector<16xf32>,
        %get3A_987 = vector.shape_cast %get3A_986 : vector<16xf32> to vector<16xf32>
        %mul3A_988 = arith.constant 1.250000e+00 : f32
        %mul3A_989 = vector.broadcast %mul3A_988 : f32 to vector<16xf32>
        %mul3A_990 = arith.mulf %get3A_980, %mul3A_989 : vector<16xf32>
        %exp3A_991 = math.exp %mul3A_990 : vector<16xf32>
        %add3A_992 = arith.addf %add3A_964, %exp3A_991 : vector<16xf32>
        %mul3A_993 = arith.mulf %get3A_987, %exp3A_991 : vector<16xf32>
        %add3A_994 = arith.addf %add3A_966, %mul3A_993 : vector<16xf32>
        %eq3A_995 = vector.broadcast %add3A_973 : i32 to vector<16xi32>
        %eq3A_996 = arith.cmpi eq, %select_n3A_390, %eq3A_995 : vector<16xi32>
        %select_n3A_997 = arith.select %eq3A_996, %get3A_987, %select_n3A_969 : vector<16xi1>, vector<16xf32>
        scf.yield %add3A_992, %add3A_994, %select_n3A_997 : vector<16xf32>, vector<16xf32>, vector<16xf32>
      }
      %scan3A_399 = arith.constant 32 : i32
      %mul3A_400 = arith.mulf %scan3A_398#0, %mul3A_393 : vector<16xf32>
      %add3A_401 = arith.addf %add3A_351, %mul3A_400 : vector<16xf32>
      %mul3A_402 = arith.mulf %scan3A_398#1, %mul3A_393 : vector<16xf32>
      %add3A_403 = arith.addf %add3A_353, %mul3A_402 : vector<16xf32>
      %mul3A_404 = arith.mulf %scan3A_398#2, %get3A_380 : vector<16xf32>
      %add3A_405 = arith.addf %add3A_355, %mul3A_404 : vector<16xf32>
      %dma_wait3A_406 = arith.constant 0 : i32
      %dma_wait3A_407 = arith.constant 0 : i32
      %dma_wait3A_408 = tpu.memref_slice %arg13[%dma_wait3A_407] : memref<16384xf32, #tpu.memory_space<vmem>> -> memref<4096xf32, #tpu.memory_space<vmem>>
      %dma_wait3A_409 = arith.constant 0 : i32
      %dma_wait3A_410 = tpu.memref_slice %arg2[%dma_wait3A_406, %dma_wait3A_409] : memref<4096x4096xf32, #tpu.memory_space<hbm>> -> memref<1x4096xf32, #tpu.memory_space<hbm>>
      %dma_wait3A_411 = tpu.memref_squeeze %dma_wait3A_410 : memref<1x4096xf32, #tpu.memory_space<hbm>> -> memref<4096xf32, #tpu.memory_space<hbm>>
      %dma_wait3A_412 = arith.constant 0 : i32
      %dma_wait3A_413 = tpu.memref_slice %arg13[%dma_wait3A_412] : memref<16384xf32, #tpu.memory_space<vmem>> -> memref<4096xf32, #tpu.memory_space<vmem>>
      %dma_wait3A_414 = arith.constant 0 : i32
      %dma_wait3A_415 = tpu.memref_slice %arg2[%dma_wait3A_406, %dma_wait3A_414] : memref<4096x4096xf32, #tpu.memory_space<hbm>> -> memref<1x4096xf32, #tpu.memory_space<hbm>>
      %dma_wait3A_416 = tpu.memref_squeeze %dma_wait3A_415 : memref<1x4096xf32, #tpu.memory_space<hbm>> -> memref<4096xf32, #tpu.memory_space<hbm>>
      tpu.wait_dma2 semaphore(%arg16 : memref<!tpu.dma_semaphore, #tpu.memory_space<semaphore_mem>>) src(%dma_wait3A_416 : memref<4096xf32, #tpu.memory_space<hbm>>) dst(%dma_wait3A_413 : memref<4096xf32, #tpu.memory_space<vmem>>)
      %mul3A_417 = arith.constant 4 : i32
      %mul3A_418 = arith.muli %mul3A_149, %mul3A_417 : i32
      %add3A_419 = arith.constant 3 : i32
      %add3A_420 = arith.addi %mul3A_418, %add3A_419 : i32
      %mul3A_421 = arith.constant 16 : i32
      %mul3A_422 = arith.muli %add3A_420, %mul3A_421 : i32
      %get3A_423 = arith.index_cast %mul3A_422 : i32 to index
      %get3A_424 = tpu.vector_load %arg9[%get3A_423] {strides = array<i32>} : memref<2048xi32, #tpu.memory_space<vmem>>, vector<16xi32>,
      %get3A_425 = vector.shape_cast %get3A_424 : vector<16xi32> to vector<16xi32>
      %mul3A_426 = arith.constant 16 : i32
      %mul3A_427 = arith.muli %add3A_420, %mul3A_426 : i32
      %get3A_428 = arith.index_cast %mul3A_427 : i32 to index
      %get3A_429 = tpu.vector_load %arg10[%get3A_428] {strides = array<i32>} : memref<2048xf32, #tpu.memory_space<vmem>>, vector<16xf32>,
      %get3A_430 = vector.shape_cast %get3A_429 : vector<16xf32> to vector<16xf32>
      %and3A_431 = arith.constant 15 : i32
      %and3A_432 = vector.broadcast %and3A_431 : i32 to vector<16xi32>
      %and3A_433 = arith.andi %get3A_425, %and3A_432 : vector<16xi32>
      %eq3A_434 = arith.cmpi eq, %iota3A, %and3A_433 : vector<16xi32>
      %shift_right_arithmetic3A_435 = arith.constant 4 : i32
      %shift_right_arithmetic3A_436 = vector.broadcast %shift_right_arithmetic3A_435 : i32 to vector<16xi32>
      %shift_right_arithmetic3A_437 = arith.shrsi %get3A_425, %shift_right_arithmetic3A_436 : vector<16xi32>
      %jit3A_438 = arith.constant -1 : i32
      %broadcast_in_dim3A_439 = vector.broadcast %jit3A_438 : i32 to vector<16xi32>
      %select_n3A_440 = arith.select %eq3A_434, %shift_right_arithmetic3A_437, %broadcast_in_dim3A_439 : vector<16xi1>, vector<16xi32>
      %mul3A_441 = arith.constant 0.286504805 : f32
      %mul3A_442 = vector.broadcast %mul3A_441 : f32 to vector<16xf32>
      %mul3A_443 = arith.mulf %get3A_430, %mul3A_442 : vector<16xf32>
      %scan3A_444 = arith.constant 0 : i32
      %scan3A_445 = arith.constant 32 : i32
      %scan3A_446 = arith.addi %scan3A_444, %scan3A_445 : i32
      %scan3A_447 = arith.constant 1 : i32
      %scan3A_448:3 = scf.for %scan3A_771 = %scan3A_444 to %scan3A_446 step %scan3A_447 iter_args(%scan3A_772 = %broadcast_in_dim3A_9, %scan3A_773 = %broadcast_in_dim3A_9, %scan3A_774 = %broadcast_in_dim3A_9) -> (vector<16xf32>, vector<16xf32>, vector<16xf32>)  : i32 {
        %mul3A_775 = arith.constant 8 : i32
        %mul3A_776 = arith.muli %scan3A_771, %mul3A_775 : i32
        %add3A_777 = arith.constant 0 : i32
        %add3A_778 = arith.addi %mul3A_776, %add3A_777 : i32
        %mul3A_779 = arith.constant 16 : i32
        %mul3A_780 = arith.muli %add3A_778, %mul3A_779 : i32
        %get3A_781 = arith.constant 3 : i32
        %get3A_782 = arith.index_cast %get3A_781 : i32 to index
        %get3A_783 = arith.index_cast %mul3A_780 : i32 to index
        %get3A_784 = tpu.vector_load %arg11[%get3A_782, %get3A_783] {strides = array<i32>} : memref<4x4096xf32, #tpu.memory_space<vmem>>, vector<1x16xf32>,
        %get3A_785 = vector.shape_cast %get3A_784 : vector<1x16xf32> to vector<16xf32>
        %mul3A_786 = arith.constant 16 : i32
        %mul3A_787 = arith.muli %add3A_778, %mul3A_786 : i32
        %add3A_788 = arith.constant 12288 : i32
        %add3A_789 = arith.addi %add3A_788, %mul3A_787 : i32
        %get3A_790 = arith.index_cast %add3A_789 : i32 to index
        %get3A_791 = tpu.vector_load %arg13[%get3A_790] {strides = array<i32>} : memref<16384xf32, #tpu.memory_space<vmem>>, vector<16xf32>,
        %get3A_792 = vector.shape_cast %get3A_791 : vector<16xf32> to vector<16xf32>
        %mul3A_793 = arith.constant 1.250000e+00 : f32
        %mul3A_794 = vector.broadcast %mul3A_793 : f32 to vector<16xf32>
        %mul3A_795 = arith.mulf %get3A_785, %mul3A_794 : vector<16xf32>
        %exp3A = math.exp %mul3A_795 : vector<16xf32>
        %add3A_796 = arith.addf %scan3A_772, %exp3A : vector<16xf32>
        %mul3A_797 = arith.mulf %get3A_792, %exp3A : vector<16xf32>
        %add3A_798 = arith.addf %scan3A_773, %mul3A_797 : vector<16xf32>
        %eq3A_799 = vector.broadcast %add3A_778 : i32 to vector<16xi32>
        %eq3A_800 = arith.cmpi eq, %select_n3A_440, %eq3A_799 : vector<16xi32>
        %select_n3A_801 = arith.select %eq3A_800, %get3A_792, %scan3A_774 : vector<16xi1>, vector<16xf32>
        %mul3A_802 = arith.constant 8 : i32
        %mul3A_803 = arith.muli %scan3A_771, %mul3A_802 : i32
        %add3A_804 = arith.constant 1 : i32
        %add3A_805 = arith.addi %mul3A_803, %add3A_804 : i32
        %mul3A_806 = arith.constant 16 : i32
        %mul3A_807 = arith.muli %add3A_805, %mul3A_806 : i32
        %get3A_808 = arith.constant 3 : i32
        %get3A_809 = arith.index_cast %get3A_808 : i32 to index
        %get3A_810 = arith.index_cast %mul3A_807 : i32 to index
        %get3A_811 = tpu.vector_load %arg11[%get3A_809, %get3A_810] {strides = array<i32>} : memref<4x4096xf32, #tpu.memory_space<vmem>>, vector<1x16xf32>,
        %get3A_812 = vector.shape_cast %get3A_811 : vector<1x16xf32> to vector<16xf32>
        %mul3A_813 = arith.constant 16 : i32
        %mul3A_814 = arith.muli %add3A_805, %mul3A_813 : i32
        %add3A_815 = arith.constant 12288 : i32
        %add3A_816 = arith.addi %add3A_815, %mul3A_814 : i32
        %get3A_817 = arith.index_cast %add3A_816 : i32 to index
        %get3A_818 = tpu.vector_load %arg13[%get3A_817] {strides = array<i32>} : memref<16384xf32, #tpu.memory_space<vmem>>, vector<16xf32>,
        %get3A_819 = vector.shape_cast %get3A_818 : vector<16xf32> to vector<16xf32>
        %mul3A_820 = arith.constant 1.250000e+00 : f32
        %mul3A_821 = vector.broadcast %mul3A_820 : f32 to vector<16xf32>
        %mul3A_822 = arith.mulf %get3A_812, %mul3A_821 : vector<16xf32>
        %exp3A_823 = math.exp %mul3A_822 : vector<16xf32>
        %add3A_824 = arith.addf %add3A_796, %exp3A_823 : vector<16xf32>
        %mul3A_825 = arith.mulf %get3A_819, %exp3A_823 : vector<16xf32>
        %add3A_826 = arith.addf %add3A_798, %mul3A_825 : vector<16xf32>
        %eq3A_827 = vector.broadcast %add3A_805 : i32 to vector<16xi32>
        %eq3A_828 = arith.cmpi eq, %select_n3A_440, %eq3A_827 : vector<16xi32>
        %select_n3A_829 = arith.select %eq3A_828, %get3A_819, %select_n3A_801 : vector<16xi1>, vector<16xf32>
        %mul3A_830 = arith.constant 8 : i32
        %mul3A_831 = arith.muli %scan3A_771, %mul3A_830 : i32
        %add3A_832 = arith.constant 2 : i32
        %add3A_833 = arith.addi %mul3A_831, %add3A_832 : i32
        %mul3A_834 = arith.constant 16 : i32
        %mul3A_835 = arith.muli %add3A_833, %mul3A_834 : i32
        %get3A_836 = arith.constant 3 : i32
        %get3A_837 = arith.index_cast %get3A_836 : i32 to index
        %get3A_838 = arith.index_cast %mul3A_835 : i32 to index
        %get3A_839 = tpu.vector_load %arg11[%get3A_837, %get3A_838] {strides = array<i32>} : memref<4x4096xf32, #tpu.memory_space<vmem>>, vector<1x16xf32>,
        %get3A_840 = vector.shape_cast %get3A_839 : vector<1x16xf32> to vector<16xf32>
        %mul3A_841 = arith.constant 16 : i32
        %mul3A_842 = arith.muli %add3A_833, %mul3A_841 : i32
        %add3A_843 = arith.constant 12288 : i32
        %add3A_844 = arith.addi %add3A_843, %mul3A_842 : i32
        %get3A_845 = arith.index_cast %add3A_844 : i32 to index
        %get3A_846 = tpu.vector_load %arg13[%get3A_845] {strides = array<i32>} : memref<16384xf32, #tpu.memory_space<vmem>>, vector<16xf32>,
        %get3A_847 = vector.shape_cast %get3A_846 : vector<16xf32> to vector<16xf32>
        %mul3A_848 = arith.constant 1.250000e+00 : f32
        %mul3A_849 = vector.broadcast %mul3A_848 : f32 to vector<16xf32>
        %mul3A_850 = arith.mulf %get3A_840, %mul3A_849 : vector<16xf32>
        %exp3A_851 = math.exp %mul3A_850 : vector<16xf32>
        %add3A_852 = arith.addf %add3A_824, %exp3A_851 : vector<16xf32>
        %mul3A_853 = arith.mulf %get3A_847, %exp3A_851 : vector<16xf32>
        %add3A_854 = arith.addf %add3A_826, %mul3A_853 : vector<16xf32>
        %eq3A_855 = vector.broadcast %add3A_833 : i32 to vector<16xi32>
        %eq3A_856 = arith.cmpi eq, %select_n3A_440, %eq3A_855 : vector<16xi32>
        %select_n3A_857 = arith.select %eq3A_856, %get3A_847, %select_n3A_829 : vector<16xi1>, vector<16xf32>
        %mul3A_858 = arith.constant 8 : i32
        %mul3A_859 = arith.muli %scan3A_771, %mul3A_858 : i32
        %add3A_860 = arith.constant 3 : i32
        %add3A_861 = arith.addi %mul3A_859, %add3A_860 : i32
        %mul3A_862 = arith.constant 16 : i32
        %mul3A_863 = arith.muli %add3A_861, %mul3A_862 : i32
        %get3A_864 = arith.constant 3 : i32
        %get3A_865 = arith.index_cast %get3A_864 : i32 to index
        %get3A_866 = arith.index_cast %mul3A_863 : i32 to index
        %get3A_867 = tpu.vector_load %arg11[%get3A_865, %get3A_866] {strides = array<i32>} : memref<4x4096xf32, #tpu.memory_space<vmem>>, vector<1x16xf32>,
        %get3A_868 = vector.shape_cast %get3A_867 : vector<1x16xf32> to vector<16xf32>
        %mul3A_869 = arith.constant 16 : i32
        %mul3A_870 = arith.muli %add3A_861, %mul3A_869 : i32
        %add3A_871 = arith.constant 12288 : i32
        %add3A_872 = arith.addi %add3A_871, %mul3A_870 : i32
        %get3A_873 = arith.index_cast %add3A_872 : i32 to index
        %get3A_874 = tpu.vector_load %arg13[%get3A_873] {strides = array<i32>} : memref<16384xf32, #tpu.memory_space<vmem>>, vector<16xf32>,
        %get3A_875 = vector.shape_cast %get3A_874 : vector<16xf32> to vector<16xf32>
        %mul3A_876 = arith.constant 1.250000e+00 : f32
        %mul3A_877 = vector.broadcast %mul3A_876 : f32 to vector<16xf32>
        %mul3A_878 = arith.mulf %get3A_868, %mul3A_877 : vector<16xf32>
        %exp3A_879 = math.exp %mul3A_878 : vector<16xf32>
        %add3A_880 = arith.addf %add3A_852, %exp3A_879 : vector<16xf32>
        %mul3A_881 = arith.mulf %get3A_875, %exp3A_879 : vector<16xf32>
        %add3A_882 = arith.addf %add3A_854, %mul3A_881 : vector<16xf32>
        %eq3A_883 = vector.broadcast %add3A_861 : i32 to vector<16xi32>
        %eq3A_884 = arith.cmpi eq, %select_n3A_440, %eq3A_883 : vector<16xi32>
        %select_n3A_885 = arith.select %eq3A_884, %get3A_875, %select_n3A_857 : vector<16xi1>, vector<16xf32>
        %mul3A_886 = arith.constant 8 : i32
        %mul3A_887 = arith.muli %scan3A_771, %mul3A_886 : i32
        %add3A_888 = arith.constant 4 : i32
        %add3A_889 = arith.addi %mul3A_887, %add3A_888 : i32
        %mul3A_890 = arith.constant 16 : i32
        %mul3A_891 = arith.muli %add3A_889, %mul3A_890 : i32
        %get3A_892 = arith.constant 3 : i32
        %get3A_893 = arith.index_cast %get3A_892 : i32 to index
        %get3A_894 = arith.index_cast %mul3A_891 : i32 to index
        %get3A_895 = tpu.vector_load %arg11[%get3A_893, %get3A_894] {strides = array<i32>} : memref<4x4096xf32, #tpu.memory_space<vmem>>, vector<1x16xf32>,
        %get3A_896 = vector.shape_cast %get3A_895 : vector<1x16xf32> to vector<16xf32>
        %mul3A_897 = arith.constant 16 : i32
        %mul3A_898 = arith.muli %add3A_889, %mul3A_897 : i32
        %add3A_899 = arith.constant 12288 : i32
        %add3A_900 = arith.addi %add3A_899, %mul3A_898 : i32
        %get3A_901 = arith.index_cast %add3A_900 : i32 to index
        %get3A_902 = tpu.vector_load %arg13[%get3A_901] {strides = array<i32>} : memref<16384xf32, #tpu.memory_space<vmem>>, vector<16xf32>,
        %get3A_903 = vector.shape_cast %get3A_902 : vector<16xf32> to vector<16xf32>
        %mul3A_904 = arith.constant 1.250000e+00 : f32
        %mul3A_905 = vector.broadcast %mul3A_904 : f32 to vector<16xf32>
        %mul3A_906 = arith.mulf %get3A_896, %mul3A_905 : vector<16xf32>
        %exp3A_907 = math.exp %mul3A_906 : vector<16xf32>
        %add3A_908 = arith.addf %add3A_880, %exp3A_907 : vector<16xf32>
        %mul3A_909 = arith.mulf %get3A_903, %exp3A_907 : vector<16xf32>
        %add3A_910 = arith.addf %add3A_882, %mul3A_909 : vector<16xf32>
        %eq3A_911 = vector.broadcast %add3A_889 : i32 to vector<16xi32>
        %eq3A_912 = arith.cmpi eq, %select_n3A_440, %eq3A_911 : vector<16xi32>
        %select_n3A_913 = arith.select %eq3A_912, %get3A_903, %select_n3A_885 : vector<16xi1>, vector<16xf32>
        %mul3A_914 = arith.constant 8 : i32
        %mul3A_915 = arith.muli %scan3A_771, %mul3A_914 : i32
        %add3A_916 = arith.constant 5 : i32
        %add3A_917 = arith.addi %mul3A_915, %add3A_916 : i32
        %mul3A_918 = arith.constant 16 : i32
        %mul3A_919 = arith.muli %add3A_917, %mul3A_918 : i32
        %get3A_920 = arith.constant 3 : i32
        %get3A_921 = arith.index_cast %get3A_920 : i32 to index
        %get3A_922 = arith.index_cast %mul3A_919 : i32 to index
        %get3A_923 = tpu.vector_load %arg11[%get3A_921, %get3A_922] {strides = array<i32>} : memref<4x4096xf32, #tpu.memory_space<vmem>>, vector<1x16xf32>,
        %get3A_924 = vector.shape_cast %get3A_923 : vector<1x16xf32> to vector<16xf32>
        %mul3A_925 = arith.constant 16 : i32
        %mul3A_926 = arith.muli %add3A_917, %mul3A_925 : i32
        %add3A_927 = arith.constant 12288 : i32
        %add3A_928 = arith.addi %add3A_927, %mul3A_926 : i32
        %get3A_929 = arith.index_cast %add3A_928 : i32 to index
        %get3A_930 = tpu.vector_load %arg13[%get3A_929] {strides = array<i32>} : memref<16384xf32, #tpu.memory_space<vmem>>, vector<16xf32>,
        %get3A_931 = vector.shape_cast %get3A_930 : vector<16xf32> to vector<16xf32>
        %mul3A_932 = arith.constant 1.250000e+00 : f32
        %mul3A_933 = vector.broadcast %mul3A_932 : f32 to vector<16xf32>
        %mul3A_934 = arith.mulf %get3A_924, %mul3A_933 : vector<16xf32>
        %exp3A_935 = math.exp %mul3A_934 : vector<16xf32>
        %add3A_936 = arith.addf %add3A_908, %exp3A_935 : vector<16xf32>
        %mul3A_937 = arith.mulf %get3A_931, %exp3A_935 : vector<16xf32>
        %add3A_938 = arith.addf %add3A_910, %mul3A_937 : vector<16xf32>
        %eq3A_939 = vector.broadcast %add3A_917 : i32 to vector<16xi32>
        %eq3A_940 = arith.cmpi eq, %select_n3A_440, %eq3A_939 : vector<16xi32>
        %select_n3A_941 = arith.select %eq3A_940, %get3A_931, %select_n3A_913 : vector<16xi1>, vector<16xf32>
        %mul3A_942 = arith.constant 8 : i32
        %mul3A_943 = arith.muli %scan3A_771, %mul3A_942 : i32
        %add3A_944 = arith.constant 6 : i32
        %add3A_945 = arith.addi %mul3A_943, %add3A_944 : i32
        %mul3A_946 = arith.constant 16 : i32
        %mul3A_947 = arith.muli %add3A_945, %mul3A_946 : i32
        %get3A_948 = arith.constant 3 : i32
        %get3A_949 = arith.index_cast %get3A_948 : i32 to index
        %get3A_950 = arith.index_cast %mul3A_947 : i32 to index
        %get3A_951 = tpu.vector_load %arg11[%get3A_949, %get3A_950] {strides = array<i32>} : memref<4x4096xf32, #tpu.memory_space<vmem>>, vector<1x16xf32>,
        %get3A_952 = vector.shape_cast %get3A_951 : vector<1x16xf32> to vector<16xf32>
        %mul3A_953 = arith.constant 16 : i32
        %mul3A_954 = arith.muli %add3A_945, %mul3A_953 : i32
        %add3A_955 = arith.constant 12288 : i32
        %add3A_956 = arith.addi %add3A_955, %mul3A_954 : i32
        %get3A_957 = arith.index_cast %add3A_956 : i32 to index
        %get3A_958 = tpu.vector_load %arg13[%get3A_957] {strides = array<i32>} : memref<16384xf32, #tpu.memory_space<vmem>>, vector<16xf32>,
        %get3A_959 = vector.shape_cast %get3A_958 : vector<16xf32> to vector<16xf32>
        %mul3A_960 = arith.constant 1.250000e+00 : f32
        %mul3A_961 = vector.broadcast %mul3A_960 : f32 to vector<16xf32>
        %mul3A_962 = arith.mulf %get3A_952, %mul3A_961 : vector<16xf32>
        %exp3A_963 = math.exp %mul3A_962 : vector<16xf32>
        %add3A_964 = arith.addf %add3A_936, %exp3A_963 : vector<16xf32>
        %mul3A_965 = arith.mulf %get3A_959, %exp3A_963 : vector<16xf32>
        %add3A_966 = arith.addf %add3A_938, %mul3A_965 : vector<16xf32>
        %eq3A_967 = vector.broadcast %add3A_945 : i32 to vector<16xi32>
        %eq3A_968 = arith.cmpi eq, %select_n3A_440, %eq3A_967 : vector<16xi32>
        %select_n3A_969 = arith.select %eq3A_968, %get3A_959, %select_n3A_941 : vector<16xi1>, vector<16xf32>
        %mul3A_970 = arith.constant 8 : i32
        %mul3A_971 = arith.muli %scan3A_771, %mul3A_970 : i32
        %add3A_972 = arith.constant 7 : i32
        %add3A_973 = arith.addi %mul3A_971, %add3A_972 : i32
        %mul3A_974 = arith.constant 16 : i32
        %mul3A_975 = arith.muli %add3A_973, %mul3A_974 : i32
        %get3A_976 = arith.constant 3 : i32
        %get3A_977 = arith.index_cast %get3A_976 : i32 to index
        %get3A_978 = arith.index_cast %mul3A_975 : i32 to index
        %get3A_979 = tpu.vector_load %arg11[%get3A_977, %get3A_978] {strides = array<i32>} : memref<4x4096xf32, #tpu.memory_space<vmem>>, vector<1x16xf32>,
        %get3A_980 = vector.shape_cast %get3A_979 : vector<1x16xf32> to vector<16xf32>
        %mul3A_981 = arith.constant 16 : i32
        %mul3A_982 = arith.muli %add3A_973, %mul3A_981 : i32
        %add3A_983 = arith.constant 12288 : i32
        %add3A_984 = arith.addi %add3A_983, %mul3A_982 : i32
        %get3A_985 = arith.index_cast %add3A_984 : i32 to index
        %get3A_986 = tpu.vector_load %arg13[%get3A_985] {strides = array<i32>} : memref<16384xf32, #tpu.memory_space<vmem>>, vector<16xf32>,
        %get3A_987 = vector.shape_cast %get3A_986 : vector<16xf32> to vector<16xf32>
        %mul3A_988 = arith.constant 1.250000e+00 : f32
        %mul3A_989 = vector.broadcast %mul3A_988 : f32 to vector<16xf32>
        %mul3A_990 = arith.mulf %get3A_980, %mul3A_989 : vector<16xf32>
        %exp3A_991 = math.exp %mul3A_990 : vector<16xf32>
        %add3A_992 = arith.addf %add3A_964, %exp3A_991 : vector<16xf32>
        %mul3A_993 = arith.mulf %get3A_987, %exp3A_991 : vector<16xf32>
        %add3A_994 = arith.addf %add3A_966, %mul3A_993 : vector<16xf32>
        %eq3A_995 = vector.broadcast %add3A_973 : i32 to vector<16xi32>
        %eq3A_996 = arith.cmpi eq, %select_n3A_440, %eq3A_995 : vector<16xi32>
        %select_n3A_997 = arith.select %eq3A_996, %get3A_987, %select_n3A_969 : vector<16xi1>, vector<16xf32>
        scf.yield %add3A_992, %add3A_994, %select_n3A_997 : vector<16xf32>, vector<16xf32>, vector<16xf32>
      }
      %scan3A_449 = arith.constant 32 : i32
      %mul3A_450 = arith.mulf %scan3A_448#0, %mul3A_443 : vector<16xf32>
      %add3A_451 = arith.addf %add3A_401, %mul3A_450 : vector<16xf32>
      %mul3A_452 = arith.mulf %scan3A_448#1, %mul3A_443 : vector<16xf32>
      %add3A_453 = arith.addf %add3A_403, %mul3A_452 : vector<16xf32>
      %mul3A_454 = arith.mulf %scan3A_448#2, %get3A_430 : vector<16xf32>
      %add3A_455 = arith.addf %add3A_405, %mul3A_454 : vector<16xf32>
      %add3A_456 = arith.constant 2 : i32
      %add3A_457 = arith.addi %mul3A_149, %add3A_456 : i32
      %min3A = arith.constant 31 : i32
      %min3A_458 = arith.minsi %add3A_457, %min3A : i32
      %dma_start3A_459 = arith.constant 0 : i32
      %dma_start3A_460 = tpu.memref_slice %arg8[%min3A_458, %dma_start3A_459] : memref<32x4xi32, #tpu.memory_space<vmem>> -> memref<1x4xi32, #tpu.memory_space<vmem>>
      %dma_start3A_461 = tpu.memref_squeeze %dma_start3A_460 : memref<1x4xi32, #tpu.memory_space<vmem>> -> memref<4xi32, #tpu.memory_space<vmem>>
      %dma_start3A_462 = arith.constant 0 : i32
      %dma_start3A_463 = arith.constant 0 : i32
      %dma_start3A_464 = tpu.memref_slice %arg6[%dma_start3A_462, %dma_start3A_463] : memref<4096x4096xf32, #tpu.memory_space<hbm>> -> memref<4096x4096xf32, #tpu.memory_space<hbm>>
      tpu.enqueue_indirect_dma source(%dma_start3A_464 : memref<4096x4096xf32, #tpu.memory_space<hbm>>) target(%arg11 : memref<4x4096xf32, #tpu.memory_space<vmem>>) offsets(%dma_start3A_461 : memref<4xi32, #tpu.memory_space<vmem>>) semaphore(%arg16 : memref<!tpu.dma_semaphore, #tpu.memory_space<semaphore_mem>>)
      %mul3A_465 = arith.constant 4 : i32
      %mul3A_466 = arith.muli %min3A_458, %mul3A_465 : i32
      %add3A_467 = arith.addi %mul3A_2, %mul3A_466 : i32
      %add3A_468 = arith.constant 0 : i32
      %add3A_469 = arith.addi %add3A_467, %add3A_468 : i32
      %dma_start3A_470 = arith.constant 0 : i32
      %dma_start3A_471 = tpu.memref_slice %arg13[%dma_start3A_470] : memref<16384xf32, #tpu.memory_space<vmem>> -> memref<4096xf32, #tpu.memory_space<vmem>>
      %dma_start3A_472 = arith.constant 0 : i32
      %dma_start3A_473 = tpu.memref_slice %arg2[%add3A_469, %dma_start3A_472] : memref<4096x4096xf32, #tpu.memory_space<hbm>> -> memref<1x4096xf32, #tpu.memory_space<hbm>>
      %dma_start3A_474 = tpu.memref_squeeze %dma_start3A_473 : memref<1x4096xf32, #tpu.memory_space<hbm>> -> memref<4096xf32, #tpu.memory_space<hbm>>
      %dma_start3A_475 = arith.constant 0 : i32
      %dma_start3A_476 = tpu.memref_slice %arg13[%dma_start3A_475] : memref<16384xf32, #tpu.memory_space<vmem>> -> memref<4096xf32, #tpu.memory_space<vmem>>
      %dma_start3A_477 = arith.constant 0 : i32
      %dma_start3A_478 = tpu.memref_slice %arg2[%add3A_469, %dma_start3A_477] : memref<4096x4096xf32, #tpu.memory_space<hbm>> -> memref<1x4096xf32, #tpu.memory_space<hbm>>
      %dma_start3A_479 = tpu.memref_squeeze %dma_start3A_478 : memref<1x4096xf32, #tpu.memory_space<hbm>> -> memref<4096xf32, #tpu.memory_space<hbm>>
      tpu.enqueue_dma source(%dma_start3A_479 : memref<4096xf32, #tpu.memory_space<hbm>>) target(%dma_start3A_476 : memref<4096xf32, #tpu.memory_space<vmem>>) target_semaphore(%arg18 : memref<!tpu.dma_semaphore, #tpu.memory_space<semaphore_mem>>)
      %mul3A_480 = arith.constant 4 : i32
      %mul3A_481 = arith.muli %min3A_458, %mul3A_480 : i32
      %add3A_482 = arith.addi %mul3A_2, %mul3A_481 : i32
      %add3A_483 = arith.constant 1 : i32
      %add3A_484 = arith.addi %add3A_482, %add3A_483 : i32
      %dma_start3A_485 = arith.constant 4096 : i32
      %dma_start3A_486 = tpu.memref_slice %arg13[%dma_start3A_485] : memref<16384xf32, #tpu.memory_space<vmem>> -> memref<4096xf32, #tpu.memory_space<vmem>>
      %dma_start3A_487 = arith.constant 0 : i32
      %dma_start3A_488 = tpu.memref_slice %arg2[%add3A_484, %dma_start3A_487] : memref<4096x4096xf32, #tpu.memory_space<hbm>> -> memref<1x4096xf32, #tpu.memory_space<hbm>>
      %dma_start3A_489 = tpu.memref_squeeze %dma_start3A_488 : memref<1x4096xf32, #tpu.memory_space<hbm>> -> memref<4096xf32, #tpu.memory_space<hbm>>
      %dma_start3A_490 = arith.constant 4096 : i32
      %dma_start3A_491 = tpu.memref_slice %arg13[%dma_start3A_490] : memref<16384xf32, #tpu.memory_space<vmem>> -> memref<4096xf32, #tpu.memory_space<vmem>>
      %dma_start3A_492 = arith.constant 0 : i32
      %dma_start3A_493 = tpu.memref_slice %arg2[%add3A_484, %dma_start3A_492] : memref<4096x4096xf32, #tpu.memory_space<hbm>> -> memref<1x4096xf32, #tpu.memory_space<hbm>>
      %dma_start3A_494 = tpu.memref_squeeze %dma_start3A_493 : memref<1x4096xf32, #tpu.memory_space<hbm>> -> memref<4096xf32, #tpu.memory_space<hbm>>
      tpu.enqueue_dma source(%dma_start3A_494 : memref<4096xf32, #tpu.memory_space<hbm>>) target(%dma_start3A_491 : memref<4096xf32, #tpu.memory_space<vmem>>) target_semaphore(%arg18 : memref<!tpu.dma_semaphore, #tpu.memory_space<semaphore_mem>>)
      %mul3A_495 = arith.constant 4 : i32
      %mul3A_496 = arith.muli %min3A_458, %mul3A_495 : i32
      %add3A_497 = arith.addi %mul3A_2, %mul3A_496 : i32
      %add3A_498 = arith.constant 2 : i32
      %add3A_499 = arith.addi %add3A_497, %add3A_498 : i32
      %dma_start3A_500 = arith.constant 8192 : i32
      %dma_start3A_501 = tpu.memref_slice %arg13[%dma_start3A_500] : memref<16384xf32, #tpu.memory_space<vmem>> -> memref<4096xf32, #tpu.memory_space<vmem>>
      %dma_start3A_502 = arith.constant 0 : i32
      %dma_start3A_503 = tpu.memref_slice %arg2[%add3A_499, %dma_start3A_502] : memref<4096x4096xf32, #tpu.memory_space<hbm>> -> memref<1x4096xf32, #tpu.memory_space<hbm>>
      %dma_start3A_504 = tpu.memref_squeeze %dma_start3A_503 : memref<1x4096xf32, #tpu.memory_space<hbm>> -> memref<4096xf32, #tpu.memory_space<hbm>>
      %dma_start3A_505 = arith.constant 8192 : i32
      %dma_start3A_506 = tpu.memref_slice %arg13[%dma_start3A_505] : memref<16384xf32, #tpu.memory_space<vmem>> -> memref<4096xf32, #tpu.memory_space<vmem>>
      %dma_start3A_507 = arith.constant 0 : i32
      %dma_start3A_508 = tpu.memref_slice %arg2[%add3A_499, %dma_start3A_507] : memref<4096x4096xf32, #tpu.memory_space<hbm>> -> memref<1x4096xf32, #tpu.memory_space<hbm>>
      %dma_start3A_509 = tpu.memref_squeeze %dma_start3A_508 : memref<1x4096xf32, #tpu.memory_space<hbm>> -> memref<4096xf32, #tpu.memory_space<hbm>>
      tpu.enqueue_dma source(%dma_start3A_509 : memref<4096xf32, #tpu.memory_space<hbm>>) target(%dma_start3A_506 : memref<4096xf32, #tpu.memory_space<vmem>>) target_semaphore(%arg18 : memref<!tpu.dma_semaphore, #tpu.memory_space<semaphore_mem>>)
      %mul3A_510 = arith.constant 4 : i32
      %mul3A_511 = arith.muli %min3A_458, %mul3A_510 : i32
      %add3A_512 = arith.addi %mul3A_2, %mul3A_511 : i32
      %add3A_513 = arith.constant 3 : i32
      %add3A_514 = arith.addi %add3A_512, %add3A_513 : i32
      %dma_start3A_515 = arith.constant 12288 : i32
      %dma_start3A_516 = tpu.memref_slice %arg13[%dma_start3A_515] : memref<16384xf32, #tpu.memory_space<vmem>> -> memref<4096xf32, #tpu.memory_space<vmem>>
      %dma_start3A_517 = arith.constant 0 : i32
      %dma_start3A_518 = tpu.memref_slice %arg2[%add3A_514, %dma_start3A_517] : memref<4096x4096xf32, #tpu.memory_space<hbm>> -> memref<1x4096xf32, #tpu.memory_space<hbm>>
      %dma_start3A_519 = tpu.memref_squeeze %dma_start3A_518 : memref<1x4096xf32, #tpu.memory_space<hbm>> -> memref<4096xf32, #tpu.memory_space<hbm>>
      %dma_start3A_520 = arith.constant 12288 : i32
      %dma_start3A_521 = tpu.memref_slice %arg13[%dma_start3A_520] : memref<16384xf32, #tpu.memory_space<vmem>> -> memref<4096xf32, #tpu.memory_space<vmem>>
      %dma_start3A_522 = arith.constant 0 : i32
      %dma_start3A_523 = tpu.memref_slice %arg2[%add3A_514, %dma_start3A_522] : memref<4096x4096xf32, #tpu.memory_space<hbm>> -> memref<1x4096xf32, #tpu.memory_space<hbm>>
      %dma_start3A_524 = tpu.memref_squeeze %dma_start3A_523 : memref<1x4096xf32, #tpu.memory_space<hbm>> -> memref<4096xf32, #tpu.memory_space<hbm>>
      tpu.enqueue_dma source(%dma_start3A_524 : memref<4096xf32, #tpu.memory_space<hbm>>) target(%dma_start3A_521 : memref<4096xf32, #tpu.memory_space<vmem>>) target_semaphore(%arg18 : memref<!tpu.dma_semaphore, #tpu.memory_space<semaphore_mem>>)
      %dma_wait3A_525 = arith.constant 0 : i32
      %dma_wait3A_526 = arith.constant 0 : i32
      %dma_wait3A_527 = tpu.memref_slice %arg14[%dma_wait3A_526] : memref<16384xf32, #tpu.memory_space<vmem>> -> memref<4096xf32, #tpu.memory_space<vmem>>
      %dma_wait3A_528 = arith.constant 0 : i32
      %dma_wait3A_529 = tpu.memref_slice %arg2[%dma_wait3A_525, %dma_wait3A_528] : memref<4096x4096xf32, #tpu.memory_space<hbm>> -> memref<1x4096xf32, #tpu.memory_space<hbm>>
      %dma_wait3A_530 = tpu.memref_squeeze %dma_wait3A_529 : memref<1x4096xf32, #tpu.memory_space<hbm>> -> memref<4096xf32, #tpu.memory_space<hbm>>
      %dma_wait3A_531 = arith.constant 0 : i32
      %dma_wait3A_532 = tpu.memref_slice %arg14[%dma_wait3A_531] : memref<16384xf32, #tpu.memory_space<vmem>> -> memref<4096xf32, #tpu.memory_space<vmem>>
      %dma_wait3A_533 = arith.constant 0 : i32
      %dma_wait3A_534 = tpu.memref_slice %arg2[%dma_wait3A_525, %dma_wait3A_533] : memref<4096x4096xf32, #tpu.memory_space<hbm>> -> memref<1x4096xf32, #tpu.memory_space<hbm>>
      %dma_wait3A_535 = tpu.memref_squeeze %dma_wait3A_534 : memref<1x4096xf32, #tpu.memory_space<hbm>> -> memref<4096xf32, #tpu.memory_space<hbm>>
      tpu.wait_dma2 semaphore(%arg19 : memref<!tpu.dma_semaphore, #tpu.memory_space<semaphore_mem>>) src(%dma_wait3A_535 : memref<4096xf32, #tpu.memory_space<hbm>>) dst(%dma_wait3A_532 : memref<4096xf32, #tpu.memory_space<vmem>>)
      %dma_wait3A_536 = arith.constant 0 : i32
      %dma_wait3A_537 = arith.constant 4096 : i32
      %dma_wait3A_538 = tpu.memref_slice %arg14[%dma_wait3A_537] : memref<16384xf32, #tpu.memory_space<vmem>> -> memref<4096xf32, #tpu.memory_space<vmem>>
      %dma_wait3A_539 = arith.constant 0 : i32
      %dma_wait3A_540 = tpu.memref_slice %arg2[%dma_wait3A_536, %dma_wait3A_539] : memref<4096x4096xf32, #tpu.memory_space<hbm>> -> memref<1x4096xf32, #tpu.memory_space<hbm>>
      %dma_wait3A_541 = tpu.memref_squeeze %dma_wait3A_540 : memref<1x4096xf32, #tpu.memory_space<hbm>> -> memref<4096xf32, #tpu.memory_space<hbm>>
      %dma_wait3A_542 = arith.constant 4096 : i32
      %dma_wait3A_543 = tpu.memref_slice %arg14[%dma_wait3A_542] : memref<16384xf32, #tpu.memory_space<vmem>> -> memref<4096xf32, #tpu.memory_space<vmem>>
      %dma_wait3A_544 = arith.constant 0 : i32
      %dma_wait3A_545 = tpu.memref_slice %arg2[%dma_wait3A_536, %dma_wait3A_544] : memref<4096x4096xf32, #tpu.memory_space<hbm>> -> memref<1x4096xf32, #tpu.memory_space<hbm>>
      %dma_wait3A_546 = tpu.memref_squeeze %dma_wait3A_545 : memref<1x4096xf32, #tpu.memory_space<hbm>> -> memref<4096xf32, #tpu.memory_space<hbm>>
      tpu.wait_dma2 semaphore(%arg19 : memref<!tpu.dma_semaphore, #tpu.memory_space<semaphore_mem>>) src(%dma_wait3A_546 : memref<4096xf32, #tpu.memory_space<hbm>>) dst(%dma_wait3A_543 : memref<4096xf32, #tpu.memory_space<vmem>>)
      %dma_wait3A_547 = arith.constant 0 : i32
      %dma_wait3A_548 = arith.constant 8192 : i32
      %dma_wait3A_549 = tpu.memref_slice %arg14[%dma_wait3A_548] : memref<16384xf32, #tpu.memory_space<vmem>> -> memref<4096xf32, #tpu.memory_space<vmem>>
      %dma_wait3A_550 = arith.constant 0 : i32
      %dma_wait3A_551 = tpu.memref_slice %arg2[%dma_wait3A_547, %dma_wait3A_550] : memref<4096x4096xf32, #tpu.memory_space<hbm>> -> memref<1x4096xf32, #tpu.memory_space<hbm>>
      %dma_wait3A_552 = tpu.memref_squeeze %dma_wait3A_551 : memref<1x4096xf32, #tpu.memory_space<hbm>> -> memref<4096xf32, #tpu.memory_space<hbm>>
      %dma_wait3A_553 = arith.constant 8192 : i32
      %dma_wait3A_554 = tpu.memref_slice %arg14[%dma_wait3A_553] : memref<16384xf32, #tpu.memory_space<vmem>> -> memref<4096xf32, #tpu.memory_space<vmem>>
      %dma_wait3A_555 = arith.constant 0 : i32
      %dma_wait3A_556 = tpu.memref_slice %arg2[%dma_wait3A_547, %dma_wait3A_555] : memref<4096x4096xf32, #tpu.memory_space<hbm>> -> memref<1x4096xf32, #tpu.memory_space<hbm>>
      %dma_wait3A_557 = tpu.memref_squeeze %dma_wait3A_556 : memref<1x4096xf32, #tpu.memory_space<hbm>> -> memref<4096xf32, #tpu.memory_space<hbm>>
      tpu.wait_dma2 semaphore(%arg19 : memref<!tpu.dma_semaphore, #tpu.memory_space<semaphore_mem>>) src(%dma_wait3A_557 : memref<4096xf32, #tpu.memory_space<hbm>>) dst(%dma_wait3A_554 : memref<4096xf32, #tpu.memory_space<vmem>>)
      %dma_wait3A_558 = arith.constant 0 : i32
      %dma_wait3A_559 = arith.constant 12288 : i32
      %dma_wait3A_560 = tpu.memref_slice %arg14[%dma_wait3A_559] : memref<16384xf32, #tpu.memory_space<vmem>> -> memref<4096xf32, #tpu.memory_space<vmem>>
      %dma_wait3A_561 = arith.constant 0 : i32
      %dma_wait3A_562 = tpu.memref_slice %arg2[%dma_wait3A_558, %dma_wait3A_561] : memref<4096x4096xf32, #tpu.memory_space<hbm>> -> memref<1x4096xf32, #tpu.memory_space<hbm>>
      %dma_wait3A_563 = tpu.memref_squeeze %dma_wait3A_562 : memref<1x4096xf32, #tpu.memory_space<hbm>> -> memref<4096xf32, #tpu.memory_space<hbm>>
      %dma_wait3A_564 = arith.constant 12288 : i32
      %dma_wait3A_565 = tpu.memref_slice %arg14[%dma_wait3A_564] : memref<16384xf32, #tpu.memory_space<vmem>> -> memref<4096xf32, #tpu.memory_space<vmem>>
      %dma_wait3A_566 = arith.constant 0 : i32
      %dma_wait3A_567 = tpu.memref_slice %arg2[%dma_wait3A_558, %dma_wait3A_566] : memref<4096x4096xf32, #tpu.memory_space<hbm>> -> memref<1x4096xf32, #tpu.memory_space<hbm>>
      %dma_wait3A_568 = tpu.memref_squeeze %dma_wait3A_567 : memref<1x4096xf32, #tpu.memory_space<hbm>> -> memref<4096xf32, #tpu.memory_space<hbm>>
      tpu.wait_dma2 semaphore(%arg19 : memref<!tpu.dma_semaphore, #tpu.memory_space<semaphore_mem>>) src(%dma_wait3A_568 : memref<4096xf32, #tpu.memory_space<hbm>>) dst(%dma_wait3A_565 : memref<4096xf32, #tpu.memory_space<vmem>>)
      %add3A_569 = arith.constant 1 : i32
      %add3A_570 = arith.addi %mul3A_149, %add3A_569 : i32
      %dma_wait3A_571 = arith.constant 0 : i32
      %dma_wait3A_572 = arith.constant 0 : i32
      %dma_wait3A_573 = tpu.memref_slice %arg14[%dma_wait3A_572] : memref<16384xf32, #tpu.memory_space<vmem>> -> memref<4096xf32, #tpu.memory_space<vmem>>
      %dma_wait3A_574 = arith.constant 0 : i32
      %dma_wait3A_575 = tpu.memref_slice %arg2[%dma_wait3A_571, %dma_wait3A_574] : memref<4096x4096xf32, #tpu.memory_space<hbm>> -> memref<1x4096xf32, #tpu.memory_space<hbm>>
      %dma_wait3A_576 = tpu.memref_squeeze %dma_wait3A_575 : memref<1x4096xf32, #tpu.memory_space<hbm>> -> memref<4096xf32, #tpu.memory_space<hbm>>
      %dma_wait3A_577 = arith.constant 0 : i32
      %dma_wait3A_578 = tpu.memref_slice %arg14[%dma_wait3A_577] : memref<16384xf32, #tpu.memory_space<vmem>> -> memref<4096xf32, #tpu.memory_space<vmem>>
      %dma_wait3A_579 = arith.constant 0 : i32
      %dma_wait3A_580 = tpu.memref_slice %arg2[%dma_wait3A_571, %dma_wait3A_579] : memref<4096x4096xf32, #tpu.memory_space<hbm>> -> memref<1x4096xf32, #tpu.memory_space<hbm>>
      %dma_wait3A_581 = tpu.memref_squeeze %dma_wait3A_580 : memref<1x4096xf32, #tpu.memory_space<hbm>> -> memref<4096xf32, #tpu.memory_space<hbm>>
      tpu.wait_dma2 semaphore(%arg17 : memref<!tpu.dma_semaphore, #tpu.memory_space<semaphore_mem>>) src(%dma_wait3A_581 : memref<4096xf32, #tpu.memory_space<hbm>>) dst(%dma_wait3A_578 : memref<4096xf32, #tpu.memory_space<vmem>>)
      %mul3A_582 = arith.constant 4 : i32
      %mul3A_583 = arith.muli %add3A_570, %mul3A_582 : i32
      %add3A_584 = arith.constant 0 : i32
      %add3A_585 = arith.addi %mul3A_583, %add3A_584 : i32
      %mul3A_586 = arith.constant 16 : i32
      %mul3A_587 = arith.muli %add3A_585, %mul3A_586 : i32
      %get3A_588 = arith.index_cast %mul3A_587 : i32 to index
      %get3A_589 = tpu.vector_load %arg9[%get3A_588] {strides = array<i32>} : memref<2048xi32, #tpu.memory_space<vmem>>, vector<16xi32>,
      %get3A_590 = vector.shape_cast %get3A_589 : vector<16xi32> to vector<16xi32>
      %mul3A_591 = arith.constant 16 : i32
      %mul3A_592 = arith.muli %add3A_585, %mul3A_591 : i32
      %get3A_593 = arith.index_cast %mul3A_592 : i32 to index
      %get3A_594 = tpu.vector_load %arg10[%get3A_593] {strides = array<i32>} : memref<2048xf32, #tpu.memory_space<vmem>>, vector<16xf32>,
      %get3A_595 = vector.shape_cast %get3A_594 : vector<16xf32> to vector<16xf32>
      %and3A_596 = arith.constant 15 : i32
      %and3A_597 = vector.broadcast %and3A_596 : i32 to vector<16xi32>
      %and3A_598 = arith.andi %get3A_590, %and3A_597 : vector<16xi32>
      %eq3A_599 = arith.cmpi eq, %iota3A, %and3A_598 : vector<16xi32>
      %shift_right_arithmetic3A_600 = arith.constant 4 : i32
      %shift_right_arithmetic3A_601 = vector.broadcast %shift_right_arithmetic3A_600 : i32 to vector<16xi32>
      %shift_right_arithmetic3A_602 = arith.shrsi %get3A_590, %shift_right_arithmetic3A_601 : vector<16xi32>
      %jit3A_603 = arith.constant -1 : i32
      %broadcast_in_dim3A_604 = vector.broadcast %jit3A_603 : i32 to vector<16xi32>
      %select_n3A_605 = arith.select %eq3A_599, %shift_right_arithmetic3A_602, %broadcast_in_dim3A_604 : vector<16xi1>, vector<16xi32>
      %mul3A_606 = arith.constant 0.286504805 : f32
      %mul3A_607 = vector.broadcast %mul3A_606 : f32 to vector<16xf32>
      %mul3A_608 = arith.mulf %get3A_595, %mul3A_607 : vector<16xf32>
      %scan3A_609 = arith.constant 0 : i32
      %scan3A_610 = arith.constant 32 : i32
      %scan3A_611 = arith.addi %scan3A_609, %scan3A_610 : i32
      %scan3A_612 = arith.constant 1 : i32
      %scan3A_613:3 = scf.for %scan3A_771 = %scan3A_609 to %scan3A_611 step %scan3A_612 iter_args(%scan3A_772 = %broadcast_in_dim3A_9, %scan3A_773 = %broadcast_in_dim3A_9, %scan3A_774 = %broadcast_in_dim3A_9) -> (vector<16xf32>, vector<16xf32>, vector<16xf32>)  : i32 {
        %mul3A_775 = arith.constant 8 : i32
        %mul3A_776 = arith.muli %scan3A_771, %mul3A_775 : i32
        %add3A_777 = arith.constant 0 : i32
        %add3A_778 = arith.addi %mul3A_776, %add3A_777 : i32
        %mul3A_779 = arith.constant 16 : i32
        %mul3A_780 = arith.muli %add3A_778, %mul3A_779 : i32
        %get3A_781 = arith.constant 0 : i32
        %get3A_782 = arith.index_cast %get3A_781 : i32 to index
        %get3A_783 = arith.index_cast %mul3A_780 : i32 to index
        %get3A_784 = tpu.vector_load %arg12[%get3A_782, %get3A_783] {strides = array<i32>} : memref<4x4096xf32, #tpu.memory_space<vmem>>, vector<1x16xf32>,
        %get3A_785 = vector.shape_cast %get3A_784 : vector<1x16xf32> to vector<16xf32>
        %mul3A_786 = arith.constant 16 : i32
        %mul3A_787 = arith.muli %add3A_778, %mul3A_786 : i32
        %add3A_788 = arith.constant 0 : i32
        %add3A_789 = arith.addi %add3A_788, %mul3A_787 : i32
        %get3A_790 = arith.index_cast %add3A_789 : i32 to index
        %get3A_791 = tpu.vector_load %arg14[%get3A_790] {strides = array<i32>} : memref<16384xf32, #tpu.memory_space<vmem>>, vector<16xf32>,
        %get3A_792 = vector.shape_cast %get3A_791 : vector<16xf32> to vector<16xf32>
        %mul3A_793 = arith.constant 1.250000e+00 : f32
        %mul3A_794 = vector.broadcast %mul3A_793 : f32 to vector<16xf32>
        %mul3A_795 = arith.mulf %get3A_785, %mul3A_794 : vector<16xf32>
        %exp3A = math.exp %mul3A_795 : vector<16xf32>
        %add3A_796 = arith.addf %scan3A_772, %exp3A : vector<16xf32>
        %mul3A_797 = arith.mulf %get3A_792, %exp3A : vector<16xf32>
        %add3A_798 = arith.addf %scan3A_773, %mul3A_797 : vector<16xf32>
        %eq3A_799 = vector.broadcast %add3A_778 : i32 to vector<16xi32>
        %eq3A_800 = arith.cmpi eq, %select_n3A_605, %eq3A_799 : vector<16xi32>
        %select_n3A_801 = arith.select %eq3A_800, %get3A_792, %scan3A_774 : vector<16xi1>, vector<16xf32>
        %mul3A_802 = arith.constant 8 : i32
        %mul3A_803 = arith.muli %scan3A_771, %mul3A_802 : i32
        %add3A_804 = arith.constant 1 : i32
        %add3A_805 = arith.addi %mul3A_803, %add3A_804 : i32
        %mul3A_806 = arith.constant 16 : i32
        %mul3A_807 = arith.muli %add3A_805, %mul3A_806 : i32
        %get3A_808 = arith.constant 0 : i32
        %get3A_809 = arith.index_cast %get3A_808 : i32 to index
        %get3A_810 = arith.index_cast %mul3A_807 : i32 to index
        %get3A_811 = tpu.vector_load %arg12[%get3A_809, %get3A_810] {strides = array<i32>} : memref<4x4096xf32, #tpu.memory_space<vmem>>, vector<1x16xf32>,
        %get3A_812 = vector.shape_cast %get3A_811 : vector<1x16xf32> to vector<16xf32>
        %mul3A_813 = arith.constant 16 : i32
        %mul3A_814 = arith.muli %add3A_805, %mul3A_813 : i32
        %add3A_815 = arith.constant 0 : i32
        %add3A_816 = arith.addi %add3A_815, %mul3A_814 : i32
        %get3A_817 = arith.index_cast %add3A_816 : i32 to index
        %get3A_818 = tpu.vector_load %arg14[%get3A_817] {strides = array<i32>} : memref<16384xf32, #tpu.memory_space<vmem>>, vector<16xf32>,
        %get3A_819 = vector.shape_cast %get3A_818 : vector<16xf32> to vector<16xf32>
        %mul3A_820 = arith.constant 1.250000e+00 : f32
        %mul3A_821 = vector.broadcast %mul3A_820 : f32 to vector<16xf32>
        %mul3A_822 = arith.mulf %get3A_812, %mul3A_821 : vector<16xf32>
        %exp3A_823 = math.exp %mul3A_822 : vector<16xf32>
        %add3A_824 = arith.addf %add3A_796, %exp3A_823 : vector<16xf32>
        %mul3A_825 = arith.mulf %get3A_819, %exp3A_823 : vector<16xf32>
        %add3A_826 = arith.addf %add3A_798, %mul3A_825 : vector<16xf32>
        %eq3A_827 = vector.broadcast %add3A_805 : i32 to vector<16xi32>
        %eq3A_828 = arith.cmpi eq, %select_n3A_605, %eq3A_827 : vector<16xi32>
        %select_n3A_829 = arith.select %eq3A_828, %get3A_819, %select_n3A_801 : vector<16xi1>, vector<16xf32>
        %mul3A_830 = arith.constant 8 : i32
        %mul3A_831 = arith.muli %scan3A_771, %mul3A_830 : i32
        %add3A_832 = arith.constant 2 : i32
        %add3A_833 = arith.addi %mul3A_831, %add3A_832 : i32
        %mul3A_834 = arith.constant 16 : i32
        %mul3A_835 = arith.muli %add3A_833, %mul3A_834 : i32
        %get3A_836 = arith.constant 0 : i32
        %get3A_837 = arith.index_cast %get3A_836 : i32 to index
        %get3A_838 = arith.index_cast %mul3A_835 : i32 to index
        %get3A_839 = tpu.vector_load %arg12[%get3A_837, %get3A_838] {strides = array<i32>} : memref<4x4096xf32, #tpu.memory_space<vmem>>, vector<1x16xf32>,
        %get3A_840 = vector.shape_cast %get3A_839 : vector<1x16xf32> to vector<16xf32>
        %mul3A_841 = arith.constant 16 : i32
        %mul3A_842 = arith.muli %add3A_833, %mul3A_841 : i32
        %add3A_843 = arith.constant 0 : i32
        %add3A_844 = arith.addi %add3A_843, %mul3A_842 : i32
        %get3A_845 = arith.index_cast %add3A_844 : i32 to index
        %get3A_846 = tpu.vector_load %arg14[%get3A_845] {strides = array<i32>} : memref<16384xf32, #tpu.memory_space<vmem>>, vector<16xf32>,
        %get3A_847 = vector.shape_cast %get3A_846 : vector<16xf32> to vector<16xf32>
        %mul3A_848 = arith.constant 1.250000e+00 : f32
        %mul3A_849 = vector.broadcast %mul3A_848 : f32 to vector<16xf32>
        %mul3A_850 = arith.mulf %get3A_840, %mul3A_849 : vector<16xf32>
        %exp3A_851 = math.exp %mul3A_850 : vector<16xf32>
        %add3A_852 = arith.addf %add3A_824, %exp3A_851 : vector<16xf32>
        %mul3A_853 = arith.mulf %get3A_847, %exp3A_851 : vector<16xf32>
        %add3A_854 = arith.addf %add3A_826, %mul3A_853 : vector<16xf32>
        %eq3A_855 = vector.broadcast %add3A_833 : i32 to vector<16xi32>
        %eq3A_856 = arith.cmpi eq, %select_n3A_605, %eq3A_855 : vector<16xi32>
        %select_n3A_857 = arith.select %eq3A_856, %get3A_847, %select_n3A_829 : vector<16xi1>, vector<16xf32>
        %mul3A_858 = arith.constant 8 : i32
        %mul3A_859 = arith.muli %scan3A_771, %mul3A_858 : i32
        %add3A_860 = arith.constant 3 : i32
        %add3A_861 = arith.addi %mul3A_859, %add3A_860 : i32
        %mul3A_862 = arith.constant 16 : i32
        %mul3A_863 = arith.muli %add3A_861, %mul3A_862 : i32
        %get3A_864 = arith.constant 0 : i32
        %get3A_865 = arith.index_cast %get3A_864 : i32 to index
        %get3A_866 = arith.index_cast %mul3A_863 : i32 to index
        %get3A_867 = tpu.vector_load %arg12[%get3A_865, %get3A_866] {strides = array<i32>} : memref<4x4096xf32, #tpu.memory_space<vmem>>, vector<1x16xf32>,
        %get3A_868 = vector.shape_cast %get3A_867 : vector<1x16xf32> to vector<16xf32>
        %mul3A_869 = arith.constant 16 : i32
        %mul3A_870 = arith.muli %add3A_861, %mul3A_869 : i32
        %add3A_871 = arith.constant 0 : i32
        %add3A_872 = arith.addi %add3A_871, %mul3A_870 : i32
        %get3A_873 = arith.index_cast %add3A_872 : i32 to index
        %get3A_874 = tpu.vector_load %arg14[%get3A_873] {strides = array<i32>} : memref<16384xf32, #tpu.memory_space<vmem>>, vector<16xf32>,
        %get3A_875 = vector.shape_cast %get3A_874 : vector<16xf32> to vector<16xf32>
        %mul3A_876 = arith.constant 1.250000e+00 : f32
        %mul3A_877 = vector.broadcast %mul3A_876 : f32 to vector<16xf32>
        %mul3A_878 = arith.mulf %get3A_868, %mul3A_877 : vector<16xf32>
        %exp3A_879 = math.exp %mul3A_878 : vector<16xf32>
        %add3A_880 = arith.addf %add3A_852, %exp3A_879 : vector<16xf32>
        %mul3A_881 = arith.mulf %get3A_875, %exp3A_879 : vector<16xf32>
        %add3A_882 = arith.addf %add3A_854, %mul3A_881 : vector<16xf32>
        %eq3A_883 = vector.broadcast %add3A_861 : i32 to vector<16xi32>
        %eq3A_884 = arith.cmpi eq, %select_n3A_605, %eq3A_883 : vector<16xi32>
        %select_n3A_885 = arith.select %eq3A_884, %get3A_875, %select_n3A_857 : vector<16xi1>, vector<16xf32>
        %mul3A_886 = arith.constant 8 : i32
        %mul3A_887 = arith.muli %scan3A_771, %mul3A_886 : i32
        %add3A_888 = arith.constant 4 : i32
        %add3A_889 = arith.addi %mul3A_887, %add3A_888 : i32
        %mul3A_890 = arith.constant 16 : i32
        %mul3A_891 = arith.muli %add3A_889, %mul3A_890 : i32
        %get3A_892 = arith.constant 0 : i32
        %get3A_893 = arith.index_cast %get3A_892 : i32 to index
        %get3A_894 = arith.index_cast %mul3A_891 : i32 to index
        %get3A_895 = tpu.vector_load %arg12[%get3A_893, %get3A_894] {strides = array<i32>} : memref<4x4096xf32, #tpu.memory_space<vmem>>, vector<1x16xf32>,
        %get3A_896 = vector.shape_cast %get3A_895 : vector<1x16xf32> to vector<16xf32>
        %mul3A_897 = arith.constant 16 : i32
        %mul3A_898 = arith.muli %add3A_889, %mul3A_897 : i32
        %add3A_899 = arith.constant 0 : i32
        %add3A_900 = arith.addi %add3A_899, %mul3A_898 : i32
        %get3A_901 = arith.index_cast %add3A_900 : i32 to index
        %get3A_902 = tpu.vector_load %arg14[%get3A_901] {strides = array<i32>} : memref<16384xf32, #tpu.memory_space<vmem>>, vector<16xf32>,
        %get3A_903 = vector.shape_cast %get3A_902 : vector<16xf32> to vector<16xf32>
        %mul3A_904 = arith.constant 1.250000e+00 : f32
        %mul3A_905 = vector.broadcast %mul3A_904 : f32 to vector<16xf32>
        %mul3A_906 = arith.mulf %get3A_896, %mul3A_905 : vector<16xf32>
        %exp3A_907 = math.exp %mul3A_906 : vector<16xf32>
        %add3A_908 = arith.addf %add3A_880, %exp3A_907 : vector<16xf32>
        %mul3A_909 = arith.mulf %get3A_903, %exp3A_907 : vector<16xf32>
        %add3A_910 = arith.addf %add3A_882, %mul3A_909 : vector<16xf32>
        %eq3A_911 = vector.broadcast %add3A_889 : i32 to vector<16xi32>
        %eq3A_912 = arith.cmpi eq, %select_n3A_605, %eq3A_911 : vector<16xi32>
        %select_n3A_913 = arith.select %eq3A_912, %get3A_903, %select_n3A_885 : vector<16xi1>, vector<16xf32>
        %mul3A_914 = arith.constant 8 : i32
        %mul3A_915 = arith.muli %scan3A_771, %mul3A_914 : i32
        %add3A_916 = arith.constant 5 : i32
        %add3A_917 = arith.addi %mul3A_915, %add3A_916 : i32
        %mul3A_918 = arith.constant 16 : i32
        %mul3A_919 = arith.muli %add3A_917, %mul3A_918 : i32
        %get3A_920 = arith.constant 0 : i32
        %get3A_921 = arith.index_cast %get3A_920 : i32 to index
        %get3A_922 = arith.index_cast %mul3A_919 : i32 to index
        %get3A_923 = tpu.vector_load %arg12[%get3A_921, %get3A_922] {strides = array<i32>} : memref<4x4096xf32, #tpu.memory_space<vmem>>, vector<1x16xf32>,
        %get3A_924 = vector.shape_cast %get3A_923 : vector<1x16xf32> to vector<16xf32>
        %mul3A_925 = arith.constant 16 : i32
        %mul3A_926 = arith.muli %add3A_917, %mul3A_925 : i32
        %add3A_927 = arith.constant 0 : i32
        %add3A_928 = arith.addi %add3A_927, %mul3A_926 : i32
        %get3A_929 = arith.index_cast %add3A_928 : i32 to index
        %get3A_930 = tpu.vector_load %arg14[%get3A_929] {strides = array<i32>} : memref<16384xf32, #tpu.memory_space<vmem>>, vector<16xf32>,
        %get3A_931 = vector.shape_cast %get3A_930 : vector<16xf32> to vector<16xf32>
        %mul3A_932 = arith.constant 1.250000e+00 : f32
        %mul3A_933 = vector.broadcast %mul3A_932 : f32 to vector<16xf32>
        %mul3A_934 = arith.mulf %get3A_924, %mul3A_933 : vector<16xf32>
        %exp3A_935 = math.exp %mul3A_934 : vector<16xf32>
        %add3A_936 = arith.addf %add3A_908, %exp3A_935 : vector<16xf32>
        %mul3A_937 = arith.mulf %get3A_931, %exp3A_935 : vector<16xf32>
        %add3A_938 = arith.addf %add3A_910, %mul3A_937 : vector<16xf32>
        %eq3A_939 = vector.broadcast %add3A_917 : i32 to vector<16xi32>
        %eq3A_940 = arith.cmpi eq, %select_n3A_605, %eq3A_939 : vector<16xi32>
        %select_n3A_941 = arith.select %eq3A_940, %get3A_931, %select_n3A_913 : vector<16xi1>, vector<16xf32>
        %mul3A_942 = arith.constant 8 : i32
        %mul3A_943 = arith.muli %scan3A_771, %mul3A_942 : i32
        %add3A_944 = arith.constant 6 : i32
        %add3A_945 = arith.addi %mul3A_943, %add3A_944 : i32
        %mul3A_946 = arith.constant 16 : i32
        %mul3A_947 = arith.muli %add3A_945, %mul3A_946 : i32
        %get3A_948 = arith.constant 0 : i32
        %get3A_949 = arith.index_cast %get3A_948 : i32 to index
        %get3A_950 = arith.index_cast %mul3A_947 : i32 to index
        %get3A_951 = tpu.vector_load %arg12[%get3A_949, %get3A_950] {strides = array<i32>} : memref<4x4096xf32, #tpu.memory_space<vmem>>, vector<1x16xf32>,
        %get3A_952 = vector.shape_cast %get3A_951 : vector<1x16xf32> to vector<16xf32>
        %mul3A_953 = arith.constant 16 : i32
        %mul3A_954 = arith.muli %add3A_945, %mul3A_953 : i32
        %add3A_955 = arith.constant 0 : i32
        %add3A_956 = arith.addi %add3A_955, %mul3A_954 : i32
        %get3A_957 = arith.index_cast %add3A_956 : i32 to index
        %get3A_958 = tpu.vector_load %arg14[%get3A_957] {strides = array<i32>} : memref<16384xf32, #tpu.memory_space<vmem>>, vector<16xf32>,
        %get3A_959 = vector.shape_cast %get3A_958 : vector<16xf32> to vector<16xf32>
        %mul3A_960 = arith.constant 1.250000e+00 : f32
        %mul3A_961 = vector.broadcast %mul3A_960 : f32 to vector<16xf32>
        %mul3A_962 = arith.mulf %get3A_952, %mul3A_961 : vector<16xf32>
        %exp3A_963 = math.exp %mul3A_962 : vector<16xf32>
        %add3A_964 = arith.addf %add3A_936, %exp3A_963 : vector<16xf32>
        %mul3A_965 = arith.mulf %get3A_959, %exp3A_963 : vector<16xf32>
        %add3A_966 = arith.addf %add3A_938, %mul3A_965 : vector<16xf32>
        %eq3A_967 = vector.broadcast %add3A_945 : i32 to vector<16xi32>
        %eq3A_968 = arith.cmpi eq, %select_n3A_605, %eq3A_967 : vector<16xi32>
        %select_n3A_969 = arith.select %eq3A_968, %get3A_959, %select_n3A_941 : vector<16xi1>, vector<16xf32>
        %mul3A_970 = arith.constant 8 : i32
        %mul3A_971 = arith.muli %scan3A_771, %mul3A_970 : i32
        %add3A_972 = arith.constant 7 : i32
        %add3A_973 = arith.addi %mul3A_971, %add3A_972 : i32
        %mul3A_974 = arith.constant 16 : i32
        %mul3A_975 = arith.muli %add3A_973, %mul3A_974 : i32
        %get3A_976 = arith.constant 0 : i32
        %get3A_977 = arith.index_cast %get3A_976 : i32 to index
        %get3A_978 = arith.index_cast %mul3A_975 : i32 to index
        %get3A_979 = tpu.vector_load %arg12[%get3A_977, %get3A_978] {strides = array<i32>} : memref<4x4096xf32, #tpu.memory_space<vmem>>, vector<1x16xf32>,
        %get3A_980 = vector.shape_cast %get3A_979 : vector<1x16xf32> to vector<16xf32>
        %mul3A_981 = arith.constant 16 : i32
        %mul3A_982 = arith.muli %add3A_973, %mul3A_981 : i32
        %add3A_983 = arith.constant 0 : i32
        %add3A_984 = arith.addi %add3A_983, %mul3A_982 : i32
        %get3A_985 = arith.index_cast %add3A_984 : i32 to index
        %get3A_986 = tpu.vector_load %arg14[%get3A_985] {strides = array<i32>} : memref<16384xf32, #tpu.memory_space<vmem>>, vector<16xf32>,
        %get3A_987 = vector.shape_cast %get3A_986 : vector<16xf32> to vector<16xf32>
        %mul3A_988 = arith.constant 1.250000e+00 : f32
        %mul3A_989 = vector.broadcast %mul3A_988 : f32 to vector<16xf32>
        %mul3A_990 = arith.mulf %get3A_980, %mul3A_989 : vector<16xf32>
        %exp3A_991 = math.exp %mul3A_990 : vector<16xf32>
        %add3A_992 = arith.addf %add3A_964, %exp3A_991 : vector<16xf32>
        %mul3A_993 = arith.mulf %get3A_987, %exp3A_991 : vector<16xf32>
        %add3A_994 = arith.addf %add3A_966, %mul3A_993 : vector<16xf32>
        %eq3A_995 = vector.broadcast %add3A_973 : i32 to vector<16xi32>
        %eq3A_996 = arith.cmpi eq, %select_n3A_605, %eq3A_995 : vector<16xi32>
        %select_n3A_997 = arith.select %eq3A_996, %get3A_987, %select_n3A_969 : vector<16xi1>, vector<16xf32>
        scf.yield %add3A_992, %add3A_994, %select_n3A_997 : vector<16xf32>, vector<16xf32>, vector<16xf32>
      }
      %scan3A_614 = arith.constant 32 : i32
      %mul3A_615 = arith.mulf %scan3A_613#0, %mul3A_608 : vector<16xf32>
      %add3A_616 = arith.addf %add3A_451, %mul3A_615 : vector<16xf32>
      %mul3A_617 = arith.mulf %scan3A_613#1, %mul3A_608 : vector<16xf32>
      %add3A_618 = arith.addf %add3A_453, %mul3A_617 : vector<16xf32>
      %mul3A_619 = arith.mulf %scan3A_613#2, %get3A_595 : vector<16xf32>
      %add3A_620 = arith.addf %add3A_455, %mul3A_619 : vector<16xf32>
      %dma_wait3A_621 = arith.constant 0 : i32
      %dma_wait3A_622 = arith.constant 0 : i32
      %dma_wait3A_623 = tpu.memref_slice %arg14[%dma_wait3A_622] : memref<16384xf32, #tpu.memory_space<vmem>> -> memref<4096xf32, #tpu.memory_space<vmem>>
      %dma_wait3A_624 = arith.constant 0 : i32
      %dma_wait3A_625 = tpu.memref_slice %arg2[%dma_wait3A_621, %dma_wait3A_624] : memref<4096x4096xf32, #tpu.memory_space<hbm>> -> memref<1x4096xf32, #tpu.memory_space<hbm>>
      %dma_wait3A_626 = tpu.memref_squeeze %dma_wait3A_625 : memref<1x4096xf32, #tpu.memory_space<hbm>> -> memref<4096xf32, #tpu.memory_space<hbm>>
      %dma_wait3A_627 = arith.constant 0 : i32
      %dma_wait3A_628 = tpu.memref_slice %arg14[%dma_wait3A_627] : memref<16384xf32, #tpu.memory_space<vmem>> -> memref<4096xf32, #tpu.memory_space<vmem>>
      %dma_wait3A_629 = arith.constant 0 : i32
      %dma_wait3A_630 = tpu.memref_slice %arg2[%dma_wait3A_621, %dma_wait3A_629] : memref<4096x4096xf32, #tpu.memory_space<hbm>> -> memref<1x4096xf32, #tpu.memory_space<hbm>>
      %dma_wait3A_631 = tpu.memref_squeeze %dma_wait3A_630 : memref<1x4096xf32, #tpu.memory_space<hbm>> -> memref<4096xf32, #tpu.memory_space<hbm>>
      tpu.wait_dma2 semaphore(%arg17 : memref<!tpu.dma_semaphore, #tpu.memory_space<semaphore_mem>>) src(%dma_wait3A_631 : memref<4096xf32, #tpu.memory_space<hbm>>) dst(%dma_wait3A_628 : memref<4096xf32, #tpu.memory_space<vmem>>)
      %mul3A_632 = arith.constant 4 : i32
      %mul3A_633 = arith.muli %add3A_570, %mul3A_632 : i32
      %add3A_634 = arith.constant 1 : i32
      %add3A_635 = arith.addi %mul3A_633, %add3A_634 : i32
      %mul3A_636 = arith.constant 16 : i32
      %mul3A_637 = arith.muli %add3A_635, %mul3A_636 : i32
      %get3A_638 = arith.index_cast %mul3A_637 : i32 to index
      %get3A_639 = tpu.vector_load %arg9[%get3A_638] {strides = array<i32>} : memref<2048xi32, #tpu.memory_space<vmem>>, vector<16xi32>,
      %get3A_640 = vector.shape_cast %get3A_639 : vector<16xi32> to vector<16xi32>
      %mul3A_641 = arith.constant 16 : i32
      %mul3A_642 = arith.muli %add3A_635, %mul3A_641 : i32
      %get3A_643 = arith.index_cast %mul3A_642 : i32 to index
      %get3A_644 = tpu.vector_load %arg10[%get3A_643] {strides = array<i32>} : memref<2048xf32, #tpu.memory_space<vmem>>, vector<16xf32>,
      %get3A_645 = vector.shape_cast %get3A_644 : vector<16xf32> to vector<16xf32>
      %and3A_646 = arith.constant 15 : i32
      %and3A_647 = vector.broadcast %and3A_646 : i32 to vector<16xi32>
      %and3A_648 = arith.andi %get3A_640, %and3A_647 : vector<16xi32>
      %eq3A_649 = arith.cmpi eq, %iota3A, %and3A_648 : vector<16xi32>
      %shift_right_arithmetic3A_650 = arith.constant 4 : i32
      %shift_right_arithmetic3A_651 = vector.broadcast %shift_right_arithmetic3A_650 : i32 to vector<16xi32>
      %shift_right_arithmetic3A_652 = arith.shrsi %get3A_640, %shift_right_arithmetic3A_651 : vector<16xi32>
      %jit3A_653 = arith.constant -1 : i32
      %broadcast_in_dim3A_654 = vector.broadcast %jit3A_653 : i32 to vector<16xi32>
      %select_n3A_655 = arith.select %eq3A_649, %shift_right_arithmetic3A_652, %broadcast_in_dim3A_654 : vector<16xi1>, vector<16xi32>
      %mul3A_656 = arith.constant 0.286504805 : f32
      %mul3A_657 = vector.broadcast %mul3A_656 : f32 to vector<16xf32>
      %mul3A_658 = arith.mulf %get3A_645, %mul3A_657 : vector<16xf32>
      %scan3A_659 = arith.constant 0 : i32
      %scan3A_660 = arith.constant 32 : i32
      %scan3A_661 = arith.addi %scan3A_659, %scan3A_660 : i32
      %scan3A_662 = arith.constant 1 : i32
      %scan3A_663:3 = scf.for %scan3A_771 = %scan3A_659 to %scan3A_661 step %scan3A_662 iter_args(%scan3A_772 = %broadcast_in_dim3A_9, %scan3A_773 = %broadcast_in_dim3A_9, %scan3A_774 = %broadcast_in_dim3A_9) -> (vector<16xf32>, vector<16xf32>, vector<16xf32>)  : i32 {
        %mul3A_775 = arith.constant 8 : i32
        %mul3A_776 = arith.muli %scan3A_771, %mul3A_775 : i32
        %add3A_777 = arith.constant 0 : i32
        %add3A_778 = arith.addi %mul3A_776, %add3A_777 : i32
        %mul3A_779 = arith.constant 16 : i32
        %mul3A_780 = arith.muli %add3A_778, %mul3A_779 : i32
        %get3A_781 = arith.constant 1 : i32
        %get3A_782 = arith.index_cast %get3A_781 : i32 to index
        %get3A_783 = arith.index_cast %mul3A_780 : i32 to index
        %get3A_784 = tpu.vector_load %arg12[%get3A_782, %get3A_783] {strides = array<i32>} : memref<4x4096xf32, #tpu.memory_space<vmem>>, vector<1x16xf32>,
        %get3A_785 = vector.shape_cast %get3A_784 : vector<1x16xf32> to vector<16xf32>
        %mul3A_786 = arith.constant 16 : i32
        %mul3A_787 = arith.muli %add3A_778, %mul3A_786 : i32
        %add3A_788 = arith.constant 4096 : i32
        %add3A_789 = arith.addi %add3A_788, %mul3A_787 : i32
        %get3A_790 = arith.index_cast %add3A_789 : i32 to index
        %get3A_791 = tpu.vector_load %arg14[%get3A_790] {strides = array<i32>} : memref<16384xf32, #tpu.memory_space<vmem>>, vector<16xf32>,
        %get3A_792 = vector.shape_cast %get3A_791 : vector<16xf32> to vector<16xf32>
        %mul3A_793 = arith.constant 1.250000e+00 : f32
        %mul3A_794 = vector.broadcast %mul3A_793 : f32 to vector<16xf32>
        %mul3A_795 = arith.mulf %get3A_785, %mul3A_794 : vector<16xf32>
        %exp3A = math.exp %mul3A_795 : vector<16xf32>
        %add3A_796 = arith.addf %scan3A_772, %exp3A : vector<16xf32>
        %mul3A_797 = arith.mulf %get3A_792, %exp3A : vector<16xf32>
        %add3A_798 = arith.addf %scan3A_773, %mul3A_797 : vector<16xf32>
        %eq3A_799 = vector.broadcast %add3A_778 : i32 to vector<16xi32>
        %eq3A_800 = arith.cmpi eq, %select_n3A_655, %eq3A_799 : vector<16xi32>
        %select_n3A_801 = arith.select %eq3A_800, %get3A_792, %scan3A_774 : vector<16xi1>, vector<16xf32>
        %mul3A_802 = arith.constant 8 : i32
        %mul3A_803 = arith.muli %scan3A_771, %mul3A_802 : i32
        %add3A_804 = arith.constant 1 : i32
        %add3A_805 = arith.addi %mul3A_803, %add3A_804 : i32
        %mul3A_806 = arith.constant 16 : i32
        %mul3A_807 = arith.muli %add3A_805, %mul3A_806 : i32
        %get3A_808 = arith.constant 1 : i32
        %get3A_809 = arith.index_cast %get3A_808 : i32 to index
        %get3A_810 = arith.index_cast %mul3A_807 : i32 to index
        %get3A_811 = tpu.vector_load %arg12[%get3A_809, %get3A_810] {strides = array<i32>} : memref<4x4096xf32, #tpu.memory_space<vmem>>, vector<1x16xf32>,
        %get3A_812 = vector.shape_cast %get3A_811 : vector<1x16xf32> to vector<16xf32>
        %mul3A_813 = arith.constant 16 : i32
        %mul3A_814 = arith.muli %add3A_805, %mul3A_813 : i32
        %add3A_815 = arith.constant 4096 : i32
        %add3A_816 = arith.addi %add3A_815, %mul3A_814 : i32
        %get3A_817 = arith.index_cast %add3A_816 : i32 to index
        %get3A_818 = tpu.vector_load %arg14[%get3A_817] {strides = array<i32>} : memref<16384xf32, #tpu.memory_space<vmem>>, vector<16xf32>,
        %get3A_819 = vector.shape_cast %get3A_818 : vector<16xf32> to vector<16xf32>
        %mul3A_820 = arith.constant 1.250000e+00 : f32
        %mul3A_821 = vector.broadcast %mul3A_820 : f32 to vector<16xf32>
        %mul3A_822 = arith.mulf %get3A_812, %mul3A_821 : vector<16xf32>
        %exp3A_823 = math.exp %mul3A_822 : vector<16xf32>
        %add3A_824 = arith.addf %add3A_796, %exp3A_823 : vector<16xf32>
        %mul3A_825 = arith.mulf %get3A_819, %exp3A_823 : vector<16xf32>
        %add3A_826 = arith.addf %add3A_798, %mul3A_825 : vector<16xf32>
        %eq3A_827 = vector.broadcast %add3A_805 : i32 to vector<16xi32>
        %eq3A_828 = arith.cmpi eq, %select_n3A_655, %eq3A_827 : vector<16xi32>
        %select_n3A_829 = arith.select %eq3A_828, %get3A_819, %select_n3A_801 : vector<16xi1>, vector<16xf32>
        %mul3A_830 = arith.constant 8 : i32
        %mul3A_831 = arith.muli %scan3A_771, %mul3A_830 : i32
        %add3A_832 = arith.constant 2 : i32
        %add3A_833 = arith.addi %mul3A_831, %add3A_832 : i32
        %mul3A_834 = arith.constant 16 : i32
        %mul3A_835 = arith.muli %add3A_833, %mul3A_834 : i32
        %get3A_836 = arith.constant 1 : i32
        %get3A_837 = arith.index_cast %get3A_836 : i32 to index
        %get3A_838 = arith.index_cast %mul3A_835 : i32 to index
        %get3A_839 = tpu.vector_load %arg12[%get3A_837, %get3A_838] {strides = array<i32>} : memref<4x4096xf32, #tpu.memory_space<vmem>>, vector<1x16xf32>,
        %get3A_840 = vector.shape_cast %get3A_839 : vector<1x16xf32> to vector<16xf32>
        %mul3A_841 = arith.constant 16 : i32
        %mul3A_842 = arith.muli %add3A_833, %mul3A_841 : i32
        %add3A_843 = arith.constant 4096 : i32
        %add3A_844 = arith.addi %add3A_843, %mul3A_842 : i32
        %get3A_845 = arith.index_cast %add3A_844 : i32 to index
        %get3A_846 = tpu.vector_load %arg14[%get3A_845] {strides = array<i32>} : memref<16384xf32, #tpu.memory_space<vmem>>, vector<16xf32>,
        %get3A_847 = vector.shape_cast %get3A_846 : vector<16xf32> to vector<16xf32>
        %mul3A_848 = arith.constant 1.250000e+00 : f32
        %mul3A_849 = vector.broadcast %mul3A_848 : f32 to vector<16xf32>
        %mul3A_850 = arith.mulf %get3A_840, %mul3A_849 : vector<16xf32>
        %exp3A_851 = math.exp %mul3A_850 : vector<16xf32>
        %add3A_852 = arith.addf %add3A_824, %exp3A_851 : vector<16xf32>
        %mul3A_853 = arith.mulf %get3A_847, %exp3A_851 : vector<16xf32>
        %add3A_854 = arith.addf %add3A_826, %mul3A_853 : vector<16xf32>
        %eq3A_855 = vector.broadcast %add3A_833 : i32 to vector<16xi32>
        %eq3A_856 = arith.cmpi eq, %select_n3A_655, %eq3A_855 : vector<16xi32>
        %select_n3A_857 = arith.select %eq3A_856, %get3A_847, %select_n3A_829 : vector<16xi1>, vector<16xf32>
        %mul3A_858 = arith.constant 8 : i32
        %mul3A_859 = arith.muli %scan3A_771, %mul3A_858 : i32
        %add3A_860 = arith.constant 3 : i32
        %add3A_861 = arith.addi %mul3A_859, %add3A_860 : i32
        %mul3A_862 = arith.constant 16 : i32
        %mul3A_863 = arith.muli %add3A_861, %mul3A_862 : i32
        %get3A_864 = arith.constant 1 : i32
        %get3A_865 = arith.index_cast %get3A_864 : i32 to index
        %get3A_866 = arith.index_cast %mul3A_863 : i32 to index
        %get3A_867 = tpu.vector_load %arg12[%get3A_865, %get3A_866] {strides = array<i32>} : memref<4x4096xf32, #tpu.memory_space<vmem>>, vector<1x16xf32>,
        %get3A_868 = vector.shape_cast %get3A_867 : vector<1x16xf32> to vector<16xf32>
        %mul3A_869 = arith.constant 16 : i32
        %mul3A_870 = arith.muli %add3A_861, %mul3A_869 : i32
        %add3A_871 = arith.constant 4096 : i32
        %add3A_872 = arith.addi %add3A_871, %mul3A_870 : i32
        %get3A_873 = arith.index_cast %add3A_872 : i32 to index
        %get3A_874 = tpu.vector_load %arg14[%get3A_873] {strides = array<i32>} : memref<16384xf32, #tpu.memory_space<vmem>>, vector<16xf32>,
        %get3A_875 = vector.shape_cast %get3A_874 : vector<16xf32> to vector<16xf32>
        %mul3A_876 = arith.constant 1.250000e+00 : f32
        %mul3A_877 = vector.broadcast %mul3A_876 : f32 to vector<16xf32>
        %mul3A_878 = arith.mulf %get3A_868, %mul3A_877 : vector<16xf32>
        %exp3A_879 = math.exp %mul3A_878 : vector<16xf32>
        %add3A_880 = arith.addf %add3A_852, %exp3A_879 : vector<16xf32>
        %mul3A_881 = arith.mulf %get3A_875, %exp3A_879 : vector<16xf32>
        %add3A_882 = arith.addf %add3A_854, %mul3A_881 : vector<16xf32>
        %eq3A_883 = vector.broadcast %add3A_861 : i32 to vector<16xi32>
        %eq3A_884 = arith.cmpi eq, %select_n3A_655, %eq3A_883 : vector<16xi32>
        %select_n3A_885 = arith.select %eq3A_884, %get3A_875, %select_n3A_857 : vector<16xi1>, vector<16xf32>
        %mul3A_886 = arith.constant 8 : i32
        %mul3A_887 = arith.muli %scan3A_771, %mul3A_886 : i32
        %add3A_888 = arith.constant 4 : i32
        %add3A_889 = arith.addi %mul3A_887, %add3A_888 : i32
        %mul3A_890 = arith.constant 16 : i32
        %mul3A_891 = arith.muli %add3A_889, %mul3A_890 : i32
        %get3A_892 = arith.constant 1 : i32
        %get3A_893 = arith.index_cast %get3A_892 : i32 to index
        %get3A_894 = arith.index_cast %mul3A_891 : i32 to index
        %get3A_895 = tpu.vector_load %arg12[%get3A_893, %get3A_894] {strides = array<i32>} : memref<4x4096xf32, #tpu.memory_space<vmem>>, vector<1x16xf32>,
        %get3A_896 = vector.shape_cast %get3A_895 : vector<1x16xf32> to vector<16xf32>
        %mul3A_897 = arith.constant 16 : i32
        %mul3A_898 = arith.muli %add3A_889, %mul3A_897 : i32
        %add3A_899 = arith.constant 4096 : i32
        %add3A_900 = arith.addi %add3A_899, %mul3A_898 : i32
        %get3A_901 = arith.index_cast %add3A_900 : i32 to index
        %get3A_902 = tpu.vector_load %arg14[%get3A_901] {strides = array<i32>} : memref<16384xf32, #tpu.memory_space<vmem>>, vector<16xf32>,
        %get3A_903 = vector.shape_cast %get3A_902 : vector<16xf32> to vector<16xf32>
        %mul3A_904 = arith.constant 1.250000e+00 : f32
        %mul3A_905 = vector.broadcast %mul3A_904 : f32 to vector<16xf32>
        %mul3A_906 = arith.mulf %get3A_896, %mul3A_905 : vector<16xf32>
        %exp3A_907 = math.exp %mul3A_906 : vector<16xf32>
        %add3A_908 = arith.addf %add3A_880, %exp3A_907 : vector<16xf32>
        %mul3A_909 = arith.mulf %get3A_903, %exp3A_907 : vector<16xf32>
        %add3A_910 = arith.addf %add3A_882, %mul3A_909 : vector<16xf32>
        %eq3A_911 = vector.broadcast %add3A_889 : i32 to vector<16xi32>
        %eq3A_912 = arith.cmpi eq, %select_n3A_655, %eq3A_911 : vector<16xi32>
        %select_n3A_913 = arith.select %eq3A_912, %get3A_903, %select_n3A_885 : vector<16xi1>, vector<16xf32>
        %mul3A_914 = arith.constant 8 : i32
        %mul3A_915 = arith.muli %scan3A_771, %mul3A_914 : i32
        %add3A_916 = arith.constant 5 : i32
        %add3A_917 = arith.addi %mul3A_915, %add3A_916 : i32
        %mul3A_918 = arith.constant 16 : i32
        %mul3A_919 = arith.muli %add3A_917, %mul3A_918 : i32
        %get3A_920 = arith.constant 1 : i32
        %get3A_921 = arith.index_cast %get3A_920 : i32 to index
        %get3A_922 = arith.index_cast %mul3A_919 : i32 to index
        %get3A_923 = tpu.vector_load %arg12[%get3A_921, %get3A_922] {strides = array<i32>} : memref<4x4096xf32, #tpu.memory_space<vmem>>, vector<1x16xf32>,
        %get3A_924 = vector.shape_cast %get3A_923 : vector<1x16xf32> to vector<16xf32>
        %mul3A_925 = arith.constant 16 : i32
        %mul3A_926 = arith.muli %add3A_917, %mul3A_925 : i32
        %add3A_927 = arith.constant 4096 : i32
        %add3A_928 = arith.addi %add3A_927, %mul3A_926 : i32
        %get3A_929 = arith.index_cast %add3A_928 : i32 to index
        %get3A_930 = tpu.vector_load %arg14[%get3A_929] {strides = array<i32>} : memref<16384xf32, #tpu.memory_space<vmem>>, vector<16xf32>,
        %get3A_931 = vector.shape_cast %get3A_930 : vector<16xf32> to vector<16xf32>
        %mul3A_932 = arith.constant 1.250000e+00 : f32
        %mul3A_933 = vector.broadcast %mul3A_932 : f32 to vector<16xf32>
        %mul3A_934 = arith.mulf %get3A_924, %mul3A_933 : vector<16xf32>
        %exp3A_935 = math.exp %mul3A_934 : vector<16xf32>
        %add3A_936 = arith.addf %add3A_908, %exp3A_935 : vector<16xf32>
        %mul3A_937 = arith.mulf %get3A_931, %exp3A_935 : vector<16xf32>
        %add3A_938 = arith.addf %add3A_910, %mul3A_937 : vector<16xf32>
        %eq3A_939 = vector.broadcast %add3A_917 : i32 to vector<16xi32>
        %eq3A_940 = arith.cmpi eq, %select_n3A_655, %eq3A_939 : vector<16xi32>
        %select_n3A_941 = arith.select %eq3A_940, %get3A_931, %select_n3A_913 : vector<16xi1>, vector<16xf32>
        %mul3A_942 = arith.constant 8 : i32
        %mul3A_943 = arith.muli %scan3A_771, %mul3A_942 : i32
        %add3A_944 = arith.constant 6 : i32
        %add3A_945 = arith.addi %mul3A_943, %add3A_944 : i32
        %mul3A_946 = arith.constant 16 : i32
        %mul3A_947 = arith.muli %add3A_945, %mul3A_946 : i32
        %get3A_948 = arith.constant 1 : i32
        %get3A_949 = arith.index_cast %get3A_948 : i32 to index
        %get3A_950 = arith.index_cast %mul3A_947 : i32 to index
        %get3A_951 = tpu.vector_load %arg12[%get3A_949, %get3A_950] {strides = array<i32>} : memref<4x4096xf32, #tpu.memory_space<vmem>>, vector<1x16xf32>,
        %get3A_952 = vector.shape_cast %get3A_951 : vector<1x16xf32> to vector<16xf32>
        %mul3A_953 = arith.constant 16 : i32
        %mul3A_954 = arith.muli %add3A_945, %mul3A_953 : i32
        %add3A_955 = arith.constant 4096 : i32
        %add3A_956 = arith.addi %add3A_955, %mul3A_954 : i32
        %get3A_957 = arith.index_cast %add3A_956 : i32 to index
        %get3A_958 = tpu.vector_load %arg14[%get3A_957] {strides = array<i32>} : memref<16384xf32, #tpu.memory_space<vmem>>, vector<16xf32>,
        %get3A_959 = vector.shape_cast %get3A_958 : vector<16xf32> to vector<16xf32>
        %mul3A_960 = arith.constant 1.250000e+00 : f32
        %mul3A_961 = vector.broadcast %mul3A_960 : f32 to vector<16xf32>
        %mul3A_962 = arith.mulf %get3A_952, %mul3A_961 : vector<16xf32>
        %exp3A_963 = math.exp %mul3A_962 : vector<16xf32>
        %add3A_964 = arith.addf %add3A_936, %exp3A_963 : vector<16xf32>
        %mul3A_965 = arith.mulf %get3A_959, %exp3A_963 : vector<16xf32>
        %add3A_966 = arith.addf %add3A_938, %mul3A_965 : vector<16xf32>
        %eq3A_967 = vector.broadcast %add3A_945 : i32 to vector<16xi32>
        %eq3A_968 = arith.cmpi eq, %select_n3A_655, %eq3A_967 : vector<16xi32>
        %select_n3A_969 = arith.select %eq3A_968, %get3A_959, %select_n3A_941 : vector<16xi1>, vector<16xf32>
        %mul3A_970 = arith.constant 8 : i32
        %mul3A_971 = arith.muli %scan3A_771, %mul3A_970 : i32
        %add3A_972 = arith.constant 7 : i32
        %add3A_973 = arith.addi %mul3A_971, %add3A_972 : i32
        %mul3A_974 = arith.constant 16 : i32
        %mul3A_975 = arith.muli %add3A_973, %mul3A_974 : i32
        %get3A_976 = arith.constant 1 : i32
        %get3A_977 = arith.index_cast %get3A_976 : i32 to index
        %get3A_978 = arith.index_cast %mul3A_975 : i32 to index
        %get3A_979 = tpu.vector_load %arg12[%get3A_977, %get3A_978] {strides = array<i32>} : memref<4x4096xf32, #tpu.memory_space<vmem>>, vector<1x16xf32>,
        %get3A_980 = vector.shape_cast %get3A_979 : vector<1x16xf32> to vector<16xf32>
        %mul3A_981 = arith.constant 16 : i32
        %mul3A_982 = arith.muli %add3A_973, %mul3A_981 : i32
        %add3A_983 = arith.constant 4096 : i32
        %add3A_984 = arith.addi %add3A_983, %mul3A_982 : i32
        %get3A_985 = arith.index_cast %add3A_984 : i32 to index
        %get3A_986 = tpu.vector_load %arg14[%get3A_985] {strides = array<i32>} : memref<16384xf32, #tpu.memory_space<vmem>>, vector<16xf32>,
        %get3A_987 = vector.shape_cast %get3A_986 : vector<16xf32> to vector<16xf32>
        %mul3A_988 = arith.constant 1.250000e+00 : f32
        %mul3A_989 = vector.broadcast %mul3A_988 : f32 to vector<16xf32>
        %mul3A_990 = arith.mulf %get3A_980, %mul3A_989 : vector<16xf32>
        %exp3A_991 = math.exp %mul3A_990 : vector<16xf32>
        %add3A_992 = arith.addf %add3A_964, %exp3A_991 : vector<16xf32>
        %mul3A_993 = arith.mulf %get3A_987, %exp3A_991 : vector<16xf32>
        %add3A_994 = arith.addf %add3A_966, %mul3A_993 : vector<16xf32>
        %eq3A_995 = vector.broadcast %add3A_973 : i32 to vector<16xi32>
        %eq3A_996 = arith.cmpi eq, %select_n3A_655, %eq3A_995 : vector<16xi32>
        %select_n3A_997 = arith.select %eq3A_996, %get3A_987, %select_n3A_969 : vector<16xi1>, vector<16xf32>
        scf.yield %add3A_992, %add3A_994, %select_n3A_997 : vector<16xf32>, vector<16xf32>, vector<16xf32>
      }
      %scan3A_664 = arith.constant 32 : i32
      %mul3A_665 = arith.mulf %scan3A_663#0, %mul3A_658 : vector<16xf32>
      %add3A_666 = arith.addf %add3A_616, %mul3A_665 : vector<16xf32>
      %mul3A_667 = arith.mulf %scan3A_663#1, %mul3A_658 : vector<16xf32>
      %add3A_668 = arith.addf %add3A_618, %mul3A_667 : vector<16xf32>
      %mul3A_669 = arith.mulf %scan3A_663#2, %get3A_645 : vector<16xf32>
      %add3A_670 = arith.addf %add3A_620, %mul3A_669 : vector<16xf32>
      %dma_wait3A_671 = arith.constant 0 : i32
      %dma_wait3A_672 = arith.constant 0 : i32
      %dma_wait3A_673 = tpu.memref_slice %arg14[%dma_wait3A_672] : memref<16384xf32, #tpu.memory_space<vmem>> -> memref<4096xf32, #tpu.memory_space<vmem>>
      %dma_wait3A_674 = arith.constant 0 : i32
      %dma_wait3A_675 = tpu.memref_slice %arg2[%dma_wait3A_671, %dma_wait3A_674] : memref<4096x4096xf32, #tpu.memory_space<hbm>> -> memref<1x4096xf32, #tpu.memory_space<hbm>>
      %dma_wait3A_676 = tpu.memref_squeeze %dma_wait3A_675 : memref<1x4096xf32, #tpu.memory_space<hbm>> -> memref<4096xf32, #tpu.memory_space<hbm>>
      %dma_wait3A_677 = arith.constant 0 : i32
      %dma_wait3A_678 = tpu.memref_slice %arg14[%dma_wait3A_677] : memref<16384xf32, #tpu.memory_space<vmem>> -> memref<4096xf32, #tpu.memory_space<vmem>>
      %dma_wait3A_679 = arith.constant 0 : i32
      %dma_wait3A_680 = tpu.memref_slice %arg2[%dma_wait3A_671, %dma_wait3A_679] : memref<4096x4096xf32, #tpu.memory_space<hbm>> -> memref<1x4096xf32, #tpu.memory_space<hbm>>
      %dma_wait3A_681 = tpu.memref_squeeze %dma_wait3A_680 : memref<1x4096xf32, #tpu.memory_space<hbm>> -> memref<4096xf32, #tpu.memory_space<hbm>>
      tpu.wait_dma2 semaphore(%arg17 : memref<!tpu.dma_semaphore, #tpu.memory_space<semaphore_mem>>) src(%dma_wait3A_681 : memref<4096xf32, #tpu.memory_space<hbm>>) dst(%dma_wait3A_678 : memref<4096xf32, #tpu.memory_space<vmem>>)
      %mul3A_682 = arith.constant 4 : i32
      %mul3A_683 = arith.muli %add3A_570, %mul3A_682 : i32
      %add3A_684 = arith.constant 2 : i32
      %add3A_685 = arith.addi %mul3A_683, %add3A_684 : i32
      %mul3A_686 = arith.constant 16 : i32
      %mul3A_687 = arith.muli %add3A_685, %mul3A_686 : i32
      %get3A_688 = arith.index_cast %mul3A_687 : i32 to index
      %get3A_689 = tpu.vector_load %arg9[%get3A_688] {strides = array<i32>} : memref<2048xi32, #tpu.memory_space<vmem>>, vector<16xi32>,
      %get3A_690 = vector.shape_cast %get3A_689 : vector<16xi32> to vector<16xi32>
      %mul3A_691 = arith.constant 16 : i32
      %mul3A_692 = arith.muli %add3A_685, %mul3A_691 : i32
      %get3A_693 = arith.index_cast %mul3A_692 : i32 to index
      %get3A_694 = tpu.vector_load %arg10[%get3A_693] {strides = array<i32>} : memref<2048xf32, #tpu.memory_space<vmem>>, vector<16xf32>,
      %get3A_695 = vector.shape_cast %get3A_694 : vector<16xf32> to vector<16xf32>
      %and3A_696 = arith.constant 15 : i32
      %and3A_697 = vector.broadcast %and3A_696 : i32 to vector<16xi32>
      %and3A_698 = arith.andi %get3A_690, %and3A_697 : vector<16xi32>
      %eq3A_699 = arith.cmpi eq, %iota3A, %and3A_698 : vector<16xi32>
      %shift_right_arithmetic3A_700 = arith.constant 4 : i32
      %shift_right_arithmetic3A_701 = vector.broadcast %shift_right_arithmetic3A_700 : i32 to vector<16xi32>
      %shift_right_arithmetic3A_702 = arith.shrsi %get3A_690, %shift_right_arithmetic3A_701 : vector<16xi32>
      %jit3A_703 = arith.constant -1 : i32
      %broadcast_in_dim3A_704 = vector.broadcast %jit3A_703 : i32 to vector<16xi32>
      %select_n3A_705 = arith.select %eq3A_699, %shift_right_arithmetic3A_702, %broadcast_in_dim3A_704 : vector<16xi1>, vector<16xi32>
      %mul3A_706 = arith.constant 0.286504805 : f32
      %mul3A_707 = vector.broadcast %mul3A_706 : f32 to vector<16xf32>
      %mul3A_708 = arith.mulf %get3A_695, %mul3A_707 : vector<16xf32>
      %scan3A_709 = arith.constant 0 : i32
      %scan3A_710 = arith.constant 32 : i32
      %scan3A_711 = arith.addi %scan3A_709, %scan3A_710 : i32
      %scan3A_712 = arith.constant 1 : i32
      %scan3A_713:3 = scf.for %scan3A_771 = %scan3A_709 to %scan3A_711 step %scan3A_712 iter_args(%scan3A_772 = %broadcast_in_dim3A_9, %scan3A_773 = %broadcast_in_dim3A_9, %scan3A_774 = %broadcast_in_dim3A_9) -> (vector<16xf32>, vector<16xf32>, vector<16xf32>)  : i32 {
        %mul3A_775 = arith.constant 8 : i32
        %mul3A_776 = arith.muli %scan3A_771, %mul3A_775 : i32
        %add3A_777 = arith.constant 0 : i32
        %add3A_778 = arith.addi %mul3A_776, %add3A_777 : i32
        %mul3A_779 = arith.constant 16 : i32
        %mul3A_780 = arith.muli %add3A_778, %mul3A_779 : i32
        %get3A_781 = arith.constant 2 : i32
        %get3A_782 = arith.index_cast %get3A_781 : i32 to index
        %get3A_783 = arith.index_cast %mul3A_780 : i32 to index
        %get3A_784 = tpu.vector_load %arg12[%get3A_782, %get3A_783] {strides = array<i32>} : memref<4x4096xf32, #tpu.memory_space<vmem>>, vector<1x16xf32>,
        %get3A_785 = vector.shape_cast %get3A_784 : vector<1x16xf32> to vector<16xf32>
        %mul3A_786 = arith.constant 16 : i32
        %mul3A_787 = arith.muli %add3A_778, %mul3A_786 : i32
        %add3A_788 = arith.constant 8192 : i32
        %add3A_789 = arith.addi %add3A_788, %mul3A_787 : i32
        %get3A_790 = arith.index_cast %add3A_789 : i32 to index
        %get3A_791 = tpu.vector_load %arg14[%get3A_790] {strides = array<i32>} : memref<16384xf32, #tpu.memory_space<vmem>>, vector<16xf32>,
        %get3A_792 = vector.shape_cast %get3A_791 : vector<16xf32> to vector<16xf32>
        %mul3A_793 = arith.constant 1.250000e+00 : f32
        %mul3A_794 = vector.broadcast %mul3A_793 : f32 to vector<16xf32>
        %mul3A_795 = arith.mulf %get3A_785, %mul3A_794 : vector<16xf32>
        %exp3A = math.exp %mul3A_795 : vector<16xf32>
        %add3A_796 = arith.addf %scan3A_772, %exp3A : vector<16xf32>
        %mul3A_797 = arith.mulf %get3A_792, %exp3A : vector<16xf32>
        %add3A_798 = arith.addf %scan3A_773, %mul3A_797 : vector<16xf32>
        %eq3A_799 = vector.broadcast %add3A_778 : i32 to vector<16xi32>
        %eq3A_800 = arith.cmpi eq, %select_n3A_705, %eq3A_799 : vector<16xi32>
        %select_n3A_801 = arith.select %eq3A_800, %get3A_792, %scan3A_774 : vector<16xi1>, vector<16xf32>
        %mul3A_802 = arith.constant 8 : i32
        %mul3A_803 = arith.muli %scan3A_771, %mul3A_802 : i32
        %add3A_804 = arith.constant 1 : i32
        %add3A_805 = arith.addi %mul3A_803, %add3A_804 : i32
        %mul3A_806 = arith.constant 16 : i32
        %mul3A_807 = arith.muli %add3A_805, %mul3A_806 : i32
        %get3A_808 = arith.constant 2 : i32
        %get3A_809 = arith.index_cast %get3A_808 : i32 to index
        %get3A_810 = arith.index_cast %mul3A_807 : i32 to index
        %get3A_811 = tpu.vector_load %arg12[%get3A_809, %get3A_810] {strides = array<i32>} : memref<4x4096xf32, #tpu.memory_space<vmem>>, vector<1x16xf32>,
        %get3A_812 = vector.shape_cast %get3A_811 : vector<1x16xf32> to vector<16xf32>
        %mul3A_813 = arith.constant 16 : i32
        %mul3A_814 = arith.muli %add3A_805, %mul3A_813 : i32
        %add3A_815 = arith.constant 8192 : i32
        %add3A_816 = arith.addi %add3A_815, %mul3A_814 : i32
        %get3A_817 = arith.index_cast %add3A_816 : i32 to index
        %get3A_818 = tpu.vector_load %arg14[%get3A_817] {strides = array<i32>} : memref<16384xf32, #tpu.memory_space<vmem>>, vector<16xf32>,
        %get3A_819 = vector.shape_cast %get3A_818 : vector<16xf32> to vector<16xf32>
        %mul3A_820 = arith.constant 1.250000e+00 : f32
        %mul3A_821 = vector.broadcast %mul3A_820 : f32 to vector<16xf32>
        %mul3A_822 = arith.mulf %get3A_812, %mul3A_821 : vector<16xf32>
        %exp3A_823 = math.exp %mul3A_822 : vector<16xf32>
        %add3A_824 = arith.addf %add3A_796, %exp3A_823 : vector<16xf32>
        %mul3A_825 = arith.mulf %get3A_819, %exp3A_823 : vector<16xf32>
        %add3A_826 = arith.addf %add3A_798, %mul3A_825 : vector<16xf32>
        %eq3A_827 = vector.broadcast %add3A_805 : i32 to vector<16xi32>
        %eq3A_828 = arith.cmpi eq, %select_n3A_705, %eq3A_827 : vector<16xi32>
        %select_n3A_829 = arith.select %eq3A_828, %get3A_819, %select_n3A_801 : vector<16xi1>, vector<16xf32>
        %mul3A_830 = arith.constant 8 : i32
        %mul3A_831 = arith.muli %scan3A_771, %mul3A_830 : i32
        %add3A_832 = arith.constant 2 : i32
        %add3A_833 = arith.addi %mul3A_831, %add3A_832 : i32
        %mul3A_834 = arith.constant 16 : i32
        %mul3A_835 = arith.muli %add3A_833, %mul3A_834 : i32
        %get3A_836 = arith.constant 2 : i32
        %get3A_837 = arith.index_cast %get3A_836 : i32 to index
        %get3A_838 = arith.index_cast %mul3A_835 : i32 to index
        %get3A_839 = tpu.vector_load %arg12[%get3A_837, %get3A_838] {strides = array<i32>} : memref<4x4096xf32, #tpu.memory_space<vmem>>, vector<1x16xf32>,
        %get3A_840 = vector.shape_cast %get3A_839 : vector<1x16xf32> to vector<16xf32>
        %mul3A_841 = arith.constant 16 : i32
        %mul3A_842 = arith.muli %add3A_833, %mul3A_841 : i32
        %add3A_843 = arith.constant 8192 : i32
        %add3A_844 = arith.addi %add3A_843, %mul3A_842 : i32
        %get3A_845 = arith.index_cast %add3A_844 : i32 to index
        %get3A_846 = tpu.vector_load %arg14[%get3A_845] {strides = array<i32>} : memref<16384xf32, #tpu.memory_space<vmem>>, vector<16xf32>,
        %get3A_847 = vector.shape_cast %get3A_846 : vector<16xf32> to vector<16xf32>
        %mul3A_848 = arith.constant 1.250000e+00 : f32
        %mul3A_849 = vector.broadcast %mul3A_848 : f32 to vector<16xf32>
        %mul3A_850 = arith.mulf %get3A_840, %mul3A_849 : vector<16xf32>
        %exp3A_851 = math.exp %mul3A_850 : vector<16xf32>
        %add3A_852 = arith.addf %add3A_824, %exp3A_851 : vector<16xf32>
        %mul3A_853 = arith.mulf %get3A_847, %exp3A_851 : vector<16xf32>
        %add3A_854 = arith.addf %add3A_826, %mul3A_853 : vector<16xf32>
        %eq3A_855 = vector.broadcast %add3A_833 : i32 to vector<16xi32>
        %eq3A_856 = arith.cmpi eq, %select_n3A_705, %eq3A_855 : vector<16xi32>
        %select_n3A_857 = arith.select %eq3A_856, %get3A_847, %select_n3A_829 : vector<16xi1>, vector<16xf32>
        %mul3A_858 = arith.constant 8 : i32
        %mul3A_859 = arith.muli %scan3A_771, %mul3A_858 : i32
        %add3A_860 = arith.constant 3 : i32
        %add3A_861 = arith.addi %mul3A_859, %add3A_860 : i32
        %mul3A_862 = arith.constant 16 : i32
        %mul3A_863 = arith.muli %add3A_861, %mul3A_862 : i32
        %get3A_864 = arith.constant 2 : i32
        %get3A_865 = arith.index_cast %get3A_864 : i32 to index
        %get3A_866 = arith.index_cast %mul3A_863 : i32 to index
        %get3A_867 = tpu.vector_load %arg12[%get3A_865, %get3A_866] {strides = array<i32>} : memref<4x4096xf32, #tpu.memory_space<vmem>>, vector<1x16xf32>,
        %get3A_868 = vector.shape_cast %get3A_867 : vector<1x16xf32> to vector<16xf32>
        %mul3A_869 = arith.constant 16 : i32
        %mul3A_870 = arith.muli %add3A_861, %mul3A_869 : i32
        %add3A_871 = arith.constant 8192 : i32
        %add3A_872 = arith.addi %add3A_871, %mul3A_870 : i32
        %get3A_873 = arith.index_cast %add3A_872 : i32 to index
        %get3A_874 = tpu.vector_load %arg14[%get3A_873] {strides = array<i32>} : memref<16384xf32, #tpu.memory_space<vmem>>, vector<16xf32>,
        %get3A_875 = vector.shape_cast %get3A_874 : vector<16xf32> to vector<16xf32>
        %mul3A_876 = arith.constant 1.250000e+00 : f32
        %mul3A_877 = vector.broadcast %mul3A_876 : f32 to vector<16xf32>
        %mul3A_878 = arith.mulf %get3A_868, %mul3A_877 : vector<16xf32>
        %exp3A_879 = math.exp %mul3A_878 : vector<16xf32>
        %add3A_880 = arith.addf %add3A_852, %exp3A_879 : vector<16xf32>
        %mul3A_881 = arith.mulf %get3A_875, %exp3A_879 : vector<16xf32>
        %add3A_882 = arith.addf %add3A_854, %mul3A_881 : vector<16xf32>
        %eq3A_883 = vector.broadcast %add3A_861 : i32 to vector<16xi32>
        %eq3A_884 = arith.cmpi eq, %select_n3A_705, %eq3A_883 : vector<16xi32>
        %select_n3A_885 = arith.select %eq3A_884, %get3A_875, %select_n3A_857 : vector<16xi1>, vector<16xf32>
        %mul3A_886 = arith.constant 8 : i32
        %mul3A_887 = arith.muli %scan3A_771, %mul3A_886 : i32
        %add3A_888 = arith.constant 4 : i32
        %add3A_889 = arith.addi %mul3A_887, %add3A_888 : i32
        %mul3A_890 = arith.constant 16 : i32
        %mul3A_891 = arith.muli %add3A_889, %mul3A_890 : i32
        %get3A_892 = arith.constant 2 : i32
        %get3A_893 = arith.index_cast %get3A_892 : i32 to index
        %get3A_894 = arith.index_cast %mul3A_891 : i32 to index
        %get3A_895 = tpu.vector_load %arg12[%get3A_893, %get3A_894] {strides = array<i32>} : memref<4x4096xf32, #tpu.memory_space<vmem>>, vector<1x16xf32>,
        %get3A_896 = vector.shape_cast %get3A_895 : vector<1x16xf32> to vector<16xf32>
        %mul3A_897 = arith.constant 16 : i32
        %mul3A_898 = arith.muli %add3A_889, %mul3A_897 : i32
        %add3A_899 = arith.constant 8192 : i32
        %add3A_900 = arith.addi %add3A_899, %mul3A_898 : i32
        %get3A_901 = arith.index_cast %add3A_900 : i32 to index
        %get3A_902 = tpu.vector_load %arg14[%get3A_901] {strides = array<i32>} : memref<16384xf32, #tpu.memory_space<vmem>>, vector<16xf32>,
        %get3A_903 = vector.shape_cast %get3A_902 : vector<16xf32> to vector<16xf32>
        %mul3A_904 = arith.constant 1.250000e+00 : f32
        %mul3A_905 = vector.broadcast %mul3A_904 : f32 to vector<16xf32>
        %mul3A_906 = arith.mulf %get3A_896, %mul3A_905 : vector<16xf32>
        %exp3A_907 = math.exp %mul3A_906 : vector<16xf32>
        %add3A_908 = arith.addf %add3A_880, %exp3A_907 : vector<16xf32>
        %mul3A_909 = arith.mulf %get3A_903, %exp3A_907 : vector<16xf32>
        %add3A_910 = arith.addf %add3A_882, %mul3A_909 : vector<16xf32>
        %eq3A_911 = vector.broadcast %add3A_889 : i32 to vector<16xi32>
        %eq3A_912 = arith.cmpi eq, %select_n3A_705, %eq3A_911 : vector<16xi32>
        %select_n3A_913 = arith.select %eq3A_912, %get3A_903, %select_n3A_885 : vector<16xi1>, vector<16xf32>
        %mul3A_914 = arith.constant 8 : i32
        %mul3A_915 = arith.muli %scan3A_771, %mul3A_914 : i32
        %add3A_916 = arith.constant 5 : i32
        %add3A_917 = arith.addi %mul3A_915, %add3A_916 : i32
        %mul3A_918 = arith.constant 16 : i32
        %mul3A_919 = arith.muli %add3A_917, %mul3A_918 : i32
        %get3A_920 = arith.constant 2 : i32
        %get3A_921 = arith.index_cast %get3A_920 : i32 to index
        %get3A_922 = arith.index_cast %mul3A_919 : i32 to index
        %get3A_923 = tpu.vector_load %arg12[%get3A_921, %get3A_922] {strides = array<i32>} : memref<4x4096xf32, #tpu.memory_space<vmem>>, vector<1x16xf32>,
        %get3A_924 = vector.shape_cast %get3A_923 : vector<1x16xf32> to vector<16xf32>
        %mul3A_925 = arith.constant 16 : i32
        %mul3A_926 = arith.muli %add3A_917, %mul3A_925 : i32
        %add3A_927 = arith.constant 8192 : i32
        %add3A_928 = arith.addi %add3A_927, %mul3A_926 : i32
        %get3A_929 = arith.index_cast %add3A_928 : i32 to index
        %get3A_930 = tpu.vector_load %arg14[%get3A_929] {strides = array<i32>} : memref<16384xf32, #tpu.memory_space<vmem>>, vector<16xf32>,
        %get3A_931 = vector.shape_cast %get3A_930 : vector<16xf32> to vector<16xf32>
        %mul3A_932 = arith.constant 1.250000e+00 : f32
        %mul3A_933 = vector.broadcast %mul3A_932 : f32 to vector<16xf32>
        %mul3A_934 = arith.mulf %get3A_924, %mul3A_933 : vector<16xf32>
        %exp3A_935 = math.exp %mul3A_934 : vector<16xf32>
        %add3A_936 = arith.addf %add3A_908, %exp3A_935 : vector<16xf32>
        %mul3A_937 = arith.mulf %get3A_931, %exp3A_935 : vector<16xf32>
        %add3A_938 = arith.addf %add3A_910, %mul3A_937 : vector<16xf32>
        %eq3A_939 = vector.broadcast %add3A_917 : i32 to vector<16xi32>
        %eq3A_940 = arith.cmpi eq, %select_n3A_705, %eq3A_939 : vector<16xi32>
        %select_n3A_941 = arith.select %eq3A_940, %get3A_931, %select_n3A_913 : vector<16xi1>, vector<16xf32>
        %mul3A_942 = arith.constant 8 : i32
        %mul3A_943 = arith.muli %scan3A_771, %mul3A_942 : i32
        %add3A_944 = arith.constant 6 : i32
        %add3A_945 = arith.addi %mul3A_943, %add3A_944 : i32
        %mul3A_946 = arith.constant 16 : i32
        %mul3A_947 = arith.muli %add3A_945, %mul3A_946 : i32
        %get3A_948 = arith.constant 2 : i32
        %get3A_949 = arith.index_cast %get3A_948 : i32 to index
        %get3A_950 = arith.index_cast %mul3A_947 : i32 to index
        %get3A_951 = tpu.vector_load %arg12[%get3A_949, %get3A_950] {strides = array<i32>} : memref<4x4096xf32, #tpu.memory_space<vmem>>, vector<1x16xf32>,
        %get3A_952 = vector.shape_cast %get3A_951 : vector<1x16xf32> to vector<16xf32>
        %mul3A_953 = arith.constant 16 : i32
        %mul3A_954 = arith.muli %add3A_945, %mul3A_953 : i32
        %add3A_955 = arith.constant 8192 : i32
        %add3A_956 = arith.addi %add3A_955, %mul3A_954 : i32
        %get3A_957 = arith.index_cast %add3A_956 : i32 to index
        %get3A_958 = tpu.vector_load %arg14[%get3A_957] {strides = array<i32>} : memref<16384xf32, #tpu.memory_space<vmem>>, vector<16xf32>,
        %get3A_959 = vector.shape_cast %get3A_958 : vector<16xf32> to vector<16xf32>
        %mul3A_960 = arith.constant 1.250000e+00 : f32
        %mul3A_961 = vector.broadcast %mul3A_960 : f32 to vector<16xf32>
        %mul3A_962 = arith.mulf %get3A_952, %mul3A_961 : vector<16xf32>
        %exp3A_963 = math.exp %mul3A_962 : vector<16xf32>
        %add3A_964 = arith.addf %add3A_936, %exp3A_963 : vector<16xf32>
        %mul3A_965 = arith.mulf %get3A_959, %exp3A_963 : vector<16xf32>
        %add3A_966 = arith.addf %add3A_938, %mul3A_965 : vector<16xf32>
        %eq3A_967 = vector.broadcast %add3A_945 : i32 to vector<16xi32>
        %eq3A_968 = arith.cmpi eq, %select_n3A_705, %eq3A_967 : vector<16xi32>
        %select_n3A_969 = arith.select %eq3A_968, %get3A_959, %select_n3A_941 : vector<16xi1>, vector<16xf32>
        %mul3A_970 = arith.constant 8 : i32
        %mul3A_971 = arith.muli %scan3A_771, %mul3A_970 : i32
        %add3A_972 = arith.constant 7 : i32
        %add3A_973 = arith.addi %mul3A_971, %add3A_972 : i32
        %mul3A_974 = arith.constant 16 : i32
        %mul3A_975 = arith.muli %add3A_973, %mul3A_974 : i32
        %get3A_976 = arith.constant 2 : i32
        %get3A_977 = arith.index_cast %get3A_976 : i32 to index
        %get3A_978 = arith.index_cast %mul3A_975 : i32 to index
        %get3A_979 = tpu.vector_load %arg12[%get3A_977, %get3A_978] {strides = array<i32>} : memref<4x4096xf32, #tpu.memory_space<vmem>>, vector<1x16xf32>,
        %get3A_980 = vector.shape_cast %get3A_979 : vector<1x16xf32> to vector<16xf32>
        %mul3A_981 = arith.constant 16 : i32
        %mul3A_982 = arith.muli %add3A_973, %mul3A_981 : i32
        %add3A_983 = arith.constant 8192 : i32
        %add3A_984 = arith.addi %add3A_983, %mul3A_982 : i32
        %get3A_985 = arith.index_cast %add3A_984 : i32 to index
        %get3A_986 = tpu.vector_load %arg14[%get3A_985] {strides = array<i32>} : memref<16384xf32, #tpu.memory_space<vmem>>, vector<16xf32>,
        %get3A_987 = vector.shape_cast %get3A_986 : vector<16xf32> to vector<16xf32>
        %mul3A_988 = arith.constant 1.250000e+00 : f32
        %mul3A_989 = vector.broadcast %mul3A_988 : f32 to vector<16xf32>
        %mul3A_990 = arith.mulf %get3A_980, %mul3A_989 : vector<16xf32>
        %exp3A_991 = math.exp %mul3A_990 : vector<16xf32>
        %add3A_992 = arith.addf %add3A_964, %exp3A_991 : vector<16xf32>
        %mul3A_993 = arith.mulf %get3A_987, %exp3A_991 : vector<16xf32>
        %add3A_994 = arith.addf %add3A_966, %mul3A_993 : vector<16xf32>
        %eq3A_995 = vector.broadcast %add3A_973 : i32 to vector<16xi32>
        %eq3A_996 = arith.cmpi eq, %select_n3A_705, %eq3A_995 : vector<16xi32>
        %select_n3A_997 = arith.select %eq3A_996, %get3A_987, %select_n3A_969 : vector<16xi1>, vector<16xf32>
        scf.yield %add3A_992, %add3A_994, %select_n3A_997 : vector<16xf32>, vector<16xf32>, vector<16xf32>
      }
      %scan3A_714 = arith.constant 32 : i32
      %mul3A_715 = arith.mulf %scan3A_713#0, %mul3A_708 : vector<16xf32>
      %add3A_716 = arith.addf %add3A_666, %mul3A_715 : vector<16xf32>
      %mul3A_717 = arith.mulf %scan3A_713#1, %mul3A_708 : vector<16xf32>
      %add3A_718 = arith.addf %add3A_668, %mul3A_717 : vector<16xf32>
      %mul3A_719 = arith.mulf %scan3A_713#2, %get3A_695 : vector<16xf32>
      %add3A_720 = arith.addf %add3A_670, %mul3A_719 : vector<16xf32>
      %dma_wait3A_721 = arith.constant 0 : i32
      %dma_wait3A_722 = arith.constant 0 : i32
      %dma_wait3A_723 = tpu.memref_slice %arg14[%dma_wait3A_722] : memref<16384xf32, #tpu.memory_space<vmem>> -> memref<4096xf32, #tpu.memory_space<vmem>>
      %dma_wait3A_724 = arith.constant 0 : i32
      %dma_wait3A_725 = tpu.memref_slice %arg2[%dma_wait3A_721, %dma_wait3A_724] : memref<4096x4096xf32, #tpu.memory_space<hbm>> -> memref<1x4096xf32, #tpu.memory_space<hbm>>
      %dma_wait3A_726 = tpu.memref_squeeze %dma_wait3A_725 : memref<1x4096xf32, #tpu.memory_space<hbm>> -> memref<4096xf32, #tpu.memory_space<hbm>>
      %dma_wait3A_727 = arith.constant 0 : i32
      %dma_wait3A_728 = tpu.memref_slice %arg14[%dma_wait3A_727] : memref<16384xf32, #tpu.memory_space<vmem>> -> memref<4096xf32, #tpu.memory_space<vmem>>
      %dma_wait3A_729 = arith.constant 0 : i32
      %dma_wait3A_730 = tpu.memref_slice %arg2[%dma_wait3A_721, %dma_wait3A_729] : memref<4096x4096xf32, #tpu.memory_space<hbm>> -> memref<1x4096xf32, #tpu.memory_space<hbm>>
      %dma_wait3A_731 = tpu.memref_squeeze %dma_wait3A_730 : memref<1x4096xf32, #tpu.memory_space<hbm>> -> memref<4096xf32, #tpu.memory_space<hbm>>
      tpu.wait_dma2 semaphore(%arg17 : memref<!tpu.dma_semaphore, #tpu.memory_space<semaphore_mem>>) src(%dma_wait3A_731 : memref<4096xf32, #tpu.memory_space<hbm>>) dst(%dma_wait3A_728 : memref<4096xf32, #tpu.memory_space<vmem>>)
      %mul3A_732 = arith.constant 4 : i32
      %mul3A_733 = arith.muli %add3A_570, %mul3A_732 : i32
      %add3A_734 = arith.constant 3 : i32
      %add3A_735 = arith.addi %mul3A_733, %add3A_734 : i32
      %mul3A_736 = arith.constant 16 : i32
      %mul3A_737 = arith.muli %add3A_735, %mul3A_736 : i32
      %get3A_738 = arith.index_cast %mul3A_737 : i32 to index
      %get3A_739 = tpu.vector_load %arg9[%get3A_738] {strides = array<i32>} : memref<2048xi32, #tpu.memory_space<vmem>>, vector<16xi32>,
      %get3A_740 = vector.shape_cast %get3A_739 : vector<16xi32> to vector<16xi32>
      %mul3A_741 = arith.constant 16 : i32
      %mul3A_742 = arith.muli %add3A_735, %mul3A_741 : i32
      %get3A_743 = arith.index_cast %mul3A_742 : i32 to index
      %get3A_744 = tpu.vector_load %arg10[%get3A_743] {strides = array<i32>} : memref<2048xf32, #tpu.memory_space<vmem>>, vector<16xf32>,
      %get3A_745 = vector.shape_cast %get3A_744 : vector<16xf32> to vector<16xf32>
      %and3A_746 = arith.constant 15 : i32
      %and3A_747 = vector.broadcast %and3A_746 : i32 to vector<16xi32>
      %and3A_748 = arith.andi %get3A_740, %and3A_747 : vector<16xi32>
      %eq3A_749 = arith.cmpi eq, %iota3A, %and3A_748 : vector<16xi32>
      %shift_right_arithmetic3A_750 = arith.constant 4 : i32
      %shift_right_arithmetic3A_751 = vector.broadcast %shift_right_arithmetic3A_750 : i32 to vector<16xi32>
      %shift_right_arithmetic3A_752 = arith.shrsi %get3A_740, %shift_right_arithmetic3A_751 : vector<16xi32>
      %jit3A_753 = arith.constant -1 : i32
      %broadcast_in_dim3A_754 = vector.broadcast %jit3A_753 : i32 to vector<16xi32>
      %select_n3A_755 = arith.select %eq3A_749, %shift_right_arithmetic3A_752, %broadcast_in_dim3A_754 : vector<16xi1>, vector<16xi32>
      %mul3A_756 = arith.constant 0.286504805 : f32
      %mul3A_757 = vector.broadcast %mul3A_756 : f32 to vector<16xf32>
      %mul3A_758 = arith.mulf %get3A_745, %mul3A_757 : vector<16xf32>
      %scan3A_759 = arith.constant 0 : i32
      %scan3A_760 = arith.constant 32 : i32
      %scan3A_761 = arith.addi %scan3A_759, %scan3A_760 : i32
      %scan3A_762 = arith.constant 1 : i32
      %scan3A_763:3 = scf.for %scan3A_771 = %scan3A_759 to %scan3A_761 step %scan3A_762 iter_args(%scan3A_772 = %broadcast_in_dim3A_9, %scan3A_773 = %broadcast_in_dim3A_9, %scan3A_774 = %broadcast_in_dim3A_9) -> (vector<16xf32>, vector<16xf32>, vector<16xf32>)  : i32 {
        %mul3A_775 = arith.constant 8 : i32
        %mul3A_776 = arith.muli %scan3A_771, %mul3A_775 : i32
        %add3A_777 = arith.constant 0 : i32
        %add3A_778 = arith.addi %mul3A_776, %add3A_777 : i32
        %mul3A_779 = arith.constant 16 : i32
        %mul3A_780 = arith.muli %add3A_778, %mul3A_779 : i32
        %get3A_781 = arith.constant 3 : i32
        %get3A_782 = arith.index_cast %get3A_781 : i32 to index
        %get3A_783 = arith.index_cast %mul3A_780 : i32 to index
        %get3A_784 = tpu.vector_load %arg12[%get3A_782, %get3A_783] {strides = array<i32>} : memref<4x4096xf32, #tpu.memory_space<vmem>>, vector<1x16xf32>,
        %get3A_785 = vector.shape_cast %get3A_784 : vector<1x16xf32> to vector<16xf32>
        %mul3A_786 = arith.constant 16 : i32
        %mul3A_787 = arith.muli %add3A_778, %mul3A_786 : i32
        %add3A_788 = arith.constant 12288 : i32
        %add3A_789 = arith.addi %add3A_788, %mul3A_787 : i32
        %get3A_790 = arith.index_cast %add3A_789 : i32 to index
        %get3A_791 = tpu.vector_load %arg14[%get3A_790] {strides = array<i32>} : memref<16384xf32, #tpu.memory_space<vmem>>, vector<16xf32>,
        %get3A_792 = vector.shape_cast %get3A_791 : vector<16xf32> to vector<16xf32>
        %mul3A_793 = arith.constant 1.250000e+00 : f32
        %mul3A_794 = vector.broadcast %mul3A_793 : f32 to vector<16xf32>
        %mul3A_795 = arith.mulf %get3A_785, %mul3A_794 : vector<16xf32>
        %exp3A = math.exp %mul3A_795 : vector<16xf32>
        %add3A_796 = arith.addf %scan3A_772, %exp3A : vector<16xf32>
        %mul3A_797 = arith.mulf %get3A_792, %exp3A : vector<16xf32>
        %add3A_798 = arith.addf %scan3A_773, %mul3A_797 : vector<16xf32>
        %eq3A_799 = vector.broadcast %add3A_778 : i32 to vector<16xi32>
        %eq3A_800 = arith.cmpi eq, %select_n3A_755, %eq3A_799 : vector<16xi32>
        %select_n3A_801 = arith.select %eq3A_800, %get3A_792, %scan3A_774 : vector<16xi1>, vector<16xf32>
        %mul3A_802 = arith.constant 8 : i32
        %mul3A_803 = arith.muli %scan3A_771, %mul3A_802 : i32
        %add3A_804 = arith.constant 1 : i32
        %add3A_805 = arith.addi %mul3A_803, %add3A_804 : i32
        %mul3A_806 = arith.constant 16 : i32
        %mul3A_807 = arith.muli %add3A_805, %mul3A_806 : i32
        %get3A_808 = arith.constant 3 : i32
        %get3A_809 = arith.index_cast %get3A_808 : i32 to index
        %get3A_810 = arith.index_cast %mul3A_807 : i32 to index
        %get3A_811 = tpu.vector_load %arg12[%get3A_809, %get3A_810] {strides = array<i32>} : memref<4x4096xf32, #tpu.memory_space<vmem>>, vector<1x16xf32>,
        %get3A_812 = vector.shape_cast %get3A_811 : vector<1x16xf32> to vector<16xf32>
        %mul3A_813 = arith.constant 16 : i32
        %mul3A_814 = arith.muli %add3A_805, %mul3A_813 : i32
        %add3A_815 = arith.constant 12288 : i32
        %add3A_816 = arith.addi %add3A_815, %mul3A_814 : i32
        %get3A_817 = arith.index_cast %add3A_816 : i32 to index
        %get3A_818 = tpu.vector_load %arg14[%get3A_817] {strides = array<i32>} : memref<16384xf32, #tpu.memory_space<vmem>>, vector<16xf32>,
        %get3A_819 = vector.shape_cast %get3A_818 : vector<16xf32> to vector<16xf32>
        %mul3A_820 = arith.constant 1.250000e+00 : f32
        %mul3A_821 = vector.broadcast %mul3A_820 : f32 to vector<16xf32>
        %mul3A_822 = arith.mulf %get3A_812, %mul3A_821 : vector<16xf32>
        %exp3A_823 = math.exp %mul3A_822 : vector<16xf32>
        %add3A_824 = arith.addf %add3A_796, %exp3A_823 : vector<16xf32>
        %mul3A_825 = arith.mulf %get3A_819, %exp3A_823 : vector<16xf32>
        %add3A_826 = arith.addf %add3A_798, %mul3A_825 : vector<16xf32>
        %eq3A_827 = vector.broadcast %add3A_805 : i32 to vector<16xi32>
        %eq3A_828 = arith.cmpi eq, %select_n3A_755, %eq3A_827 : vector<16xi32>
        %select_n3A_829 = arith.select %eq3A_828, %get3A_819, %select_n3A_801 : vector<16xi1>, vector<16xf32>
        %mul3A_830 = arith.constant 8 : i32
        %mul3A_831 = arith.muli %scan3A_771, %mul3A_830 : i32
        %add3A_832 = arith.constant 2 : i32
        %add3A_833 = arith.addi %mul3A_831, %add3A_832 : i32
        %mul3A_834 = arith.constant 16 : i32
        %mul3A_835 = arith.muli %add3A_833, %mul3A_834 : i32
        %get3A_836 = arith.constant 3 : i32
        %get3A_837 = arith.index_cast %get3A_836 : i32 to index
        %get3A_838 = arith.index_cast %mul3A_835 : i32 to index
        %get3A_839 = tpu.vector_load %arg12[%get3A_837, %get3A_838] {strides = array<i32>} : memref<4x4096xf32, #tpu.memory_space<vmem>>, vector<1x16xf32>,
        %get3A_840 = vector.shape_cast %get3A_839 : vector<1x16xf32> to vector<16xf32>
        %mul3A_841 = arith.constant 16 : i32
        %mul3A_842 = arith.muli %add3A_833, %mul3A_841 : i32
        %add3A_843 = arith.constant 12288 : i32
        %add3A_844 = arith.addi %add3A_843, %mul3A_842 : i32
        %get3A_845 = arith.index_cast %add3A_844 : i32 to index
        %get3A_846 = tpu.vector_load %arg14[%get3A_845] {strides = array<i32>} : memref<16384xf32, #tpu.memory_space<vmem>>, vector<16xf32>,
        %get3A_847 = vector.shape_cast %get3A_846 : vector<16xf32> to vector<16xf32>
        %mul3A_848 = arith.constant 1.250000e+00 : f32
        %mul3A_849 = vector.broadcast %mul3A_848 : f32 to vector<16xf32>
        %mul3A_850 = arith.mulf %get3A_840, %mul3A_849 : vector<16xf32>
        %exp3A_851 = math.exp %mul3A_850 : vector<16xf32>
        %add3A_852 = arith.addf %add3A_824, %exp3A_851 : vector<16xf32>
        %mul3A_853 = arith.mulf %get3A_847, %exp3A_851 : vector<16xf32>
        %add3A_854 = arith.addf %add3A_826, %mul3A_853 : vector<16xf32>
        %eq3A_855 = vector.broadcast %add3A_833 : i32 to vector<16xi32>
        %eq3A_856 = arith.cmpi eq, %select_n3A_755, %eq3A_855 : vector<16xi32>
        %select_n3A_857 = arith.select %eq3A_856, %get3A_847, %select_n3A_829 : vector<16xi1>, vector<16xf32>
        %mul3A_858 = arith.constant 8 : i32
        %mul3A_859 = arith.muli %scan3A_771, %mul3A_858 : i32
        %add3A_860 = arith.constant 3 : i32
        %add3A_861 = arith.addi %mul3A_859, %add3A_860 : i32
        %mul3A_862 = arith.constant 16 : i32
        %mul3A_863 = arith.muli %add3A_861, %mul3A_862 : i32
        %get3A_864 = arith.constant 3 : i32
        %get3A_865 = arith.index_cast %get3A_864 : i32 to index
        %get3A_866 = arith.index_cast %mul3A_863 : i32 to index
        %get3A_867 = tpu.vector_load %arg12[%get3A_865, %get3A_866] {strides = array<i32>} : memref<4x4096xf32, #tpu.memory_space<vmem>>, vector<1x16xf32>,
        %get3A_868 = vector.shape_cast %get3A_867 : vector<1x16xf32> to vector<16xf32>
        %mul3A_869 = arith.constant 16 : i32
        %mul3A_870 = arith.muli %add3A_861, %mul3A_869 : i32
        %add3A_871 = arith.constant 12288 : i32
        %add3A_872 = arith.addi %add3A_871, %mul3A_870 : i32
        %get3A_873 = arith.index_cast %add3A_872 : i32 to index
        %get3A_874 = tpu.vector_load %arg14[%get3A_873] {strides = array<i32>} : memref<16384xf32, #tpu.memory_space<vmem>>, vector<16xf32>,
        %get3A_875 = vector.shape_cast %get3A_874 : vector<16xf32> to vector<16xf32>
        %mul3A_876 = arith.constant 1.250000e+00 : f32
        %mul3A_877 = vector.broadcast %mul3A_876 : f32 to vector<16xf32>
        %mul3A_878 = arith.mulf %get3A_868, %mul3A_877 : vector<16xf32>
        %exp3A_879 = math.exp %mul3A_878 : vector<16xf32>
        %add3A_880 = arith.addf %add3A_852, %exp3A_879 : vector<16xf32>
        %mul3A_881 = arith.mulf %get3A_875, %exp3A_879 : vector<16xf32>
        %add3A_882 = arith.addf %add3A_854, %mul3A_881 : vector<16xf32>
        %eq3A_883 = vector.broadcast %add3A_861 : i32 to vector<16xi32>
        %eq3A_884 = arith.cmpi eq, %select_n3A_755, %eq3A_883 : vector<16xi32>
        %select_n3A_885 = arith.select %eq3A_884, %get3A_875, %select_n3A_857 : vector<16xi1>, vector<16xf32>
        %mul3A_886 = arith.constant 8 : i32
        %mul3A_887 = arith.muli %scan3A_771, %mul3A_886 : i32
        %add3A_888 = arith.constant 4 : i32
        %add3A_889 = arith.addi %mul3A_887, %add3A_888 : i32
        %mul3A_890 = arith.constant 16 : i32
        %mul3A_891 = arith.muli %add3A_889, %mul3A_890 : i32
        %get3A_892 = arith.constant 3 : i32
        %get3A_893 = arith.index_cast %get3A_892 : i32 to index
        %get3A_894 = arith.index_cast %mul3A_891 : i32 to index
        %get3A_895 = tpu.vector_load %arg12[%get3A_893, %get3A_894] {strides = array<i32>} : memref<4x4096xf32, #tpu.memory_space<vmem>>, vector<1x16xf32>,
        %get3A_896 = vector.shape_cast %get3A_895 : vector<1x16xf32> to vector<16xf32>
        %mul3A_897 = arith.constant 16 : i32
        %mul3A_898 = arith.muli %add3A_889, %mul3A_897 : i32
        %add3A_899 = arith.constant 12288 : i32
        %add3A_900 = arith.addi %add3A_899, %mul3A_898 : i32
        %get3A_901 = arith.index_cast %add3A_900 : i32 to index
        %get3A_902 = tpu.vector_load %arg14[%get3A_901] {strides = array<i32>} : memref<16384xf32, #tpu.memory_space<vmem>>, vector<16xf32>,
        %get3A_903 = vector.shape_cast %get3A_902 : vector<16xf32> to vector<16xf32>
        %mul3A_904 = arith.constant 1.250000e+00 : f32
        %mul3A_905 = vector.broadcast %mul3A_904 : f32 to vector<16xf32>
        %mul3A_906 = arith.mulf %get3A_896, %mul3A_905 : vector<16xf32>
        %exp3A_907 = math.exp %mul3A_906 : vector<16xf32>
        %add3A_908 = arith.addf %add3A_880, %exp3A_907 : vector<16xf32>
        %mul3A_909 = arith.mulf %get3A_903, %exp3A_907 : vector<16xf32>
        %add3A_910 = arith.addf %add3A_882, %mul3A_909 : vector<16xf32>
        %eq3A_911 = vector.broadcast %add3A_889 : i32 to vector<16xi32>
        %eq3A_912 = arith.cmpi eq, %select_n3A_755, %eq3A_911 : vector<16xi32>
        %select_n3A_913 = arith.select %eq3A_912, %get3A_903, %select_n3A_885 : vector<16xi1>, vector<16xf32>
        %mul3A_914 = arith.constant 8 : i32
        %mul3A_915 = arith.muli %scan3A_771, %mul3A_914 : i32
        %add3A_916 = arith.constant 5 : i32
        %add3A_917 = arith.addi %mul3A_915, %add3A_916 : i32
        %mul3A_918 = arith.constant 16 : i32
        %mul3A_919 = arith.muli %add3A_917, %mul3A_918 : i32
        %get3A_920 = arith.constant 3 : i32
        %get3A_921 = arith.index_cast %get3A_920 : i32 to index
        %get3A_922 = arith.index_cast %mul3A_919 : i32 to index
        %get3A_923 = tpu.vector_load %arg12[%get3A_921, %get3A_922] {strides = array<i32>} : memref<4x4096xf32, #tpu.memory_space<vmem>>, vector<1x16xf32>,
        %get3A_924 = vector.shape_cast %get3A_923 : vector<1x16xf32> to vector<16xf32>
        %mul3A_925 = arith.constant 16 : i32
        %mul3A_926 = arith.muli %add3A_917, %mul3A_925 : i32
        %add3A_927 = arith.constant 12288 : i32
        %add3A_928 = arith.addi %add3A_927, %mul3A_926 : i32
        %get3A_929 = arith.index_cast %add3A_928 : i32 to index
        %get3A_930 = tpu.vector_load %arg14[%get3A_929] {strides = array<i32>} : memref<16384xf32, #tpu.memory_space<vmem>>, vector<16xf32>,
        %get3A_931 = vector.shape_cast %get3A_930 : vector<16xf32> to vector<16xf32>
        %mul3A_932 = arith.constant 1.250000e+00 : f32
        %mul3A_933 = vector.broadcast %mul3A_932 : f32 to vector<16xf32>
        %mul3A_934 = arith.mulf %get3A_924, %mul3A_933 : vector<16xf32>
        %exp3A_935 = math.exp %mul3A_934 : vector<16xf32>
        %add3A_936 = arith.addf %add3A_908, %exp3A_935 : vector<16xf32>
        %mul3A_937 = arith.mulf %get3A_931, %exp3A_935 : vector<16xf32>
        %add3A_938 = arith.addf %add3A_910, %mul3A_937 : vector<16xf32>
        %eq3A_939 = vector.broadcast %add3A_917 : i32 to vector<16xi32>
        %eq3A_940 = arith.cmpi eq, %select_n3A_755, %eq3A_939 : vector<16xi32>
        %select_n3A_941 = arith.select %eq3A_940, %get3A_931, %select_n3A_913 : vector<16xi1>, vector<16xf32>
        %mul3A_942 = arith.constant 8 : i32
        %mul3A_943 = arith.muli %scan3A_771, %mul3A_942 : i32
        %add3A_944 = arith.constant 6 : i32
        %add3A_945 = arith.addi %mul3A_943, %add3A_944 : i32
        %mul3A_946 = arith.constant 16 : i32
        %mul3A_947 = arith.muli %add3A_945, %mul3A_946 : i32
        %get3A_948 = arith.constant 3 : i32
        %get3A_949 = arith.index_cast %get3A_948 : i32 to index
        %get3A_950 = arith.index_cast %mul3A_947 : i32 to index
        %get3A_951 = tpu.vector_load %arg12[%get3A_949, %get3A_950] {strides = array<i32>} : memref<4x4096xf32, #tpu.memory_space<vmem>>, vector<1x16xf32>,
        %get3A_952 = vector.shape_cast %get3A_951 : vector<1x16xf32> to vector<16xf32>
        %mul3A_953 = arith.constant 16 : i32
        %mul3A_954 = arith.muli %add3A_945, %mul3A_953 : i32
        %add3A_955 = arith.constant 12288 : i32
        %add3A_956 = arith.addi %add3A_955, %mul3A_954 : i32
        %get3A_957 = arith.index_cast %add3A_956 : i32 to index
        %get3A_958 = tpu.vector_load %arg14[%get3A_957] {strides = array<i32>} : memref<16384xf32, #tpu.memory_space<vmem>>, vector<16xf32>,
        %get3A_959 = vector.shape_cast %get3A_958 : vector<16xf32> to vector<16xf32>
        %mul3A_960 = arith.constant 1.250000e+00 : f32
        %mul3A_961 = vector.broadcast %mul3A_960 : f32 to vector<16xf32>
        %mul3A_962 = arith.mulf %get3A_952, %mul3A_961 : vector<16xf32>
        %exp3A_963 = math.exp %mul3A_962 : vector<16xf32>
        %add3A_964 = arith.addf %add3A_936, %exp3A_963 : vector<16xf32>
        %mul3A_965 = arith.mulf %get3A_959, %exp3A_963 : vector<16xf32>
        %add3A_966 = arith.addf %add3A_938, %mul3A_965 : vector<16xf32>
        %eq3A_967 = vector.broadcast %add3A_945 : i32 to vector<16xi32>
        %eq3A_968 = arith.cmpi eq, %select_n3A_755, %eq3A_967 : vector<16xi32>
        %select_n3A_969 = arith.select %eq3A_968, %get3A_959, %select_n3A_941 : vector<16xi1>, vector<16xf32>
        %mul3A_970 = arith.constant 8 : i32
        %mul3A_971 = arith.muli %scan3A_771, %mul3A_970 : i32
        %add3A_972 = arith.constant 7 : i32
        %add3A_973 = arith.addi %mul3A_971, %add3A_972 : i32
        %mul3A_974 = arith.constant 16 : i32
        %mul3A_975 = arith.muli %add3A_973, %mul3A_974 : i32
        %get3A_976 = arith.constant 3 : i32
        %get3A_977 = arith.index_cast %get3A_976 : i32 to index
        %get3A_978 = arith.index_cast %mul3A_975 : i32 to index
        %get3A_979 = tpu.vector_load %arg12[%get3A_977, %get3A_978] {strides = array<i32>} : memref<4x4096xf32, #tpu.memory_space<vmem>>, vector<1x16xf32>,
        %get3A_980 = vector.shape_cast %get3A_979 : vector<1x16xf32> to vector<16xf32>
        %mul3A_981 = arith.constant 16 : i32
        %mul3A_982 = arith.muli %add3A_973, %mul3A_981 : i32
        %add3A_983 = arith.constant 12288 : i32
        %add3A_984 = arith.addi %add3A_983, %mul3A_982 : i32
        %get3A_985 = arith.index_cast %add3A_984 : i32 to index
        %get3A_986 = tpu.vector_load %arg14[%get3A_985] {strides = array<i32>} : memref<16384xf32, #tpu.memory_space<vmem>>, vector<16xf32>,
        %get3A_987 = vector.shape_cast %get3A_986 : vector<16xf32> to vector<16xf32>
        %mul3A_988 = arith.constant 1.250000e+00 : f32
        %mul3A_989 = vector.broadcast %mul3A_988 : f32 to vector<16xf32>
        %mul3A_990 = arith.mulf %get3A_980, %mul3A_989 : vector<16xf32>
        %exp3A_991 = math.exp %mul3A_990 : vector<16xf32>
        %add3A_992 = arith.addf %add3A_964, %exp3A_991 : vector<16xf32>
        %mul3A_993 = arith.mulf %get3A_987, %exp3A_991 : vector<16xf32>
        %add3A_994 = arith.addf %add3A_966, %mul3A_993 : vector<16xf32>
        %eq3A_995 = vector.broadcast %add3A_973 : i32 to vector<16xi32>
        %eq3A_996 = arith.cmpi eq, %select_n3A_755, %eq3A_995 : vector<16xi32>
        %select_n3A_997 = arith.select %eq3A_996, %get3A_987, %select_n3A_969 : vector<16xi1>, vector<16xf32>
        scf.yield %add3A_992, %add3A_994, %select_n3A_997 : vector<16xf32>, vector<16xf32>, vector<16xf32>
      }
      %scan3A_764 = arith.constant 32 : i32
      %mul3A_765 = arith.mulf %scan3A_763#0, %mul3A_758 : vector<16xf32>
      %add3A_766 = arith.addf %add3A_716, %mul3A_765 : vector<16xf32>
      %mul3A_767 = arith.mulf %scan3A_763#1, %mul3A_758 : vector<16xf32>
      %add3A_768 = arith.addf %add3A_718, %mul3A_767 : vector<16xf32>
      %mul3A_769 = arith.mulf %scan3A_763#2, %get3A_745 : vector<16xf32>
      %add3A_770 = arith.addf %add3A_720, %mul3A_769 : vector<16xf32>
      scf.yield %add3A_766, %add3A_768, %add3A_770 : vector<16xf32>, vector<16xf32>, vector<16xf32>
    }
    %scan3A_76 = arith.constant 16 : i32
    %dma_wait3A = arith.constant 0 : i32
    %dma_wait3A_77 = arith.constant 0 : i32
    %dma_wait3A_78 = tpu.memref_slice %arg8[%dma_wait3A, %dma_wait3A_77] : memref<32x4xi32, #tpu.memory_space<vmem>> -> memref<1x4xi32, #tpu.memory_space<vmem>>
    %dma_wait3A_79 = tpu.memref_squeeze %dma_wait3A_78 : memref<1x4xi32, #tpu.memory_space<vmem>> -> memref<4xi32, #tpu.memory_space<vmem>>
    %dma_wait3A_80 = arith.constant 0 : i32
    %dma_wait3A_81 = arith.constant 0 : i32
    %dma_wait3A_82 = tpu.memref_slice %arg6[%dma_wait3A_80, %dma_wait3A_81] : memref<4096x4096xf32, #tpu.memory_space<hbm>> -> memref<4096x4096xf32, #tpu.memory_space<hbm>>
    tpu.wait_indirect_dma semaphore(%arg16 : memref<!tpu.dma_semaphore, #tpu.memory_space<semaphore_mem>>) src(%dma_wait3A_82 : memref<4096x4096xf32, #tpu.memory_space<hbm>>) dst(%arg11 : memref<4x4096xf32, #tpu.memory_space<vmem>>)
    %dma_wait3A_83 = arith.constant 0 : i32
    %dma_wait3A_84 = arith.constant 0 : i32
    %dma_wait3A_85 = tpu.memref_slice %arg13[%dma_wait3A_84] : memref<16384xf32, #tpu.memory_space<vmem>> -> memref<4096xf32, #tpu.memory_space<vmem>>
    %dma_wait3A_86 = arith.constant 0 : i32
    %dma_wait3A_87 = tpu.memref_slice %arg2[%dma_wait3A_83, %dma_wait3A_86] : memref<4096x4096xf32, #tpu.memory_space<hbm>> -> memref<1x4096xf32, #tpu.memory_space<hbm>>
    %dma_wait3A_88 = tpu.memref_squeeze %dma_wait3A_87 : memref<1x4096xf32, #tpu.memory_space<hbm>> -> memref<4096xf32, #tpu.memory_space<hbm>>
    %dma_wait3A_89 = arith.constant 0 : i32
    %dma_wait3A_90 = tpu.memref_slice %arg13[%dma_wait3A_89] : memref<16384xf32, #tpu.memory_space<vmem>> -> memref<4096xf32, #tpu.memory_space<vmem>>
    %dma_wait3A_91 = arith.constant 0 : i32
    %dma_wait3A_92 = tpu.memref_slice %arg2[%dma_wait3A_83, %dma_wait3A_91] : memref<4096x4096xf32, #tpu.memory_space<hbm>> -> memref<1x4096xf32, #tpu.memory_space<hbm>>
    %dma_wait3A_93 = tpu.memref_squeeze %dma_wait3A_92 : memref<1x4096xf32, #tpu.memory_space<hbm>> -> memref<4096xf32, #tpu.memory_space<hbm>>
    tpu.wait_dma2 semaphore(%arg18 : memref<!tpu.dma_semaphore, #tpu.memory_space<semaphore_mem>>) src(%dma_wait3A_93 : memref<4096xf32, #tpu.memory_space<hbm>>) dst(%dma_wait3A_90 : memref<4096xf32, #tpu.memory_space<vmem>>)
    %dma_wait3A_94 = arith.constant 0 : i32
    %dma_wait3A_95 = arith.constant 4096 : i32
    %dma_wait3A_96 = tpu.memref_slice %arg13[%dma_wait3A_95] : memref<16384xf32, #tpu.memory_space<vmem>> -> memref<4096xf32, #tpu.memory_space<vmem>>
    %dma_wait3A_97 = arith.constant 0 : i32
    %dma_wait3A_98 = tpu.memref_slice %arg2[%dma_wait3A_94, %dma_wait3A_97] : memref<4096x4096xf32, #tpu.memory_space<hbm>> -> memref<1x4096xf32, #tpu.memory_space<hbm>>
    %dma_wait3A_99 = tpu.memref_squeeze %dma_wait3A_98 : memref<1x4096xf32, #tpu.memory_space<hbm>> -> memref<4096xf32, #tpu.memory_space<hbm>>
    %dma_wait3A_100 = arith.constant 4096 : i32
    %dma_wait3A_101 = tpu.memref_slice %arg13[%dma_wait3A_100] : memref<16384xf32, #tpu.memory_space<vmem>> -> memref<4096xf32, #tpu.memory_space<vmem>>
    %dma_wait3A_102 = arith.constant 0 : i32
    %dma_wait3A_103 = tpu.memref_slice %arg2[%dma_wait3A_94, %dma_wait3A_102] : memref<4096x4096xf32, #tpu.memory_space<hbm>> -> memref<1x4096xf32, #tpu.memory_space<hbm>>
    %dma_wait3A_104 = tpu.memref_squeeze %dma_wait3A_103 : memref<1x4096xf32, #tpu.memory_space<hbm>> -> memref<4096xf32, #tpu.memory_space<hbm>>
    tpu.wait_dma2 semaphore(%arg18 : memref<!tpu.dma_semaphore, #tpu.memory_space<semaphore_mem>>) src(%dma_wait3A_104 : memref<4096xf32, #tpu.memory_space<hbm>>) dst(%dma_wait3A_101 : memref<4096xf32, #tpu.memory_space<vmem>>)
    %dma_wait3A_105 = arith.constant 0 : i32
    %dma_wait3A_106 = arith.constant 8192 : i32
    %dma_wait3A_107 = tpu.memref_slice %arg13[%dma_wait3A_106] : memref<16384xf32, #tpu.memory_space<vmem>> -> memref<4096xf32, #tpu.memory_space<vmem>>
    %dma_wait3A_108 = arith.constant 0 : i32
    %dma_wait3A_109 = tpu.memref_slice %arg2[%dma_wait3A_105, %dma_wait3A_108] : memref<4096x4096xf32, #tpu.memory_space<hbm>> -> memref<1x4096xf32, #tpu.memory_space<hbm>>
    %dma_wait3A_110 = tpu.memref_squeeze %dma_wait3A_109 : memref<1x4096xf32, #tpu.memory_space<hbm>> -> memref<4096xf32, #tpu.memory_space<hbm>>
    %dma_wait3A_111 = arith.constant 8192 : i32
    %dma_wait3A_112 = tpu.memref_slice %arg13[%dma_wait3A_111] : memref<16384xf32, #tpu.memory_space<vmem>> -> memref<4096xf32, #tpu.memory_space<vmem>>
    %dma_wait3A_113 = arith.constant 0 : i32
    %dma_wait3A_114 = tpu.memref_slice %arg2[%dma_wait3A_105, %dma_wait3A_113] : memref<4096x4096xf32, #tpu.memory_space<hbm>> -> memref<1x4096xf32, #tpu.memory_space<hbm>>
    %dma_wait3A_115 = tpu.memref_squeeze %dma_wait3A_114 : memref<1x4096xf32, #tpu.memory_space<hbm>> -> memref<4096xf32, #tpu.memory_space<hbm>>
    tpu.wait_dma2 semaphore(%arg18 : memref<!tpu.dma_semaphore, #tpu.memory_space<semaphore_mem>>) src(%dma_wait3A_115 : memref<4096xf32, #tpu.memory_space<hbm>>) dst(%dma_wait3A_112 : memref<4096xf32, #tpu.memory_space<vmem>>)
    %dma_wait3A_116 = arith.constant 0 : i32
    %dma_wait3A_117 = arith.constant 12288 : i32
    %dma_wait3A_118 = tpu.memref_slice %arg13[%dma_wait3A_117] : memref<16384xf32, #tpu.memory_space<vmem>> -> memref<4096xf32, #tpu.memory_space<vmem>>
    %dma_wait3A_119 = arith.constant 0 : i32
    %dma_wait3A_120 = tpu.memref_slice %arg2[%dma_wait3A_116, %dma_wait3A_119] : memref<4096x4096xf32, #tpu.memory_space<hbm>> -> memref<1x4096xf32, #tpu.memory_space<hbm>>
    %dma_wait3A_121 = tpu.memref_squeeze %dma_wait3A_120 : memref<1x4096xf32, #tpu.memory_space<hbm>> -> memref<4096xf32, #tpu.memory_space<hbm>>
    %dma_wait3A_122 = arith.constant 12288 : i32
    %dma_wait3A_123 = tpu.memref_slice %arg13[%dma_wait3A_122] : memref<16384xf32, #tpu.memory_space<vmem>> -> memref<4096xf32, #tpu.memory_space<vmem>>
    %dma_wait3A_124 = arith.constant 0 : i32
    %dma_wait3A_125 = tpu.memref_slice %arg2[%dma_wait3A_116, %dma_wait3A_124] : memref<4096x4096xf32, #tpu.memory_space<hbm>> -> memref<1x4096xf32, #tpu.memory_space<hbm>>
    %dma_wait3A_126 = tpu.memref_squeeze %dma_wait3A_125 : memref<1x4096xf32, #tpu.memory_space<hbm>> -> memref<4096xf32, #tpu.memory_space<hbm>>
    tpu.wait_dma2 semaphore(%arg18 : memref<!tpu.dma_semaphore, #tpu.memory_space<semaphore_mem>>) src(%dma_wait3A_126 : memref<4096xf32, #tpu.memory_space<hbm>>) dst(%dma_wait3A_123 : memref<4096xf32, #tpu.memory_space<vmem>>)
    %swap3A = arith.constant 0 : i32
    %swap3A_127 = arith.index_cast %swap3A : i32 to index
    %swap3A_128 = arith.constant 0 : index
    %swap3A_129 = tpu.vector_load %arg15[%swap3A_127, %swap3A_128] {strides = array<i32>} : memref<3x16xf32, #tpu.memory_space<vmem>>, vector<1x16xf32>,
    %swap3A_130 = vector.shape_cast %swap3A_129 : vector<1x16xf32> to vector<16xf32>
    %swap3A_131 = vector.shape_cast %scan3A_75#0 : vector<16xf32> to vector<1x16xf32>
    tpu.vector_store %arg15[%swap3A_127, %swap3A_128], %swap3A_131 {strides = array<i32>} : memref<3x16xf32, #tpu.memory_space<vmem>>, vector<1x16xf32>,
    %swap3A_132 = arith.constant 1 : i32
    %swap3A_133 = arith.index_cast %swap3A_132 : i32 to index
    %swap3A_134 = arith.constant 0 : index
    %swap3A_135 = tpu.vector_load %arg15[%swap3A_133, %swap3A_134] {strides = array<i32>} : memref<3x16xf32, #tpu.memory_space<vmem>>, vector<1x16xf32>,
    %swap3A_136 = vector.shape_cast %swap3A_135 : vector<1x16xf32> to vector<16xf32>
    %swap3A_137 = vector.shape_cast %scan3A_75#1 : vector<16xf32> to vector<1x16xf32>
    tpu.vector_store %arg15[%swap3A_133, %swap3A_134], %swap3A_137 {strides = array<i32>} : memref<3x16xf32, #tpu.memory_space<vmem>>, vector<1x16xf32>,
    %swap3A_138 = arith.constant 2 : i32
    %swap3A_139 = arith.index_cast %swap3A_138 : i32 to index
    %swap3A_140 = arith.constant 0 : index
    %swap3A_141 = tpu.vector_load %arg15[%swap3A_139, %swap3A_140] {strides = array<i32>} : memref<3x16xf32, #tpu.memory_space<vmem>>, vector<1x16xf32>,
    %swap3A_142 = vector.shape_cast %swap3A_141 : vector<1x16xf32> to vector<16xf32>
    %swap3A_143 = vector.shape_cast %scan3A_75#2 : vector<16xf32> to vector<1x16xf32>
    tpu.vector_store %arg15[%swap3A_139, %swap3A_140], %swap3A_143 {strides = array<i32>} : memref<3x16xf32, #tpu.memory_space<vmem>>, vector<1x16xf32>,
    "tpu.region"() ({
      %run_scoped3A = tpu.sem_alloc : memref<!tpu.dma_semaphore, #tpu.memory_space<semaphore_mem>>
      %dma_start3A_144 = arith.constant 0 : i32
      %dma_start3A_145 = arith.constant 0 : i32
      %dma_start3A_146 = tpu.memref_slice %arg7[%add3A, %dma_start3A_144, %dma_start3A_145] : memref<32x3x16xf32, #tpu.memory_space<hbm>> -> memref<1x3x16xf32, #tpu.memory_space<hbm>>
      %dma_start3A_147 = tpu.memref_squeeze %dma_start3A_146 : memref<1x3x16xf32, #tpu.memory_space<hbm>> -> memref<3x16xf32, #tpu.memory_space<hbm>>
      %dma_start3A_148 = arith.constant 0 : i32
      %dma_start3A_149 = arith.constant 0 : i32
      %dma_start3A_150 = tpu.memref_slice %arg7[%add3A, %dma_start3A_148, %dma_start3A_149] : memref<32x3x16xf32, #tpu.memory_space<hbm>> -> memref<1x3x16xf32, #tpu.memory_space<hbm>>
      %dma_start3A_151 = tpu.memref_squeeze %dma_start3A_150 : memref<1x3x16xf32, #tpu.memory_space<hbm>> -> memref<3x16xf32, #tpu.memory_space<hbm>>
      tpu.enqueue_dma source(%arg15 : memref<3x16xf32, #tpu.memory_space<vmem>>) target(%dma_start3A_151 : memref<3x16xf32, #tpu.memory_space<hbm>>) target_semaphore(%run_scoped3A : memref<!tpu.dma_semaphore, #tpu.memory_space<semaphore_mem>>)
      %dma_wait3A_152 = arith.constant 0 : i32
      %dma_wait3A_153 = arith.constant 0 : i32
      %dma_wait3A_154 = tpu.memref_slice %arg7[%add3A, %dma_wait3A_152, %dma_wait3A_153] : memref<32x3x16xf32, #tpu.memory_space<hbm>> -> memref<1x3x16xf32, #tpu.memory_space<hbm>>
      %dma_wait3A_155 = tpu.memref_squeeze %dma_wait3A_154 : memref<1x3x16xf32, #tpu.memory_space<hbm>> -> memref<3x16xf32, #tpu.memory_space<hbm>>
      %dma_wait3A_156 = arith.constant 0 : i32
      %dma_wait3A_157 = arith.constant 0 : i32
      %dma_wait3A_158 = tpu.memref_slice %arg7[%add3A, %dma_wait3A_156, %dma_wait3A_157] : memref<32x3x16xf32, #tpu.memory_space<hbm>> -> memref<1x3x16xf32, #tpu.memory_space<hbm>>
      %dma_wait3A_159 = tpu.memref_squeeze %dma_wait3A_158 : memref<1x3x16xf32, #tpu.memory_space<hbm>> -> memref<3x16xf32, #tpu.memory_space<hbm>>
      tpu.wait_dma2 semaphore(%run_scoped3A : memref<!tpu.dma_semaphore, #tpu.memory_space<semaphore_mem>>) src(%arg15 : memref<3x16xf32, #tpu.memory_space<vmem>>) dst(%dma_wait3A_159 : memref<3x16xf32, #tpu.memory_space<hbm>>)
      tpu.yield
    }) : () -> ()
    return
  }
}

</mosaic_0001>

<sc_bundles>
// kernel: kernel.3.cloned.1.call-start
scs
__scs_entry_jumppad:
0x0: {  	(pc) =	sbr.rel $0x88, $3  }
0x1: {  	(tag) =	ssettag $0x0;
	lr =	simm.s32 $0x1  }
0x2: {  	[smem:$0x3F9D] =	sst lr;
	_ =	strace $0xD0000000  }
0x3: {  	_ = 	snop  }
0x4: {  	_ = 	snop  }
0x5: {  	_ = 	snop  }
0x6: {  	_ = 	snop  }
0x7: {  	_ = 	snop  }
__scs_overlays_trampoline_lowered:
0x8: {  	[smem:$0x3FAC] =	sst s0  }
0x9: {  	[smem:$0x3FAD] =	sst s1  }
0xa: {  	[smem:$0x3FAE] =	sst s2  }
0xb: {  	[smem:$0x3FAF] =	sst s3  }
0xc: {  	[smem:$0x3FB0] =	sst s4  }
0xd: {  	[smem:$0x3FB1] =	sst s5  }
0xe: {  	[smem:$0x3FB2] =	sst s6  }
0xf: {  	[smem:$0x3FB3] =	sst s7  }
0x10: {  	[smem:$0x3FB4] =	sst s8  }
0x11: {  	[smem:$0x3FB5] =	sst s9;
	s0 =	simm.s32 @!p0 $0x0  }
0x12: {  	s1 =	sld [smem:$0x3F9B];
	s0 =	simm.s32 @p0 $0x1  }
0x13: {  	[smem:$0x3FB6] =	sst s0;
	s0 =	simm.s32 @!p1 $0x0  }
0x14: {  	s2 =	sld [smem:$0x3F9A];
	s0 =	simm.s32 @p1 $0x1  }
0x15: {  	[smem:$0x3FB7] =	sst s0;
	s0 =	simm.s32 @!p2 $0x0  }
0x16: {  	s3 =	sld [smem:$0x3FDB];
	s0 =	simm.s32 @p2 $0x1  }
0x17: {  	s4 =	simm.s32 $0x1BF5;
	[smem:$0x3FB9] =	sst s0  }
0x18: {  	s0 =	sld [smem:$0x3F9C];
	_ =	swait.ge [sflag:s4], $0x0  }
0x19: {  	s7 =	sld [smem:$0x3F9D]  }
0x1a: {  	s8 =	sadd.s32 $0xFFFFE003, lr  }
0x1b: {  	s9 =	sadd.s32 $0xFFFFFEF7, lr;
	s5 =	simm.s32 $0xFFFFFFFF;
	p2 =	slt.u32 s8, $0xFFFFF086  }
0x1c: {  	p1 =	slt.u32 s9, $0xF7A;
	s5 =	simm.s32 @!p2 $0x0  }
0x1d: {  	s5 =	simm.s32 @p1 $0x1;
	p0 =	seq.s32 s7, s2  }
0x1e: {  	s7 =	smul.u32 @!p0 $0xF7A, s2;
	p2 =	seq.s32 @!p0 s5, $0x0  }
0x1f: {  	s9 =	smul.u32 $0xF7A, s1;
	s8 =	simm.s32 @!p0 $0x1BF5;
	p2 =	por !p2, p0  }
0x20: {  	[sflag:s8] =	ssyncset.s32 @!p0 $0xFFFFF086;
	s6 =	sadd.s32 @!p0 s3, s7;
	s7 =	simm.s32 @!p0 $0x108  }
0x21: {  	s3 =	sadd.s32 s3, s9;
	s6 =	sadd.s32 @!p0 $0x88, s6;
	s7 =	simm.s32 @p2 $0x1082  }
0x22: {  	[simem:s7], [sflag:s8] =	dma.local @!p0 [hbm:s6], $0xF7A  }
0x23: {  	s9 =	sor.u32 $0xD0000000, s2;
	s6 =	simm.s32 $0x108;
	_ =	swait.ge @!p0 [sflag:s8], $0x0  }
0x24: {  	s3 =	sadd.s32 $0x88, s3;
	s6 =	simm.s32 @!p1 $0x1082;
	[sflag:s4] =	ssyncset.s32 $0xFFFFF086  }
0x25: {  	[simem:s6], [sflag:s4] =	dma.local [hbm:s3], $0xF7A  }
0x26: {  	[smem:$0x3F9D] =	sst s1;
	(tag) =	ssettag s2;
	_ =	strace s9  }
0x27: {  	s1 =	sld [smem:$0x3FAD]  }
0x28: {  	s2 =	sld [smem:$0x3FAE]  }
0x29: {  	s4 =	sld [smem:$0x3FB0]  }
0x2a: {  	p0 =	seq.s32 s5, $0x0;
	s5 =	sld [smem:$0x3FB1]  }
0x2b: {  	s6 =	sld [smem:$0x3FB2]  }
0x2c: {  	s7 =	sld [smem:$0x3FB3]  }
0x2d: {  	s3 =	simm.s32 $0x108;
	s8 =	sld [smem:$0x3FB4]  }
0x2e: {  	s3 =	simm.s32 @!p0 $0x1082;
	s9 =	sld [smem:$0x3FB5]  }
0x2f: {  	lr =	sadd.s32 s0, s3;
	s0 =	sld [smem:$0x3FAC]  }
0x30: {  	s3 =	sld [smem:$0x3FAF]  }
0x31: {  	[smem:$0x3FB8] =	sst s10  }
0x32: {  	s10 =	sld [smem:$0x3FB6];
	_ =	sdelay $0x3  }
0x33: {  	p0 =	seq.s32 s10, $0x1;
	s10 =	sld [smem:$0x3FB8];
	_ =	sdelay $0x3  }
0x34: {  	[smem:$0x3FB8] =	sst s10  }
0x35: {  	s10 =	sld [smem:$0x3FB7];
	_ =	sdelay $0x3  }
0x36: {  	p1 =	seq.s32 s10, $0x1;
	s10 =	sld [smem:$0x3FB8];
	_ =	sdelay $0x3  }
0x37: {  	[smem:$0x3FB8] =	sst s10  }
0x38: {  	s10 =	sld [smem:$0x3FB9]  }
0x39: {  	_ = 	snop;
	(pc) =	sbr.ind lr, $3  }
0x3a: {  	_ = 	snop  }
0x3b: {  	_ = 	snop  }
0x3c: {  	p2 =	seq.s32 s10, $0x1;
	s10 =	sld [smem:$0x3FB8]  }
0x3d: {  	_ =	shalt  }
0x3e: {  	_ =	shalt  }
0x3f: {  	_ =	shalt  }
0x40: {  	_ =	shalt  }
0x41: {  	_ =	shalt  }
0x42: {  	_ =	shalt  }
0x43: {  	_ =	shalt  }
0x44: {  	_ =	shalt  }
0x45: {  	_ =	shalt  }
0x46: {  	_ =	shalt  }
0x47: {  	_ =	shalt  }
0x48: {  	_ =	shalt  }
0x49: {  	_ =	shalt  }
0x4a: {  	_ =	shalt  }
0x4b: {  	_ =	shalt  }
0x4c: {  	_ =	shalt  }
0x4d: {  	_ =	shalt  }
0x4e: {  	_ =	shalt  }
0x4f: {  	_ =	shalt  }
0x50: {  	_ =	shalt  }
0x51: {  	_ =	shalt  }
0x52: {  	_ =	shalt  }
0x53: {  	_ =	shalt  }
0x54: {  	_ =	shalt  }
0x55: {  	_ =	shalt  }
0x56: {  	_ =	shalt  }
0x57: {  	_ =	shalt  }
0x58: {  	_ =	shalt  }
0x59: {  	_ =	shalt  }
0x5a: {  	_ =	shalt  }
0x5b: {  	_ =	shalt  }
0x5c: {  	_ =	shalt  }
0x5d: {  	_ =	shalt  }
0x5e: {  	_ =	shalt  }
0x5f: {  	_ =	shalt  }
0x60: {  	_ =	shalt  }
0x61: {  	_ =	shalt  }
0x62: {  	_ =	shalt  }
0x63: {  	_ =	shalt  }
0x64: {  	_ =	shalt  }
0x65: {  	_ =	shalt  }
0x66: {  	_ =	shalt  }
0x67: {  	_ =	shalt  }
0x68: {  	_ =	shalt  }
0x69: {  	_ =	shalt  }
0x6a: {  	_ =	shalt  }
0x6b: {  	_ =	shalt  }
0x6c: {  	_ =	shalt  }
0x6d: {  	_ =	shalt  }
0x6e: {  	_ =	shalt  }
0x6f: {  	_ =	shalt  }
0x70: {  	_ =	shalt  }
0x71: {  	_ =	shalt  }
0x72: {  	_ =	shalt  }
0x73: {  	_ =	shalt  }
0x74: {  	_ =	shalt  }
0x75: {  	_ =	shalt  }
0x76: {  	_ =	shalt  }
0x77: {  	_ =	shalt  }
0x78: {  	_ =	shalt  }
0x79: {  	_ =	shalt  }
0x7a: {  	_ =	shalt  }
0x7b: {  	_ =	shalt  }
0x7c: {  	_ =	shalt  }
0x7d: {  	_ =	shalt  }
0x7e: {  	_ =	shalt  }
0x7f: {  	_ =	shalt  }
0x80: {  	_ =	shalt  }
0x81: {  	_ =	shalt  }
0x82: {  	_ =	shalt  }
0x83: {  	_ =	shalt  }
0x84: {  	_ =	shalt  }
0x85: {  	_ =	shalt  }
0x86: {  	_ =	shalt  }
0x87: {  	_ =	shalt  }
.Lfunc_end0:
.L_simem_size_0:
called_computation_lowered:
.L_overlay_start_0:
0x88: {  	s2 =	sld [smem:$0x3FD9]  }
0x89: {  	s3 =	sld [smem:$0x3FFE];
	_ =	sdelay $0x1  }
0x8a: {  	s1 =	srdreg.scid  }
0x8b: {  	s0 =	sand.u32 $0x1, s1  }
0x8c: {  	s17 =	sshll.u32 s0, $0xA;
	s2 =	sadd.s32 s3, s2  }
0x8d: {  	s2 =	sadd.s32 s2, s17  }
0x8e: {  	[smem:$0x3FC4] =	sst s2  }
0x8f: {  	_ = 	snop  }
0x90: {  	s2 =	sld [smem:$0x3FC9]  }
0x91: {  	s18 =	sld [smem:$0x3FC6];
	(tm) =	ssettm $0x1  }
0x92: {  	s4 =	sld [smem:$0x3FFB];
	_ =	sdelay $0x3  }
0x93: {  	_ =	strace s4  }
0x94: {  	s4 =	sld [smem:$0x3FFC];
	_ =	sdelay $0x3  }
0x95: {  	_ =	strace s4  }
0x96: {  	s4 =	sld [smem:$0x3FFD];
	_ =	sdelay $0x3  }
0x97: {  	_ =	strace s4  }
0x98: {  	_ =	strace $0x8FFFFFFF  }
0x99: {  	s19 =	sld [smem:$0x3FDB];
	_ =	sdelay $0x1  }
0x9a: {  	s5 =	simm.s32 $_scs_section_size  }
0x9b: {  	s6 =	simm.s32 $_size__tile_overlayer_lowered;
	s7 =	simm.s32 $_tile_overlayer_lowered  }
0x9c: {  	s22 =	simm.s32 $0x1BFF;
	s21 =	sshll.u32 s7, $0x1;
	s4 =	sadd.s32 s5, s19  }
0x9d: {  	s8 =	simm.s32 $0x0;
	s20 =	sshll.u32 s6, $0x1;
	s6 =	sadd.s32 s21, s4  }
0x9e: {  	[timem:s8], [sflag:s22] =	dma.local [hbm:s6], s20  }
0x9f: {  	_ =	swait.ge [sflag:s22], s20  }
0xa0: {  	s5 =	ssub.s32 $0x0, s20;
	[sflag:s22] =	ssyncset.done $0x0  }
0xa1: {  	[sflag:s22] =	ssyncadd.s32 s5;
	_ =	sdelay $0x1  }
0xa2: {  	s23 =	simm.s32 $0x1B8B  }
0xa3: {  	_ =	swait.ge [sflag:s23], $0x1  }
0xa4: {  	[sflag:s23] =	ssyncset.done $0x0  }
0xa5: {  	s25 =	simm.s32 $0x1B8E;
	s24 =	sld [smem:$0x3FFE];
	[sflag:s23] =	ssyncadd.s32 $0xFFFFFFFF  }
0xa6: {  	s26 =	simm.s32 $execute0_lowered;
	[smem:$0x3FD2] =	sst s25  }
0xa7: {  	s6 =	sshll.u32 s26, $0x1;
	_ =	strace $0x80000046;
	[dreg:$0x1] =	wrdreg $0xFFFFFFFF  }
0xa8: {  	s28 =	simm.s32 $_size_execute0_lowered;
	s4 =	sadd.s32 s4, s6;
	[dreg:$0x0] =	wrdreg $0x0  }
0xa9: {  	s6 =	sshll.u32 s28, $0x1;
	[dreg:$0x2] =	wrdreg s4  }
0xaa: {  	[dreg:$0x3] =	wrdreg s6  }
0xab: {  	[dreg:$0x4] =	wrdreg $0xC0  }
0xac: {  	_ =	task [dreg:s8], $0x5FFFF  }
0xad: {  	[dreg:$0x1] =	wrdreg $0xFFFFFFFF  }
0xae: {  	[dreg:$0x0] =	wrdreg $0x60  }
0xaf: {  	[dreg:$0x2] =	wrdreg s2  }
0xb0: {  	[dreg:$0x3] =	wrdreg s24  }
0xb1: {  	[dreg:$0x4] =	wrdreg s18  }
0xb2: {  	[dreg:$0x5] =	wrdreg $0x9  }
0xb3: {  	_ =	task.clear_ibuf [dreg:s8], $0x6FFFF;
	_ =	strace $0x90000046  }
0xb4: {  	s29 =	simm.s32 $0x9;
	_ =	strace $0x80000048  }
0xb5: {  	_ =	swait.ge [sflag:s29], $0x1  }
0xb6: {  	[sflag:s29] =	ssyncadd.s32 $0xFFFFFFFF  }
0xb7: {  	_ =	strace $0x90000048  }
0xb8: {  	_ =	sfence  }
0xb9: {  	s30 =	sld [smem:$0x0];
	_ =	sdelay $0x2  }
0xba: {  	s31 =	sshll.u32 s1, $0xD;
	s1 =	sshrl.u32 s1, $0x2  }
0xbb: {  	s3 =	sand.u32 $0x4000, s31;
	s1 =	sadd.s32 s1, s30  }
0xbc: {  	s0 =	sor.u32 s3, s0;
	s1 =	sshll.u32 s1, $0x11  }
0xbd: {  	s0 =	sor.u32 s1, s0  }
0xbe: {  	s0 =	sadd.s32 $0x8F2B, s0  }
0xbf: {  	[sflag:s0] =	ssyncadd.remote.s32 $0x1  }
0xc0: {  	_ =	sfence.sel $0xFFFF  }
0xc1: {  	[dreg:$0x0] =	wrdreg $0xFFFFFFFF;
	(pc) =	sbr.abs _section_cstart, $3  }
0xc2: {  	[dreg:$0x1] =	wrdreg $0xFFFFFFFF  }
0xc3: {  	_ =	task.clear_ibuf [dreg:s8], $0x2FFFF;
	_ =	strace $0x9FFFFFFF  }
0xc4: {  	(tm) =	ssettm $0x7FFFFFFF  }
0xc5: {  	_ =	shalt  }
tec
execute0_lowered:
.L_overlay_start_1:
0x0: {  	(tag) =	ssettag $0x1  }
0x1: {  	s15 =	rddreg [dreg:$0x0]  }
0x2: {  	s0 =	rddreg [dreg:$0x1]  }
0x3: {  	s2 =	rddreg [dreg:$0x2];
	s1 =	srdreg.scid;
	s4 =	simm.s32 $0x0  }
0x4: {  	s5 =	stileid.u32;
	s17 =	simm.s32 $0x400;
	s30 =	simm.s32 $0x2  }
0x5: {  	s1 =	sand.u32 $0x1, s1;
	[smem:$0x7FF] =	sst s4;
	s9 =	sadd.s32 $0x200, s2  }
0x6: {  	s10 =	sadd.s32 $0x400, s2;
	s11 =	sadd.s32 $0x600, s2;
	s12 =	sadd.s32 $0x800, s2  }
0x7: {  	s13 =	sadd.s32 $0xA00, s2;
	s14 =	sadd.s32 $0xC00, s2;
	s16 =	sadd.s32 $0xE00, s2  }
0x8: {  	s20 =	sadd.s32 $0x40, s15;
	s3 =	sshll.u32 s1, $0x4;
	s1 =	ssub.s32 $0x2, s1  }
0x9: {  	_ =	strace $0x80000047;
	s3 =	sor.u32 s5, s3;
	s22 =	sshrl.u32 s1, $0x1  }
0xa: {  	s5 =	sshll.u32 s3, $0x8;
	s21 =	sshll.u32 s3, $0x6;
	s8 =	sshll.u32 s3, $0x9  }
0xb: {  	s1 =	ssub.s32 s1, s22;
	s22 =	sadd.s32 $0x60, s15;
	s6 =	sadd.s32 s5, s0  }
0xc: {  	s7 =	sadd.s32 s21, s0;
	s5 =	sshll.u32 s3, $0x10;
	s0 =	sadd.s32 s0, s8  }
0xd: {  	s21 =	sadd.s32 $0x50, s15;
	s31 =	smax.u32 s1, $0x1;
	[dreg:$0x4] =	wrdreg s0  }
0xe: {  	s3 =	simm.s32 $0x5;
	s23 =	sadd.s32 $0x4000, s6;
	[dreg:$0xc] =	wrdreg s31  }
0xf: {  	s8 =	simm.s32 $0x80;
	s24 =	sadd.s32 $0x6000, s6;
	[dreg:$0x5] =	wrdreg s23  }
0x10: {  	s1 =	simm.s32 $0x4;
	s25 =	sadd.s32 s15, s5;
	[dreg:$0x6] =	wrdreg s24  }
0x11: {  	s29 =	sadd.s32 $0x8000, s7;
	s6 =	simm.s32 $0x0;
	[dreg:$0x7] =	wrdreg s25  }
0x12: {  	s26 =	sadd.s32 $0x10, s25;
	s28 =	sadd.s32 $0x20, s25;
	[dreg:$0xb] =	wrdreg s29  }
0x13: {  	v0 =	vlaneseq.u32;
	s0 =	sadd.s32 $0x30, s25;
	s23 =	sadd.s32 $0x70, s15;
	[dreg:$0x8] =	wrdreg s26  }
0x14: {  	v2 =	vshrl.u32 v0, $0x2;
	s24 =	simm.s32 $0xC000;
	s25 =	simm.s32 $0xD000;
	[dreg:$0x9] =	wrdreg s28  }
0x15: {  	vm0 =	vmmov $0xffff;
	v1 =	vand.u32 $0x3, v0;
	v2 =	vmul.u32 $0x8, v2;
	s15 =	simm.s32 $0x3;
	[dreg:$0xa] =	wrdreg s0;
	s26 =	simm.s32 $0x1  }
.LBB2_1:
0x16: {  	[dreg:$0xd] =	wrdreg s6  }
0x17: {  	s0 =	rddreg [dreg:$0x4]  }
0x18: {  	[tilespmem:s4], [sflag:$0x5] =	stream.linear.gather [hbm4b:s0+s4], $0x1000, $0x38;
	[tilespmem:$0x12200] =	vst v63  }
0x19: {  	_ =	swait.ge [sflag:s3], $0x1000  }
0x1a: {  	[sflag:s3] =	ssyncset.done $0x0  }
0x1b: {  	s19 =	simm.s32 $0x1000;
	s18 =	rddreg [dreg:$0x5];
	[sflag:s3] =	ssyncadd.s32 $0xFFFFF000  }
0x1c: {  	[tilespmem:s19], [sflag:$0x5] =	stream.linear.gather [hbm4b:s18+s4], $0x800, $0x38;
	[tilespmem:$0x12200] =	vst v63  }
0x1d: {  	_ =	swait.ge [sflag:s3], $0x800  }
0x1e: {  	[sflag:s3] =	ssyncset.done $0x0  }
0x1f: {  	s29 =	simm.s32 $0x1800;
	s28 =	rddreg [dreg:$0x6];
	[sflag:s3] =	ssyncadd.s32 $0xFFFFF800  }
0x20: {  	[tilespmem:s29], [sflag:$0x5] =	stream.linear.gather [hbm4b:s28+s4], $0x800, $0x38;
	[tilespmem:$0x12200] =	vst v63  }
0x21: {  	_ =	swait.ge [sflag:s3], $0x800  }
0x22: {  	[sflag:s3] =	ssyncset.done $0x0  }
0x23: {  	[sflag:s3] =	ssyncadd.s32 $0xFFFFF800  }
0x24: {  	v3 =	vld.msk [tilespmem:$0x0], $0xf;
	_ =	sdelay $0x4  }
0x25: {  	v4 =	vshll.u32 v3, $0x5  }
0x26: {  	v3 =	vand.u32 $0x7, v3;
	v4 =	vand.u32 $0xFFFFFF00, v4  }
0x27: {  	v3 =	vor.u32 v3, v4  }
0x28: {  	v3 =	vperm.xlane v3, v1;
	_ =	sdelay $0x1  }
0x29: {  	v3 =	vadd.s32 v2, v3;
	_ =	sdelay $0x3  }
0x2a: {  	s3 =	simm.s32 $0x2000  }
0x2b: {  	[tilespmem:s3], [sflag:$0x1] =	stream.indirect_vreg.gather [hbm4b:s2+s4], $0x80, v3, vm0, $0xb8;
	[tilespmem:$0x12200] =	vst v63  }
0x2c: {  	s6 =	simm.s32 $0x2800  }
0x2d: {  	[tilespmem:s6], [sflag:$0x1] =	stream.indirect_vreg.gather [hbm4b:s9+s4], $0x80, v3, vm0, $0xb8;
	[tilespmem:$0x12200] =	vst v63  }
0x2e: {  	s7 =	simm.s32 $0x3000  }
0x2f: {  	[tilespmem:s7], [sflag:$0x1] =	stream.indirect_vreg.gather [hbm4b:s10+s4], $0x80, v3, vm0, $0xb8;
	[tilespmem:$0x12200] =	vst v63  }
0x30: {  	s18 =	simm.s32 $0x3800  }
0x31: {  	[tilespmem:s18], [sflag:$0x1] =	stream.indirect_vreg.gather [hbm4b:s11+s4], $0x80, v3, vm0, $0xb8;
	[tilespmem:$0x12200] =	vst v63  }
0x32: {  	s19 =	simm.s32 $0x4000  }
0x33: {  	[tilespmem:s19], [sflag:$0x1] =	stream.indirect_vreg.gather [hbm4b:s12+s4], $0x80, v3, vm0, $0xb8;
	[tilespmem:$0x12200] =	vst v63  }
0x34: {  	s28 =	simm.s32 $0x4800  }
0x35: {  	[tilespmem:s28], [sflag:$0x1] =	stream.indirect_vreg.gather [hbm4b:s13+s4], $0x80, v3, vm0, $0xb8;
	[tilespmem:$0x12200] =	vst v63  }
0x36: {  	s29 =	simm.s32 $0x5000  }
0x37: {  	[tilespmem:s29], [sflag:$0x1] =	stream.indirect_vreg.gather [hbm4b:s14+s4], $0x80, v3, vm0, $0xb8;
	[tilespmem:$0x12200] =	vst v63  }
0x38: {  	s3 =	simm.s32 $0x5800  }
0x39: {  	[tilespmem:s3], [sflag:$0x1] =	stream.indirect_vreg.gather [hbm4b:s16+s4], $0x80, v3, vm0, $0xb8;
	[tilespmem:$0x12200] =	vst v63  }
0x3a: {  	s6 =	rddreg [dreg:$0x7];
	s7 =	simm.s32 $0xA000  }
0x3b: {  	[tilespmem:s7], [sflag:$0x3] =	stream.strided.gather [hbm4b:s6+s8], $0x1000, s17, s8, $0x38;
	[tilespmem:$0x12200] =	vst v63  }
0x3c: {  	s18 =	rddreg [dreg:$0x8];
	s19 =	simm.s32 $0xB000  }
0x3d: {  	[tilespmem:s19], [sflag:$0x3] =	stream.strided.gather [hbm4b:s18+s8], $0x1000, s17, s8, $0x38;
	[tilespmem:$0x12200] =	vst v63  }
0x3e: {  	s28 =	rddreg [dreg:$0x9]  }
0x3f: {  	[tilespmem:s24], [sflag:$0x3] =	stream.strided.gather [hbm4b:s28+s8], $0x1000, s17, s8, $0x38;
	[tilespmem:$0x12200] =	vst v63  }
0x40: {  	v5 =	vimm.f32 $0.0e+00;
	s31 =	simm.s32 $0x0;
	s29 =	rddreg [dreg:$0xa]  }
0x41: {  	v6 =	vimm.f32 $0.0e+00;
	v4 =	vimm.f32 $0.0e+00;
	v3 =	vimm.f32 $0.0e+00;
	[tilespmem:s25], [sflag:$0x3] =	stream.strided.gather [hbm4b:s29+s8], $0x1000, s17, s8, $0x38;
	[tilespmem:$0x12200] =	vst v63  }
.LBB2_2:
0x42: {  	s0 =	sshll.u32 s31, $0x8  }
0x43: {  	s0 =	sand.u32 $0x3FFFFF00, s0  }
0x44: {  	s0 =	sor.u32 $0x80, s0  }
0x45: {  	v7 =	vld.msk [tilespmem:s0+$0x0], $0xf;
	_ =	sdelay $0x4  }
0x46: {  	v8 =	vshll.u32 v7, $0x5  }
0x47: {  	v7 =	vand.u32 $0x7, v7;
	v8 =	vand.u32 $0xFFFFFF00, v8  }
0x48: {  	v7 =	vor.u32 v7, v8  }
0x49: {  	v7 =	vperm.xlane v7, v1;
	_ =	sdelay $0x1  }
0x4a: {  	v7 =	vadd.s32 v2, v7;
	_ =	sdelay $0x3  }
0x4b: {  	s7 =	simm.s32 $0x6000  }
0x4c: {  	[tilespmem:s7], [sflag:$0x2] =	stream.indirect_vreg.gather [hbm4b:s2+s4], $0x80, v7, vm0, $0xb8;
	[tilespmem:$0x12200] =	vst v63  }
0x4d: {  	s18 =	simm.s32 $0x6800  }
0x4e: {  	[tilespmem:s18], [sflag:$0x2] =	stream.indirect_vreg.gather [hbm4b:s9+s4], $0x80, v7, vm0, $0xb8;
	[tilespmem:$0x12200] =	vst v63  }
0x4f: {  	s19 =	simm.s32 $0x7000  }
0x50: {  	[tilespmem:s19], [sflag:$0x2] =	stream.indirect_vreg.gather [hbm4b:s10+s4], $0x80, v7, vm0, $0xb8;
	[tilespmem:$0x12200] =	vst v63  }
0x51: {  	s3 =	simm.s32 $0x7800  }
0x52: {  	[tilespmem:s3], [sflag:$0x2] =	stream.indirect_vreg.gather [hbm4b:s11+s4], $0x80, v7, vm0, $0xb8;
	[tilespmem:$0x12200] =	vst v63  }
0x53: {  	s6 =	simm.s32 $0x8000  }
0x54: {  	[tilespmem:s6], [sflag:$0x2] =	stream.indirect_vreg.gather [hbm4b:s12+s4], $0x80, v7, vm0, $0xb8;
	[tilespmem:$0x12200] =	vst v63  }
0x55: {  	s7 =	simm.s32 $0x8800  }
0x56: {  	[tilespmem:s7], [sflag:$0x2] =	stream.indirect_vreg.gather [hbm4b:s13+s4], $0x80, v7, vm0, $0xb8;
	[tilespmem:$0x12200] =	vst v63  }
0x57: {  	s18 =	simm.s32 $0x9000;
	s3 =	sshll.u32 s31, $0xC  }
0x58: {  	[tilespmem:s18], [sflag:$0x2] =	stream.indirect_vreg.gather [hbm4b:s14+s4], $0x80, v7, vm0, $0xb8;
	[tilespmem:$0x12200] =	vst v63  }
0x59: {  	s19 =	simm.s32 $0x9800;
	s0 =	sadd.s32 s5, s3  }
0x5a: {  	[tilespmem:s19], [sflag:$0x2] =	stream.indirect_vreg.gather [hbm4b:s16+s4], $0x80, v7, vm0, $0xb8;
	[tilespmem:$0x12200] =	vst v63  }
0x5b: {  	s3 =	sadd.s32 s0, s20;
	s6 =	simm.s32 $0xE000  }
0x5c: {  	[tilespmem:s6], [sflag:$0x4] =	stream.strided.gather [hbm4b:s3+s8], $0x1000, s17, s8, $0x38;
	[tilespmem:$0x12200] =	vst v63  }
0x5d: {  	s7 =	simm.s32 $0xF000;
	s6 =	sadd.s32 s0, s21  }
0x5e: {  	[tilespmem:s7], [sflag:$0x4] =	stream.strided.gather [hbm4b:s6+s8], $0x1000, s17, s8, $0x38;
	[tilespmem:$0x12200] =	vst v63  }
0x5f: {  	s18 =	sadd.s32 s0, s22;
	s19 =	simm.s32 $0x10000  }
0x60: {  	[tilespmem:s19], [sflag:$0x4] =	stream.strided.gather [hbm4b:s18+s8], $0x1000, s17, s8, $0x38;
	[tilespmem:$0x12200] =	vst v63  }
0x61: {  	s0 =	sadd.s32 s0, s23;
	s6 =	simm.s32 $0x11000  }
0x62: {  	[tilespmem:s6], [sflag:$0x4] =	stream.strided.gather [hbm4b:s0+s8], $0x1000, s17, s8, $0x38;
	[tilespmem:$0x12200] =	vst v63  }
0x63: {  	_ =	swait.ge [sflag:s15], $0x1000  }
0x64: {  	[sflag:s15] =	ssyncset.done $0x0  }
0x65: {  	[sflag:s15] =	ssyncadd.s32 $0xFFFFF000  }
0x66: {  	_ =	swait.ge [sflag:s15], $0x1000  }
0x67: {  	[sflag:s15] =	ssyncset.done $0x0  }
0x68: {  	[sflag:s15] =	ssyncadd.s32 $0xFFFFF000  }
0x69: {  	_ =	swait.ge [sflag:s15], $0x1000  }
0x6a: {  	[sflag:s15] =	ssyncset.done $0x0  }
0x6b: {  	[sflag:s15] =	ssyncadd.s32 $0xFFFFF000  }
0x6c: {  	_ =	swait.ge [sflag:s15], $0x1000  }
0x6d: {  	[sflag:s15] =	ssyncset.done $0x0  }
0x6e: {  	[sflag:s15] =	ssyncadd.s32 $0xFFFFF000  }
0x6f: {  	_ =	swait.ge [sflag:s26], $0x1000  }
0x70: {  	[sflag:s26] =	ssyncset.done $0x0  }
0x71: {  	s7 =	simm.s32 $0x2040;
	[sflag:s26] =	ssyncadd.s32 $0xFFFFF000  }
0x72: {  	v7 =	vld [tilespmem:s7+$0xFFFFFFC0]  }
0x73: {  	v8 =	vld [tilespmem:s7+$0xFFFFFFD0]  }
0x74: {  	v9 =	vld [tilespmem:s7+$0xFFFFFFE0]  }
0x75: {  	v12 =	vld [tilespmem:s7+$0x0]  }
0x76: {  	v10 =	vld [tilespmem:s7+$0xFFFFFFF0]  }
0x77: {  	v13 =	vld [tilespmem:s7+$0x10];
	v7 =	vmul.f32 $1.250000000e+00, v7  }
0x78: {  	s6 =	simm.s32 $0x2240;
	v14 =	vld [tilespmem:s7+$0x30]  }
0x79: {  	v16 =	vld [tilespmem:s6+$0xFFFFFFF0];
	v8 =	vmul.f32 $1.250000000e+00, v8;
	v7 =	vmul.f32 $1.442695020e+00, v7  }
0x7a: {  	s0 =	sshll.u32 s31, $0x7;
	v9 =	vmul.f32 $1.250000000e+00, v9;
	v12 =	vmul.f32 $1.250000000e+00, v12  }
0x7b: {  	v11 =	vld [tilespmem:s0+$0x1000];
	v8 =	vmul.f32 $1.442695020e+00, v8;
	(erf) = vpow2.f32 v7  }
0x7c: {  	v15 =	vld [tilespmem:s6+$0x0];
	v13 =	vmul.f32 $1.250000000e+00, v13;
	v9 =	vmul.f32 $1.442695020e+00, v9  }
0x7d: {  	v7 =	vmul.f32 $1.250000000e+00, v10;
	v10 =	vld [tilespmem:s7+$0x20];
	(erf) = vpow2.f32 v8  }
0x7e: {  	v14 =	vmul.f32 $1.250000000e+00, v14;
	v16 =	vmul.f32 $1.250000000e+00, v16  }
0x7f: {  	s28 =	simm.s32 $0xA040;
	v7 =	vmul.f32 $1.442695020e+00, v7;
	(erf) = vpow2.f32 v9  }
0x80: {  	v17 =	vmul.f32 $1.442695020e+00, v12;
	v13 =	vmul.f32 $1.442695020e+00, v13;
	v8 =	vand.u32 $0xF, v11;
	v9 =	vld [tilespmem:s28+$0xFFFFFFC0]  }
0x81: {  	v19 =	vld [tilespmem:s6+$0xFFFFFFE0];
	vm1 =	veq.s32 v8, v0;
	v8 =	vshra.s32 v11, $0x4;
	(erf) = vpow2.f32 v7  }
0x82: {  	s29 =	simm.s32 $0x7;
	v12 =	vmul.f32 $1.250000000e+00, v15;
	v11 =	vld [tilespmem:s28+$0xFFFFFFD0];
	v8 =	vnsel vm1, $0xFFFFFFFF, v8;
	v10 =	vmul.f32 $1.250000000e+00, v10  }
0x83: {  	s18 =	simm.s32 $0x6;
	v20 =	vld [tilespmem:s6+$0xFFFFFFC0];
	v14 =	vmul.f32 $1.442695020e+00, v14;
	vm1 =	veq.s32 v8, s29;
	(erf) = vpow2.f32 v17  }
0x84: {  	s19 =	simm.s32 $0x4;
	s7 =	simm.s32 $0x5;
	vm2 =	veq.s32 v8, s18;
	v15 =	vmul.f32 $1.442695020e+00, v10;
	v10 =	vld [tilespmem:s28+$0xFFFFFFE0];
	v21 =	vpop (erf);
	(erf) = vpow2.f32 v13  }
0x85: {  	vm3 =	veq.s32 v8, s7;
	s18 =	simm.s32 $0x3;
	vm4 =	veq.s32 v8, s19;
	s19 =	simm.s32 $0x2;
	v17 =	vld [tilespmem:s6+$0xFFFFFFD0];
	v22 =	vmul.f32 v21, v9  }
0x86: {  	vm5 =	veq.s32 v8, s18;
	vm6 =	veq.s32 v8, s19;
	v13 =	vld [tilespmem:s28+$0xFFFFFFF0];
	v18 =	vpop (erf);
	(erf) = vpow2.f32 v15  }
0x87: {  	v7 =	vld [tilespmem:s0+$0x1800];
	v23 =	vadd.f32 v21, v3;
	v24 =	vmul.f32 v18, v11;
	v22 =	vadd.f32 v22, v3  }
0x88: {  	s3 =	simm.s32 $0xF;
	s7 =	simm.s32 $0x17;
	v21 =	vmul.f32 $1.250000000e+00, v19;
	v15 =	vld [tilespmem:s28+$0x0];
	v19 =	vpop (erf);
	(erf) = vpow2.f32 v14;
	v14 =	vimm.f32 $0.0e+00  }
.LBB2_3:
0x89: {  	p0 =	sne.s32 s7, $0xFF;
	s18 =	sadd.s32 $0xFFFFFFFA, s29;
	v18 =	vadd.f32 v18, v23;
	v22 =	vadd.f32 v24, v22;
	v23 =	vmul.f32 v19, v10;
	v24 =	vld [tilespmem:s28+$0x10]  }
0x8a: {  	v17 =	vmul.f32 $1.250000000e+00, v17;
	v20 =	vmul.f32 $1.250000000e+00, v20;
	vm7 =	veq.s32 v8, s18;
	v25 =	vpop (erf)  }
0x8b: {  	s18 =	sadd.s32 $0xFFFFFFF9, s29;
	s29 =	smov.u32 s3;
	s3 =	smov.u32 s7;
	v18 =	vadd.f32 v19, v18;
	v19 =	vadd.f32 v23, v22;
	v22 =	vmul.f32 v25, v13;
	v23 =	vld [tilespmem:s28+$0x20]  }
0x8c: {  	v21 =	vmul.f32 $1.442695020e+00, v21;
	v17 =	vmul.f32 $1.442695020e+00, v17;
	vm8 =	veq.s32 v8, s18;
	v26 =	vpop (erf)  }
0x8d: {  	v18 =	vadd.f32 v25, v18;
	v28 =	vadd.f32 v22, v19;
	v22 =	vmul.f32 v26, v15;
	v25 =	vld [tilespmem:s28+$0x30];
	v27 =	vpop (erf)  }
0x8e: {  	v20 =	vmul.f32 $1.442695020e+00, v20;
	v9 =	vsel vm8, v9, v14;
	v29 =	vmul.f32 v27, v24  }
0x8f: {  	v9 =	vsel vm7, v11, v9;
	v11 =	vadd.f32 v26, v18;
	v18 =	vadd.f32 v22, v28;
	v19 =	vpop (erf)  }
0x90: {  	v9 =	vsel vm6, v10, v9;
	v22 =	vld [tilespmem:s6+$0x30];
	(erf) = vpow2.f32 v20;
	v10 =	vmul.f32 v19, v23  }
0x91: {  	v9 =	vsel vm5, v13, v9;
	v20 =	vld [tilespmem:s6+$0x10];
	v11 =	vadd.f32 v27, v11;
	v13 =	vadd.f32 v29, v18;
	v14 =	vpop (erf)  }
0x92: {  	v9 =	vsel vm4, v15, v9;
	(erf) = vpow2.f32 v17;
	v15 =	vmul.f32 v14, v25  }
0x93: {  	v9 =	vsel vm3, v24, v9;
	v17 =	vld [tilespmem:s6+$0x20];
	s6 =	sadd.s32 $0x200, s6;
	v11 =	vadd.f32 v19, v11;
	v10 =	vadd.f32 v10, v13  }
0x94: {  	v16 =	vmul.f32 $1.442695020e+00, v16;
	s28 =	sadd.s32 $0x80, s28;
	v18 =	vsel vm2, v23, v9;
	v13 =	vld [tilespmem:s6+$0x0];
	(erf) = vpow2.f32 v21  }
0x95: {  	v9 =	vld [tilespmem:s28+$0xFFFFFFC0];
	v19 =	vadd.f32 v14, v11;
	v15 =	vadd.f32 v15, v10;
	v14 =	vsel vm1, v25, v18  }
0x96: {  	v21 =	vmul.f32 $1.250000000e+00, v22;
	v18 =	vld [tilespmem:s6+$0xFFFFFFF0];
	v20 =	vmul.f32 $1.250000000e+00, v20  }
0x97: {  	v22 =	vmul.f32 $1.442695020e+00, v12;
	v10 =	vld [tilespmem:s28+$0xFFFFFFE0];
	(erf) = vpow2.f32 v16  }
0x98: {  	s18 =	sadd.s32 $0xFFFFFFFF, s29;
	vm1 =	veq.s32 v8, s29;
	v11 =	vld [tilespmem:s28+$0xFFFFFFD0];
	v16 =	vmul.f32 $1.442695020e+00, v20;
	v20 =	vmul.f32 $1.250000000e+00, v17  }
0x99: {  	s19 =	sadd.s32 $0xFFFFFFFE, s29;
	vm2 =	veq.s32 v8, s18;
	v25 =	vld [tilespmem:s6+$0xFFFFFFE0];
	v12 =	vmul.f32 $1.250000000e+00, v13;
	v23 =	vpop (erf);
	(erf) = vpow2.f32 v22  }
.Ltmp0:
0x9a: {  	vm3 =	veq.s32 v8, s19;
	s18 =	sadd.s32 $0xFFFFFFFD, s29;
	v17 =	vld [tilespmem:s6+$0xFFFFFFD0];
	v22 =	vmul.f32 $1.442695020e+00, v20;
	(erf) = vpow2.f32 v16;
	(pc) =	sbr.rel @p0 .LBB2_3-.Ltmp0, $4  }
0x9b: {  	s19 =	sadd.s32 $0xFFFFFFFC, s29;
	vm4 =	veq.s32 v8, s18;
	v24 =	vmul.f32 v23, v9;
	v20 =	vld [tilespmem:s6+$0xFFFFFFC0];
	v16 =	vmul.f32 $1.250000000e+00, v18;
	v18 =	vpop (erf)  }
0x9c: {  	vm5 =	veq.s32 v8, s19;
	v26 =	vmul.f32 $1.442695020e+00, v21;
	v13 =	vld [tilespmem:s28+$0xFFFFFFF0];
	(erf) = vpow2.f32 v22  }
0x9d: {  	s18 =	sadd.s32 $0xFFFFFFFB, s29;
	v23 =	vadd.f32 v23, v19;
	v22 =	vadd.f32 v24, v15;
	v24 =	vmul.f32 v18, v11;
	v19 =	vpop (erf)  }
0x9e: {  	s7 =	sadd.s32 $0x8, s7;
	vm6 =	veq.s32 v8, s18;
	v21 =	vmul.f32 $1.250000000e+00, v25;
	v15 =	vld [tilespmem:s28+$0x0];
	(erf) = vpow2.f32 v26  }
0x9f: {  	_ = 	snop  }
0xa0: {  	v26 =	vld [tilespmem:s6+$0x10];
	v20 =	vmul.f32 $1.250000000e+00, v20  }
0xa1: {  	v17 =	vmul.f32 $1.250000000e+00, v17;
	v27 =	vmul.f32 v19, v10;
	v28 =	vld [tilespmem:s6+$0x20]  }
0xa2: {  	v25 =	vld [tilespmem:s6+$0x30];
	v16 =	vmul.f32 $1.442695020e+00, v16;
	v20 =	vmul.f32 $1.442695020e+00, v20  }
0xa3: {  	v12 =	vmul.f32 $1.442695020e+00, v12;
	v17 =	vmul.f32 $1.442695020e+00, v17  }
0xa4: {  	v29 =	vpop (erf);
	v21 =	vmul.f32 $1.442695020e+00, v21;
	(erf) = vpow2.f32 v20  }
0xa5: {  	v22 =	vadd.f32 v24, v22;
	v20 =	vmul.f32 v29, v13;
	(erf) = vpow2.f32 v17  }
0xa6: {  	v17 =	vadd.f32 v18, v23;
	v18 =	vmul.f32 $1.250000000e+00, v26;
	v23 =	vmul.f32 $1.250000000e+00, v28  }
0xa7: {  	(erf) = vpow2.f32 v21;
	v21 =	vmul.f32 $1.250000000e+00, v25  }
0xa8: {  	v17 =	vadd.f32 v19, v17;
	(erf) = vpow2.f32 v16;
	v16 =	vmul.f32 $1.442695020e+00, v18  }
0xa9: {  	v24 =	vld [tilespmem:s28+$0x10];
	v18 =	vadd.f32 v27, v22;
	(erf) = vpow2.f32 v12;
	v12 =	vmul.f32 $1.442695020e+00, v23  }
0xaa: {  	v22 =	vpop (erf);
	(erf) = vpow2.f32 v16;
	v16 =	vmul.f32 $1.442695020e+00, v21  }
0xab: {  	s19 =	sadd.s32 $0xFFFFFFF9, s29;
	s7 =	sadd.s32 $0xFFFFFFFA, s29;
	v19 =	vld [tilespmem:s28+$0x20];
	v17 =	vadd.f32 v29, v17;
	v18 =	vadd.f32 v20, v18;
	v20 =	vmul.f32 v22, v15  }
0xac: {  	vm7 =	veq.s32 v8, s19;
	vm8 =	veq.s32 v8, s7;
	v21 =	vpop (erf);
	(erf) = vpow2.f32 v12  }
0xad: {  	v9 =	vsel vm7, v9, v14;
	v12 =	vld [tilespmem:s28+$0x30];
	v17 =	vadd.f32 v22, v17;
	v22 =	vpop (erf);
	(erf) = vpow2.f32 v16  }
0xae: {  	s18 =	sadd.s32 $0x80, s28;
	v9 =	vsel vm8, v11, v9;
	v23 =	vmul.f32 v21, v24;
	v18 =	vadd.f32 v20, v18;
	v16 =	vpop (erf)  }
0xaf: {  	v9 =	vsel vm6, v10, v9;
	v14 =	vadd.f32 v21, v17;
	v17 =	vld [tilespmem:s18+$0xFFFFFFC0];
	v20 =	vpop (erf)  }
0xb0: {  	v9 =	vsel vm5, v13, v9;
	v11 =	vmul.f32 v22, v19;
	v18 =	vadd.f32 v23, v18;
	v21 =	vpop (erf)  }
0xb1: {  	v9 =	vsel vm4, v15, v9;
	v10 =	vadd.f32 v22, v14;
	v14 =	vld [tilespmem:s18+$0xFFFFFFD0];
	v25 =	vpop (erf)  }
0xb2: {  	s19 =	sadd.s32 $0xFFFFFFFF, s3;
	v9 =	vsel vm3, v24, v9;
	v15 =	vld [tilespmem:s18+$0x0];
	v13 =	vmul.f32 v16, v12;
	v11 =	vadd.f32 v11, v18;
	v22 =	vpop (erf)  }
0xb3: {  	v9 =	vsel vm2, v19, v9;
	vm2 =	veq.s32 v8, s19;
	s19 =	sadd.s32 $0xFFFFFFFD, s3;
	v23 =	vld [tilespmem:s18+$0xFFFFFFE0];
	v10 =	vadd.f32 v16, v10;
	v16 =	vpop (erf)  }
0xb4: {  	v24 =	vld [tilespmem:s18+$0x10];
	vm4 =	veq.s32 v8, s19;
	s19 =	sadd.s32 $0xFFFFFFFB, s3;
	v11 =	vadd.f32 v13, v11;
	v13 =	vmul.f32 v20, v17;
	v26 =	vpop (erf)  }
0xb5: {  	vm6 =	veq.s32 v8, s19;
	v18 =	vld [tilespmem:s18+$0xFFFFFFF0];
	v10 =	vadd.f32 v20, v10;
	v20 =	vpop (erf)  }
0xb6: {  	v19 =	vld [tilespmem:s18+$0x20];
	s19 =	sadd.s32 $0xFFFFFFF9, s3;
	v9 =	vsel vm1, v12, v9;
	v11 =	vadd.f32 v13, v11;
	v12 =	vmul.f32 v21, v14;
	v27 =	vpop (erf)  }
0xb7: {  	vm8 =	veq.s32 v8, s19;
	v13 =	vld [tilespmem:s18+$0x30];
	s18 =	sadd.s32 $0xFFFFFFFE, s3;
	v10 =	vadd.f32 v21, v10;
	_ =	swait.ge [sflag:s26], $0x1000  }
0xb8: {  	vm3 =	veq.s32 v8, s18;
	s18 =	sadd.s32 $0xFFFFFFFC, s3;
	v11 =	vadd.f32 v12, v11;
	v12 =	vmul.f32 v25, v23;
	[sflag:s26] =	ssyncset.done $0x0  }
0xb9: {  	s7 =	simm.s32 $0x20F0;
	v9 =	vsel vm8, v17, v9;
	vm5 =	veq.s32 v8, s18;
	s18 =	sadd.s32 $0xFFFFFFFA, s3;
	v10 =	vadd.f32 v25, v10;
	[sflag:s26] =	ssyncadd.s32 $0xFFFFF000  }
0xba: {  	vm7 =	veq.s32 v8, s18;
	v11 =	vadd.f32 v12, v11;
	v12 =	vmul.f32 v22, v18;
	v21 =	vld [tilespmem:s7+$0xFFFFFF90]  }
0xbb: {  	vm1 =	veq.s32 v8, s3;
	v9 =	vsel vm7, v14, v9  }
0xbc: {  	v8 =	vadd.f32 v22, v10;
	v10 =	vadd.f32 v12, v11;
	v11 =	vmul.f32 v16, v15  }
0xbd: {  	v17 =	vmul.f32 v26, v24;
	v9 =	vsel vm6, v23, v9;
	v12 =	vld [tilespmem:s7+$0xFFFFFFA0]  }
0xbe: {  	v14 =	vld [tilespmem:s7+$0xFFFFFFB0];
	v9 =	vsel vm5, v18, v9;
	v8 =	vadd.f32 v16, v8;
	v10 =	vadd.f32 v11, v10  }
0xbf: {  	s6 =	simm.s32 $0x22F0;
	v16 =	vld [tilespmem:s7+$0xFFFFFFC0];
	v9 =	vsel vm4, v15, v9;
	v18 =	vmul.f32 $1.250000000e+00, v21  }
0xc0: {  	v11 =	vmul.f32 v20, v19;
	v8 =	vadd.f32 v26, v8;
	v26 =	vld [tilespmem:s6+$0xFFFFFFB0];
	v10 =	vadd.f32 v17, v10  }
0xc1: {  	v15 =	vmul.f32 v27, v13;
	v9 =	vsel vm3, v24, v9;
	v17 =	vld [tilespmem:s0+$0x1010];
	v18 =	vmul.f32 $1.442695020e+00, v18  }
0xc2: {  	v21 =	vld [tilespmem:s7+$0xFFFFFFD0];
	v12 =	vmul.f32 $1.250000000e+00, v12;
	v8 =	vadd.f32 v20, v8;
	v10 =	vadd.f32 v11, v10  }
0xc3: {  	v19 =	vsel vm2, v19, v9;
	v20 =	vld [tilespmem:s7+$0xFFFFFFF0];
	v11 =	vmul.f32 $1.250000000e+00, v14;
	(erf) = vpow2.f32 v18  }
0xc4: {  	v12 =	vmul.f32 $1.442695020e+00, v12;
	v9 =	vadd.f32 v27, v8;
	v18 =	vld [tilespmem:s7+$0xFFFFFFE0];
	v8 =	vadd.f32 v15, v10  }
0xc5: {  	v15 =	vmul.f32 $1.250000000e+00, v16;
	v11 =	vmul.f32 $1.442695020e+00, v11;
	v10 =	vsel vm1, v13, v19  }
0xc6: {  	v14 =	vld [tilespmem:s7+$0x0];
	v26 =	vmul.f32 $1.250000000e+00, v26;
	v16 =	vand.u32 $0xF, v17;
	(erf) = vpow2.f32 v12  }
0xc7: {  	s28 =	simm.s32 $0xB070;
	v19 =	vld [tilespmem:s6+$0xFFFFFFD0];
	vm1 =	veq.s32 v16, v0;
	v16 =	vmul.f32 $1.250000000e+00, v21;
	v15 =	vmul.f32 $1.442695020e+00, v15  }
0xc8: {  	v13 =	vld [tilespmem:s28+$0xFFFFFF90];
	(erf) = vpow2.f32 v11;
	v20 =	vmul.f32 $1.250000000e+00, v20  }
0xc9: {  	v22 =	vld [tilespmem:s6+$0xFFFFFFC0];
	v12 =	vshra.s32 v17, $0x4;
	v21 =	vmul.f32 $1.442695020e+00, v16;
	v17 =	vmul.f32 $1.250000000e+00, v18  }
0xca: {  	(erf) = vpow2.f32 v15;
	v25 =	vmul.f32 $1.442695020e+00, v20  }
0xcb: {  	s29 =	simm.s32 $0x7;
	v12 =	vnsel vm1, $0xFFFFFFFF, v12;
	v16 =	vld [tilespmem:s28+$0xFFFFFFA0];
	v18 =	vmul.f32 $1.250000000e+00, v14;
	v23 =	vmul.f32 $1.442695020e+00, v17  }
0xcc: {  	s18 =	simm.s32 $0x6;
	v24 =	vld [tilespmem:s6+$0xFFFFFF90];
	vm1 =	veq.s32 v12, s29;
	(erf) = vpow2.f32 v21;
	v17 =	vmul.f32 $1.250000000e+00, v19;
	v19 =	vpop (erf)  }
0xcd: {  	s19 =	simm.s32 $0x5;
	vm2 =	veq.s32 v12, s18;
	v15 =	vld [tilespmem:s28+$0xFFFFFFB0];
	(erf) = vpow2.f32 v23;
	v23 =	vmul.f32 v19, v13  }
0xce: {  	s18 =	simm.s32 $0x4;
	vm3 =	veq.s32 v12, s19;
	v20 =	vmul.f32 $1.250000000e+00, v22;
	v14 =	vimm.f32 $0.0e+00;
	v21 =	vld [tilespmem:s6+$0xFFFFFFA0]  }
0xcf: {  	vm4 =	veq.s32 v12, s18;
	v29 =	vmul.f32 $1.442695020e+00, v18;
	v18 =	vld [tilespmem:s28+$0xFFFFFFC0];
	v22 =	vpop (erf);
	(erf) = vpow2.f32 v25  }
0xd0: {  	v11 =	vld [tilespmem:s0+$0x1810];
	s19 =	simm.s32 $0x3;
	s18 =	simm.s32 $0x2;
	v27 =	vadd.f32 v19, v14;
	v28 =	vmul.f32 v22, v16;
	v25 =	vadd.f32 v23, v14  }
0xd1: {  	s3 =	simm.s32 $0xF;
	s7 =	simm.s32 $0x17;
	vm5 =	veq.s32 v12, s19;
	vm6 =	veq.s32 v12, s18;
	v19 =	vld [tilespmem:s28+$0xFFFFFFD0];
	v23 =	vpop (erf);
	(erf) = vpow2.f32 v29  }
.LBB2_5:
0xd2: {  	p0 =	sne.s32 s7, $0xFF;
	s18 =	sadd.s32 $0xFFFFFFFA, s29;
	v22 =	vadd.f32 v22, v27;
	v25 =	vadd.f32 v28, v25;
	v27 =	vmul.f32 v23, v15;
	v28 =	vld [tilespmem:s28+$0xFFFFFFE0]  }
0xd3: {  	v21 =	vmul.f32 $1.250000000e+00, v21;
	v24 =	vmul.f32 $1.250000000e+00, v24;
	vm7 =	veq.s32 v12, s18;
	v29 =	vpop (erf)  }
0xd4: {  	s18 =	sadd.s32 $0xFFFFFFF9, s29;
	s29 =	smov.u32 s3;
	s3 =	smov.u32 s7;
	v22 =	vadd.f32 v23, v22;
	v23 =	vadd.f32 v27, v25;
	v25 =	vmul.f32 v29, v18;
	v27 =	vld [tilespmem:s28+$0xFFFFFFF0]  }
0xd5: {  	v26 =	vmul.f32 $1.442695020e+00, v26;
	v21 =	vmul.f32 $1.442695020e+00, v21;
	vm8 =	veq.s32 v12, s18;
	v30 =	vpop (erf)  }
0xd6: {  	v22 =	vadd.f32 v29, v22;
	v32 =	vadd.f32 v25, v23;
	v25 =	vmul.f32 v30, v19;
	v29 =	vld [tilespmem:s28+$0x0];
	v31 =	vpop (erf)  }
0xd7: {  	v24 =	vmul.f32 $1.442695020e+00, v24;
	v13 =	vsel vm8, v13, v14;
	v14 =	vmul.f32 v31, v28  }
0xd8: {  	v13 =	vsel vm7, v16, v13;
	v16 =	vadd.f32 v30, v22;
	v22 =	vadd.f32 v25, v32;
	v23 =	vpop (erf)  }
0xd9: {  	v13 =	vsel vm6, v15, v13;
	v25 =	vld [tilespmem:s6+$0x0];
	(erf) = vpow2.f32 v24;
	v15 =	vmul.f32 v23, v27  }
0xda: {  	v13 =	vsel vm5, v18, v13;
	v24 =	vld [tilespmem:s6+$0xFFFFFFE0];
	v16 =	vadd.f32 v31, v16;
	v14 =	vadd.f32 v14, v22;
	v18 =	vpop (erf)  }
0xdb: {  	v13 =	vsel vm4, v19, v13;
	(erf) = vpow2.f32 v21;
	v19 =	vmul.f32 v18, v29  }
0xdc: {  	v13 =	vsel vm3, v28, v13;
	v21 =	vld [tilespmem:s6+$0xFFFFFFF0];
	s6 =	sadd.s32 $0x200, s6;
	v16 =	vadd.f32 v23, v16;
	v14 =	vadd.f32 v15, v14  }
0xdd: {  	v20 =	vmul.f32 $1.442695020e+00, v20;
	s28 =	sadd.s32 $0x80, s28;
	v15 =	vsel vm2, v27, v13;
	v22 =	vld [tilespmem:s6+$0xFFFFFFD0];
	(erf) = vpow2.f32 v26  }
0xde: {  	v13 =	vld [tilespmem:s28+$0xFFFFFF90];
	v23 =	vadd.f32 v18, v16;
	v19 =	vadd.f32 v19, v14;
	v14 =	vsel vm1, v29, v15  }
0xdf: {  	v25 =	vmul.f32 $1.250000000e+00, v25;
	v18 =	vld [tilespmem:s6+$0xFFFFFFC0];
	v24 =	vmul.f32 $1.250000000e+00, v24  }
0xe0: {  	v26 =	vmul.f32 $1.442695020e+00, v17;
	v15 =	vld [tilespmem:s28+$0xFFFFFFB0];
	(erf) = vpow2.f32 v20  }
0xe1: {  	s18 =	sadd.s32 $0xFFFFFFFF, s29;
	vm1 =	veq.s32 v12, s29;
	v16 =	vld [tilespmem:s28+$0xFFFFFFA0];
	v20 =	vmul.f32 $1.442695020e+00, v24;
	v24 =	vmul.f32 $1.250000000e+00, v21  }
0xe2: {  	s19 =	sadd.s32 $0xFFFFFFFE, s29;
	vm2 =	veq.s32 v12, s18;
	v29 =	vld [tilespmem:s6+$0xFFFFFFB0];
	v17 =	vmul.f32 $1.250000000e+00, v22;
	v27 =	vpop (erf);
	(erf) = vpow2.f32 v26  }
.Ltmp1:
0xe3: {  	vm3 =	veq.s32 v12, s19;
	s18 =	sadd.s32 $0xFFFFFFFD, s29;
	v21 =	vld [tilespmem:s6+$0xFFFFFFA0];
	v26 =	vmul.f32 $1.442695020e+00, v24;
	(erf) = vpow2.f32 v20;
	(pc) =	sbr.rel @p0 .LBB2_5-.Ltmp1, $4  }
0xe4: {  	s19 =	sadd.s32 $0xFFFFFFFC, s29;
	vm4 =	veq.s32 v12, s18;
	v28 =	vmul.f32 v27, v13;
	v24 =	vld [tilespmem:s6+$0xFFFFFF90];
	v20 =	vmul.f32 $1.250000000e+00, v18;
	v22 =	vpop (erf)  }
0xe5: {  	vm5 =	veq.s32 v12, s19;
	v30 =	vmul.f32 $1.442695020e+00, v25;
	v18 =	vld [tilespmem:s28+$0xFFFFFFC0];
	(erf) = vpow2.f32 v26  }
0xe6: {  	s18 =	sadd.s32 $0xFFFFFFFB, s29;
	v27 =	vadd.f32 v27, v23;
	v25 =	vadd.f32 v28, v19;
	v28 =	vmul.f32 v22, v16;
	v23 =	vpop (erf)  }
0xe7: {  	s7 =	sadd.s32 $0x8, s7;
	vm6 =	veq.s32 v12, s18;
	v26 =	vmul.f32 $1.250000000e+00, v29;
	v19 =	vld [tilespmem:s28+$0xFFFFFFD0];
	(erf) = vpow2.f32 v30  }
0xe8: {  	_ = 	snop  }
0xe9: {  	v30 =	vld [tilespmem:s6+$0xFFFFFFE0];
	v24 =	vmul.f32 $1.250000000e+00, v24  }
0xea: {  	v21 =	vmul.f32 $1.250000000e+00, v21;
	v31 =	vmul.f32 v23, v15;
	v32 =	vld [tilespmem:s6+$0xFFFFFFF0]  }
0xeb: {  	v29 =	vld [tilespmem:s6+$0x0];
	v20 =	vmul.f32 $1.442695020e+00, v20;
	v24 =	vmul.f32 $1.442695020e+00, v24  }
0xec: {  	v25 =	vadd.f32 v28, v25;
	v17 =	vmul.f32 $1.442695020e+00, v17;
	s19 =	sadd.s32 $0xFFFFFFF9, s29;
	v21 =	vmul.f32 $1.442695020e+00, v21  }
0xed: {  	s7 =	sadd.s32 $0xFFFFFFFA, s29;
	v33 =	vpop (erf);
	v26 =	vmul.f32 $1.442695020e+00, v26;
	vm7 =	veq.s32 v12, s19;
	(erf) = vpow2.f32 v24  }
0xee: {  	vm8 =	veq.s32 v12, s7;
	v24 =	vmul.f32 v33, v18;
	(erf) = vpow2.f32 v21  }
0xef: {  	v21 =	vadd.f32 v22, v27;
	v22 =	vmul.f32 $1.250000000e+00, v30;
	v27 =	vmul.f32 $1.250000000e+00, v32  }
0xf0: {  	v13 =	vsel vm7, v13, v14;
	(erf) = vpow2.f32 v26;
	v26 =	vmul.f32 $1.250000000e+00, v29  }
0xf1: {  	v21 =	vadd.f32 v23, v21;
	(erf) = vpow2.f32 v20;
	v20 =	vmul.f32 $1.442695020e+00, v22  }
0xf2: {  	v22 =	vadd.f32 v31, v25;
	(erf) = vpow2.f32 v17;
	v17 =	vmul.f32 $1.442695020e+00, v27  }
0xf3: {  	v28 =	vld [tilespmem:s28+$0xFFFFFFE0];
	v13 =	vsel vm8, v16, v13;
	v25 =	vpop (erf);
	(erf) = vpow2.f32 v20;
	v20 =	vmul.f32 $1.442695020e+00, v26  }
0xf4: {  	v21 =	vadd.f32 v33, v21;
	v22 =	vadd.f32 v24, v22;
	v24 =	vmul.f32 v25, v19  }
0xf5: {  	v13 =	vsel vm6, v15, v13;
	v23 =	vld [tilespmem:s28+$0xFFFFFFF0];
	v26 =	vpop (erf);
	(erf) = vpow2.f32 v17  }
0xf6: {  	v13 =	vsel vm5, v18, v13;
	v21 =	vadd.f32 v25, v21;
	v25 =	vpop (erf);
	(erf) = vpow2.f32 v20  }
0xf7: {  	v13 =	vsel vm4, v19, v13;
	v17 =	vld [tilespmem:s28+$0x0];
	v20 =	vpop (erf)  }
0xf8: {  	s18 =	sadd.s32 $0x80, s28;
	v27 =	vmul.f32 v26, v28;
	v22 =	vadd.f32 v24, v22;
	v14 =	vadd.f32 v26, v21;
	v24 =	vpop (erf)  }
0xf9: {  	v13 =	vsel vm3, v28, v13;
	v21 =	vld [tilespmem:s18+$0xFFFFFF90];
	v26 =	vpop (erf)  }
0xfa: {  	s19 =	sadd.s32 $0xFFFFFFFF, s3;
	v15 =	vld [tilespmem:s18+$0xFFFFFFA0];
	v16 =	vmul.f32 v25, v23;
	v22 =	vadd.f32 v27, v22;
	v14 =	vadd.f32 v25, v14;
	v29 =	vpop (erf)  }
0xfb: {  	v19 =	vld [tilespmem:s18+$0xFFFFFFD0];
	v13 =	vsel vm2, v23, v13;
	vm2 =	veq.s32 v12, s19;
	v25 =	vpop (erf)  }
0xfc: {  	v28 =	vld [tilespmem:s18+$0xFFFFFFE0];
	s19 =	sadd.s32 $0xFFFFFFFD, s3;
	v18 =	vmul.f32 v20, v17;
	v16 =	vadd.f32 v16, v22;
	v14 =	vadd.f32 v20, v14;
	v20 =	vpop (erf)  }
0xfd: {  	v27 =	vld [tilespmem:s18+$0xFFFFFFB0];
	vm4 =	veq.s32 v12, s19;
	v30 =	vpop (erf)  }
0xfe: {  	v23 =	vld [tilespmem:s18+$0xFFFFFFF0];
	s19 =	sadd.s32 $0xFFFFFFFB, s3;
	v16 =	vadd.f32 v18, v16;
	v18 =	vmul.f32 v24, v21;
	v14 =	vadd.f32 v24, v14;
	v24 =	vpop (erf)  }
0xff: {  	vm6 =	veq.s32 v12, s19;
	v22 =	vld [tilespmem:s18+$0xFFFFFFC0];
	v31 =	vpop (erf)  }
0x100: {  	s19 =	sadd.s32 $0xFFFFFFF9, s3;
	v13 =	vsel vm1, v17, v13;
	v17 =	vmul.f32 v26, v15;
	v16 =	vadd.f32 v18, v16;
	v18 =	vld [tilespmem:s18+$0x0];
	_ =	swait.ge [sflag:s26], $0x1000  }
0x101: {  	vm8 =	veq.s32 v12, s19;
	s18 =	sadd.s32 $0xFFFFFFFE, s3;
	v14 =	vadd.f32 v26, v14;
	[sflag:s26] =	ssyncset.done $0x0  }
0x102: {  	s7 =	simm.s32 $0x2170;
	vm3 =	veq.s32 v12, s18;
	s18 =	sadd.s32 $0xFFFFFFFC, s3;
	v16 =	vadd.f32 v17, v16;
	v17 =	vmul.f32 v29, v27;
	[sflag:s26] =	ssyncadd.s32 $0xFFFFF000  }
0x103: {  	v13 =	vsel vm8, v21, v13;
	vm5 =	veq.s32 v12, s18;
	s18 =	sadd.s32 $0xFFFFFFFA, s3;
	v14 =	vadd.f32 v29, v14;
	v26 =	vld [tilespmem:s7+$0xFFFFFF90]  }
0x104: {  	vm7 =	veq.s32 v12, s18;
	v16 =	vadd.f32 v17, v16;
	v17 =	vmul.f32 v25, v22  }
0x105: {  	vm1 =	veq.s32 v12, s3;
	v13 =	vsel vm7, v15, v13;
	v12 =	vadd.f32 v25, v14;
	v15 =	vld [tilespmem:s7+$0xFFFFFFB0]  }
0x106: {  	v13 =	vsel vm6, v27, v13;
	v14 =	vadd.f32 v17, v16;
	v16 =	vmul.f32 v20, v19;
	v17 =	vld [tilespmem:s7+$0xFFFFFFA0]  }
0x107: {  	v21 =	vmul.f32 v30, v28;
	v13 =	vsel vm5, v22, v13;
	v12 =	vadd.f32 v20, v12  }
0x108: {  	v13 =	vsel vm4, v19, v13;
	v14 =	vadd.f32 v16, v14;
	v22 =	vmul.f32 $1.250000000e+00, v26  }
0x109: {  	v20 =	vld [tilespmem:s7+$0xFFFFFFC0];
	v19 =	vmul.f32 v31, v18;
	v16 =	vmul.f32 v24, v23;
	v12 =	vadd.f32 v30, v12  }
0x10a: {  	v13 =	vsel vm3, v28, v13;
	v14 =	vadd.f32 v21, v14;
	v21 =	vld [tilespmem:s0+$0x1020];
	v22 =	vmul.f32 $1.442695020e+00, v22  }
0x10b: {  	v25 =	vld [tilespmem:s7+$0xFFFFFFD0];
	v15 =	vmul.f32 $1.250000000e+00, v15;
	v17 =	vmul.f32 $1.250000000e+00, v17;
	v12 =	vadd.f32 v24, v12  }
0x10c: {  	v14 =	vadd.f32 v16, v14;
	v16 =	vsel vm2, v23, v13;
	v23 =	vld [tilespmem:s7+$0xFFFFFFF0];
	(erf) = vpow2.f32 v22  }
0x10d: {  	v15 =	vmul.f32 $1.442695020e+00, v15;
	v17 =	vmul.f32 $1.442695020e+00, v17;
	v22 =	vld [tilespmem:s7+$0xFFFFFFE0]  }
0x10e: {  	s6 =	simm.s32 $0x2370;
	v24 =	vld [tilespmem:s7+$0x0];
	v13 =	vadd.f32 v31, v12;
	v12 =	vadd.f32 v19, v14;
	v19 =	vmul.f32 $1.250000000e+00, v20  }
0x10f: {  	v30 =	vld [tilespmem:s6+$0xFFFFFFB0];
	v14 =	vsel vm1, v18, v16;
	v20 =	vand.u32 $0xF, v21;
	(erf) = vpow2.f32 v17  }
0x110: {  	s28 =	simm.s32 $0xC070;
	v26 =	vld [tilespmem:s6+$0xFFFFFFC0];
	vm1 =	veq.s32 v20, v0;
	v20 =	vmul.f32 $1.250000000e+00, v25;
	v19 =	vmul.f32 $1.442695020e+00, v19  }
0x111: {  	v17 =	vld [tilespmem:s28+$0xFFFFFF90];
	(erf) = vpow2.f32 v15;
	v23 =	vmul.f32 $1.250000000e+00, v23  }
0x112: {  	v16 =	vshra.s32 v21, $0x4;
	v25 =	vld [tilespmem:s6+$0xFFFFFFD0];
	(erf) = vpow2.f32 v19;
	v21 =	vmul.f32 $1.250000000e+00, v22  }
0x113: {  	v18 =	vimm.f32 $0.0e+00;
	v22 =	vmul.f32 $1.250000000e+00, v24;
	v24 =	vmul.f32 $1.442695020e+00, v20  }
0x114: {  	s29 =	simm.s32 $0x7;
	v30 =	vmul.f32 $1.250000000e+00, v30;
	v16 =	vnsel vm1, $0xFFFFFFFF, v16;
	v20 =	vld [tilespmem:s28+$0xFFFFFFA0];
	v27 =	vmul.f32 $1.442695020e+00, v21  }
0x115: {  	s18 =	simm.s32 $0x6;
	v28 =	vld [tilespmem:s6+$0xFFFFFF90];
	vm1 =	veq.s32 v16, s29;
	v23 =	vmul.f32 $1.442695020e+00, v23;
	(erf) = vpow2.f32 v24;
	v29 =	vpop (erf)  }
0x116: {  	s19 =	simm.s32 $0x5;
	vm2 =	veq.s32 v16, s18;
	v19 =	vld [tilespmem:s28+$0xFFFFFFB0];
	(erf) = vpow2.f32 v27;
	v27 =	vmul.f32 v29, v17  }
0x117: {  	s18 =	simm.s32 $0x4;
	vm3 =	veq.s32 v16, s19;
	v21 =	vmul.f32 $1.250000000e+00, v25;
	v25 =	vld [tilespmem:s6+$0xFFFFFFA0];
	v24 =	vmul.f32 $1.250000000e+00, v26  }
0x118: {  	vm4 =	veq.s32 v16, s18;
	v63 =	vmul.f32 $1.442695020e+00, v22;
	v22 =	vld [tilespmem:s28+$0xFFFFFFC0];
	v26 =	vpop (erf);
	(erf) = vpow2.f32 v23  }
0x119: {  	v15 =	vld [tilespmem:s0+$0x1820];
	s19 =	simm.s32 $0x3;
	s18 =	simm.s32 $0x2;
	v31 =	vadd.f32 v29, v18;
	v32 =	vmul.f32 v26, v20;
	v29 =	vadd.f32 v27, v18  }
0x11a: {  	s3 =	simm.s32 $0xF;
	s7 =	simm.s32 $0x17;
	vm5 =	veq.s32 v16, s19;
	vm6 =	veq.s32 v16, s18;
	v23 =	vld [tilespmem:s28+$0xFFFFFFD0];
	v27 =	vpop (erf);
	(erf) = vpow2.f32 v63  }
.LBB2_7:
0x11b: {  	p0 =	sne.s32 s7, $0xFF;
	s18 =	sadd.s32 $0xFFFFFFFA, s29;
	v26 =	vadd.f32 v26, v31;
	v29 =	vadd.f32 v32, v29;
	v31 =	vmul.f32 v27, v19;
	v32 =	vld [tilespmem:s28+$0xFFFFFFE0]  }
0x11c: {  	v25 =	vmul.f32 $1.250000000e+00, v25;
	v28 =	vmul.f32 $1.250000000e+00, v28;
	vm7 =	veq.s32 v16, s18;
	v33 =	vpop (erf)  }
0x11d: {  	s18 =	sadd.s32 $0xFFFFFFF9, s29;
	s29 =	smov.u32 s3;
	s3 =	smov.u32 s7;
	v26 =	vadd.f32 v27, v26;
	v27 =	vadd.f32 v31, v29;
	v29 =	vmul.f32 v33, v22;
	v31 =	vld [tilespmem:s28+$0xFFFFFFF0]  }
0x11e: {  	v30 =	vmul.f32 $1.442695020e+00, v30;
	v25 =	vmul.f32 $1.442695020e+00, v25;
	vm8 =	veq.s32 v16, s18;
	v34 =	vpop (erf)  }
0x11f: {  	v26 =	vadd.f32 v33, v26;
	v36 =	vadd.f32 v29, v27;
	v29 =	vmul.f32 v34, v23;
	v33 =	vld [tilespmem:s28+$0x0];
	v35 =	vpop (erf)  }
0x120: {  	v28 =	vmul.f32 $1.442695020e+00, v28;
	v17 =	vsel vm8, v17, v18;
	v18 =	vmul.f32 v35, v32  }
0x121: {  	v17 =	vsel vm7, v20, v17;
	v20 =	vadd.f32 v34, v26;
	v26 =	vadd.f32 v29, v36;
	v27 =	vpop (erf)  }
0x122: {  	v17 =	vsel vm6, v19, v17;
	v29 =	vld [tilespmem:s6+$0x0];
	(erf) = vpow2.f32 v28;
	v19 =	vmul.f32 v27, v31  }
0x123: {  	v17 =	vsel vm5, v22, v17;
	v28 =	vld [tilespmem:s6+$0xFFFFFFE0];
	v20 =	vadd.f32 v35, v20;
	v18 =	vadd.f32 v18, v26;
	v22 =	vpop (erf)  }
0x124: {  	v17 =	vsel vm4, v23, v17;
	(erf) = vpow2.f32 v25;
	v23 =	vmul.f32 v22, v33  }
0x125: {  	v17 =	vsel vm3, v32, v17;
	v25 =	vld [tilespmem:s6+$0xFFFFFFF0];
	s6 =	sadd.s32 $0x200, s6;
	v20 =	vadd.f32 v27, v20;
	v18 =	vadd.f32 v19, v18  }
0x126: {  	v24 =	vmul.f32 $1.442695020e+00, v24;
	s28 =	sadd.s32 $0x80, s28;
	v19 =	vsel vm2, v31, v17;
	v26 =	vld [tilespmem:s6+$0xFFFFFFD0];
	(erf) = vpow2.f32 v30  }
0x127: {  	v17 =	vld [tilespmem:s28+$0xFFFFFF90];
	v27 =	vadd.f32 v22, v20;
	v23 =	vadd.f32 v23, v18;
	v18 =	vsel vm1, v33, v19  }
0x128: {  	v29 =	vmul.f32 $1.250000000e+00, v29;
	v22 =	vld [tilespmem:s6+$0xFFFFFFC0];
	v28 =	vmul.f32 $1.250000000e+00, v28  }
0x129: {  	v30 =	vmul.f32 $1.442695020e+00, v21;
	v19 =	vld [tilespmem:s28+$0xFFFFFFB0];
	(erf) = vpow2.f32 v24  }
0x12a: {  	s18 =	sadd.s32 $0xFFFFFFFF, s29;
	vm1 =	veq.s32 v16, s29;
	v20 =	vld [tilespmem:s28+$0xFFFFFFA0];
	v24 =	vmul.f32 $1.442695020e+00, v28;
	v28 =	vmul.f32 $1.250000000e+00, v25  }
0x12b: {  	s19 =	sadd.s32 $0xFFFFFFFE, s29;
	vm2 =	veq.s32 v16, s18;
	v33 =	vld [tilespmem:s6+$0xFFFFFFB0];
	v21 =	vmul.f32 $1.250000000e+00, v26;
	v31 =	vpop (erf);
	(erf) = vpow2.f32 v30  }
.Ltmp2:
0x12c: {  	vm3 =	veq.s32 v16, s19;
	s18 =	sadd.s32 $0xFFFFFFFD, s29;
	v25 =	vld [tilespmem:s6+$0xFFFFFFA0];
	v30 =	vmul.f32 $1.442695020e+00, v28;
	(erf) = vpow2.f32 v24;
	(pc) =	sbr.rel @p0 .LBB2_7-.Ltmp2, $4  }
0x12d: {  	s19 =	sadd.s32 $0xFFFFFFFC, s29;
	vm4 =	veq.s32 v16, s18;
	v32 =	vmul.f32 v31, v17;
	v28 =	vld [tilespmem:s6+$0xFFFFFF90];
	v24 =	vmul.f32 $1.250000000e+00, v22;
	v26 =	vpop (erf)  }
0x12e: {  	vm5 =	veq.s32 v16, s19;
	v34 =	vmul.f32 $1.442695020e+00, v29;
	v22 =	vld [tilespmem:s28+$0xFFFFFFC0];
	(erf) = vpow2.f32 v30  }
0x12f: {  	s18 =	sadd.s32 $0xFFFFFFFB, s29;
	v31 =	vadd.f32 v31, v27;
	v29 =	vadd.f32 v32, v23;
	v32 =	vmul.f32 v26, v20;
	v27 =	vpop (erf)  }
0x130: {  	s7 =	sadd.s32 $0x8, s7;
	vm6 =	veq.s32 v16, s18;
	v30 =	vmul.f32 $1.250000000e+00, v33;
	v23 =	vld [tilespmem:s28+$0xFFFFFFD0];
	(erf) = vpow2.f32 v34  }
0x131: {  	_ = 	snop  }
0x132: {  	v33 =	vld [tilespmem:s6+$0x0];
	v28 =	vmul.f32 $1.250000000e+00, v28  }
0x133: {  	v25 =	vmul.f32 $1.250000000e+00, v25;
	v34 =	vld [tilespmem:s6+$0xFFFFFFE0];
	v35 =	vmul.f32 v27, v19  }
0x134: {  	v36 =	vld [tilespmem:s6+$0xFFFFFFF0];
	v24 =	vmul.f32 $1.442695020e+00, v24;
	v28 =	vmul.f32 $1.442695020e+00, v28  }
0x135: {  	v29 =	vadd.f32 v32, v29;
	v21 =	vmul.f32 $1.442695020e+00, v21;
	s19 =	sadd.s32 $0xFFFFFFF9, s29;
	v30 =	vmul.f32 $1.442695020e+00, v30  }
0x136: {  	s7 =	sadd.s32 $0xFFFFFFFA, s29;
	v37 =	vpop (erf);
	vm7 =	veq.s32 v16, s19;
	v25 =	vmul.f32 $1.442695020e+00, v25;
	(erf) = vpow2.f32 v28  }
0x137: {  	vm8 =	veq.s32 v16, s7;
	v28 =	vmul.f32 v37, v22;
	v48 =	vmul.f32 $1.250000000e+00, v33  }
0x138: {  	(erf) = vpow2.f32 v25;
	v25 =	vadd.f32 v26, v31;
	v26 =	vmul.f32 $1.250000000e+00, v34  }
0x139: {  	v17 =	vsel vm7, v17, v18;
	v49 =	vmul.f32 $1.250000000e+00, v36;
	(erf) = vpow2.f32 v30  }
0x13a: {  	v25 =	vadd.f32 v27, v25;
	(erf) = vpow2.f32 v24;
	v24 =	vmul.f32 $1.442695020e+00, v26  }
0x13b: {  	v26 =	vadd.f32 v35, v29;
	(erf) = vpow2.f32 v21;
	v21 =	vmul.f32 $1.442695020e+00, v49  }
0x13c: {  	v50 =	vld [tilespmem:s28+$0xFFFFFFE0];
	v17 =	vsel vm8, v20, v17;
	v29 =	vpop (erf);
	(erf) = vpow2.f32 v24;
	v24 =	vmul.f32 $1.442695020e+00, v48  }
0x13d: {  	v25 =	vadd.f32 v37, v25;
	v26 =	vadd.f32 v28, v26;
	v28 =	vmul.f32 v29, v23  }
0x13e: {  	v17 =	vsel vm6, v19, v17;
	v27 =	vld [tilespmem:s28+$0xFFFFFFF0];
	v51 =	vpop (erf);
	(erf) = vpow2.f32 v21  }
0x13f: {  	v17 =	vsel vm5, v22, v17;
	v25 =	vadd.f32 v29, v25;
	v29 =	vpop (erf);
	(erf) = vpow2.f32 v24  }
0x140: {  	v17 =	vsel vm4, v23, v17;
	v21 =	vld [tilespmem:s28+$0x0];
	v24 =	vpop (erf)  }
0x141: {  	s18 =	sadd.s32 $0x80, s28;
	v52 =	vmul.f32 v51, v50;
	v26 =	vadd.f32 v28, v26;
	v18 =	vadd.f32 v51, v25;
	v28 =	vpop (erf)  }
0x142: {  	v17 =	vsel vm3, v50, v17;
	v25 =	vld [tilespmem:s18+$0xFFFFFF90];
	v53 =	vpop (erf)  }
0x143: {  	v54 =	vld [tilespmem:s18+$0xFFFFFFB0];
	s19 =	sadd.s32 $0xFFFFFFFF, s3;
	v20 =	vmul.f32 v29, v27;
	v26 =	vadd.f32 v52, v26;
	v18 =	vadd.f32 v29, v18;
	v55 =	vpop (erf)  }
0x144: {  	v19 =	vld [tilespmem:s18+$0xFFFFFFA0];
	v17 =	vsel vm2, v27, v17;
	vm2 =	veq.s32 v16, s19;
	v29 =	vpop (erf)  }
0x145: {  	v56 =	vld [tilespmem:s18+$0xFFFFFFE0];
	s19 =	sadd.s32 $0xFFFFFFFD, s3;
	v22 =	vmul.f32 v24, v21;
	v20 =	vadd.f32 v20, v26;
	v18 =	vadd.f32 v24, v18;
	v24 =	vpop (erf)  }
0x146: {  	v23 =	vld [tilespmem:s18+$0xFFFFFFD0];
	vm4 =	veq.s32 v16, s19;
	v57 =	vpop (erf)  }
0x147: {  	v27 =	vld [tilespmem:s18+$0xFFFFFFF0];
	s19 =	sadd.s32 $0xFFFFFFFB, s3;
	v20 =	vadd.f32 v22, v20;
	v22 =	vmul.f32 v28, v25;
	v18 =	vadd.f32 v28, v18;
	v28 =	vpop (erf)  }
0x148: {  	vm6 =	veq.s32 v16, s19;
	v26 =	vld [tilespmem:s18+$0xFFFFFFC0];
	v58 =	vpop (erf)  }
0x149: {  	s19 =	sadd.s32 $0xFFFFFFF9, s3;
	v17 =	vsel vm1, v21, v17;
	v21 =	vmul.f32 v53, v19;
	v20 =	vadd.f32 v22, v20;
	v22 =	vld [tilespmem:s18+$0x0];
	s18 =	sadd.s32 $0xFFFFFFFE, s3;
	_ =	swait.ge [sflag:s26], $0x1000  }
0x14a: {  	vm8 =	veq.s32 v16, s19;
	v18 =	vadd.f32 v53, v18;
	vm3 =	veq.s32 v16, s18;
	s18 =	sadd.s32 $0xFFFFFFFC, s3;
	[sflag:s26] =	ssyncset.done $0x0  }
0x14b: {  	s7 =	simm.s32 $0x21F0;
	v20 =	vadd.f32 v21, v20;
	v21 =	vmul.f32 v55, v54;
	vm5 =	veq.s32 v16, s18;
	s18 =	sadd.s32 $0xFFFFFFFA, s3;
	[sflag:s26] =	ssyncadd.s32 $0xFFFFF000  }
0x14c: {  	v17 =	vsel vm8, v25, v17;
	v18 =	vadd.f32 v55, v18;
	vm7 =	veq.s32 v16, s18;
	v59 =	vld [tilespmem:s7+$0xFFFFFF90]  }
0x14d: {  	s29 =	simm.s32 $0x23F0;
	v20 =	vadd.f32 v21, v20;
	v21 =	vmul.f32 v29, v26;
	v17 =	vsel vm7, v19, v17;
	v19 =	vld [tilespmem:s7+$0xFFFFFFB0]  }
0x14e: {  	vm1 =	veq.s32 v16, s3;
	v16 =	vadd.f32 v29, v18;
	v60 =	vld [tilespmem:s29+$0xFFFFFFC0]  }
0x14f: {  	v17 =	vsel vm6, v54, v17;
	v18 =	vadd.f32 v21, v20;
	v20 =	vmul.f32 v24, v23;
	v21 =	vld [tilespmem:s7+$0xFFFFFFA0]  }
0x150: {  	v25 =	vmul.f32 v57, v56;
	v17 =	vsel vm5, v26, v17;
	v16 =	vadd.f32 v24, v16  }
0x151: {  	v17 =	vsel vm4, v23, v17;
	v18 =	vadd.f32 v20, v18;
	v26 =	vmul.f32 $1.250000000e+00, v59  }
0x152: {  	v24 =	vld [tilespmem:s7+$0xFFFFFFC0];
	v23 =	vmul.f32 v58, v22;
	v20 =	vmul.f32 v28, v27;
	v16 =	vadd.f32 v57, v16  }
0x153: {  	v18 =	vadd.f32 v25, v18;
	v25 =	vld [tilespmem:s0+$0x1030];
	v19 =	vmul.f32 $1.250000000e+00, v19;
	v26 =	vmul.f32 $1.442695020e+00, v26  }
0x154: {  	v29 =	vld [tilespmem:s7+$0xFFFFFFD0];
	v17 =	vsel vm3, v56, v17;
	v34 =	vmul.f32 $1.250000000e+00, v60;
	v21 =	vmul.f32 $1.250000000e+00, v21  }
0x155: {  	v16 =	vadd.f32 v28, v16;
	v18 =	vadd.f32 v20, v18;
	(erf) = vpow2.f32 v26;
	v26 =	vld [tilespmem:s7+$0xFFFFFFE0]  }
0x156: {  	v28 =	vld [tilespmem:s7+$0x0];
	v20 =	vsel vm2, v27, v17;
	v19 =	vmul.f32 $1.442695020e+00, v19;
	v21 =	vmul.f32 $1.442695020e+00, v21  }
0x157: {  	v62 =	vld [tilespmem:s29+$0xFFFFFFB0];
	v17 =	vadd.f32 v58, v16;
	v16 =	vadd.f32 v23, v18;
	v23 =	vmul.f32 $1.250000000e+00, v24  }
0x158: {  	v27 =	vld [tilespmem:s7+$0xFFFFFFF0];
	v18 =	vsel vm1, v22, v20;
	v24 =	vand.u32 $0xF, v25;
	(erf) = vpow2.f32 v21  }
0x159: {  	s6 =	simm.s32 $0xD070;
	vm1 =	veq.s32 v24, v0;
	v24 =	vmul.f32 $1.250000000e+00, v29;
	v23 =	vmul.f32 $1.442695020e+00, v23  }
0x15a: {  	v20 =	vshra.s32 v25, $0x4;
	v21 =	vld [tilespmem:s6+$0xFFFFFF90];
	(erf) = vpow2.f32 v19;
	v25 =	vmul.f32 $1.250000000e+00, v26  }
0x15b: {  	v29 =	vld [tilespmem:s29+$0xFFFFFFD0];
	v26 =	vmul.f32 $1.250000000e+00, v28;
	v28 =	vmul.f32 $1.442695020e+00, v24  }
0x15c: {  	v44 =	vmul.f32 $1.250000000e+00, v62;
	(erf) = vpow2.f32 v23  }
0x15d: {  	s28 =	simm.s32 $0x7;
	v20 =	vnsel vm1, $0xFFFFFFFF, v20;
	v27 =	vmul.f32 $1.250000000e+00, v27;
	v24 =	vld [tilespmem:s6+$0xFFFFFFA0];
	v61 =	vmul.f32 $1.442695020e+00, v25  }
0x15e: {  	s18 =	simm.s32 $0x6;
	v42 =	vld [tilespmem:s29+$0xFFFFFFA0];
	v22 =	vimm.f32 $0.0e+00;
	vm1 =	veq.s32 v20, s28;
	(erf) = vpow2.f32 v28  }
0x15f: {  	s19 =	simm.s32 $0x5;
	vm2 =	veq.s32 v20, s18;
	v23 =	vld [tilespmem:s6+$0xFFFFFFB0];
	v27 =	vmul.f32 $1.442695020e+00, v27;
	v28 =	vpop (erf);
	(erf) = vpow2.f32 v61  }
0x160: {  	v43 =	vld [tilespmem:s29+$0xFFFFFF90];
	s18 =	simm.s32 $0x4;
	vm3 =	veq.s32 v20, s19;
	v25 =	vmul.f32 $1.250000000e+00, v29;
	v29 =	vmul.f32 v28, v21  }
0x161: {  	vm4 =	veq.s32 v20, s18;
	v63 =	vmul.f32 $1.442695020e+00, v26;
	v26 =	vld [tilespmem:s6+$0xFFFFFFC0];
	v37 =	vpop (erf);
	(erf) = vpow2.f32 v27  }
0x162: {  	v19 =	vld [tilespmem:s0+$0x1830];
	s19 =	simm.s32 $0x3;
	s18 =	simm.s32 $0x2;
	v40 =	vadd.f32 v28, v22;
	v41 =	vmul.f32 v37, v24;
	v39 =	vadd.f32 v29, v22  }
0x163: {  	s3 =	simm.s32 $0xF;
	s7 =	simm.s32 $0x17;
	vm5 =	veq.s32 v20, s19;
	vm6 =	veq.s32 v20, s18;
	v27 =	vld [tilespmem:s6+$0xFFFFFFD0];
	v38 =	vpop (erf);
	(erf) = vpow2.f32 v63  }
.LBB2_9:
0x164: {  	p0 =	sne.s32 s7, $0xFF;
	s18 =	sadd.s32 $0xFFFFFFFA, s28;
	v28 =	vadd.f32 v37, v40;
	v29 =	vadd.f32 v41, v39;
	v30 =	vmul.f32 v38, v23;
	v31 =	vld [tilespmem:s6+$0xFFFFFFE0]  }
0x165: {  	v33 =	vmul.f32 $1.250000000e+00, v42;
	v32 =	vmul.f32 $1.250000000e+00, v43;
	vm7 =	veq.s32 v20, s18;
	v35 =	vpop (erf)  }
0x166: {  	s18 =	sadd.s32 $0xFFFFFFF9, s28;
	s28 =	smov.u32 s3;
	s3 =	smov.u32 s7;
	v28 =	vadd.f32 v38, v28;
	v29 =	vadd.f32 v30, v29;
	v30 =	vmul.f32 v35, v26;
	v36 =	vld [tilespmem:s6+$0xFFFFFFF0]  }
0x167: {  	v37 =	vmul.f32 $1.442695020e+00, v44;
	v33 =	vmul.f32 $1.442695020e+00, v33;
	vm8 =	veq.s32 v20, s18;
	v38 =	vpop (erf)  }
0x168: {  	v28 =	vadd.f32 v35, v28;
	v40 =	vadd.f32 v30, v29;
	v30 =	vmul.f32 v38, v27;
	v35 =	vld [tilespmem:s6+$0x0];
	v39 =	vpop (erf)  }
0x169: {  	v32 =	vmul.f32 $1.442695020e+00, v32;
	v21 =	vsel vm8, v21, v22;
	v22 =	vmul.f32 v39, v31  }
0x16a: {  	v21 =	vsel vm7, v24, v21;
	v24 =	vadd.f32 v38, v28;
	v28 =	vadd.f32 v30, v40;
	v29 =	vpop (erf)  }
0x16b: {  	v21 =	vsel vm6, v23, v21;
	v30 =	vld [tilespmem:s29+$0x0];
	(erf) = vpow2.f32 v32;
	v23 =	vmul.f32 v29, v36  }
0x16c: {  	v21 =	vsel vm5, v26, v21;
	v32 =	vld [tilespmem:s29+$0xFFFFFFE0];
	v24 =	vadd.f32 v39, v24;
	v22 =	vadd.f32 v22, v28;
	v26 =	vpop (erf)  }
0x16d: {  	v21 =	vsel vm4, v27, v21;
	(erf) = vpow2.f32 v33;
	v27 =	vmul.f32 v26, v35  }
0x16e: {  	v21 =	vsel vm3, v31, v21;
	v28 =	vld [tilespmem:s29+$0xFFFFFFF0];
	s29 =	sadd.s32 $0x200, s29;
	v24 =	vadd.f32 v29, v24;
	v22 =	vadd.f32 v23, v22  }
0x16f: {  	s6 =	sadd.s32 $0x80, s6;
	v31 =	vmul.f32 $1.442695020e+00, v34;
	v23 =	vsel vm2, v36, v21;
	v29 =	vld [tilespmem:s29+$0xFFFFFFD0];
	(erf) = vpow2.f32 v37  }
0x170: {  	v21 =	vld [tilespmem:s6+$0xFFFFFF90];
	v33 =	vadd.f32 v26, v24;
	v27 =	vadd.f32 v27, v22;
	v22 =	vsel vm1, v35, v23  }
0x171: {  	v30 =	vmul.f32 $1.250000000e+00, v30;
	v26 =	vld [tilespmem:s29+$0xFFFFFFC0];
	v32 =	vmul.f32 $1.250000000e+00, v32  }
0x172: {  	v34 =	vmul.f32 $1.442695020e+00, v25;
	v23 =	vld [tilespmem:s6+$0xFFFFFFB0];
	(erf) = vpow2.f32 v31  }
0x173: {  	s18 =	sadd.s32 $0xFFFFFFFF, s28;
	vm1 =	veq.s32 v20, s28;
	v24 =	vld [tilespmem:s6+$0xFFFFFFA0];
	v31 =	vmul.f32 $1.442695020e+00, v32;
	v28 =	vmul.f32 $1.250000000e+00, v28  }
0x174: {  	s19 =	sadd.s32 $0xFFFFFFFE, s28;
	vm2 =	veq.s32 v20, s18;
	v32 =	vld [tilespmem:s29+$0xFFFFFFB0];
	v25 =	vmul.f32 $1.250000000e+00, v29;
	v29 =	vpop (erf);
	(erf) = vpow2.f32 v34  }
.Ltmp3:
0x175: {  	vm3 =	veq.s32 v20, s19;
	s18 =	sadd.s32 $0xFFFFFFFD, s28;
	v42 =	vld [tilespmem:s29+$0xFFFFFFA0];
	v28 =	vmul.f32 $1.442695020e+00, v28;
	(erf) = vpow2.f32 v31;
	(pc) =	sbr.rel @p0 .LBB2_9-.Ltmp3, $4  }
0x176: {  	s19 =	sadd.s32 $0xFFFFFFFC, s28;
	vm4 =	veq.s32 v20, s18;
	v31 =	vmul.f32 v29, v21;
	v43 =	vld [tilespmem:s29+$0xFFFFFF90];
	v34 =	vmul.f32 $1.250000000e+00, v26;
	v37 =	vpop (erf)  }
0x177: {  	vm5 =	veq.s32 v20, s19;
	v30 =	vmul.f32 $1.442695020e+00, v30;
	v26 =	vld [tilespmem:s6+$0xFFFFFFC0];
	(erf) = vpow2.f32 v28  }
0x178: {  	s18 =	sadd.s32 $0xFFFFFFFB, s28;
	v40 =	vadd.f32 v29, v33;
	v39 =	vadd.f32 v31, v27;
	v41 =	vmul.f32 v37, v24;
	v38 =	vpop (erf)  }
0x179: {  	s7 =	sadd.s32 $0x8, s7;
	vm6 =	veq.s32 v20, s18;
	v44 =	vmul.f32 $1.250000000e+00, v32;
	v27 =	vld [tilespmem:s6+$0xFFFFFFD0];
	(erf) = vpow2.f32 v30  }
0x17a: {  	s7 =	sshll.u32 s31, $0x1  }
0x17b: {  	s7 =	smin.u32 s7, $0x1D  }
0x17c: {  	s7 =	sadd.s32 $0x2, s7  }
0x17d: {  	s18 =	sshll.u32 s7, $0x7  }
0x17e: {  	v28 =	vld.msk [tilespmem:s18+$0x0], $0xf;
	_ =	sdelay $0x1  }
0x17f: {  	v45 =	vld [tilespmem:s6+$0xFFFFFFE0]  }
0x180: {  	v46 =	vld [tilespmem:s6+$0xFFFFFFF0]  }
0x181: {  	v47 =	vld [tilespmem:s6+$0x0]  }
0x182: {  	v48 =	vld [tilespmem:s29+$0x0];
	v29 =	vshll.u32 v28, $0x5  }
0x183: {  	v49 =	vld [tilespmem:s29+$0xFFFFFFE0];
	v28 =	vand.u32 $0x7, v28;
	v29 =	vand.u32 $0xFFFFFF00, v29  }
0x184: {  	v50 =	vld [tilespmem:s29+$0xFFFFFFF0];
	s19 =	sadd.s32 $0x80, s6;
	v28 =	vor.u32 v28, v29  }
0x185: {  	v35 =	vld [tilespmem:s19+$0xFFFFFF90];
	v28 =	vperm.xlane v28, v1  }
0x186: {  	v32 =	vld [tilespmem:s19+$0xFFFFFFB0]  }
0x187: {  	v36 =	vld [tilespmem:s19+$0xFFFFFFA0];
	v51 =	vadd.s32 v2, v28  }
0x188: {  	v33 =	vld [tilespmem:s19+$0xFFFFFFC0]  }
0x189: {  	v31 =	vld [tilespmem:s19+$0xFFFFFFD0]  }
0x18a: {  	v30 =	vld [tilespmem:s19+$0xFFFFFFE0]  }
0x18b: {  	s18 =	simm.s32 $0x2000;
	v29 =	vld [tilespmem:s19+$0xFFFFFFF0]  }
0x18c: {  	v28 =	vld [tilespmem:s19+$0x0];
	[tilespmem:s18], [sflag:$0x1] =	stream.indirect_vreg.gather [hbm4b:s2+s4], $0x80, v51, vm0, $0xb8  }
0x18d: {  	s19 =	simm.s32 $0x2800  }
0x18e: {  	[tilespmem:s19], [sflag:$0x1] =	stream.indirect_vreg.gather [hbm4b:s9+s4], $0x80, v51, vm0, $0xb8;
	[tilespmem:$0x12200] =	vst v63  }
0x18f: {  	v43 =	vmul.f32 $1.250000000e+00, v43;
	s18 =	simm.s32 $0x3000  }
0x190: {  	v42 =	vmul.f32 $1.250000000e+00, v42;
	v34 =	vmul.f32 $1.442695020e+00, v34;
	[tilespmem:s18], [sflag:$0x1] =	stream.indirect_vreg.gather [hbm4b:s10+s4], $0x80, v51, vm0, $0xb8;
	[tilespmem:$0x12200] =	vst v63  }
0x191: {  	v25 =	vmul.f32 $1.442695020e+00, v25;
	v43 =	vmul.f32 $1.442695020e+00, v43;
	s19 =	simm.s32 $0x3800  }
0x192: {  	v44 =	vmul.f32 $1.442695020e+00, v44;
	v42 =	vmul.f32 $1.442695020e+00, v42;
	[tilespmem:s19], [sflag:$0x1] =	stream.indirect_vreg.gather [hbm4b:s11+s4], $0x80, v51, vm0, $0xb8;
	[tilespmem:$0x12200] =	vst v63  }
0x193: {  	(erf) = vpow2.f32 v43;
	v59 =	vmul.f32 $1.250000000e+00, v49;
	s18 =	simm.s32 $0x4000  }
0x194: {  	v60 =	vmul.f32 $1.250000000e+00, v48;
	(erf) = vpow2.f32 v42;
	[tilespmem:s18], [sflag:$0x1] =	stream.indirect_vreg.gather [hbm4b:s12+s4], $0x80, v51, vm0, $0xb8;
	[tilespmem:$0x12200] =	vst v63  }
0x195: {  	v61 =	vmul.f32 $1.250000000e+00, v50;
	(erf) = vpow2.f32 v44;
	s19 =	simm.s32 $0x4800  }
0x196: {  	v62 =	vmul.f32 $1.442695020e+00, v59;
	(erf) = vpow2.f32 v34;
	[tilespmem:s19], [sflag:$0x1] =	stream.indirect_vreg.gather [hbm4b:s13+s4], $0x80, v51, vm0, $0xb8;
	[tilespmem:$0x12200] =	vst v63  }
0x197: {  	v63 =	vpop (erf);
	(erf) = vpow2.f32 v25;
	v25 =	vmul.f32 $1.442695020e+00, v61;
	s18 =	simm.s32 $0x5000  }
0x198: {  	[tilespmem:s18], [sflag:$0x1] =	stream.indirect_vreg.gather [hbm4b:s14+s4], $0x80, v51, vm0, $0xb8;
	[tilespmem:$0x12200] =	vst v63  }
0x199: {  	v44 =	vpop (erf);
	v55 =	vmul.f32 $1.442695020e+00, v60;
	(erf) = vpow2.f32 v62;
	s19 =	simm.s32 $0x5800;
	s18 =	sshll.u32 s7, $0xB;
	s7 =	sshll.u32 s7, $0x6  }
0x19a: {  	v43 =	vpop (erf);
	(erf) = vpow2.f32 v25;
	[tilespmem:s19], [sflag:$0x1] =	stream.indirect_vreg.gather [hbm4b:s16+s4], $0x80, v51, vm0, $0xb8;
	[tilespmem:$0x12200] =	vst v63  }
0x19b: {  	v25 =	vpop (erf);
	(erf) = vpow2.f32 v55;
	s6 =	sadd.s32 s5, s18;
	s7 =	sand.u32 $0x40, s7;
	s19 =	rddreg [dreg:$0x0]  }
0x19c: {  	v34 =	vpop (erf);
	s6 =	sand.u32 $0x3FF000, s6;
	s7 =	sadd.s32 s19, s7  }
0x19d: {  	v48 =	vpop (erf);
	s19 =	simm.s32 $0xA000;
	s6 =	sadd.s32 s6, s7  }
0x19e: {  	v56 =	vpop (erf);
	[tilespmem:s19], [sflag:$0x3] =	stream.strided.gather [hbm4b:s6+s8], $0x1000, s17, s8, $0x38;
	[tilespmem:$0x12200] =	vst v63  }
0x19f: {  	v57 =	vpop (erf);
	s18 =	sadd.s32 $0x10, s6;
	s19 =	simm.s32 $0xB000  }
0x1a0: {  	v37 =	vadd.f32 v37, v40;
	v58 =	vpop (erf);
	[tilespmem:s19], [sflag:$0x3] =	stream.strided.gather [hbm4b:s18+s8], $0x1000, s17, s8, $0x38;
	[tilespmem:$0x12200] =	vst v63  }
0x1a1: {  	v39 =	vadd.f32 v41, v39;
	v60 =	vmul.f32 v38, v23;
	v59 =	vpop (erf);
	s19 =	sadd.s32 $0x20, s6  }
0x1a2: {  	v37 =	vadd.f32 v38, v37;
	v52 =	vpop (erf);
	[tilespmem:s24], [sflag:$0x3] =	stream.strided.gather [hbm4b:s19+s8], $0x1000, s17, s8, $0x38;
	[tilespmem:$0x12200] =	vst v63  }
0x1a3: {  	v39 =	vadd.f32 v60, v39;
	v62 =	vmul.f32 v63, v26;
	v61 =	vpop (erf);
	s6 =	sadd.s32 $0x30, s6  }
0x1a4: {  	v37 =	vadd.f32 v63, v37;
	v53 =	vpop (erf);
	[tilespmem:s25], [sflag:$0x3] =	stream.strided.gather [hbm4b:s6+s8], $0x1000, s17, s8, $0x38;
	[tilespmem:$0x12200] =	vst v63  }
0x1a5: {  	v63 =	vmul.f32 v44, v27;
	v39 =	vadd.f32 v62, v39;
	_ =	swait.ge [sflag:s1], $0x1000  }
0x1a6: {  	v37 =	vadd.f32 v44, v37;
	s18 =	sadd.s32 $0xFFFFFFF9, s28;
	[sflag:s1] =	ssyncset.done $0x0  }
0x1a7: {  	v54 =	vmul.f32 v43, v45;
	v39 =	vadd.f32 v63, v39;
	vm7 =	veq.s32 v20, s18;
	s19 =	sadd.s32 $0xFFFFFFFA, s28;
	[sflag:s1] =	ssyncadd.s32 $0xFFFFF000  }
0x1a8: {  	v21 =	vsel vm7, v21, v22;
	v22 =	vadd.f32 v43, v37;
	vm7 =	veq.s32 v20, s19;
	_ =	swait.ge [sflag:s1], $0x1000  }
0x1a9: {  	v55 =	vmul.f32 v25, v46;
	v21 =	vsel vm7, v24, v21;
	v24 =	vadd.f32 v54, v39;
	[sflag:s1] =	ssyncset.done $0x0  }
0x1aa: {  	v22 =	vadd.f32 v25, v22;
	v21 =	vsel vm6, v23, v21;
	[sflag:s1] =	ssyncadd.s32 $0xFFFFF000  }
0x1ab: {  	s19 =	sadd.s32 $0xFFFFFFFD, s3;
	v21 =	vsel vm5, v26, v21;
	v23 =	vadd.f32 v55, v24;
	v24 =	vmul.f32 v34, v47;
	_ =	swait.ge [sflag:s1], $0x1000  }
0x1ac: {  	v22 =	vadd.f32 v34, v22;
	v21 =	vsel vm4, v27, v21;
	vm4 =	veq.s32 v20, s19;
	[sflag:s1] =	ssyncset.done $0x0  }
0x1ad: {  	s18 =	sadd.s32 $0xFFFFFFFE, s3;
	s19 =	sadd.s32 $0xFFFFFFFB, s3;
	v21 =	vsel vm3, v45, v21;
	v23 =	vadd.f32 v24, v23;
	v24 =	vmul.f32 v48, v35;
	[sflag:s1] =	ssyncadd.s32 $0xFFFFF000  }
0x1ae: {  	v22 =	vadd.f32 v48, v22;
	vm3 =	veq.s32 v20, s18;
	vm6 =	veq.s32 v20, s19;
	_ =	swait.ge [sflag:s1], $0x1000  }
0x1af: {  	s7 =	sadd.s32 $0xFFFFFFFF, s3;
	s18 =	sadd.s32 $0xFFFFFFFC, s3;
	v21 =	vsel vm2, v46, v21;
	v23 =	vadd.f32 v24, v23;
	v24 =	vmul.f32 v56, v36;
	[sflag:s1] =	ssyncset.done $0x0  }
0x1b0: {  	s19 =	sadd.s32 $0xFFFFFFF9, s3;
	vm2 =	veq.s32 v20, s7;
	vm5 =	veq.s32 v20, s18;
	v22 =	vadd.f32 v56, v22;
	[sflag:s1] =	ssyncadd.s32 $0xFFFFF000  }
0x1b1: {  	s18 =	sadd.s32 $0xFFFFFFFA, s3;
	vm8 =	veq.s32 v20, s19;
	v23 =	vadd.f32 v24, v23;
	v24 =	vmul.f32 v57, v32;
	_ =	swait.ge [sflag:s30], $0x1000  }
0x1b2: {  	v21 =	vsel vm1, v47, v21;
	vm7 =	veq.s32 v20, s18;
	v22 =	vadd.f32 v57, v22;
	[sflag:s30] =	ssyncset.done $0x0  }
0x1b3: {  	s7 =	simm.s32 $0x6040;
	v21 =	vsel vm8, v35, v21;
	v23 =	vadd.f32 v24, v23;
	v24 =	vmul.f32 v58, v33;
	[sflag:s30] =	ssyncadd.s32 $0xFFFFF000  }
0x1b4: {  	vm1 =	veq.s32 v20, s3;
	v21 =	vsel vm7, v36, v21;
	v20 =	vadd.f32 v58, v22;
	v25 =	vld [tilespmem:s7+$0xFFFFFFC0]  }
0x1b5: {  	v21 =	vsel vm6, v32, v21;
	v22 =	vadd.f32 v24, v23;
	v23 =	vmul.f32 v59, v31;
	v24 =	vld [tilespmem:s7+$0xFFFFFFD0]  }
0x1b6: {  	v21 =	vsel vm5, v33, v21;
	v20 =	vadd.f32 v59, v20;
	v27 =	vld [tilespmem:s7+$0xFFFFFFE0]  }
0x1b7: {  	v26 =	vmul.f32 v52, v30;
	v21 =	vsel vm4, v31, v21;
	v22 =	vadd.f32 v23, v22;
	v56 =	vld [tilespmem:s7+$0xFFFFFFF0]  }
0x1b8: {  	v21 =	vsel vm3, v30, v21;
	v20 =	vadd.f32 v52, v20;
	v31 =	vld [tilespmem:s0+$0x1040]  }
0x1b9: {  	v23 =	vmul.f32 v61, v29;
	v22 =	vadd.f32 v26, v22;
	v30 =	vld [tilespmem:s7+$0x0];
	v25 =	vmul.f32 $1.250000000e+00, v25  }
0x1ba: {  	v26 =	vmul.f32 v53, v28;
	v20 =	vadd.f32 v61, v20;
	v57 =	vld [tilespmem:s7+$0x10]  }
0x1bb: {  	s6 =	simm.s32 $0x6240;
	v58 =	vld [tilespmem:s7+$0x20];
	v22 =	vadd.f32 v23, v22;
	v24 =	vmul.f32 $1.250000000e+00, v24;
	v25 =	vmul.f32 $1.442695020e+00, v25  }
0x1bc: {  	v29 =	vsel vm2, v29, v21;
	v60 =	vld [tilespmem:s6+$0xFFFFFFE0];
	v21 =	vadd.f32 v53, v20;
	v23 =	vmul.f32 $1.250000000e+00, v27  }
0x1bd: {  	v20 =	vadd.f32 v26, v22;
	v27 =	vld [tilespmem:s7+$0x30];
	v24 =	vmul.f32 $1.442695020e+00, v24;
	(erf) = vpow2.f32 v25  }
0x1be: {  	v22 =	vsel vm1, v28, v29;
	v28 =	vmul.f32 $1.250000000e+00, v30;
	v23 =	vmul.f32 $1.442695020e+00, v23  }
0x1bf: {  	v25 =	vmul.f32 $1.250000000e+00, v56;
	(erf) = vpow2.f32 v24  }
0x1c0: {  	v29 =	vld [tilespmem:s6+$0x0];
	v26 =	vand.u32 $0xF, v31;
	v33 =	vmul.f32 $1.250000000e+00, v57;
	v32 =	vmul.f32 $1.250000000e+00, v58  }
0x1c1: {  	s28 =	simm.s32 $0xE040;
	v24 =	vshra.s32 v31, $0x4;
	v31 =	vld [tilespmem:s6+$0xFFFFFFF0];
	v30 =	vmul.f32 $1.442695020e+00, v25;
	(erf) = vpow2.f32 v23  }
0x1c2: {  	v38 =	vmul.f32 $1.250000000e+00, v60;
	v59 =	vmul.f32 $1.250000000e+00, v27;
	v25 =	vld [tilespmem:s28+$0xFFFFFFC0]  }
0x1c3: {  	vm1 =	veq.s32 v26, v0;
	v27 =	vmul.f32 $1.442695020e+00, v28;
	(erf) = vpow2.f32 v30  }
0x1c4: {  	v26 =	vimm.f32 $0.0e+00;
	v62 =	vmul.f32 $1.442695020e+00, v32;
	v28 =	vld [tilespmem:s28+$0xFFFFFFD0];
	v30 =	vmul.f32 $1.442695020e+00, v33  }
0x1c5: {  	s29 =	simm.s32 $0x7;
	v36 =	vld [tilespmem:s6+$0xFFFFFFC0];
	s7 =	simm.s32 $0x6;
	v29 =	vmul.f32 $1.250000000e+00, v29;
	v24 =	vnsel vm1, $0xFFFFFFFF, v24;
	(erf) = vpow2.f32 v27  }
0x1c6: {  	s18 =	simm.s32 $0x5;
	vm1 =	veq.s32 v24, s29;
	vm2 =	veq.s32 v24, s7;
	v27 =	vld [tilespmem:s28+$0xFFFFFFE0];
	v61 =	vpop (erf);
	(erf) = vpow2.f32 v30  }
0x1c7: {  	s19 =	simm.s32 $0x4;
	vm3 =	veq.s32 v24, s18;
	v33 =	vld [tilespmem:s6+$0xFFFFFFD0];
	v32 =	vmul.f32 $1.250000000e+00, v31;
	v31 =	vmul.f32 v61, v25  }
0x1c8: {  	vm4 =	veq.s32 v24, s19;
	v63 =	vmul.f32 $1.442695020e+00, v59;
	v30 =	vld [tilespmem:s28+$0xFFFFFFF0];
	v34 =	vpop (erf);
	(erf) = vpow2.f32 v62  }
0x1c9: {  	v23 =	vld [tilespmem:s0+$0x1840];
	s18 =	simm.s32 $0x3;
	s19 =	simm.s32 $0x2;
	v39 =	vadd.f32 v61, v26;
	v40 =	vmul.f32 v34, v28;
	v37 =	vadd.f32 v31, v26  }
0x1ca: {  	s3 =	simm.s32 $0xF;
	s7 =	simm.s32 $0x17;
	vm5 =	veq.s32 v24, s18;
	vm6 =	veq.s32 v24, s19;
	v35 =	vpop (erf);
	(erf) = vpow2.f32 v63;
	v31 =	vld [tilespmem:s28+$0x0]  }
.LBB2_11:
0x1cb: {  	p0 =	sne.s32 s7, $0xFF;
	s18 =	sadd.s32 $0xFFFFFFFA, s29;
	v34 =	vadd.f32 v34, v39;
	v37 =	vadd.f32 v40, v37;
	v39 =	vmul.f32 v35, v27;
	v40 =	vld [tilespmem:s28+$0x10]  }
0x1cc: {  	v33 =	vmul.f32 $1.250000000e+00, v33;
	v36 =	vmul.f32 $1.250000000e+00, v36;
	vm7 =	veq.s32 v24, s18;
	v41 =	vpop (erf)  }
0x1cd: {  	s18 =	sadd.s32 $0xFFFFFFF9, s29;
	s29 =	smov.u32 s3;
	s3 =	smov.u32 s7;
	v34 =	vadd.f32 v35, v34;
	v35 =	vadd.f32 v39, v37;
	v37 =	vmul.f32 v41, v30;
	v39 =	vld [tilespmem:s28+$0x20]  }
0x1ce: {  	v38 =	vmul.f32 $1.442695020e+00, v38;
	v33 =	vmul.f32 $1.442695020e+00, v33;
	vm8 =	veq.s32 v24, s18;
	v42 =	vpop (erf)  }
0x1cf: {  	v34 =	vadd.f32 v41, v34;
	v44 =	vadd.f32 v37, v35;
	v37 =	vmul.f32 v42, v31;
	v41 =	vld [tilespmem:s28+$0x30];
	v43 =	vpop (erf)  }
0x1d0: {  	v36 =	vmul.f32 $1.442695020e+00, v36;
	v25 =	vsel vm8, v25, v26;
	v26 =	vmul.f32 v43, v40  }
0x1d1: {  	v25 =	vsel vm7, v28, v25;
	v28 =	vadd.f32 v42, v34;
	v34 =	vadd.f32 v37, v44;
	v35 =	vpop (erf)  }
0x1d2: {  	v25 =	vsel vm6, v27, v25;
	v37 =	vld [tilespmem:s6+$0x30];
	(erf) = vpow2.f32 v36;
	v27 =	vmul.f32 v35, v39  }
0x1d3: {  	v25 =	vsel vm5, v30, v25;
	v36 =	vld [tilespmem:s6+$0x10];
	v28 =	vadd.f32 v43, v28;
	v26 =	vadd.f32 v26, v34;
	v30 =	vpop (erf)  }
0x1d4: {  	v25 =	vsel vm4, v31, v25;
	(erf) = vpow2.f32 v33;
	v31 =	vmul.f32 v30, v41  }
0x1d5: {  	v25 =	vsel vm3, v40, v25;
	v33 =	vld [tilespmem:s6+$0x20];
	s6 =	sadd.s32 $0x200, s6;
	v28 =	vadd.f32 v35, v28;
	v26 =	vadd.f32 v27, v26  }
0x1d6: {  	v32 =	vmul.f32 $1.442695020e+00, v32;
	s28 =	sadd.s32 $0x80, s28;
	v27 =	vsel vm2, v39, v25;
	v34 =	vld [tilespmem:s6+$0x0];
	(erf) = vpow2.f32 v38  }
0x1d7: {  	v25 =	vld [tilespmem:s28+$0xFFFFFFC0];
	v35 =	vadd.f32 v30, v28;
	v31 =	vadd.f32 v31, v26;
	v26 =	vsel vm1, v41, v27  }
0x1d8: {  	v37 =	vmul.f32 $1.250000000e+00, v37;
	v30 =	vld [tilespmem:s6+$0xFFFFFFF0];
	v36 =	vmul.f32 $1.250000000e+00, v36  }
0x1d9: {  	v38 =	vmul.f32 $1.442695020e+00, v29;
	v27 =	vld [tilespmem:s28+$0xFFFFFFE0];
	(erf) = vpow2.f32 v32  }
0x1da: {  	s18 =	sadd.s32 $0xFFFFFFFF, s29;
	vm1 =	veq.s32 v24, s29;
	v28 =	vld [tilespmem:s28+$0xFFFFFFD0];
	v32 =	vmul.f32 $1.442695020e+00, v36;
	v36 =	vmul.f32 $1.250000000e+00, v33  }
0x1db: {  	s19 =	sadd.s32 $0xFFFFFFFE, s29;
	vm2 =	veq.s32 v24, s18;
	v41 =	vld [tilespmem:s6+$0xFFFFFFE0];
	v29 =	vmul.f32 $1.250000000e+00, v34;
	v39 =	vpop (erf);
	(erf) = vpow2.f32 v38  }
.Ltmp4:
0x1dc: {  	vm3 =	veq.s32 v24, s19;
	s18 =	sadd.s32 $0xFFFFFFFD, s29;
	v33 =	vld [tilespmem:s6+$0xFFFFFFD0];
	v38 =	vmul.f32 $1.442695020e+00, v36;
	(erf) = vpow2.f32 v32;
	(pc) =	sbr.rel @p0 .LBB2_11-.Ltmp4, $4  }
0x1dd: {  	s19 =	sadd.s32 $0xFFFFFFFC, s29;
	vm4 =	veq.s32 v24, s18;
	v40 =	vmul.f32 v39, v25;
	v36 =	vld [tilespmem:s6+$0xFFFFFFC0];
	v32 =	vmul.f32 $1.250000000e+00, v30;
	v34 =	vpop (erf)  }
0x1de: {  	vm5 =	veq.s32 v24, s19;
	v42 =	vmul.f32 $1.442695020e+00, v37;
	v30 =	vld [tilespmem:s28+$0xFFFFFFF0];
	(erf) = vpow2.f32 v38  }
0x1df: {  	s18 =	sadd.s32 $0xFFFFFFFB, s29;
	v39 =	vadd.f32 v39, v35;
	v37 =	vadd.f32 v40, v31;
	v40 =	vmul.f32 v34, v28;
	v35 =	vpop (erf)  }
0x1e0: {  	s7 =	sadd.s32 $0x8, s7;
	vm6 =	veq.s32 v24, s18;
	v38 =	vmul.f32 $1.250000000e+00, v41;
	v31 =	vld [tilespmem:s28+$0x0];
	(erf) = vpow2.f32 v42  }
0x1e1: {  	v33 =	vmul.f32 $1.250000000e+00, v33;
	v42 =	vld [tilespmem:s6+$0x10]  }
0x1e2: {  	v41 =	vld [tilespmem:s6+$0x30];
	v43 =	vmul.f32 v35, v27;
	v36 =	vmul.f32 $1.250000000e+00, v36  }
0x1e3: {  	v44 =	vld [tilespmem:s6+$0x20];
	v32 =	vmul.f32 $1.442695020e+00, v32;
	v29 =	vmul.f32 $1.442695020e+00, v29  }
0x1e4: {  	v45 =	vpop (erf);
	v38 =	vmul.f32 $1.442695020e+00, v38;
	v36 =	vmul.f32 $1.442695020e+00, v36  }
0x1e5: {  	v33 =	vmul.f32 $1.442695020e+00, v33;
	v55 =	vmul.f32 v45, v30  }
0x1e6: {  	(erf) = vpow2.f32 v36;
	v57 =	vmul.f32 $1.250000000e+00, v42  }
0x1e7: {  	v56 =	vadd.f32 v34, v39;
	v58 =	vmul.f32 $1.250000000e+00, v41;
	(erf) = vpow2.f32 v33  }
0x1e8: {  	v37 =	vadd.f32 v40, v37;
	v59 =	vmul.f32 $1.250000000e+00, v44;
	(erf) = vpow2.f32 v38  }
0x1e9: {  	v33 =	vadd.f32 v35, v56;
	v61 =	vmul.f32 $1.442695020e+00, v57;
	(erf) = vpow2.f32 v32  }
0x1ea: {  	v60 =	vld [tilespmem:s28+$0x10];
	v62 =	vadd.f32 v43, v37;
	(erf) = vpow2.f32 v29;
	v29 =	vmul.f32 $1.442695020e+00, v59  }
0x1eb: {  	s19 =	sadd.s32 $0xFFFFFFF9, s29;
	v44 =	vpop (erf);
	v33 =	vadd.f32 v45, v33;
	v45 =	vmul.f32 $1.442695020e+00, v58;
	(erf) = vpow2.f32 v61  }
0x1ec: {  	v63 =	vld [tilespmem:s28+$0x20];
	vm7 =	veq.s32 v24, s19;
	v47 =	vpop (erf);
	(erf) = vpow2.f32 v29  }
0x1ed: {  	s7 =	sadd.s32 $0xFFFFFFFA, s29;
	v34 =	vadd.f32 v55, v62;
	v46 =	vmul.f32 v44, v31;
	v48 =	vpop (erf);
	(erf) = vpow2.f32 v45  }
0x1ee: {  	vm8 =	veq.s32 v24, s7;
	v25 =	vsel vm7, v25, v26;
	v49 =	vpop (erf);
	v29 =	vld [tilespmem:s28+$0x30]  }
0x1ef: {  	s18 =	sadd.s32 $0x80, s28;
	v25 =	vsel vm8, v28, v25;
	v50 =	vmul.f32 v47, v60;
	v34 =	vadd.f32 v46, v34;
	v51 =	vpop (erf)  }
0x1f0: {  	v52 =	vld [tilespmem:s18+$0xFFFFFFC0];
	v25 =	vsel vm6, v27, v25;
	v33 =	vadd.f32 v44, v33;
	v53 =	vpop (erf)  }
0x1f1: {  	v54 =	vld [tilespmem:s18+$0xFFFFFFE0];
	v25 =	vsel vm5, v30, v25;
	v28 =	vmul.f32 v48, v63;
	v34 =	vadd.f32 v50, v34;
	v55 =	vpop (erf)  }
0x1f2: {  	v27 =	vld [tilespmem:s18+$0xFFFFFFD0];
	v25 =	vsel vm4, v31, v25;
	v26 =	vadd.f32 v47, v33;
	v57 =	vpop (erf)  }
0x1f3: {  	v56 =	vld [tilespmem:s18+$0xFFFFFFF0];
	v25 =	vsel vm3, v60, v25;
	v28 =	vadd.f32 v28, v34;
	v30 =	vmul.f32 v49, v29;
	v58 =	vpop (erf)  }
0x1f4: {  	s19 =	sadd.s32 $0xFFFFFFFF, s3;
	v31 =	vld [tilespmem:s18+$0x0];
	v25 =	vsel vm2, v63, v25;
	v26 =	vadd.f32 v48, v26;
	v60 =	vpop (erf)  }
0x1f5: {  	vm2 =	veq.s32 v24, s19;
	s19 =	sadd.s32 $0xFFFFFFFD, s3;
	v59 =	vld [tilespmem:s18+$0x10];
	v28 =	vadd.f32 v30, v28;
	v30 =	vmul.f32 v51, v52;
	v62 =	vpop (erf)  }
0x1f6: {  	vm4 =	veq.s32 v24, s19;
	s19 =	sadd.s32 $0xFFFFFFFB, s3;
	v61 =	vld [tilespmem:s18+$0x20];
	v26 =	vadd.f32 v49, v26;
	v63 =	vpop (erf)  }
0x1f7: {  	vm6 =	veq.s32 v24, s19;
	s19 =	sadd.s32 $0xFFFFFFF9, s3;
	v28 =	vadd.f32 v30, v28;
	v30 =	vld [tilespmem:s18+$0x30];
	s18 =	sadd.s32 $0xFFFFFFFE, s3;
	_ =	swait.ge [sflag:s30], $0x1000  }
0x1f8: {  	vm8 =	veq.s32 v24, s19;
	v26 =	vadd.f32 v51, v26;
	vm3 =	veq.s32 v24, s18;
	s18 =	sadd.s32 $0xFFFFFFFC, s3;
	[sflag:s30] =	ssyncset.done $0x0  }
0x1f9: {  	s7 =	simm.s32 $0x60F0;
	v25 =	vsel vm1, v29, v25;
	v29 =	vmul.f32 v53, v27;
	vm5 =	veq.s32 v24, s18;
	s18 =	sadd.s32 $0xFFFFFFFA, s3;
	[sflag:s30] =	ssyncadd.s32 $0xFFFFF000  }
0x1fa: {  	v25 =	vsel vm8, v52, v25;
	v26 =	vadd.f32 v53, v26;
	vm7 =	veq.s32 v24, s18;
	v41 =	vld [tilespmem:s7+$0xFFFFFF90]  }
0x1fb: {  	v28 =	vadd.f32 v29, v28;
	v29 =	vmul.f32 v55, v54;
	v25 =	vsel vm7, v27, v25;
	v27 =	vld [tilespmem:s7+$0xFFFFFFB0]  }
0x1fc: {  	v26 =	vadd.f32 v55, v26;
	v48 =	vld [tilespmem:s7+$0xFFFFFFD0]  }
0x1fd: {  	v28 =	vadd.f32 v29, v28;
	v29 =	vmul.f32 v57, v56;
	v49 =	vld [tilespmem:s7+$0x0]  }
0x1fe: {  	vm1 =	veq.s32 v24, s3;
	v24 =	vadd.f32 v57, v26;
	v25 =	vsel vm6, v54, v25;
	v50 =	vld [tilespmem:s7+$0xFFFFFFE0]  }
0x1ff: {  	v26 =	vadd.f32 v29, v28;
	v28 =	vmul.f32 v58, v31;
	v29 =	vld [tilespmem:s7+$0xFFFFFFA0];
	v25 =	vsel vm5, v56, v25  }
0x200: {  	v44 =	vmul.f32 v60, v59;
	v52 =	vld [tilespmem:s7+$0xFFFFFFF0];
	v24 =	vadd.f32 v58, v24;
	v25 =	vsel vm4, v31, v25  }
0x201: {  	v31 =	vmul.f32 v63, v30;
	v26 =	vadd.f32 v28, v26;
	v28 =	vmul.f32 v62, v61  }
0x202: {  	s6 =	simm.s32 $0x62F0;
	v45 =	vld [tilespmem:s7+$0xFFFFFFC0];
	v24 =	vadd.f32 v60, v24;
	v46 =	vmul.f32 $1.250000000e+00, v41;
	v27 =	vmul.f32 $1.250000000e+00, v27  }
0x203: {  	v54 =	vld [tilespmem:s6+$0xFFFFFFD0];
	v25 =	vsel vm3, v59, v25;
	v53 =	vmul.f32 $1.250000000e+00, v48;
	v56 =	vmul.f32 $1.250000000e+00, v50  }
0x204: {  	v55 =	vld [tilespmem:s6+$0xFFFFFFC0];
	v26 =	vadd.f32 v44, v26;
	v29 =	vmul.f32 $1.250000000e+00, v29;
	v34 =	vmul.f32 $1.442695020e+00, v46  }
0x205: {  	v24 =	vadd.f32 v62, v24;
	v57 =	vmul.f32 $1.250000000e+00, v49;
	v35 =	vmul.f32 $1.250000000e+00, v52  }
0x206: {  	v26 =	vadd.f32 v28, v26;
	v29 =	vmul.f32 $1.442695020e+00, v29;
	(erf) = vpow2.f32 v34  }
0x207: {  	v47 =	vld [tilespmem:s0+$0x1050];
	v28 =	vsel vm2, v61, v25;
	v25 =	vadd.f32 v63, v24;
	v27 =	vmul.f32 $1.442695020e+00, v27  }
0x208: {  	v60 =	vld [tilespmem:s6+$0xFFFFFFB0];
	v24 =	vadd.f32 v31, v26;
	v31 =	vmul.f32 $1.250000000e+00, v45;
	(erf) = vpow2.f32 v29  }
0x209: {  	v33 =	vmul.f32 $1.250000000e+00, v54;
	v36 =	vmul.f32 $1.250000000e+00, v55  }
0x20a: {  	s28 =	simm.s32 $0xF070;
	v31 =	vmul.f32 $1.442695020e+00, v31;
	(erf) = vpow2.f32 v27  }
0x20b: {  	v58 =	vmul.f32 $1.442695020e+00, v53;
	v59 =	vmul.f32 $1.442695020e+00, v56;
	v29 =	vld [tilespmem:s28+$0xFFFFFF90]  }
0x20c: {  	v51 =	vand.u32 $0xF, v47;
	v35 =	vmul.f32 $1.442695020e+00, v35;
	(erf) = vpow2.f32 v31  }
0x20d: {  	v32 =	vld [tilespmem:s28+$0xFFFFFFA0];
	v63 =	vmul.f32 $1.442695020e+00, v57;
	v42 =	vmul.f32 $1.250000000e+00, v60;
	v26 =	vsel vm1, v30, v28  }
0x20e: {  	v37 =	vld [tilespmem:s6+$0xFFFFFFA0];
	vm1 =	veq.s32 v51, v0;
	v28 =	vshra.s32 v47, $0x4;
	(erf) = vpow2.f32 v58  }
0x20f: {  	s29 =	simm.s32 $0x7;
	s18 =	simm.s32 $0x6;
	v30 =	vimm.f32 $0.0e+00;
	v28 =	vnsel vm1, $0xFFFFFFFF, v28;
	v31 =	vld [tilespmem:s28+$0xFFFFFFB0];
	v61 =	vpop (erf);
	(erf) = vpow2.f32 v59  }
0x210: {  	s19 =	simm.s32 $0x5;
	v40 =	vld [tilespmem:s6+$0xFFFFFF90];
	vm1 =	veq.s32 v28, s29;
	vm2 =	veq.s32 v28, s18;
	s18 =	simm.s32 $0x4;
	v62 =	vmul.f32 v61, v29  }
0x211: {  	v34 =	vld [tilespmem:s28+$0xFFFFFFC0];
	vm3 =	veq.s32 v28, s19;
	vm4 =	veq.s32 v28, s18;
	v38 =	vpop (erf);
	(erf) = vpow2.f32 v35  }
0x212: {  	v27 =	vld [tilespmem:s0+$0x1850];
	s19 =	simm.s32 $0x3;
	s18 =	simm.s32 $0x2;
	v43 =	vadd.f32 v61, v30;
	v44 =	vmul.f32 v38, v32;
	v41 =	vadd.f32 v62, v30  }
0x213: {  	s3 =	simm.s32 $0xF;
	s7 =	simm.s32 $0x17;
	vm5 =	veq.s32 v28, s19;
	vm6 =	veq.s32 v28, s18;
	v35 =	vld [tilespmem:s28+$0xFFFFFFD0];
	v39 =	vpop (erf);
	(erf) = vpow2.f32 v63  }
.LBB2_13:
0x214: {  	p0 =	sne.s32 s7, $0xFF;
	s18 =	sadd.s32 $0xFFFFFFFA, s29;
	v38 =	vadd.f32 v38, v43;
	v41 =	vadd.f32 v44, v41;
	v43 =	vmul.f32 v39, v31;
	v44 =	vld [tilespmem:s28+$0xFFFFFFE0]  }
0x215: {  	v37 =	vmul.f32 $1.250000000e+00, v37;
	v40 =	vmul.f32 $1.250000000e+00, v40;
	vm7 =	veq.s32 v28, s18;
	v45 =	vpop (erf)  }
0x216: {  	s18 =	sadd.s32 $0xFFFFFFF9, s29;
	s29 =	smov.u32 s3;
	s3 =	smov.u32 s7;
	v38 =	vadd.f32 v39, v38;
	v39 =	vadd.f32 v43, v41;
	v41 =	vmul.f32 v45, v34;
	v43 =	vld [tilespmem:s28+$0xFFFFFFF0]  }
0x217: {  	v42 =	vmul.f32 $1.442695020e+00, v42;
	v37 =	vmul.f32 $1.442695020e+00, v37;
	vm8 =	veq.s32 v28, s18;
	v46 =	vpop (erf)  }
0x218: {  	v38 =	vadd.f32 v45, v38;
	v48 =	vadd.f32 v41, v39;
	v41 =	vmul.f32 v46, v35;
	v45 =	vld [tilespmem:s28+$0x0];
	v47 =	vpop (erf)  }
0x219: {  	v40 =	vmul.f32 $1.442695020e+00, v40;
	v29 =	vsel vm8, v29, v30;
	v30 =	vmul.f32 v47, v44  }
0x21a: {  	v29 =	vsel vm7, v32, v29;
	v32 =	vadd.f32 v46, v38;
	v38 =	vadd.f32 v41, v48;
	v39 =	vpop (erf)  }
0x21b: {  	v29 =	vsel vm6, v31, v29;
	v41 =	vld [tilespmem:s6+$0x0];
	(erf) = vpow2.f32 v40;
	v31 =	vmul.f32 v39, v43  }
0x21c: {  	v29 =	vsel vm5, v34, v29;
	v40 =	vld [tilespmem:s6+$0xFFFFFFE0];
	v32 =	vadd.f32 v47, v32;
	v30 =	vadd.f32 v30, v38;
	v34 =	vpop (erf)  }
0x21d: {  	v29 =	vsel vm4, v35, v29;
	(erf) = vpow2.f32 v37;
	v35 =	vmul.f32 v34, v45  }
0x21e: {  	v29 =	vsel vm3, v44, v29;
	v37 =	vld [tilespmem:s6+$0xFFFFFFF0];
	s6 =	sadd.s32 $0x200, s6;
	v32 =	vadd.f32 v39, v32;
	v30 =	vadd.f32 v31, v30  }
0x21f: {  	v36 =	vmul.f32 $1.442695020e+00, v36;
	s28 =	sadd.s32 $0x80, s28;
	v31 =	vsel vm2, v43, v29;
	v38 =	vld [tilespmem:s6+$0xFFFFFFD0];
	(erf) = vpow2.f32 v42  }
0x220: {  	v29 =	vld [tilespmem:s28+$0xFFFFFF90];
	v39 =	vadd.f32 v34, v32;
	v35 =	vadd.f32 v35, v30;
	v30 =	vsel vm1, v45, v31  }
0x221: {  	v41 =	vmul.f32 $1.250000000e+00, v41;
	v34 =	vld [tilespmem:s6+$0xFFFFFFC0];
	v40 =	vmul.f32 $1.250000000e+00, v40  }
0x222: {  	v42 =	vmul.f32 $1.442695020e+00, v33;
	v31 =	vld [tilespmem:s28+$0xFFFFFFB0];
	(erf) = vpow2.f32 v36  }
0x223: {  	s18 =	sadd.s32 $0xFFFFFFFF, s29;
	vm1 =	veq.s32 v28, s29;
	v32 =	vld [tilespmem:s28+$0xFFFFFFA0];
	v36 =	vmul.f32 $1.442695020e+00, v40;
	v40 =	vmul.f32 $1.250000000e+00, v37  }
0x224: {  	s19 =	sadd.s32 $0xFFFFFFFE, s29;
	vm2 =	veq.s32 v28, s18;
	v45 =	vld [tilespmem:s6+$0xFFFFFFB0];
	v33 =	vmul.f32 $1.250000000e+00, v38;
	v43 =	vpop (erf);
	(erf) = vpow2.f32 v42  }
.Ltmp5:
0x225: {  	vm3 =	veq.s32 v28, s19;
	s18 =	sadd.s32 $0xFFFFFFFD, s29;
	v37 =	vld [tilespmem:s6+$0xFFFFFFA0];
	v42 =	vmul.f32 $1.442695020e+00, v40;
	(erf) = vpow2.f32 v36;
	(pc) =	sbr.rel @p0 .LBB2_13-.Ltmp5, $4  }
0x226: {  	s19 =	sadd.s32 $0xFFFFFFFC, s29;
	vm4 =	veq.s32 v28, s18;
	v44 =	vmul.f32 v43, v29;
	v40 =	vld [tilespmem:s6+$0xFFFFFF90];
	v36 =	vmul.f32 $1.250000000e+00, v34;
	v38 =	vpop (erf)  }
0x227: {  	vm5 =	veq.s32 v28, s19;
	v46 =	vmul.f32 $1.442695020e+00, v41;
	v34 =	vld [tilespmem:s28+$0xFFFFFFC0];
	(erf) = vpow2.f32 v42  }
0x228: {  	s18 =	sadd.s32 $0xFFFFFFFB, s29;
	v43 =	vadd.f32 v43, v39;
	v41 =	vadd.f32 v44, v35;
	v44 =	vmul.f32 v38, v32;
	v39 =	vpop (erf)  }
0x229: {  	s7 =	sadd.s32 $0x8, s7;
	vm6 =	veq.s32 v28, s18;
	v42 =	vmul.f32 $1.250000000e+00, v45;
	v35 =	vld [tilespmem:s28+$0xFFFFFFD0];
	(erf) = vpow2.f32 v46  }
0x22a: {  	v46 =	vld [tilespmem:s6+$0xFFFFFFE0]  }
0x22b: {  	v37 =	vmul.f32 $1.250000000e+00, v37;
	v45 =	vld [tilespmem:s6+$0x0];
	v40 =	vmul.f32 $1.250000000e+00, v40  }
0x22c: {  	v47 =	vmul.f32 v39, v31;
	v48 =	vld [tilespmem:s6+$0xFFFFFFF0];
	v36 =	vmul.f32 $1.442695020e+00, v36  }
0x22d: {  	v33 =	vmul.f32 $1.442695020e+00, v33;
	v40 =	vmul.f32 $1.442695020e+00, v40  }
0x22e: {  	v42 =	vmul.f32 $1.442695020e+00, v42;
	v37 =	vmul.f32 $1.442695020e+00, v37  }
0x22f: {  	v49 =	vpop (erf);
	(erf) = vpow2.f32 v40;
	v60 =	vmul.f32 $1.250000000e+00, v46  }
0x230: {  	v61 =	vmul.f32 $1.250000000e+00, v45;
	(erf) = vpow2.f32 v37  }
0x231: {  	v62 =	vmul.f32 $1.250000000e+00, v48;
	(erf) = vpow2.f32 v42  }
0x232: {  	v41 =	vadd.f32 v44, v41;
	v63 =	vmul.f32 $1.442695020e+00, v60;
	(erf) = vpow2.f32 v36  }
0x233: {  	v59 =	vadd.f32 v38, v43;
	v46 =	vmul.f32 $1.442695020e+00, v62;
	(erf) = vpow2.f32 v33  }
0x234: {  	s19 =	sadd.s32 $0xFFFFFFF9, s29;
	v45 =	vadd.f32 v47, v41;
	v47 =	vpop (erf);
	v48 =	vmul.f32 $1.442695020e+00, v61;
	(erf) = vpow2.f32 v63  }
0x235: {  	v44 =	vld [tilespmem:s28+$0xFFFFFFE0];
	vm7 =	veq.s32 v28, s19;
	v50 =	vpop (erf);
	(erf) = vpow2.f32 v46  }
0x236: {  	v51 =	vld [tilespmem:s28+$0x0];
	s7 =	sadd.s32 $0xFFFFFFFA, s29;
	s18 =	sadd.s32 $0x80, s28;
	v58 =	vmul.f32 v49, v34;
	v37 =	vadd.f32 v39, v59;
	v52 =	vpop (erf);
	(erf) = vpow2.f32 v48  }
0x237: {  	vm8 =	veq.s32 v28, s7;
	v43 =	vld [tilespmem:s18+$0xFFFFFFB0];
	v29 =	vsel vm7, v29, v30;
	v53 =	vpop (erf)  }
0x238: {  	v29 =	vsel vm8, v32, v29;
	v39 =	vld [tilespmem:s28+$0xFFFFFFF0];
	v37 =	vadd.f32 v49, v37;
	v55 =	vpop (erf)  }
0x239: {  	v29 =	vsel vm6, v31, v29;
	v31 =	vld [tilespmem:s18+$0xFFFFFFA0];
	v38 =	vadd.f32 v58, v45;
	v49 =	vmul.f32 v47, v35;
	v56 =	vpop (erf)  }
0x23a: {  	v29 =	vsel vm5, v34, v29;
	v34 =	vld [tilespmem:s18+$0x0];
	v37 =	vadd.f32 v47, v37;
	v58 =	vpop (erf)  }
0x23b: {  	v29 =	vsel vm4, v35, v29;
	v54 =	vmul.f32 v50, v44;
	v60 =	vld [tilespmem:s18+$0xFFFFFFC0];
	v38 =	vadd.f32 v49, v38;
	v61 =	vpop (erf)  }
0x23c: {  	v29 =	vsel vm3, v44, v29;
	v59 =	vmul.f32 v53, v51;
	v30 =	vadd.f32 v50, v37;
	v37 =	vld [tilespmem:s18+$0xFFFFFF90];
	v62 =	vpop (erf)  }
0x23d: {  	s19 =	sadd.s32 $0xFFFFFFFF, s3;
	v44 =	vld [tilespmem:s18+$0xFFFFFFE0];
	v57 =	vmul.f32 v52, v39;
	v29 =	vsel vm2, v39, v29;
	v38 =	vadd.f32 v54, v38;
	v48 =	vpop (erf)  }
0x23e: {  	v35 =	vld [tilespmem:s18+$0xFFFFFFD0];
	vm2 =	veq.s32 v28, s19;
	s19 =	sadd.s32 $0xFFFFFFFD, s3;
	v29 =	vsel vm1, v51, v29;
	v30 =	vadd.f32 v52, v30;
	v50 =	vpop (erf)  }
0x23f: {  	v49 =	vld [tilespmem:s18+$0xFFFFFFF0];
	vm1 =	veq.s32 v28, s3;
	s18 =	sadd.s32 $0xFFFFFFFE, s3;
	vm4 =	veq.s32 v28, s19;
	s19 =	sadd.s32 $0xFFFFFFFB, s3;
	v32 =	vadd.f32 v57, v38;
	v52 =	vpop (erf)  }
0x240: {  	vm3 =	veq.s32 v28, s18;
	s18 =	sadd.s32 $0xFFFFFFFC, s3;
	vm6 =	veq.s32 v28, s19;
	v30 =	vadd.f32 v53, v30;
	_ =	swait.ge [sflag:s30], $0x1000  }
0x241: {  	s19 =	sadd.s32 $0xFFFFFFF9, s3;
	vm5 =	veq.s32 v28, s18;
	s18 =	sadd.s32 $0xFFFFFFFA, s3;
	v32 =	vadd.f32 v59, v32;
	v63 =	vmul.f32 v55, v37;
	[sflag:s30] =	ssyncset.done $0x0  }
0x242: {  	s7 =	simm.s32 $0x6170;
	vm8 =	veq.s32 v28, s19;
	vm7 =	veq.s32 v28, s18;
	v30 =	vadd.f32 v55, v30;
	[sflag:s30] =	ssyncadd.s32 $0xFFFFF000  }
0x243: {  	v51 =	vmul.f32 v56, v31;
	v29 =	vsel vm8, v37, v29;
	v32 =	vadd.f32 v63, v32;
	v55 =	vld [tilespmem:s7+$0xFFFFFF90]  }
0x244: {  	v53 =	vmul.f32 v58, v43;
	v29 =	vsel vm7, v31, v29;
	v30 =	vadd.f32 v56, v30;
	v57 =	vld [tilespmem:s7+$0xFFFFFFA0]  }
0x245: {  	v54 =	vmul.f32 v61, v60;
	v29 =	vsel vm6, v43, v29;
	v32 =	vadd.f32 v51, v32;
	v31 =	vld [tilespmem:s7+$0xFFFFFFB0]  }
0x246: {  	v56 =	vmul.f32 v62, v35;
	v29 =	vsel vm5, v60, v29;
	v30 =	vadd.f32 v58, v30;
	v60 =	vld [tilespmem:s7+$0xFFFFFFC0]  }
0x247: {  	v59 =	vmul.f32 v50, v49;
	v29 =	vsel vm4, v35, v29;
	v32 =	vadd.f32 v53, v32;
	v45 =	vld [tilespmem:s7+$0x0]  }
0x248: {  	s6 =	simm.s32 $0x6370;
	v58 =	vmul.f32 v48, v44;
	v29 =	vsel vm3, v44, v29;
	v28 =	vadd.f32 v61, v30;
	v51 =	vld [tilespmem:s7+$0xFFFFFFF0]  }
0x249: {  	v46 =	vsel vm2, v49, v29;
	v30 =	vadd.f32 v54, v32;
	v53 =	vld [tilespmem:s6+$0xFFFFFFD0];
	v61 =	vmul.f32 $1.250000000e+00, v55  }
0x24a: {  	v63 =	vld [tilespmem:s0+$0x1060];
	v28 =	vadd.f32 v62, v28;
	v62 =	vmul.f32 v52, v34;
	v33 =	vmul.f32 $1.250000000e+00, v57  }
0x24b: {  	v44 =	vld [tilespmem:s7+$0xFFFFFFD0];
	v30 =	vadd.f32 v56, v30;
	v31 =	vmul.f32 $1.250000000e+00, v31;
	v38 =	vmul.f32 $1.442695020e+00, v61  }
0x24c: {  	v28 =	vadd.f32 v48, v28;
	v49 =	vmul.f32 $1.250000000e+00, v60;
	v57 =	vmul.f32 $1.250000000e+00, v45  }
0x24d: {  	v48 =	vld [tilespmem:s7+$0xFFFFFFE0];
	v30 =	vadd.f32 v58, v30;
	v33 =	vmul.f32 $1.442695020e+00, v33;
	(erf) = vpow2.f32 v38  }
0x24e: {  	v28 =	vadd.f32 v50, v28;
	v39 =	vmul.f32 $1.250000000e+00, v51;
	v37 =	vmul.f32 $1.250000000e+00, v53  }
0x24f: {  	v50 =	vand.u32 $0xF, v63;
	v31 =	vmul.f32 $1.442695020e+00, v31;
	(erf) = vpow2.f32 v33  }
0x250: {  	v29 =	vadd.f32 v52, v28;
	v52 =	vmul.f32 $1.250000000e+00, v44;
	v35 =	vmul.f32 $1.442695020e+00, v49  }
0x251: {  	s28 =	simm.s32 $0x10070;
	v55 =	vld [tilespmem:s6+$0xFFFFFFC0];
	v30 =	vadd.f32 v59, v30;
	v39 =	vmul.f32 $1.442695020e+00, v39;
	(erf) = vpow2.f32 v31  }
0x252: {  	v54 =	vshra.s32 v63, $0x4;
	v63 =	vmul.f32 $1.442695020e+00, v57;
	v56 =	vmul.f32 $1.250000000e+00, v48;
	v33 =	vld [tilespmem:s28+$0xFFFFFF90]  }
0x253: {  	v60 =	vld [tilespmem:s6+$0xFFFFFFB0];
	v28 =	vadd.f32 v62, v30;
	v58 =	vmul.f32 $1.442695020e+00, v52;
	(erf) = vpow2.f32 v35  }
0x254: {  	v36 =	vld [tilespmem:s28+$0xFFFFFFA0];
	v30 =	vsel vm1, v34, v46;
	vm1 =	veq.s32 v50, v0;
	v59 =	vmul.f32 $1.442695020e+00, v56  }
0x255: {  	s29 =	simm.s32 $0x7;
	s18 =	simm.s32 $0x6;
	v41 =	vld [tilespmem:s6+$0xFFFFFFA0];
	v34 =	vimm.f32 $0.0e+00;
	v32 =	vnsel vm1, $0xFFFFFFFF, v54;
	(erf) = vpow2.f32 v58  }
0x256: {  	s19 =	simm.s32 $0x5;
	vm1 =	veq.s32 v32, s29;
	vm2 =	veq.s32 v32, s18;
	v35 =	vld [tilespmem:s28+$0xFFFFFFB0];
	v61 =	vpop (erf);
	(erf) = vpow2.f32 v59  }
0x257: {  	v44 =	vld [tilespmem:s6+$0xFFFFFF90];
	s18 =	simm.s32 $0x4;
	vm3 =	veq.s32 v32, s19;
	v40 =	vmul.f32 $1.250000000e+00, v55;
	v62 =	vmul.f32 v61, v33  }
0x258: {  	v38 =	vld [tilespmem:s28+$0xFFFFFFC0];
	v46 =	vmul.f32 $1.250000000e+00, v60;
	vm4 =	veq.s32 v32, s18;
	v42 =	vpop (erf);
	(erf) = vpow2.f32 v39  }
0x259: {  	s19 =	simm.s32 $0x3;
	v31 =	vld [tilespmem:s0+$0x1860];
	s18 =	simm.s32 $0x2;
	v47 =	vadd.f32 v61, v34;
	v48 =	vmul.f32 v42, v36;
	v45 =	vadd.f32 v62, v34  }
0x25a: {  	s3 =	simm.s32 $0xF;
	s7 =	simm.s32 $0x17;
	vm5 =	veq.s32 v32, s19;
	vm6 =	veq.s32 v32, s18;
	v39 =	vld [tilespmem:s28+$0xFFFFFFD0];
	v43 =	vpop (erf);
	(erf) = vpow2.f32 v63  }
.LBB2_15:
0x25b: {  	p0 =	sne.s32 s7, $0xFF;
	s18 =	sadd.s32 $0xFFFFFFFA, s29;
	v42 =	vadd.f32 v42, v47;
	v45 =	vadd.f32 v48, v45;
	v47 =	vmul.f32 v43, v35;
	v48 =	vld [tilespmem:s28+$0xFFFFFFE0]  }
0x25c: {  	v41 =	vmul.f32 $1.250000000e+00, v41;
	v44 =	vmul.f32 $1.250000000e+00, v44;
	vm7 =	veq.s32 v32, s18;
	v49 =	vpop (erf)  }
0x25d: {  	s18 =	sadd.s32 $0xFFFFFFF9, s29;
	s29 =	smov.u32 s3;
	s3 =	smov.u32 s7;
	v42 =	vadd.f32 v43, v42;
	v43 =	vadd.f32 v47, v45;
	v45 =	vmul.f32 v49, v38;
	v47 =	vld [tilespmem:s28+$0xFFFFFFF0]  }
0x25e: {  	v46 =	vmul.f32 $1.442695020e+00, v46;
	v41 =	vmul.f32 $1.442695020e+00, v41;
	vm8 =	veq.s32 v32, s18;
	v50 =	vpop (erf)  }
0x25f: {  	v42 =	vadd.f32 v49, v42;
	v52 =	vadd.f32 v45, v43;
	v45 =	vmul.f32 v50, v39;
	v49 =	vld [tilespmem:s28+$0x0];
	v51 =	vpop (erf)  }
0x260: {  	v44 =	vmul.f32 $1.442695020e+00, v44;
	v33 =	vsel vm8, v33, v34;
	v34 =	vmul.f32 v51, v48  }
0x261: {  	v33 =	vsel vm7, v36, v33;
	v36 =	vadd.f32 v50, v42;
	v42 =	vadd.f32 v45, v52;
	v43 =	vpop (erf)  }
0x262: {  	v33 =	vsel vm6, v35, v33;
	v45 =	vld [tilespmem:s6+$0x0];
	(erf) = vpow2.f32 v44;
	v35 =	vmul.f32 v43, v47  }
0x263: {  	v33 =	vsel vm5, v38, v33;
	v44 =	vld [tilespmem:s6+$0xFFFFFFE0];
	v36 =	vadd.f32 v51, v36;
	v34 =	vadd.f32 v34, v42;
	v38 =	vpop (erf)  }
0x264: {  	v33 =	vsel vm4, v39, v33;
	(erf) = vpow2.f32 v41;
	v39 =	vmul.f32 v38, v49  }
0x265: {  	v33 =	vsel vm3, v48, v33;
	v41 =	vld [tilespmem:s6+$0xFFFFFFF0];
	s6 =	sadd.s32 $0x200, s6;
	v36 =	vadd.f32 v43, v36;
	v34 =	vadd.f32 v35, v34  }
0x266: {  	v40 =	vmul.f32 $1.442695020e+00, v40;
	s28 =	sadd.s32 $0x80, s28;
	v35 =	vsel vm2, v47, v33;
	v42 =	vld [tilespmem:s6+$0xFFFFFFD0];
	(erf) = vpow2.f32 v46  }
0x267: {  	v33 =	vld [tilespmem:s28+$0xFFFFFF90];
	v43 =	vadd.f32 v38, v36;
	v39 =	vadd.f32 v39, v34;
	v34 =	vsel vm1, v49, v35  }
0x268: {  	v45 =	vmul.f32 $1.250000000e+00, v45;
	v38 =	vld [tilespmem:s6+$0xFFFFFFC0];
	v44 =	vmul.f32 $1.250000000e+00, v44  }
0x269: {  	v46 =	vmul.f32 $1.442695020e+00, v37;
	v35 =	vld [tilespmem:s28+$0xFFFFFFB0];
	(erf) = vpow2.f32 v40  }
0x26a: {  	s18 =	sadd.s32 $0xFFFFFFFF, s29;
	vm1 =	veq.s32 v32, s29;
	v36 =	vld [tilespmem:s28+$0xFFFFFFA0];
	v40 =	vmul.f32 $1.442695020e+00, v44;
	v44 =	vmul.f32 $1.250000000e+00, v41  }
0x26b: {  	s19 =	sadd.s32 $0xFFFFFFFE, s29;
	vm2 =	veq.s32 v32, s18;
	v49 =	vld [tilespmem:s6+$0xFFFFFFB0];
	v37 =	vmul.f32 $1.250000000e+00, v42;
	v47 =	vpop (erf);
	(erf) = vpow2.f32 v46  }
.Ltmp6:
0x26c: {  	vm3 =	veq.s32 v32, s19;
	s18 =	sadd.s32 $0xFFFFFFFD, s29;
	v41 =	vld [tilespmem:s6+$0xFFFFFFA0];
	v46 =	vmul.f32 $1.442695020e+00, v44;
	(erf) = vpow2.f32 v40;
	(pc) =	sbr.rel @p0 .LBB2_15-.Ltmp6, $4  }
0x26d: {  	s19 =	sadd.s32 $0xFFFFFFFC, s29;
	vm4 =	veq.s32 v32, s18;
	v48 =	vmul.f32 v47, v33;
	v44 =	vld [tilespmem:s6+$0xFFFFFF90];
	v40 =	vmul.f32 $1.250000000e+00, v38;
	v42 =	vpop (erf)  }
0x26e: {  	vm5 =	veq.s32 v32, s19;
	v50 =	vmul.f32 $1.442695020e+00, v45;
	v38 =	vld [tilespmem:s28+$0xFFFFFFC0];
	(erf) = vpow2.f32 v46  }
0x26f: {  	s18 =	sadd.s32 $0xFFFFFFFB, s29;
	v47 =	vadd.f32 v47, v43;
	v45 =	vadd.f32 v48, v39;
	v48 =	vmul.f32 v42, v36;
	v43 =	vpop (erf)  }
0x270: {  	s7 =	sadd.s32 $0x8, s7;
	vm6 =	veq.s32 v32, s18;
	v46 =	vmul.f32 $1.250000000e+00, v49;
	v39 =	vld [tilespmem:s28+$0xFFFFFFD0];
	(erf) = vpow2.f32 v50  }
0x271: {  	v41 =	vmul.f32 $1.250000000e+00, v41;
	v50 =	vld [tilespmem:s6+$0xFFFFFFE0]  }
0x272: {  	v49 =	vld [tilespmem:s6+$0x0];
	v51 =	vmul.f32 v43, v35;
	v44 =	vmul.f32 $1.250000000e+00, v44  }
0x273: {  	v52 =	vld [tilespmem:s6+$0xFFFFFFF0];
	v40 =	vmul.f32 $1.442695020e+00, v40;
	v37 =	vmul.f32 $1.442695020e+00, v37  }
0x274: {  	v53 =	vpop (erf);
	v46 =	vmul.f32 $1.442695020e+00, v46;
	v44 =	vmul.f32 $1.442695020e+00, v44  }
0x275: {  	v57 =	vadd.f32 v42, v47;
	v41 =	vmul.f32 $1.442695020e+00, v41;
	v56 =	vmul.f32 v53, v38  }
0x276: {  	v45 =	vadd.f32 v48, v45;
	s18 =	sadd.s32 $0xFFFFFFF9, s29;
	(erf) = vpow2.f32 v44;
	v58 =	vmul.f32 $1.250000000e+00, v50  }
0x277: {  	s7 =	sadd.s32 $0xFFFFFFFA, s29;
	vm7 =	veq.s32 v32, s18;
	v59 =	vmul.f32 $1.250000000e+00, v49;
	(erf) = vpow2.f32 v41  }
0x278: {  	vm8 =	veq.s32 v32, s7;
	v60 =	vmul.f32 $1.250000000e+00, v52;
	(erf) = vpow2.f32 v46  }
0x279: {  	v62 =	vadd.f32 v51, v45;
	v61 =	vmul.f32 $1.442695020e+00, v58;
	(erf) = vpow2.f32 v40  }
0x27a: {  	v41 =	vadd.f32 v43, v57;
	v63 =	vmul.f32 $1.442695020e+00, v60;
	(erf) = vpow2.f32 v37  }
0x27b: {  	v48 =	vld [tilespmem:s28+$0xFFFFFFE0];
	v33 =	vsel vm7, v33, v34;
	v49 =	vpop (erf);
	v50 =	vmul.f32 $1.442695020e+00, v59;
	(erf) = vpow2.f32 v61  }
0x27c: {  	v33 =	vsel vm8, v36, v33;
	v52 =	vpop (erf);
	v41 =	vadd.f32 v53, v41;
	(erf) = vpow2.f32 v63  }
0x27d: {  	s19 =	sadd.s32 $0x80, s28;
	v42 =	vadd.f32 v56, v62;
	v33 =	vsel vm6, v35, v33;
	v43 =	vld [tilespmem:s28+$0xFFFFFFF0];
	v56 =	vpop (erf);
	(erf) = vpow2.f32 v50  }
0x27e: {  	v47 =	vld [tilespmem:s19+$0xFFFFFFB0];
	v33 =	vsel vm5, v38, v33;
	v51 =	vmul.f32 v49, v39;
	v57 =	vpop (erf);
	v41 =	vadd.f32 v49, v41  }
0x27f: {  	v33 =	vsel vm4, v39, v33;
	v53 =	vld [tilespmem:s28+$0x0];
	v59 =	vpop (erf)  }
0x280: {  	v35 =	vld [tilespmem:s19+$0xFFFFFFA0];
	v58 =	vmul.f32 v52, v48;
	v42 =	vadd.f32 v51, v42;
	v60 =	vadd.f32 v52, v41;
	v61 =	vpop (erf)  }
0x281: {  	v33 =	vsel vm3, v48, v33;
	v41 =	vld [tilespmem:s19+$0xFFFFFF90];
	v63 =	vpop (erf)  }
0x282: {  	s29 =	sadd.s32 $0xFFFFFFFF, s3;
	v38 =	vld [tilespmem:s19+$0x0];
	v42 =	vadd.f32 v58, v42;
	v62 =	vmul.f32 v56, v43;
	v34 =	vadd.f32 v56, v60;
	v55 =	vpop (erf)  }
0x283: {  	v39 =	vld [tilespmem:s19+$0xFFFFFFD0];
	v33 =	vsel vm2, v43, v33;
	vm2 =	veq.s32 v32, s29;
	v56 =	vpop (erf)  }
0x284: {  	s18 =	sadd.s32 $0xFFFFFFFE, s3;
	s7 =	sadd.s32 $0xFFFFFFFB, s3;
	v48 =	vld [tilespmem:s19+$0xFFFFFFE0];
	s29 =	sadd.s32 $0xFFFFFFFC, s3;
	v54 =	vmul.f32 v57, v53;
	v36 =	vadd.f32 v62, v42;
	v34 =	vadd.f32 v57, v34;
	v58 =	vpop (erf)  }
0x285: {  	vm6 =	veq.s32 v32, s7;
	vm3 =	veq.s32 v32, s18;
	v43 =	vld [tilespmem:s19+$0xFFFFFFF0];
	vm5 =	veq.s32 v32, s29;
	v44 =	vpop (erf)  }
0x286: {  	s29 =	sadd.s32 $0xFFFFFFF9, s3;
	v42 =	vld [tilespmem:s19+$0xFFFFFFC0];
	s19 =	sadd.s32 $0xFFFFFFFD, s3;
	v36 =	vadd.f32 v54, v36;
	v57 =	vmul.f32 v59, v41;
	v34 =	vadd.f32 v59, v34;
	v51 =	vpop (erf)  }
0x287: {  	v33 =	vsel vm1, v53, v33;
	vm8 =	veq.s32 v32, s29;
	vm4 =	veq.s32 v32, s19;
	_ =	swait.ge [sflag:s30], $0x1000  }
0x288: {  	s19 =	sadd.s32 $0xFFFFFFFA, s3;
	v59 =	vmul.f32 v61, v35;
	v36 =	vadd.f32 v57, v36;
	v34 =	vadd.f32 v61, v34;
	[sflag:s30] =	ssyncset.done $0x0  }
0x289: {  	s18 =	simm.s32 $0x61F0;
	vm7 =	veq.s32 v32, s19;
	v60 =	vmul.f32 v63, v47;
	v33 =	vsel vm8, v41, v33;
	[sflag:s30] =	ssyncadd.s32 $0xFFFFF000  }
0x28a: {  	v33 =	vsel vm7, v35, v33;
	v36 =	vadd.f32 v59, v36;
	v34 =	vadd.f32 v63, v34;
	v62 =	vld [tilespmem:s18+$0xFFFFFF90]  }
0x28b: {  	vm1 =	veq.s32 v32, s3;
	v33 =	vsel vm6, v47, v33;
	v52 =	vld [tilespmem:s18+$0xFFFFFFA0]  }
0x28c: {  	v61 =	vmul.f32 v55, v42;
	v36 =	vadd.f32 v60, v36;
	v63 =	vadd.f32 v55, v34;
	v54 =	vld [tilespmem:s18+$0xFFFFFFB0]  }
0x28d: {  	v49 =	vmul.f32 v56, v39;
	v53 =	vmul.f32 v58, v48;
	v33 =	vsel vm5, v42, v33;
	v59 =	vld [tilespmem:s0+$0x1070]  }
0x28e: {  	v33 =	vsel vm4, v39, v33;
	v45 =	vadd.f32 v61, v36;
	v61 =	vld [tilespmem:s18+$0x0];
	v32 =	vadd.f32 v56, v63  }
0x28f: {  	v39 =	vimm.f32 $0.0e+00;
	v55 =	vmul.f32 v44, v43;
	v56 =	vld [tilespmem:s18+$0xFFFFFFC0];
	v57 =	vmul.f32 $1.250000000e+00, v62  }
0x290: {  	v60 =	vld [tilespmem:s18+$0xFFFFFFD0];
	v34 =	vadd.f32 v49, v45;
	v32 =	vadd.f32 v58, v32;
	v58 =	vmul.f32 v51, v38  }
0x291: {  	v33 =	vsel vm3, v48, v33;
	v63 =	vld [tilespmem:s18+$0xFFFFFFE0];
	v37 =	vmul.f32 $1.250000000e+00, v52;
	v42 =	vmul.f32 $1.442695020e+00, v57  }
0x292: {  	v34 =	vadd.f32 v53, v34;
	v32 =	vadd.f32 v44, v32;
	v35 =	vmul.f32 $1.250000000e+00, v54  }
0x293: {  	v62 =	vsel vm2, v43, v33;
	v37 =	vmul.f32 $1.442695020e+00, v37;
	(erf) = vpow2.f32 v42  }
0x294: {  	v49 =	vand.u32 $0xF, v59;
	v44 =	vmul.f32 $1.250000000e+00, v61;
	v48 =	vmul.f32 $1.250000000e+00, v56  }
0x295: {  	s28 =	simm.s32 $0x63F0;
	v50 =	vld [tilespmem:s18+$0xFFFFFFF0];
	v34 =	vadd.f32 v55, v34;
	v35 =	vmul.f32 $1.442695020e+00, v35;
	(erf) = vpow2.f32 v37  }
0x296: {  	v52 =	vld [tilespmem:s28+$0xFFFFFFD0];
	v56 =	vmul.f32 $1.250000000e+00, v63;
	v33 =	vadd.f32 v51, v32;
	v51 =	vmul.f32 $1.250000000e+00, v60  }
0x297: {  	s3 =	simm.s32 $0x11070;
	v46 =	vld [tilespmem:s28+$0xFFFFFF90];
	v53 =	vshra.s32 v59, $0x4;
	v54 =	vmul.f32 $1.442695020e+00, v48;
	(erf) = vpow2.f32 v35  }
0x298: {  	v63 =	vmul.f32 $1.442695020e+00, v44;
	v32 =	vadd.f32 v58, v34;
	v34 =	vsel vm1, v38, v62;
	v38 =	vld [tilespmem:s3+$0xFFFFFF90]  }
0x299: {  	v59 =	vld [tilespmem:s28+$0xFFFFFFB0];
	vm1 =	veq.s32 v49, v0;
	v40 =	vmul.f32 $1.442695020e+00, v51;
	(erf) = vpow2.f32 v54  }
0x29a: {  	s6 =	simm.s32 $0x7;
	v57 =	vmul.f32 $1.442695020e+00, v56;
	v58 =	vmul.f32 $1.250000000e+00, v50;
	v36 =	vnsel vm1, $0xFFFFFFFF, v53;
	v42 =	vld [tilespmem:s3+$0xFFFFFFA0]  }
0x29b: {  	s7 =	simm.s32 $0x6;
	v55 =	vld [tilespmem:s28+$0xFFFFFFC0];
	vm1 =	veq.s32 v36, s6;
	v37 =	vmul.f32 $1.250000000e+00, v52;
	(erf) = vpow2.f32 v40  }
0x29c: {  	s19 =	simm.s32 $0x4;
	s18 =	simm.s32 $0x5;
	vm2 =	veq.s32 v36, s7;
	v61 =	vmul.f32 $1.442695020e+00, v58;
	v40 =	vld [tilespmem:s3+$0xFFFFFFB0];
	v60 =	vpop (erf);
	(erf) = vpow2.f32 v57  }
0x29d: {  	s29 =	simm.s32 $0x3;
	v45 =	vld [tilespmem:s28+$0xFFFFFFA0];
	vm3 =	veq.s32 v36, s18;
	vm4 =	veq.s32 v36, s19;
	v62 =	vmul.f32 v60, v38  }
0x29e: {  	v43 =	vld [tilespmem:s3+$0xFFFFFFC0];
	vm5 =	veq.s32 v36, s29;
	v47 =	vmul.f32 $1.250000000e+00, v59;
	v48 =	vpop (erf);
	(erf) = vpow2.f32 v61  }
0x29f: {  	v44 =	vld [tilespmem:s3+$0xFFFFFFD0];
	s18 =	simm.s32 $0x2;
	v50 =	vadd.f32 v60, v39;
	v52 =	vmul.f32 v48, v42;
	v51 =	vadd.f32 v62, v39  }
0x2a0: {  	s7 =	simm.s32 $0x17;
	v35 =	vld [tilespmem:s0+$0x1870];
	v41 =	vmul.f32 $1.250000000e+00, v55;
	s0 =	simm.s32 $0xF;
	vm6 =	veq.s32 v36, s18;
	v49 =	vpop (erf);
	(erf) = vpow2.f32 v63  }
.LBB2_17:
0x2a1: {  	p0 =	sne.s32 s7, $0xFF;
	s18 =	sadd.s32 $0xFFFFFFFA, s6;
	v48 =	vadd.f32 v48, v50;
	v50 =	vadd.f32 v52, v51;
	v51 =	vmul.f32 v49, v40;
	v52 =	vld [tilespmem:s3+$0xFFFFFFE0]  }
0x2a2: {  	v45 =	vmul.f32 $1.250000000e+00, v45;
	v46 =	vmul.f32 $1.250000000e+00, v46;
	vm7 =	veq.s32 v36, s18;
	v53 =	vpop (erf)  }
0x2a3: {  	s18 =	sadd.s32 $0xFFFFFFF9, s6;
	s6 =	smov.u32 s0;
	s0 =	smov.u32 s7;
	v48 =	vadd.f32 v49, v48;
	v49 =	vadd.f32 v51, v50;
	v50 =	vmul.f32 v53, v43;
	v51 =	vld [tilespmem:s3+$0xFFFFFFF0]  }
0x2a4: {  	v47 =	vmul.f32 $1.442695020e+00, v47;
	v45 =	vmul.f32 $1.442695020e+00, v45;
	vm8 =	veq.s32 v36, s18;
	v54 =	vpop (erf)  }
0x2a5: {  	v48 =	vadd.f32 v53, v48;
	v56 =	vadd.f32 v50, v49;
	v50 =	vmul.f32 v54, v44;
	v53 =	vld [tilespmem:s3+$0x0];
	v55 =	vpop (erf)  }
0x2a6: {  	v46 =	vmul.f32 $1.442695020e+00, v46;
	v38 =	vsel vm8, v38, v39;
	v39 =	vmul.f32 v55, v52  }
0x2a7: {  	v38 =	vsel vm7, v42, v38;
	v42 =	vadd.f32 v54, v48;
	v48 =	vadd.f32 v50, v56;
	v49 =	vpop (erf)  }
0x2a8: {  	v38 =	vsel vm6, v40, v38;
	v50 =	vld [tilespmem:s28+$0x0];
	(erf) = vpow2.f32 v46;
	v40 =	vmul.f32 v49, v51  }
0x2a9: {  	v38 =	vsel vm5, v43, v38;
	v46 =	vld [tilespmem:s28+$0xFFFFFFE0];
	v42 =	vadd.f32 v55, v42;
	v39 =	vadd.f32 v39, v48;
	v43 =	vpop (erf)  }
0x2aa: {  	v38 =	vsel vm4, v44, v38;
	(erf) = vpow2.f32 v45;
	v44 =	vmul.f32 v43, v53  }
0x2ab: {  	v38 =	vsel vm3, v52, v38;
	v45 =	vld [tilespmem:s28+$0xFFFFFFF0];
	s28 =	sadd.s32 $0x200, s28;
	v42 =	vadd.f32 v49, v42;
	v39 =	vadd.f32 v40, v39  }
0x2ac: {  	v41 =	vmul.f32 $1.442695020e+00, v41;
	s3 =	sadd.s32 $0x80, s3;
	v40 =	vsel vm2, v51, v38;
	v48 =	vld [tilespmem:s28+$0xFFFFFFD0];
	(erf) = vpow2.f32 v47  }
0x2ad: {  	v38 =	vld [tilespmem:s3+$0xFFFFFF90];
	v47 =	vadd.f32 v43, v42;
	v44 =	vadd.f32 v44, v39;
	v39 =	vsel vm1, v53, v40  }
0x2ae: {  	v49 =	vmul.f32 $1.250000000e+00, v50;
	v43 =	vld [tilespmem:s28+$0xFFFFFFC0];
	v46 =	vmul.f32 $1.250000000e+00, v46  }
0x2af: {  	v50 =	vmul.f32 $1.442695020e+00, v37;
	v40 =	vld [tilespmem:s3+$0xFFFFFFB0];
	(erf) = vpow2.f32 v41  }
0x2b0: {  	s18 =	sadd.s32 $0xFFFFFFFF, s6;
	vm1 =	veq.s32 v36, s6;
	v42 =	vld [tilespmem:s3+$0xFFFFFFA0];
	v41 =	vmul.f32 $1.442695020e+00, v46;
	v46 =	vmul.f32 $1.250000000e+00, v45  }
0x2b1: {  	s19 =	sadd.s32 $0xFFFFFFFE, s6;
	vm2 =	veq.s32 v36, s18;
	v53 =	vld [tilespmem:s28+$0xFFFFFFB0];
	v37 =	vmul.f32 $1.250000000e+00, v48;
	v51 =	vpop (erf);
	(erf) = vpow2.f32 v50  }
.Ltmp7:
0x2b2: {  	vm3 =	veq.s32 v36, s19;
	s18 =	sadd.s32 $0xFFFFFFFD, s6;
	v45 =	vld [tilespmem:s28+$0xFFFFFFA0];
	v50 =	vmul.f32 $1.442695020e+00, v46;
	(erf) = vpow2.f32 v41;
	(pc) =	sbr.rel @p0 .LBB2_17-.Ltmp7, $4  }
0x2b3: {  	s19 =	sadd.s32 $0xFFFFFFFC, s6;
	vm4 =	veq.s32 v36, s18;
	v52 =	vmul.f32 v51, v38;
	v46 =	vld [tilespmem:s28+$0xFFFFFF90];
	v41 =	vmul.f32 $1.250000000e+00, v43;
	v48 =	vpop (erf)  }
0x2b4: {  	vm5 =	veq.s32 v36, s19;
	v54 =	vmul.f32 $1.442695020e+00, v49;
	v43 =	vld [tilespmem:s3+$0xFFFFFFC0];
	(erf) = vpow2.f32 v50  }
0x2b5: {  	s18 =	sadd.s32 $0xFFFFFFFB, s6;
	v50 =	vadd.f32 v51, v47;
	v51 =	vadd.f32 v52, v44;
	v52 =	vmul.f32 v48, v42;
	v49 =	vpop (erf)  }
0x2b6: {  	s7 =	sadd.s32 $0x8, s7;
	vm6 =	veq.s32 v36, s18;
	v47 =	vmul.f32 $1.250000000e+00, v53;
	v44 =	vld [tilespmem:s3+$0xFFFFFFD0];
	(erf) = vpow2.f32 v54  }
0x2b7: {  	v48 =	vadd.f32 v48, v50;
	v60 =	vmul.f32 v49, v40;
	v45 =	vmul.f32 $1.250000000e+00, v45  }
0x2b8: {  	v59 =	vadd.f32 v52, v51;
	s7 =	sadd.s32 $0xFFFFFFFA, s6;
	v41 =	vmul.f32 $1.442695020e+00, v41;
	v37 =	vmul.f32 $1.442695020e+00, v37  }
0x2b9: {  	s18 =	sadd.s32 $0xFFFFFFF9, s6;
	s29 =	sadd.s32 $0xFFFFFFFD, s0;
	v46 =	vmul.f32 $1.250000000e+00, v46;
	vm7 =	veq.s32 v36, s7;
	v47 =	vmul.f32 $1.442695020e+00, v47  }
0x2ba: {  	v52 =	vld [tilespmem:s3+$0xFFFFFFE0];
	v53 =	vpop (erf);
	vm8 =	veq.s32 v36, s18;
	vm11 =	veq.s32 v36, s29;
	v48 =	vadd.f32 v49, v48  }
0x2bb: {  	v57 =	vld [tilespmem:s28+$0xFFFFFFE0];
	s18 =	sadd.s32 $0xFFFFFFFC, s0;
	s29 =	sadd.s32 $0xFFFFFFFB, s0;
	v61 =	vadd.f32 v60, v59;
	v62 =	vmul.f32 v53, v43;
	v45 =	vmul.f32 $1.442695020e+00, v45  }
0x2bc: {  	v38 =	vsel vm8, v38, v39;
	vm12 =	veq.s32 v36, s18;
	vm15 =	veq.s32 v36, s29  }
0x2bd: {  	v51 =	vld [tilespmem:s3+$0xFFFFFFF0];
	v46 =	vmul.f32 $1.442695020e+00, v46;
	v54 =	vpop (erf);
	v38 =	vsel vm7, v42, v38;
	v48 =	vadd.f32 v53, v48  }
0x2be: {  	v49 =	vadd.f32 v62, v61;
	v63 =	vmul.f32 v54, v44;
	v55 =	vpop (erf);
	v38 =	vsel vm6, v40, v38  }
0x2bf: {  	(erf) = vpow2.f32 v46;
	v58 =	vmul.f32 v55, v52;
	v38 =	vsel vm5, v43, v38  }
0x2c0: {  	v50 =	vld [tilespmem:s3+$0x0];
	v39 =	vmul.f32 $1.250000000e+00, v57;
	v59 =	vadd.f32 v54, v48;
	(erf) = vpow2.f32 v45  }
0x2c1: {  	v62 =	vld [tilespmem:s28+$0xFFFFFFF0];
	v60 =	vadd.f32 v63, v49;
	v61 =	vpop (erf);
	v49 =	vmul.f32 $2.865048050e-01, v7;
	v7 =	vmul.f32 v10, v7  }
0x2c2: {  	v53 =	vld [tilespmem:s28+$0x0];
	s28 =	sadd.s32 $0xFFFFFFFE, s0;
	v38 =	vsel vm4, v44, v38;
	v63 =	vmul.f32 v61, v51;
	(erf) = vpow2.f32 v47  }
0x2c3: {  	v38 =	vsel vm3, v52, v38;
	v39 =	vmul.f32 $1.442695020e+00, v39;
	vm3 =	veq.s32 v36, s28  }
0x2c4: {  	s19 =	sadd.s32 $0xFFFFFFFF, s0;
	v42 =	vadd.f32 v55, v59;
	v46 =	vadd.f32 v58, v60;
	(erf) = vpow2.f32 v41  }
0x2c5: {  	s3 =	sadd.s32 $0x80, s3;
	s28 =	sadd.s32 $0xFFFFFFF9, s0;
	v54 =	vpop (erf);
	v38 =	vsel vm2, v51, v38;
	vm2 =	veq.s32 v36, s19;
	v9 =	vmul.f32 v9, v49  }
0x2c6: {  	v47 =	vld [tilespmem:s3+$0xFFFFFF90];
	vm14 =	veq.s32 v36, s28;
	v8 =	vmul.f32 v8, v49;
	v55 =	vmul.f32 v54, v50  }
0x2c7: {  	v45 =	vld [tilespmem:s3+$0xFFFFFFA0];
	v4 =	vadd.f32 v7, v4;
	v40 =	vmul.f32 $1.250000000e+00, v62;
	(erf) = vpow2.f32 v37  }
0x2c8: {  	v43 =	vld [tilespmem:s3+$0xFFFFFFB0];
	s19 =	sadd.s32 $0xFFFFFFFA, s0;
	v59 =	vmul.f32 $1.250000000e+00, v53;
	v38 =	vsel vm1, v50, v38;
	vm1 =	veq.s32 v36, s0  }
0x2c9: {  	vm13 =	veq.s32 v36, s19;
	v56 =	vadd.f32 v61, v42;
	v57 =	vadd.f32 v63, v46;
	v63 =	vld [tilespmem:s3+$0xFFFFFFC0]  }
0x2ca: {  	v46 =	vld [tilespmem:s3+$0xFFFFFFD0];
	v6 =	vadd.f32 v9, v6;
	v5 =	vadd.f32 v8, v5;
	v40 =	vmul.f32 $1.442695020e+00, v40  }
0x2cb: {  	v53 =	vld [tilespmem:s3+$0xFFFFFFE0];
	v41 =	vmul.f32 $1.442695020e+00, v59;
	v58 =	vadd.f32 v54, v56;
	v38 =	vsel vm14, v47, v38  }
0x2cc: {  	v42 =	vadd.f32 v55, v57;
	v38 =	vsel vm13, v45, v38;
	v60 =	vpop (erf);
	(erf) = vpow2.f32 v39  }
0x2cd: {  	v56 =	vld [tilespmem:s3+$0xFFFFFFF0];
	v38 =	vsel vm15, v43, v38;
	v61 =	vmul.f32 v60, v47;
	v62 =	vpop (erf);
	v37 =	vadd.f32 v60, v58  }
0x2ce: {  	(erf) = vpow2.f32 v40;
	v38 =	vsel vm12, v63, v38;
	v50 =	vmul.f32 v62, v45  }
0x2cf: {  	v51 =	vpop (erf);
	v38 =	vsel vm11, v46, v38;
	v39 =	vadd.f32 v61, v42;
	v37 =	vadd.f32 v62, v37  }
0x2d0: {  	(erf) = vpow2.f32 v41;
	v52 =	vmul.f32 v51, v43;
	v54 =	vpop (erf);
	v38 =	vsel vm3, v53, v38  }
0x2d1: {  	v57 =	vpop (erf);
	v39 =	vadd.f32 v50, v39;
	v37 =	vadd.f32 v51, v37;
	v51 =	vmul.f32 $2.865048050e-01, v11  }
0x2d2: {  	v55 =	vmul.f32 v54, v63;
	v38 =	vsel vm2, v56, v38;
	v58 =	vmul.f32 v57, v46  }
0x2d3: {  	v39 =	vadd.f32 v52, v39;
	v8 =	vmul.f32 v13, v51;
	v52 =	vmul.f32 $2.865048050e-01, v15  }
0x2d4: {  	v37 =	vadd.f32 v54, v37;
	v7 =	vmul.f32 v12, v51;
	v54 =	vmul.f32 $2.865048050e-01, v19  }
0x2d5: {  	v39 =	vadd.f32 v55, v39;
	v6 =	vadd.f32 v8, v6;
	v8 =	vmul.f32 v17, v52  }
0x2d6: {  	v59 =	vpop (erf);
	v5 =	vadd.f32 v7, v5;
	v7 =	vmul.f32 v16, v52;
	v55 =	vmul.f32 v21, v54  }
0x2d7: {  	v44 =	vld [tilespmem:s3+$0x0];
	v37 =	vadd.f32 v57, v37;
	v57 =	vmul.f32 $2.865048050e-01, v27;
	v60 =	vmul.f32 v59, v53;
	v61 =	vpop (erf)  }
0x2d8: {  	v53 =	vmul.f32 v14, v11;
	v39 =	vadd.f32 v58, v39;
	v62 =	vmul.f32 v61, v56  }
0x2d9: {  	v36 =	vadd.f32 v59, v37;
	v6 =	vadd.f32 v8, v6;
	v8 =	vmul.f32 v18, v15  }
0x2da: {  	v5 =	vadd.f32 v7, v5;
	v7 =	vmul.f32 v20, v54;
	v56 =	vmul.f32 $2.865048050e-01, v23  }
0x2db: {  	v48 =	vpop (erf);
	v58 =	vmul.f32 v26, v23;
	v59 =	vmul.f32 $2.865048050e-01, v31;
	v4 =	vadd.f32 v53, v4  }
0x2dc: {  	v50 =	vmul.f32 v48, v44;
	v63 =	vadd.f32 v60, v39;
	v36 =	vadd.f32 v61, v36  }
0x2dd: {  	v6 =	vadd.f32 v55, v6;
	v4 =	vadd.f32 v8, v4;
	v8 =	vmul.f32 v22, v19  }
0x2de: {  	v5 =	vadd.f32 v7, v5;
	v7 =	vmul.f32 v25, v56;
	v60 =	vmul.f32 v33, v59  }
0x2df: {  	v61 =	vmul.f32 $2.865048050e-01, v35;
	v4 =	vadd.f32 v8, v4;
	v8 =	vmul.f32 v24, v56  }
0x2e0: {  	v37 =	vadd.f32 v62, v63;
	v6 =	vadd.f32 v7, v6;
	v7 =	vmul.f32 v29, v57  }
0x2e1: {  	v36 =	vadd.f32 v48, v36;
	v5 =	vadd.f32 v8, v5;
	v8 =	vmul.f32 v28, v57  }
0x2e2: {  	s31 =	sadd.s32 $0x1, s31;
	v6 =	vadd.f32 v7, v6;
	v7 =	vmul.f32 v30, v27;
	v4 =	vadd.f32 v58, v4  }
0x2e3: {  	p0 =	sne.s32 s31, $0x10;
	v62 =	vsel vm1, v44, v38;
	v5 =	vadd.f32 v8, v5;
	v8 =	vmul.f32 v32, v59  }
.Ltmp8:
0x2e4: {  	v37 =	vadd.f32 v50, v37;
	v4 =	vadd.f32 v7, v4;
	v7 =	vmul.f32 v34, v31;
	(pc) =	sbr.rel @p0 .LBB2_2-.Ltmp8, $4  }
0x2e5: {  	v6 =	vadd.f32 v60, v6;
	v5 =	vadd.f32 v8, v5;
	v8 =	vmul.f32 v36, v61  }
0x2e6: {  	v63 =	vmul.f32 v62, v35;
	v4 =	vadd.f32 v7, v4;
	v7 =	vmul.f32 v37, v61  }
0x2e7: {  	v6 =	vadd.f32 v8, v6  }
0x2e8: {  	v5 =	vadd.f32 v7, v5;
	v4 =	vadd.f32 v63, v4  }
0x2e9: {  	_ =	swait.ge [sflag:s26], $0x4000  }
0x2ea: {  	[sflag:s26] =	ssyncset.done $0x0  }
0x2eb: {  	[sflag:s26] =	ssyncadd.s32 $0xFFFFC000  }
0x2ec: {  	_ =	swait.ge [sflag:s15], $0x1000  }
0x2ed: {  	[sflag:s15] =	ssyncset.done $0x0  }
0x2ee: {  	[sflag:s15] =	ssyncadd.s32 $0xFFFFF000  }
0x2ef: {  	_ =	swait.ge [sflag:s15], $0x1000  }
0x2f0: {  	[sflag:s15] =	ssyncset.done $0x0  }
0x2f1: {  	[sflag:s15] =	ssyncadd.s32 $0xFFFFF000  }
0x2f2: {  	_ =	swait.ge [sflag:s15], $0x1000  }
0x2f3: {  	[sflag:s15] =	ssyncset.done $0x0  }
0x2f4: {  	[sflag:s15] =	ssyncadd.s32 $0xFFFFF000  }
0x2f5: {  	_ =	swait.ge [sflag:s15], $0x1000  }
0x2f6: {  	[sflag:s15] =	ssyncset.done $0x0  }
0x2f7: {  	[sflag:s15] =	ssyncadd.s32 $0xFFFFF000  }
0x2f8: {  	[tilespmem:$0x12000] =	vst v6  }
0x2f9: {  	[tilespmem:$0x12080] =	vst v5  }
0x2fa: {  	s3 =	simm.s32 $0x12000;
	s0 =	rddreg [dreg:$0xb];
	[tilespmem:$0x12100] =	vst v4  }
0x2fb: {  	[hbm4b:s0+s4] =	stream.linear.scatter [tilespmem:s3], [sflag:$0x5], $0x180, $0x38;
	[tilespmem:$0x12200] =	vst v63  }
0x2fc: {  	s3 =	simm.s32 $0x5  }
0x2fd: {  	_ =	swait.ge [sflag:s3], $0x180  }
0x2fe: {  	s6 =	rddreg [dreg:$0xd]  }
0x2ff: {  	s31 =	rddreg [dreg:$0xc];
	s6 =	sadd.s32 $0x1, s6  }
0x300: {  	p0 =	sne.s32 s6, s31  }
.Ltmp9:
0x301: {  	_ = 	snop;
	(pc) =	sbr.rel @p0 .LBB2_1-.Ltmp9, $3  }
0x302: {  	_ =	sdelay $0x1  }
0x303: {  	[sflag:s3] =	ssyncset.done $0x0  }
0x304: {  	[sflag:s3] =	ssyncadd.s32 $0xFFFFFE80  }
0x305: {  	_ =	sfence.sel $0x180000  }
0x306: {  	[bflag:$0x0] =	sbarrier.arrive $0xFFFF  }
0x307: {  	_ =	strace $0x90000047  }
0x308: {  	s0 =	stileid.u32;
	[bflag:$0x2] =	sbarrier.arrive $0xFFFF  }
0x309: {  	p0 =	sne.s32 s0, $0x0;
	s0 =	rddreg [dreg:$0x3]  }
0x30a: {  	s0 =	sadd.s32 @!p0 $0x100000, s0  }
0x30b: {  	[sflag:s0] =	ssyncadd.tile.s32 @!p0 $0x1;
	_ =	shalt  }
.Lfunc_end2:
_tile_overlayer_lowered:
.L_overlay_start_2:
0x30c: {  	(tag) =	ssettag $0x2  }
0x30d: {  	s0 =	rddreg [dreg:$0x0];
	s2 =	stileid.u32  }
0x30e: {  	s1 =	rddreg [dreg:$0x1];
	p0 =	sne.s32 s2, $0x0  }
0x30f: {  	s3 =	rddreg [dreg:$0x2];
	[bflag:$0x3] =	sbarrier.arrive $0xFFFF;
	s2 =	simm.s32 @!p0 $0x1C05  }
0x310: {  	[timem:s3], [sflag:s2] =	dma.local @!p0 [hbm:s0], s1  }
0x311: {  	s0 =	simm.s32 @!p0 $0x5  }
0x312: {  	_ =	swait.ge @!p0 [sflag:s0], s1  }
0x313: {  	s1 =	ssub.s32 @!p0 $0x0, s1;
	[sflag:s0] =	ssyncset.done @!p0 $0x0  }
0x314: {  	[sflag:s0] =	ssyncadd.s32 @!p0 s1  }
0x315: {  	[bflag:$0x3] =	sbarrier.arrive $0xFFFF  }
0x316: {  	_ =	shalt  }

</sc_bundles>
